<compile_context>
chip_gen: v7x
topology: tpu7x:2x2x1
jax: 0.10.2.dev20260603
libtpu: 0.0.44.dev20260713+nightly
codegen_flags: <defaults>
</compile_context>

<pallas_src>
import functools

import jax
import jax.numpy as jnp
from jax import lax
from jax.experimental import pallas as pl
from jax.experimental.pallas import tpu as pltpu
from jax.experimental.pallas import tpu_sc as plsc

N = 10000
NPAD = 10240
E = 320000
EMB = 128
RPAD = 512
EPAD = 327680
NC, NS = 2, 16
ROWS_PER_TILE = NPAD // NS
EDGES_PER_TILE = EPAD // NS
LD = 2560
NRB = EDGES_PER_TILE // LD
EDGES_PER_W = EPAD // (NC * NS)
LS = 128
NBLK = EDGES_PER_W // LS


def _dde_direction(sid, src1d, dst1d, feat0_hbm, acc1_out, acc2_out, feat2,
                   acc1_sh, acc2_sh, vb0, vb1, sx0, sx1, dx0, dx1,
                   dstage, fstage, zrows, gs0, gs1, ss0, ss1):
  iota = lax.iota(jnp.int32, 16)
  base = sid * ROWS_PER_TILE
  ebase = sid * EDGES_PER_TILE

  pltpu.sync_copy(feat0_hbm.at[pl.ds(NPAD - ROWS_PER_TILE, ROWS_PER_TILE)],
                  zrows)
  pltpu.sync_copy(zrows, acc1_sh.at[pl.ds(base, ROWS_PER_TILE)])
  pltpu.sync_copy(zrows, acc2_sh.at[pl.ds(base, ROWS_PER_TILE)])
  plsc.subcore_barrier()

  parity = [(vb0, sx0, dx0, gs0, ss0), (vb1, sx1, dx1, gs1, ss1)]

  def pass_over_edges(gather_hbm, acc_sh):
    gdesc = [None, None]
    sdesc = [None, None]
    for j in range(NRB):
      p = j & 1
      vb, sx, dx, gs, ss = parity[p]
      if sdesc[p] is not None:
        sdesc[p].wait()
      pltpu.sync_copy(src1d.at[pl.ds(ebase + j * LD, LD)], sx)
      pltpu.sync_copy(dst1d.at[pl.ds(ebase + j * LD, LD)], dx)
      gdesc[p] = pltpu.async_copy(gather_hbm.at[sx], vb, gs)
      if j >= 1:
        q = 1 - p
        gdesc[q].wait()
        sdesc[q] = pltpu.async_copy(parity[q][0], acc_sh.at[parity[q][2]],
                                    parity[q][4], add=True)
    lp = (NRB - 1) & 1
    gdesc[lp].wait()
    sdesc[lp] = pltpu.async_copy(parity[lp][0], acc_sh.at[parity[lp][2]],
                                 parity[lp][4], add=True)
    sdesc[0].wait()
    sdesc[1].wait()

  pass_over_edges(feat0_hbm, acc1_sh)
  plsc.subcore_barrier()

  pltpu.sync_copy(acc1_sh.at[pl.ds(base, ROWS_PER_TILE)], dstage)
  two = jnp.full((16,), 2, jnp.int32)

  def div_body(i, _):
    fl = i * 16 + iota
    r = fl >> 3
    c = fl & 7
    v = plsc.load_gather(dstage, [r, c])
    cnt = plsc.load_gather(dstage, [r, two])
    plsc.store_scatter(fstage, [r, c], v / jnp.maximum(cnt, 1.0))
    return 0

  lax.fori_loop(0, ROWS_PER_TILE * 8 // 16, div_body, 0)
  pltpu.sync_copy(dstage, acc1_out.at[pl.ds(base, ROWS_PER_TILE)])
  pltpu.sync_copy(fstage, feat2.at[pl.ds(base, ROWS_PER_TILE)])
  plsc.subcore_barrier()

  pass_over_edges(feat2, acc2_sh)
  plsc.subcore_barrier()

  pltpu.sync_copy(acc2_sh.at[pl.ds(base, ROWS_PER_TILE)], dstage)
  pltpu.sync_copy(dstage, acc2_out.at[pl.ds(base, ROWS_PER_TILE)])


def _dde_body(feat0_hbm, h1d, t1d,
              accf1, accf2, accr1, accr2, feat2f, feat2r,
              acc1_sh, acc2_sh, vb0, vb1, sx0, sx1, dx0, dx1,
              dstage, fstage, zrows, gs0, gs1, ss0, ss1):
  cid = lax.axis_index("c")
  sid = lax.axis_index("s")
  args = (acc1_sh, acc2_sh, vb0, vb1, sx0, sx1, dx0, dx1,
          dstage, fstage, zrows, gs0, gs1, ss0, ss1)
  pl.when(cid == 0)(lambda: _dde_direction(
      sid, h1d, t1d, feat0_hbm, accf1, accf2, feat2f, *args))
  pl.when(cid == 1)(lambda: _dde_direction(
      sid, t1d, h1d, feat0_hbm, accr1, accr2, feat2r, *args))


def _projection_body(he0, topic, af1, af2, ar1, ar2,
                     wa, wtop, w8f1, w8f2, w8r1, w8r2,
                     relp, wr, q8, wq, b1r,
                     th_out, tt_out, c_out):
  f32 = jnp.float32
  dot = functools.partial(jnp.dot, preferred_element_type=f32)
  cf = jnp.maximum(af1[:, 2:3], 1.0)
  cr = jnp.maximum(ar1[:, 2:3], 1.0)
  acc = dot(he0[...], wa[...])
  acc += dot(topic[...], wtop[...])
  acc += dot(af1[...] / cf, w8f1[...])
  acc += dot(af2[...] / cf, w8f2[...])
  acc += dot(ar1[...] / cr, w8r1[...])
  acc += dot(ar2[...] / cr, w8r2[...])
  th_out[...] = acc[:, 0:EMB]
  tt_out[...] = acc[:, EMB:2 * EMB]

  @pl.when(pl.program_id(0) == 0)
  def _():
    c_out[...] = dot(relp[...], wr[...]) + dot(q8[...], wq[...])[0:1, :] + b1r[...]


def _score_body(th, tr, tt, h1d, r1d, t1d, w2in, b2in, out_hbm,
                hidx, ridx, tidx, bh0, bh1, br0, br1, bt0, bt1,
                w2v, b2v, ost0, ost1,
                sh0, sh1, sr0, sr1, st0, st1, so0, so1):
  cid = lax.axis_index("c")
  sid = lax.axis_index("s")
  wid = cid * NS + sid
  wbase = wid * EDGES_PER_W
  iota = lax.iota(jnp.int32, 16)
  pltpu.sync_copy(w2in, w2v)
  pltpu.sync_copy(b2in, b2v)
  pltpu.sync_copy(h1d.at[pl.ds(wbase, EDGES_PER_W)], hidx)
  pltpu.sync_copy(r1d.at[pl.ds(wbase, EDGES_PER_W)], ridx)
  pltpu.sync_copy(t1d.at[pl.ds(wbase, EDGES_PER_W)], tidx)
  roff = (wid & 7) * RPAD

  def radj(i, _):
    sl = pl.ds(i * 16, 16)
    ridx[sl] = ridx[sl] + roff
    return 0

  lax.fori_loop(0, EDGES_PER_W // 16, radj, 0)
  acc0 = jnp.where(iota == 0, b2v[...], 0.0)
  bufs = [(bh0, br0, bt0, sh0, sr0, st0, ost0, so0),
          (bh1, br1, bt1, sh1, sr1, st1, ost1, so1)]

  def issue(j, p):
    bh, br, bt, semh, semr, semt, _, _ = bufs[p]
    sl = pl.ds(j * LS, LS)
    pltpu.async_copy(th.at[hidx.at[sl]], bh, semh)
    pltpu.async_copy(tr.at[ridx.at[sl]], br, semr)
    pltpu.async_copy(tt.at[tidx.at[sl]], bt, semt)

  issue(0, 0)
  issue(1, 1)

  def pair_body(j2, _):
    for p in (0, 1):
      j = j2 * 2 + p
      bh, br, bt, semh, semr, semt, ostage, semo = bufs[p]
      sl = pl.ds(j * LS, LS)
      pltpu.make_async_copy(th.at[hidx.at[sl]], bh, semh).wait()
      pltpu.make_async_copy(tr.at[ridx.at[sl]], br, semr).wait()
      pltpu.make_async_copy(tt.at[tidx.at[sl]], bt, semt).wait()
      pl.when(j >= 2)(lambda: pltpu.make_async_copy(
          ostage, out_hbm.at[pl.ds(wbase + (j - 2) * LS, LS)], semo).wait())

      def group_body(g, _):
        def lane_body(l, resvec):
          e = g * 16 + l
          acc = acc0
          for d in range(EMB // 16):
            dsl = pl.ds(d * 16, 16)
            v = bh[e, dsl] + br[e, dsl] + bt[e, dsl]
            acc = acc + jnp.maximum(v, 0.0) * w2v[dsl]
          return jnp.where(iota == l, jnp.sum(acc), resvec)

        res = lax.fori_loop(0, 16, lane_body, jnp.zeros((16,), jnp.float32))
        ostage[pl.ds(g * 16, 16)] = res
        return 0

      lax.fori_loop(0, LS // 16, group_body, 0)
      pltpu.async_copy(ostage, out_hbm.at[pl.ds(wbase + j * LS, LS)], semo)
      pl.when(j + 2 < NBLK)(lambda: issue(j + 2, p))
    return 0

  lax.fori_loop(0, NBLK // 2, pair_body, 0)
  for p in (0, 1):
    j = NBLK - 2 + p
    pltpu.make_async_copy(bufs[p][6],
                          out_hbm.at[pl.ds(wbase + j * LS, LS)],
                          bufs[p][7]).wait()


def kernel(h_id_tensor, r_id_tensor, t_id_tensor, q_emb, entity_embs,
           num_non_text_entities, relation_embs, topic_entity_one_hot,
           non_text_emb, W1, b1, W2, b2):
  f32 = jnp.float32
  num_nodes = topic_entity_one_hot.shape[0]
  n_non_text = num_nodes - entity_embs.shape[0]
  non_text_residual = (jnp.asarray(num_non_text_entities) - n_non_text).astype(f32)
  he0 = jnp.concatenate([
      entity_embs,
      jnp.broadcast_to(non_text_emb, (n_non_text, EMB)) + non_text_residual,
  ], axis=0)

  feat0 = jnp.concatenate([
      topic_entity_one_hot,
      jnp.ones((num_nodes, 1), f32),
      jnp.zeros((num_nodes, 5), f32),
  ], axis=1)
  feat0 = jnp.pad(feat0, ((0, NPAD - num_nodes), (0, 0)))
  npi = jnp.full((EPAD - E,), NPAD - 1, jnp.int32)
  h1d = jnp.concatenate([h_id_tensor, npi])
  t1d = jnp.concatenate([t_id_tensor, npi])
  r1d = jnp.concatenate([r_id_tensor, jnp.zeros((EPAD - E,), jnp.int32)])

  mesh = plsc.VectorSubcoreMesh(core_axis_name="c", subcore_axis_name="s",
                                num_cores=NC, num_subcores=NS)
  acc8 = jax.ShapeDtypeStruct((NPAD, 8), f32)
  dde = pl.kernel(
      _dde_body,
      out_type=(acc8,) * 6,
      mesh=mesh,
      scratch_types=[
          pltpu.VMEM_SHARED((NPAD, 8), f32),
          pltpu.VMEM_SHARED((NPAD, 8), f32),
          pltpu.VMEM((LD, 8), f32),
          pltpu.VMEM((LD, 8), f32),
          pltpu.VMEM((LD,), jnp.int32),
          pltpu.VMEM((LD,), jnp.int32),
          pltpu.VMEM((LD,), jnp.int32),
          pltpu.VMEM((LD,), jnp.int32),
          pltpu.VMEM((ROWS_PER_TILE, 8), f32),
          pltpu.VMEM((ROWS_PER_TILE, 8), f32),
          pltpu.VMEM((ROWS_PER_TILE, 8), f32),
          pltpu.SemaphoreType.DMA,
          pltpu.SemaphoreType.DMA,
          pltpu.SemaphoreType.DMA,
          pltpu.SemaphoreType.DMA,
      ],
      compiler_params=pltpu.CompilerParams(needs_layout_passes=False,
                                           use_tc_tiling_on_sc=False),
  )
  accf1, accf2, accr1, accr2, _, _ = dde(feat0, h1d, t1d)

  w1q, w1h, w1r, w1t = W1[0:128], W1[128:266], W1[266:394], W1[394:532]
  z6 = jnp.zeros((6, 2 * EMB), f32)

  def hs(lo, hi):
    return jnp.concatenate([w1h[lo:hi], w1t[lo:hi]], axis=1)

  wa = hs(0, 128)
  wtop = hs(128, 130)
  w8f1 = jnp.concatenate([hs(130, 132), z6], axis=0)
  w8f2 = jnp.concatenate([hs(132, 134), z6], axis=0)
  w8r1 = jnp.concatenate([hs(134, 136), z6], axis=0)
  w8r2 = jnp.concatenate([hs(136, 138), z6], axis=0)
  relp = jnp.pad(relation_embs, ((0, RPAD - relation_embs.shape[0]), (0, 0)))
  q8 = jnp.pad(q_emb, ((0, 7), (0, 0)))
  b1r = b1.reshape(1, EMB)

  mblk = 1000
  grid = N // mblk
  blk = lambda r, c: pl.BlockSpec((r, c), lambda i: (i, 0))
  fix = lambda r, c: pl.BlockSpec((r, c), lambda i: (0, 0))
  th, tt, c_tab = pl.pallas_call(
      _projection_body,
      grid=(grid,),
      in_specs=[
          blk(mblk, EMB), blk(mblk, 2),
          blk(mblk, 8), blk(mblk, 8), blk(mblk, 8), blk(mblk, 8),
          fix(EMB, 2 * EMB), fix(2, 2 * EMB),
          fix(8, 2 * EMB), fix(8, 2 * EMB), fix(8, 2 * EMB), fix(8, 2 * EMB),
          fix(RPAD, EMB), fix(EMB, EMB), fix(8, EMB), fix(EMB, EMB),
          fix(1, EMB),
      ],
      out_specs=[blk(mblk, EMB), blk(mblk, EMB), fix(RPAD, EMB)],
      out_shape=[
          jax.ShapeDtypeStruct((N, EMB), f32),
          jax.ShapeDtypeStruct((N, EMB), f32),
          jax.ShapeDtypeStruct((RPAD, EMB), f32),
      ],
  )(he0, topic_entity_one_hot,
    accf1[:N], accf2[:N], accr1[:N], accr2[:N],
    wa, wtop, w8f1, w8f2, w8r1, w8r2,
    relp, w1r, q8, w1q, b1r)


  score = pl.kernel(
      _score_body,
      out_type=jax.ShapeDtypeStruct((EPAD,), f32),
      mesh=mesh,
      scratch_types=[
          pltpu.VMEM((EDGES_PER_W,), jnp.int32),
          pltpu.VMEM((EDGES_PER_W,), jnp.int32),
          pltpu.VMEM((EDGES_PER_W,), jnp.int32),
          pltpu.VMEM((LS, EMB), f32),
          pltpu.VMEM((LS, EMB), f32),
          pltpu.VMEM((LS, EMB), f32),
          pltpu.VMEM((LS, EMB), f32),
          pltpu.VMEM((LS, EMB), f32),
          pltpu.VMEM((LS, EMB), f32),
          pltpu.VMEM((EMB,), f32),
          pltpu.VMEM((16,), f32),
          pltpu.VMEM((LS,), f32),
          pltpu.VMEM((LS,), f32),
          pltpu.SemaphoreType.DMA,
          pltpu.SemaphoreType.DMA,
          pltpu.SemaphoreType.DMA,
          pltpu.SemaphoreType.DMA,
          pltpu.SemaphoreType.DMA,
          pltpu.SemaphoreType.DMA,
          pltpu.SemaphoreType.DMA,
          pltpu.SemaphoreType.DMA,
      ],
      compiler_params=pltpu.CompilerParams(needs_layout_passes=False),
  )
  zpad = jnp.zeros((EPAD - E,), jnp.int32)
  hs1d = jnp.concatenate([h_id_tensor, zpad])
  ts1d = jnp.concatenate([t_id_tensor, zpad])
  c_rep = jnp.tile(c_tab, (8, 1))
  out = score(th, c_rep, tt, hs1d, r1d, ts1d,
              W2.reshape(EMB), jnp.broadcast_to(b2, (16,)))
  return out[:E].reshape(E, 1)

# --- scband reference (transcript-rebuilt; emitter-appended) ---
"""Pipeline reference for scband-retriever-32366873542815 (READ-ONLY COPY).

The authoritative reference and input builder live on the scoring server;
editing this copy changes nothing except your own understanding.
"""

import jax, jax.numpy as jnp
import numpy as np

EMB = 128
N_TEXT = 9000
N_NONTEXT = 1000
N = N_TEXT + N_NONTEXT
E = 320000
R = 500
NUM_ROUNDS = 2
NUM_REV_ROUNDS = 2
PRED_IN = 4 * EMB + 2 * 2 + 2 * 2 * (NUM_ROUNDS + NUM_REV_ROUNDS)


def setup_inputs(seed: int = 0):
    key = jax.random.key(seed)
    ks = jax.random.split(key, 10)
    h_id = jax.random.randint(ks[0], (E,), 0, N)
    r_id = jax.random.randint(ks[1], (E,), 0, R)
    t_id = jax.random.randint(ks[2], (E,), 0, N)
    q_emb = jax.random.normal(ks[3], (1, EMB), dtype=jnp.float32)
    entity_embs = jax.random.normal(ks[4], (N_TEXT, EMB), dtype=jnp.float32)
    relation_embs = jax.random.normal(ks[5], (R, EMB), dtype=jnp.float32)
    topic_entity_one_hot = jax.random.uniform(ks[6], (N, 2), dtype=jnp.float32)
    non_text_emb = jax.random.normal(ks[7], (1, EMB), dtype=jnp.float32)
    W1 = jax.random.normal(ks[8], (PRED_IN, EMB), dtype=jnp.float32) * 0.02
    b1 = jnp.zeros((EMB,), dtype=jnp.float32)
    W2 = jax.random.normal(ks[9], (EMB, 1), dtype=jnp.float32) * 0.02
    b2 = jnp.zeros((1,), dtype=jnp.float32)
    return {
        'h_id_tensor': h_id,
        'r_id_tensor': r_id,
        't_id_tensor': t_id,
        'q_emb': q_emb,
        'entity_embs': entity_embs,
        'num_non_text_entities': N_NONTEXT,
        'relation_embs': relation_embs,
        'topic_entity_one_hot': topic_entity_one_hot,
        'non_text_emb': non_text_emb,
        'W1': W1,
        'b1': b1,
        'W2': W2,
        'b2': b2,
    }


def _peconv_mean(x, src, dst, num_nodes):
    # PyG MessagePassing(aggr='mean'), flow source_to_target:
    # message x_j = x[edge_index[0]] aggregated (mean) at edge_index[1]
    s = jax.ops.segment_sum(x[src], dst, num_segments=num_nodes)
    cnt = jax.ops.segment_sum(jnp.ones((src.shape[0],), x.dtype), dst, num_segments=num_nodes)
    return s / jnp.maximum(cnt, 1.0)[:, None]


def reference(h_id_tensor, r_id_tensor, t_id_tensor, q_emb, entity_embs,
              num_non_text_entities, relation_embs, topic_entity_one_hot,
              non_text_emb, W1, b1, W2, b2):
    num_nodes = topic_entity_one_hot.shape[0]
    n_non_text = num_nodes - entity_embs.shape[0]
    non_text_residual = (jnp.asarray(num_non_text_entities) - n_non_text).astype(non_text_emb.dtype)
    h_e0 = jnp.concatenate([
        entity_embs,
        jnp.broadcast_to(non_text_emb, (n_non_text, non_text_emb.shape[1])) + non_text_residual,
    ], axis=0)
    feats = [h_e0, topic_entity_one_hot]
    # DDE forward rounds: edge_index = [h_id, t_id]
    h_pe = topic_entity_one_hot
    for _ in range(NUM_ROUNDS):
        h_pe = _peconv_mean(h_pe, h_id_tensor, t_id_tensor, num_nodes)
        feats.append(h_pe)
    # DDE reverse rounds: reverse_edge_index = [t_id, h_id]
    h_pe_rev = topic_entity_one_hot
    for _ in range(NUM_REV_ROUNDS):
        h_pe_rev = _peconv_mean(h_pe_rev, t_id_tensor, h_id_tensor, num_nodes)
        feats.append(h_pe_rev)
    h_e = jnp.concatenate(feats, axis=1)
    h_r = relation_embs[r_id_tensor]
    n_edges = h_r.shape[0]
    h_triple = jnp.concatenate([
        jnp.broadcast_to(q_emb, (n_edges, q_emb.shape[1])),
        h_e[h_id_tensor],
        h_r,
        h_e[t_id_tensor],
    ], axis=1)
    hid = jax.nn.relu(h_triple @ W1 + b1)
    return hid @ W2 + b2

if __name__ == "__main__":
    import jax
    _d = setup_inputs()
    print(jax.jit(kernel)(*tuple(_d.values())))

</pallas_src>

<mosaic_0001>
#map = affine_map<(d0, d1) -> (0, 0)>
#map1 = affine_map<(d0, d1) -> (0)>
module attributes {stable_mosaic.version = 14 : i64} {
  func.func @_score_body(%arg0: i32, %arg1: i32, %arg2: memref<10000x128xf32, #tpu.memory_space<hbm>>, %arg3: memref<4096x128xf32, #tpu.memory_space<hbm>>, %arg4: memref<10000x128xf32, #tpu.memory_space<hbm>>, %arg5: memref<327680xi32, #tpu.memory_space<hbm>>, %arg6: memref<327680xi32, #tpu.memory_space<hbm>>, %arg7: memref<327680xi32, #tpu.memory_space<hbm>>, %arg8: memref<128xf32, #tpu.memory_space<hbm>>, %arg9: memref<16xf32, #tpu.memory_space<hbm>>, %arg10: memref<327680xf32, #tpu.memory_space<hbm>>, %arg11: memref<10240xi32, #tpu.memory_space<vmem>>, %arg12: memref<10240xi32, #tpu.memory_space<vmem>>, %arg13: memref<10240xi32, #tpu.memory_space<vmem>>, %arg14: memref<128x128xf32, #tpu.memory_space<vmem>>, %arg15: memref<128x128xf32, #tpu.memory_space<vmem>>, %arg16: memref<128x128xf32, #tpu.memory_space<vmem>>, %arg17: memref<128x128xf32, #tpu.memory_space<vmem>>, %arg18: memref<128x128xf32, #tpu.memory_space<vmem>>, %arg19: memref<128x128xf32, #tpu.memory_space<vmem>>, %arg20: memref<128xf32, #tpu.memory_space<vmem>>, %arg21: memref<16xf32, #tpu.memory_space<vmem>>, %arg22: memref<128xf32, #tpu.memory_space<vmem>>, %arg23: memref<128xf32, #tpu.memory_space<vmem>>, %arg24: memref<!tpu.dma_semaphore, #tpu.memory_space<semaphore_mem>>, %arg25: memref<!tpu.dma_semaphore, #tpu.memory_space<semaphore_mem>>, %arg26: memref<!tpu.dma_semaphore, #tpu.memory_space<semaphore_mem>>, %arg27: memref<!tpu.dma_semaphore, #tpu.memory_space<semaphore_mem>>, %arg28: memref<!tpu.dma_semaphore, #tpu.memory_space<semaphore_mem>>, %arg29: memref<!tpu.dma_semaphore, #tpu.memory_space<semaphore_mem>>, %arg30: memref<!tpu.dma_semaphore, #tpu.memory_space<semaphore_mem>>, %arg31: memref<!tpu.dma_semaphore, #tpu.memory_space<semaphore_mem>>) attributes {dimension_semantics = [#tpu.dimension_semantics<core_parallel>, #tpu.dimension_semantics<subcore_parallel>], iteration_bounds = array<i64: 2, 16>, scalar_prefetch = 0 : i64, scratch_operands = 21 : i64, tpu.core_type = #tpu.core_type<sc_vector_subcore>, window_params = [{transform_indices = #map}, {transform_indices = #map}, {transform_indices = #map}, {transform_indices = #map1}, {transform_indices = #map1}, {transform_indices = #map1}, {transform_indices = #map1}, {transform_indices = #map1}, {transform_indices = #map1}]} {
    %mul3A = arith.constant 16 : i32
    %mul3A_0 = arith.muli %arg0, %mul3A : i32
    %add3A = arith.addi %mul3A_0, %arg1 : i32
    %mul3A_1 = arith.constant 10240 : i32
    %mul3A_2 = arith.muli %add3A, %mul3A_1 : i32
    %iota3A = tpu.iota {dimensions = array<i32: 0>} : vector<16xi32>
    "tpu.region"() ({
      %run_scoped3A = tpu.sem_alloc : memref<!tpu.dma_semaphore, #tpu.memory_space<semaphore_mem>>
      tpu.enqueue_dma source(%arg8 : memref<128xf32, #tpu.memory_space<hbm>>) target(%arg20 : memref<128xf32, #tpu.memory_space<vmem>>) target_semaphore(%run_scoped3A : memref<!tpu.dma_semaphore, #tpu.memory_space<semaphore_mem>>)
      tpu.wait_dma2 semaphore(%run_scoped3A : memref<!tpu.dma_semaphore, #tpu.memory_space<semaphore_mem>>) src(%arg8 : memref<128xf32, #tpu.memory_space<hbm>>) dst(%arg20 : memref<128xf32, #tpu.memory_space<vmem>>)
      tpu.yield
    }) : () -> ()
    "tpu.region"() ({
      %run_scoped3A = tpu.sem_alloc : memref<!tpu.dma_semaphore, #tpu.memory_space<semaphore_mem>>
      tpu.enqueue_dma source(%arg9 : memref<16xf32, #tpu.memory_space<hbm>>) target(%arg21 : memref<16xf32, #tpu.memory_space<vmem>>) target_semaphore(%run_scoped3A : memref<!tpu.dma_semaphore, #tpu.memory_space<semaphore_mem>>)
      tpu.wait_dma2 semaphore(%run_scoped3A : memref<!tpu.dma_semaphore, #tpu.memory_space<semaphore_mem>>) src(%arg9 : memref<16xf32, #tpu.memory_space<hbm>>) dst(%arg21 : memref<16xf32, #tpu.memory_space<vmem>>)
      tpu.yield
    }) : () -> ()
    "tpu.region"() ({
      %run_scoped3A = tpu.sem_alloc : memref<!tpu.dma_semaphore, #tpu.memory_space<semaphore_mem>>
      %dma_start3A_58 = tpu.memref_slice %arg5[%mul3A_2] : memref<327680xi32, #tpu.memory_space<hbm>> -> memref<10240xi32, #tpu.memory_space<hbm>>
      %dma_start3A_59 = tpu.memref_slice %arg5[%mul3A_2] : memref<327680xi32, #tpu.memory_space<hbm>> -> memref<10240xi32, #tpu.memory_space<hbm>>
      tpu.enqueue_dma source(%dma_start3A_59 : memref<10240xi32, #tpu.memory_space<hbm>>) target(%arg11 : memref<10240xi32, #tpu.memory_space<vmem>>) target_semaphore(%run_scoped3A : memref<!tpu.dma_semaphore, #tpu.memory_space<semaphore_mem>>)
      %dma_wait3A_60 = tpu.memref_slice %arg5[%mul3A_2] : memref<327680xi32, #tpu.memory_space<hbm>> -> memref<10240xi32, #tpu.memory_space<hbm>>
      %dma_wait3A_61 = tpu.memref_slice %arg5[%mul3A_2] : memref<327680xi32, #tpu.memory_space<hbm>> -> memref<10240xi32, #tpu.memory_space<hbm>>
      tpu.wait_dma2 semaphore(%run_scoped3A : memref<!tpu.dma_semaphore, #tpu.memory_space<semaphore_mem>>) src(%dma_wait3A_61 : memref<10240xi32, #tpu.memory_space<hbm>>) dst(%arg11 : memref<10240xi32, #tpu.memory_space<vmem>>)
      tpu.yield
    }) : () -> ()
    "tpu.region"() ({
      %run_scoped3A = tpu.sem_alloc : memref<!tpu.dma_semaphore, #tpu.memory_space<semaphore_mem>>
      %dma_start3A_58 = tpu.memref_slice %arg6[%mul3A_2] : memref<327680xi32, #tpu.memory_space<hbm>> -> memref<10240xi32, #tpu.memory_space<hbm>>
      %dma_start3A_59 = tpu.memref_slice %arg6[%mul3A_2] : memref<327680xi32, #tpu.memory_space<hbm>> -> memref<10240xi32, #tpu.memory_space<hbm>>
      tpu.enqueue_dma source(%dma_start3A_59 : memref<10240xi32, #tpu.memory_space<hbm>>) target(%arg12 : memref<10240xi32, #tpu.memory_space<vmem>>) target_semaphore(%run_scoped3A : memref<!tpu.dma_semaphore, #tpu.memory_space<semaphore_mem>>)
      %dma_wait3A_60 = tpu.memref_slice %arg6[%mul3A_2] : memref<327680xi32, #tpu.memory_space<hbm>> -> memref<10240xi32, #tpu.memory_space<hbm>>
      %dma_wait3A_61 = tpu.memref_slice %arg6[%mul3A_2] : memref<327680xi32, #tpu.memory_space<hbm>> -> memref<10240xi32, #tpu.memory_space<hbm>>
      tpu.wait_dma2 semaphore(%run_scoped3A : memref<!tpu.dma_semaphore, #tpu.memory_space<semaphore_mem>>) src(%dma_wait3A_61 : memref<10240xi32, #tpu.memory_space<hbm>>) dst(%arg12 : memref<10240xi32, #tpu.memory_space<vmem>>)
      tpu.yield
    }) : () -> ()
    "tpu.region"() ({
      %run_scoped3A = tpu.sem_alloc : memref<!tpu.dma_semaphore, #tpu.memory_space<semaphore_mem>>
      %dma_start3A_58 = tpu.memref_slice %arg7[%mul3A_2] : memref<327680xi32, #tpu.memory_space<hbm>> -> memref<10240xi32, #tpu.memory_space<hbm>>
      %dma_start3A_59 = tpu.memref_slice %arg7[%mul3A_2] : memref<327680xi32, #tpu.memory_space<hbm>> -> memref<10240xi32, #tpu.memory_space<hbm>>
      tpu.enqueue_dma source(%dma_start3A_59 : memref<10240xi32, #tpu.memory_space<hbm>>) target(%arg13 : memref<10240xi32, #tpu.memory_space<vmem>>) target_semaphore(%run_scoped3A : memref<!tpu.dma_semaphore, #tpu.memory_space<semaphore_mem>>)
      %dma_wait3A_60 = tpu.memref_slice %arg7[%mul3A_2] : memref<327680xi32, #tpu.memory_space<hbm>> -> memref<10240xi32, #tpu.memory_space<hbm>>
      %dma_wait3A_61 = tpu.memref_slice %arg7[%mul3A_2] : memref<327680xi32, #tpu.memory_space<hbm>> -> memref<10240xi32, #tpu.memory_space<hbm>>
      tpu.wait_dma2 semaphore(%run_scoped3A : memref<!tpu.dma_semaphore, #tpu.memory_space<semaphore_mem>>) src(%dma_wait3A_61 : memref<10240xi32, #tpu.memory_space<hbm>>) dst(%arg13 : memref<10240xi32, #tpu.memory_space<vmem>>)
      tpu.yield
    }) : () -> ()
    %and3A = arith.constant 7 : i32
    %and3A_3 = arith.andi %add3A, %and3A : i32
    %mul3A_4 = arith.constant 512 : i32
    %mul3A_5 = arith.muli %and3A_3, %mul3A_4 : i32
    %scan3A = arith.constant 0 : i32
    %scan3A_6 = arith.constant 0 : i32
    %scan3A_7 = arith.constant 640 : i32
    %scan3A_8 = arith.addi %scan3A_6, %scan3A_7 : i32
    %scan3A_9 = arith.constant 1 : i32
    %scan3A_10 = scf.for %scan3A_58 = %scan3A_6 to %scan3A_8 step %scan3A_9 iter_args(%scan3A_59 = %scan3A) -> (i32)  : i32 {
      %mul3A_60 = arith.constant 16 : i32
      %mul3A_61 = arith.muli %scan3A_58, %mul3A_60 : i32
      %get3A_62 = arith.index_cast %mul3A_61 : i32 to index
      %get3A_63 = tpu.vector_load %arg12[%get3A_62] {strides = array<i32>} : memref<10240xi32, #tpu.memory_space<vmem>>, vector<16xi32>,
      %add3A_64 = vector.broadcast %mul3A_5 : i32 to vector<16xi32>
      %add3A_65 = arith.addi %get3A_63, %add3A_64 : vector<16xi32>
      %swap3A = arith.index_cast %mul3A_61 : i32 to index
      %swap3A_66 = tpu.vector_load %arg12[%swap3A] {strides = array<i32>} : memref<10240xi32, #tpu.memory_space<vmem>>, vector<16xi32>,
      tpu.vector_store %arg12[%swap3A], %add3A_65 {strides = array<i32>} : memref<10240xi32, #tpu.memory_space<vmem>>, vector<16xi32>,
      %scan3A_67 = arith.constant 0 : i32
      scf.yield %scan3A_67 : i32
    }
    %scan3A_11 = arith.constant 640 : i32
    %eq3A = arith.constant 0 : i32
    %eq3A_12 = vector.broadcast %eq3A : i32 to vector<16xi32>
    %eq3A_13 = arith.cmpi eq, %iota3A, %eq3A_12 : vector<16xi32>
    %get3A = arith.constant 0 : index
    %get3A_14 = tpu.vector_load %arg21[%get3A] {strides = array<i32>} : memref<16xf32, #tpu.memory_space<vmem>>, vector<16xf32>,
    %jit3A = arith.constant 0.000000e+00 : f32
    %broadcast_in_dim3A = vector.broadcast %jit3A : f32 to vector<16xf32>
    %select_n3A = arith.select %eq3A_13, %get3A_14, %broadcast_in_dim3A : vector<16xi1>, vector<16xf32>
    %dma_start3A = arith.constant 0 : i32
    %dma_start3A_15 = tpu.memref_slice %arg11[%dma_start3A] : memref<10240xi32, #tpu.memory_space<vmem>> -> memref<128xi32, #tpu.memory_space<vmem>>
    %dma_start3A_16 = arith.constant 0 : i32
    %dma_start3A_17 = arith.constant 0 : i32
    %dma_start3A_18 = tpu.memref_slice %arg2[%dma_start3A_16, %dma_start3A_17] : memref<10000x128xf32, #tpu.memory_space<hbm>> -> memref<10000x128xf32, #tpu.memory_space<hbm>>
    tpu.enqueue_indirect_dma source(%dma_start3A_18 : memref<10000x128xf32, #tpu.memory_space<hbm>>) target(%arg14 : memref<128x128xf32, #tpu.memory_space<vmem>>) offsets(%dma_start3A_15 : memref<128xi32, #tpu.memory_space<vmem>>) semaphore(%arg24 : memref<!tpu.dma_semaphore, #tpu.memory_space<semaphore_mem>>)
    %dma_start3A_19 = arith.constant 0 : i32
    %dma_start3A_20 = tpu.memref_slice %arg12[%dma_start3A_19] : memref<10240xi32, #tpu.memory_space<vmem>> -> memref<128xi32, #tpu.memory_space<vmem>>
    %dma_start3A_21 = arith.constant 0 : i32
    %dma_start3A_22 = arith.constant 0 : i32
    %dma_start3A_23 = tpu.memref_slice %arg3[%dma_start3A_21, %dma_start3A_22] : memref<4096x128xf32, #tpu.memory_space<hbm>> -> memref<4096x128xf32, #tpu.memory_space<hbm>>
    tpu.enqueue_indirect_dma source(%dma_start3A_23 : memref<4096x128xf32, #tpu.memory_space<hbm>>) target(%arg16 : memref<128x128xf32, #tpu.memory_space<vmem>>) offsets(%dma_start3A_20 : memref<128xi32, #tpu.memory_space<vmem>>) semaphore(%arg26 : memref<!tpu.dma_semaphore, #tpu.memory_space<semaphore_mem>>)
    %dma_start3A_24 = arith.constant 0 : i32
    %dma_start3A_25 = tpu.memref_slice %arg13[%dma_start3A_24] : memref<10240xi32, #tpu.memory_space<vmem>> -> memref<128xi32, #tpu.memory_space<vmem>>
    %dma_start3A_26 = arith.constant 0 : i32
    %dma_start3A_27 = arith.constant 0 : i32
    %dma_start3A_28 = tpu.memref_slice %arg4[%dma_start3A_26, %dma_start3A_27] : memref<10000x128xf32, #tpu.memory_space<hbm>> -> memref<10000x128xf32, #tpu.memory_space<hbm>>
    tpu.enqueue_indirect_dma source(%dma_start3A_28 : memref<10000x128xf32, #tpu.memory_space<hbm>>) target(%arg18 : memref<128x128xf32, #tpu.memory_space<vmem>>) offsets(%dma_start3A_25 : memref<128xi32, #tpu.memory_space<vmem>>) semaphore(%arg28 : memref<!tpu.dma_semaphore, #tpu.memory_space<semaphore_mem>>)
    %dma_start3A_29 = arith.constant 128 : i32
    %dma_start3A_30 = tpu.memref_slice %arg11[%dma_start3A_29] : memref<10240xi32, #tpu.memory_space<vmem>> -> memref<128xi32, #tpu.memory_space<vmem>>
    %dma_start3A_31 = arith.constant 0 : i32
    %dma_start3A_32 = arith.constant 0 : i32
    %dma_start3A_33 = tpu.memref_slice %arg2[%dma_start3A_31, %dma_start3A_32] : memref<10000x128xf32, #tpu.memory_space<hbm>> -> memref<10000x128xf32, #tpu.memory_space<hbm>>
    tpu.enqueue_indirect_dma source(%dma_start3A_33 : memref<10000x128xf32, #tpu.memory_space<hbm>>) target(%arg15 : memref<128x128xf32, #tpu.memory_space<vmem>>) offsets(%dma_start3A_30 : memref<128xi32, #tpu.memory_space<vmem>>) semaphore(%arg25 : memref<!tpu.dma_semaphore, #tpu.memory_space<semaphore_mem>>)
    %dma_start3A_34 = arith.constant 128 : i32
    %dma_start3A_35 = tpu.memref_slice %arg12[%dma_start3A_34] : memref<10240xi32, #tpu.memory_space<vmem>> -> memref<128xi32, #tpu.memory_space<vmem>>
    %dma_start3A_36 = arith.constant 0 : i32
    %dma_start3A_37 = arith.constant 0 : i32
    %dma_start3A_38 = tpu.memref_slice %arg3[%dma_start3A_36, %dma_start3A_37] : memref<4096x128xf32, #tpu.memory_space<hbm>> -> memref<4096x128xf32, #tpu.memory_space<hbm>>
    tpu.enqueue_indirect_dma source(%dma_start3A_38 : memref<4096x128xf32, #tpu.memory_space<hbm>>) target(%arg17 : memref<128x128xf32, #tpu.memory_space<vmem>>) offsets(%dma_start3A_35 : memref<128xi32, #tpu.memory_space<vmem>>) semaphore(%arg27 : memref<!tpu.dma_semaphore, #tpu.memory_space<semaphore_mem>>)
    %dma_start3A_39 = arith.constant 128 : i32
    %dma_start3A_40 = tpu.memref_slice %arg13[%dma_start3A_39] : memref<10240xi32, #tpu.memory_space<vmem>> -> memref<128xi32, #tpu.memory_space<vmem>>
    %dma_start3A_41 = arith.constant 0 : i32
    %dma_start3A_42 = arith.constant 0 : i32
    %dma_start3A_43 = tpu.memref_slice %arg4[%dma_start3A_41, %dma_start3A_42] : memref<10000x128xf32, #tpu.memory_space<hbm>> -> memref<10000x128xf32, #tpu.memory_space<hbm>>
    tpu.enqueue_indirect_dma source(%dma_start3A_43 : memref<10000x128xf32, #tpu.memory_space<hbm>>) target(%arg19 : memref<128x128xf32, #tpu.memory_space<vmem>>) offsets(%dma_start3A_40 : memref<128xi32, #tpu.memory_space<vmem>>) semaphore(%arg29 : memref<!tpu.dma_semaphore, #tpu.memory_space<semaphore_mem>>)
    %scan3A_44 = arith.constant 0 : i32
    %scan3A_45 = arith.constant 0 : i32
    %scan3A_46 = arith.constant 40 : i32
    %scan3A_47 = arith.addi %scan3A_45, %scan3A_46 : i32
    %scan3A_48 = arith.constant 1 : i32
    %scan3A_49 = scf.for %scan3A_58 = %scan3A_45 to %scan3A_47 step %scan3A_48 iter_args(%scan3A_59 = %scan3A_44) -> (i32)  : i32 {
      %mul3A_60 = arith.constant 2 : i32
      %mul3A_61 = arith.muli %scan3A_58, %mul3A_60 : i32
      %add3A_62 = arith.constant 0 : i32
      %add3A_63 = arith.addi %mul3A_61, %add3A_62 : i32
      %mul3A_64 = arith.constant 128 : i32
      %mul3A_65 = arith.muli %add3A_63, %mul3A_64 : i32
      %dma_wait3A_66 = tpu.memref_slice %arg11[%mul3A_65] : memref<10240xi32, #tpu.memory_space<vmem>> -> memref<128xi32, #tpu.memory_space<vmem>>
      %dma_wait3A_67 = arith.constant 0 : i32
      %dma_wait3A_68 = arith.constant 0 : i32
      %dma_wait3A_69 = tpu.memref_slice %arg2[%dma_wait3A_67, %dma_wait3A_68] : memref<10000x128xf32, #tpu.memory_space<hbm>> -> memref<10000x128xf32, #tpu.memory_space<hbm>>
      tpu.wait_indirect_dma semaphore(%arg24 : memref<!tpu.dma_semaphore, #tpu.memory_space<semaphore_mem>>) src(%dma_wait3A_69 : memref<10000x128xf32, #tpu.memory_space<hbm>>) dst(%arg14 : memref<128x128xf32, #tpu.memory_space<vmem>>)
      %dma_wait3A_70 = tpu.memref_slice %arg12[%mul3A_65] : memref<10240xi32, #tpu.memory_space<vmem>> -> memref<128xi32, #tpu.memory_space<vmem>>
      %dma_wait3A_71 = arith.constant 0 : i32
      %dma_wait3A_72 = arith.constant 0 : i32
      %dma_wait3A_73 = tpu.memref_slice %arg3[%dma_wait3A_71, %dma_wait3A_72] : memref<4096x128xf32, #tpu.memory_space<hbm>> -> memref<4096x128xf32, #tpu.memory_space<hbm>>
      tpu.wait_indirect_dma semaphore(%arg26 : memref<!tpu.dma_semaphore, #tpu.memory_space<semaphore_mem>>) src(%dma_wait3A_73 : memref<4096x128xf32, #tpu.memory_space<hbm>>) dst(%arg16 : memref<128x128xf32, #tpu.memory_space<vmem>>)
      %dma_wait3A_74 = tpu.memref_slice %arg13[%mul3A_65] : memref<10240xi32, #tpu.memory_space<vmem>> -> memref<128xi32, #tpu.memory_space<vmem>>
      %dma_wait3A_75 = arith.constant 0 : i32
      %dma_wait3A_76 = arith.constant 0 : i32
      %dma_wait3A_77 = tpu.memref_slice %arg4[%dma_wait3A_75, %dma_wait3A_76] : memref<10000x128xf32, #tpu.memory_space<hbm>> -> memref<10000x128xf32, #tpu.memory_space<hbm>>
      tpu.wait_indirect_dma semaphore(%arg28 : memref<!tpu.dma_semaphore, #tpu.memory_space<semaphore_mem>>) src(%dma_wait3A_77 : memref<10000x128xf32, #tpu.memory_space<hbm>>) dst(%arg18 : memref<128x128xf32, #tpu.memory_space<vmem>>)
      %ge3A = arith.constant 2 : i32
      %ge3A_78 = arith.cmpi sge, %add3A_63, %ge3A : i32
      %convert_element_type3A = arith.extui %ge3A_78 : i1 to i32
      %cond3A = arith.constant 0 : i32
      %cond3A_79 = arith.cmpi ne, %convert_element_type3A, %cond3A : i32
      scf.if %cond3A_79 {
        %sub3A = arith.constant 2 : i32
        %sub3A_141 = arith.subi %add3A_63, %sub3A : i32
        %mul3A_142 = arith.constant 128 : i32
        %mul3A_143 = arith.muli %sub3A_141, %mul3A_142 : i32
        %add3A_144 = arith.addi %mul3A_2, %mul3A_143 : i32
        %dma_wait3A_145 = tpu.memref_slice %arg10[%add3A_144] : memref<327680xf32, #tpu.memory_space<hbm>> -> memref<128xf32, #tpu.memory_space<hbm>>
        %dma_wait3A_146 = tpu.memref_slice %arg10[%add3A_144] : memref<327680xf32, #tpu.memory_space<hbm>> -> memref<128xf32, #tpu.memory_space<hbm>>
        tpu.wait_dma2 semaphore(%arg30 : memref<!tpu.dma_semaphore, #tpu.memory_space<semaphore_mem>>) src(%arg22 : memref<128xf32, #tpu.memory_space<vmem>>) dst(%dma_wait3A_146 : memref<128xf32, #tpu.memory_space<hbm>>)
      } else {
      }
      %scan3A_80 = arith.constant 0 : i32
      %scan3A_81 = arith.constant 0 : i32
      %scan3A_82 = arith.constant 8 : i32
      %scan3A_83 = arith.addi %scan3A_81, %scan3A_82 : i32
      %scan3A_84 = arith.constant 1 : i32
      %scan3A_85 = scf.for %scan3A_141 = %scan3A_81 to %scan3A_83 step %scan3A_84 iter_args(%scan3A_142 = %scan3A_80) -> (i32)  : i32 {
        %broadcast_in_dim3A_143 = arith.constant 0.000000e+00 : f32
        %broadcast_in_dim3A_144 = vector.broadcast %broadcast_in_dim3A_143 : f32 to vector<16xf32>
        %scan3A_145 = arith.constant 0 : i32
        %scan3A_146 = arith.constant 16 : i32
        %scan3A_147 = arith.addi %scan3A_145, %scan3A_146 : i32
        %scan3A_148 = arith.constant 1 : i32
        %scan3A_149 = scf.for %scan3A_155 = %scan3A_145 to %scan3A_147 step %scan3A_148 iter_args(%scan3A_156 = %broadcast_in_dim3A_144) -> (vector<16xf32>)  : i32 {
          %mul3A_157 = arith.constant 16 : i32
          %mul3A_158 = arith.muli %scan3A_141, %mul3A_157 : i32
          %add3A_159 = arith.addi %mul3A_158, %scan3A_155 : i32
          %get3A_160 = arith.index_cast %add3A_159 : i32 to index
          %get3A_161 = arith.constant 0 : index
          %get3A_162 = tpu.vector_load %arg14[%get3A_160, %get3A_161] {strides = array<i32>} : memref<128x128xf32, #tpu.memory_space<vmem>>, vector<16xf32>,
          %get3A_163 = arith.index_cast %add3A_159 : i32 to index
          %get3A_164 = arith.constant 0 : index
          %get3A_165 = tpu.vector_load %arg16[%get3A_163, %get3A_164] {strides = array<i32>} : memref<128x128xf32, #tpu.memory_space<vmem>>, vector<16xf32>,
          %add3A_166 = arith.addf %get3A_162, %get3A_165 : vector<16xf32>
          %get3A_167 = arith.index_cast %add3A_159 : i32 to index
          %get3A_168 = arith.constant 0 : index
          %get3A_169 = tpu.vector_load %arg18[%get3A_167, %get3A_168] {strides = array<i32>} : memref<128x128xf32, #tpu.memory_space<vmem>>, vector<16xf32>,
          %add3A_170 = arith.addf %add3A_166, %get3A_169 : vector<16xf32>
          %max3A = arith.constant 0.000000e+00 : f32
          %max3A_171 = vector.broadcast %max3A : f32 to vector<16xf32>
          %max3A_172 = arith.maximumf %add3A_170, %max3A_171 : vector<16xf32>
          %get3A_173 = arith.constant 0 : index
          %get3A_174 = tpu.vector_load %arg20[%get3A_173] {strides = array<i32>} : memref<128xf32, #tpu.memory_space<vmem>>, vector<16xf32>,
          %mul3A_175 = arith.mulf %max3A_172, %get3A_174 : vector<16xf32>
          %add3A_176 = arith.addf %select_n3A, %mul3A_175 : vector<16xf32>
          %get3A_177 = arith.index_cast %add3A_159 : i32 to index
          %get3A_178 = arith.constant 16 : index
          %get3A_179 = tpu.vector_load %arg14[%get3A_177, %get3A_178] {strides = array<i32>} : memref<128x128xf32, #tpu.memory_space<vmem>>, vector<16xf32>,
          %get3A_180 = arith.index_cast %add3A_159 : i32 to index
          %get3A_181 = arith.constant 16 : index
          %get3A_182 = tpu.vector_load %arg16[%get3A_180, %get3A_181] {strides = array<i32>} : memref<128x128xf32, #tpu.memory_space<vmem>>, vector<16xf32>,
          %add3A_183 = arith.addf %get3A_179, %get3A_182 : vector<16xf32>
          %get3A_184 = arith.index_cast %add3A_159 : i32 to index
          %get3A_185 = arith.constant 16 : index
          %get3A_186 = tpu.vector_load %arg18[%get3A_184, %get3A_185] {strides = array<i32>} : memref<128x128xf32, #tpu.memory_space<vmem>>, vector<16xf32>,
          %add3A_187 = arith.addf %add3A_183, %get3A_186 : vector<16xf32>
          %max3A_188 = arith.constant 0.000000e+00 : f32
          %max3A_189 = vector.broadcast %max3A_188 : f32 to vector<16xf32>
          %max3A_190 = arith.maximumf %add3A_187, %max3A_189 : vector<16xf32>
          %get3A_191 = arith.constant 16 : index
          %get3A_192 = tpu.vector_load %arg20[%get3A_191] {strides = array<i32>} : memref<128xf32, #tpu.memory_space<vmem>>, vector<16xf32>,
          %mul3A_193 = arith.mulf %max3A_190, %get3A_192 : vector<16xf32>
          %add3A_194 = arith.addf %add3A_176, %mul3A_193 : vector<16xf32>
          %get3A_195 = arith.index_cast %add3A_159 : i32 to index
          %get3A_196 = arith.constant 32 : index
          %get3A_197 = tpu.vector_load %arg14[%get3A_195, %get3A_196] {strides = array<i32>} : memref<128x128xf32, #tpu.memory_space<vmem>>, vector<16xf32>,
          %get3A_198 = arith.index_cast %add3A_159 : i32 to index
          %get3A_199 = arith.constant 32 : index
          %get3A_200 = tpu.vector_load %arg16[%get3A_198, %get3A_199] {strides = array<i32>} : memref<128x128xf32, #tpu.memory_space<vmem>>, vector<16xf32>,
          %add3A_201 = arith.addf %get3A_197, %get3A_200 : vector<16xf32>
          %get3A_202 = arith.index_cast %add3A_159 : i32 to index
          %get3A_203 = arith.constant 32 : index
          %get3A_204 = tpu.vector_load %arg18[%get3A_202, %get3A_203] {strides = array<i32>} : memref<128x128xf32, #tpu.memory_space<vmem>>, vector<16xf32>,
          %add3A_205 = arith.addf %add3A_201, %get3A_204 : vector<16xf32>
          %max3A_206 = arith.constant 0.000000e+00 : f32
          %max3A_207 = vector.broadcast %max3A_206 : f32 to vector<16xf32>
          %max3A_208 = arith.maximumf %add3A_205, %max3A_207 : vector<16xf32>
          %get3A_209 = arith.constant 32 : index
          %get3A_210 = tpu.vector_load %arg20[%get3A_209] {strides = array<i32>} : memref<128xf32, #tpu.memory_space<vmem>>, vector<16xf32>,
          %mul3A_211 = arith.mulf %max3A_208, %get3A_210 : vector<16xf32>
          %add3A_212 = arith.addf %add3A_194, %mul3A_211 : vector<16xf32>
          %get3A_213 = arith.index_cast %add3A_159 : i32 to index
          %get3A_214 = arith.constant 48 : index
          %get3A_215 = tpu.vector_load %arg14[%get3A_213, %get3A_214] {strides = array<i32>} : memref<128x128xf32, #tpu.memory_space<vmem>>, vector<16xf32>,
          %get3A_216 = arith.index_cast %add3A_159 : i32 to index
          %get3A_217 = arith.constant 48 : index
          %get3A_218 = tpu.vector_load %arg16[%get3A_216, %get3A_217] {strides = array<i32>} : memref<128x128xf32, #tpu.memory_space<vmem>>, vector<16xf32>,
          %add3A_219 = arith.addf %get3A_215, %get3A_218 : vector<16xf32>
          %get3A_220 = arith.index_cast %add3A_159 : i32 to index
          %get3A_221 = arith.constant 48 : index
          %get3A_222 = tpu.vector_load %arg18[%get3A_220, %get3A_221] {strides = array<i32>} : memref<128x128xf32, #tpu.memory_space<vmem>>, vector<16xf32>,
          %add3A_223 = arith.addf %add3A_219, %get3A_222 : vector<16xf32>
          %max3A_224 = arith.constant 0.000000e+00 : f32
          %max3A_225 = vector.broadcast %max3A_224 : f32 to vector<16xf32>
          %max3A_226 = arith.maximumf %add3A_223, %max3A_225 : vector<16xf32>
          %get3A_227 = arith.constant 48 : index
          %get3A_228 = tpu.vector_load %arg20[%get3A_227] {strides = array<i32>} : memref<128xf32, #tpu.memory_space<vmem>>, vector<16xf32>,
          %mul3A_229 = arith.mulf %max3A_226, %get3A_228 : vector<16xf32>
          %add3A_230 = arith.addf %add3A_212, %mul3A_229 : vector<16xf32>
          %get3A_231 = arith.index_cast %add3A_159 : i32 to index
          %get3A_232 = arith.constant 64 : index
          %get3A_233 = tpu.vector_load %arg14[%get3A_231, %get3A_232] {strides = array<i32>} : memref<128x128xf32, #tpu.memory_space<vmem>>, vector<16xf32>,
          %get3A_234 = arith.index_cast %add3A_159 : i32 to index
          %get3A_235 = arith.constant 64 : index
          %get3A_236 = tpu.vector_load %arg16[%get3A_234, %get3A_235] {strides = array<i32>} : memref<128x128xf32, #tpu.memory_space<vmem>>, vector<16xf32>,
          %add3A_237 = arith.addf %get3A_233, %get3A_236 : vector<16xf32>
          %get3A_238 = arith.index_cast %add3A_159 : i32 to index
          %get3A_239 = arith.constant 64 : index
          %get3A_240 = tpu.vector_load %arg18[%get3A_238, %get3A_239] {strides = array<i32>} : memref<128x128xf32, #tpu.memory_space<vmem>>, vector<16xf32>,
          %add3A_241 = arith.addf %add3A_237, %get3A_240 : vector<16xf32>
          %max3A_242 = arith.constant 0.000000e+00 : f32
          %max3A_243 = vector.broadcast %max3A_242 : f32 to vector<16xf32>
          %max3A_244 = arith.maximumf %add3A_241, %max3A_243 : vector<16xf32>
          %get3A_245 = arith.constant 64 : index
          %get3A_246 = tpu.vector_load %arg20[%get3A_245] {strides = array<i32>} : memref<128xf32, #tpu.memory_space<vmem>>, vector<16xf32>,
          %mul3A_247 = arith.mulf %max3A_244, %get3A_246 : vector<16xf32>
          %add3A_248 = arith.addf %add3A_230, %mul3A_247 : vector<16xf32>
          %get3A_249 = arith.index_cast %add3A_159 : i32 to index
          %get3A_250 = arith.constant 80 : index
          %get3A_251 = tpu.vector_load %arg14[%get3A_249, %get3A_250] {strides = array<i32>} : memref<128x128xf32, #tpu.memory_space<vmem>>, vector<16xf32>,
          %get3A_252 = arith.index_cast %add3A_159 : i32 to index
          %get3A_253 = arith.constant 80 : index
          %get3A_254 = tpu.vector_load %arg16[%get3A_252, %get3A_253] {strides = array<i32>} : memref<128x128xf32, #tpu.memory_space<vmem>>, vector<16xf32>,
          %add3A_255 = arith.addf %get3A_251, %get3A_254 : vector<16xf32>
          %get3A_256 = arith.index_cast %add3A_159 : i32 to index
          %get3A_257 = arith.constant 80 : index
          %get3A_258 = tpu.vector_load %arg18[%get3A_256, %get3A_257] {strides = array<i32>} : memref<128x128xf32, #tpu.memory_space<vmem>>, vector<16xf32>,
          %add3A_259 = arith.addf %add3A_255, %get3A_258 : vector<16xf32>
          %max3A_260 = arith.constant 0.000000e+00 : f32
          %max3A_261 = vector.broadcast %max3A_260 : f32 to vector<16xf32>
          %max3A_262 = arith.maximumf %add3A_259, %max3A_261 : vector<16xf32>
          %get3A_263 = arith.constant 80 : index
          %get3A_264 = tpu.vector_load %arg20[%get3A_263] {strides = array<i32>} : memref<128xf32, #tpu.memory_space<vmem>>, vector<16xf32>,
          %mul3A_265 = arith.mulf %max3A_262, %get3A_264 : vector<16xf32>
          %add3A_266 = arith.addf %add3A_248, %mul3A_265 : vector<16xf32>
          %get3A_267 = arith.index_cast %add3A_159 : i32 to index
          %get3A_268 = arith.constant 96 : index
          %get3A_269 = tpu.vector_load %arg14[%get3A_267, %get3A_268] {strides = array<i32>} : memref<128x128xf32, #tpu.memory_space<vmem>>, vector<16xf32>,
          %get3A_270 = arith.index_cast %add3A_159 : i32 to index
          %get3A_271 = arith.constant 96 : index
          %get3A_272 = tpu.vector_load %arg16[%get3A_270, %get3A_271] {strides = array<i32>} : memref<128x128xf32, #tpu.memory_space<vmem>>, vector<16xf32>,
          %add3A_273 = arith.addf %get3A_269, %get3A_272 : vector<16xf32>
          %get3A_274 = arith.index_cast %add3A_159 : i32 to index
          %get3A_275 = arith.constant 96 : index
          %get3A_276 = tpu.vector_load %arg18[%get3A_274, %get3A_275] {strides = array<i32>} : memref<128x128xf32, #tpu.memory_space<vmem>>, vector<16xf32>,
          %add3A_277 = arith.addf %add3A_273, %get3A_276 : vector<16xf32>
          %max3A_278 = arith.constant 0.000000e+00 : f32
          %max3A_279 = vector.broadcast %max3A_278 : f32 to vector<16xf32>
          %max3A_280 = arith.maximumf %add3A_277, %max3A_279 : vector<16xf32>
          %get3A_281 = arith.constant 96 : index
          %get3A_282 = tpu.vector_load %arg20[%get3A_281] {strides = array<i32>} : memref<128xf32, #tpu.memory_space<vmem>>, vector<16xf32>,
          %mul3A_283 = arith.mulf %max3A_280, %get3A_282 : vector<16xf32>
          %add3A_284 = arith.addf %add3A_266, %mul3A_283 : vector<16xf32>
          %get3A_285 = arith.index_cast %add3A_159 : i32 to index
          %get3A_286 = arith.constant 112 : index
          %get3A_287 = tpu.vector_load %arg14[%get3A_285, %get3A_286] {strides = array<i32>} : memref<128x128xf32, #tpu.memory_space<vmem>>, vector<16xf32>,
          %get3A_288 = arith.index_cast %add3A_159 : i32 to index
          %get3A_289 = arith.constant 112 : index
          %get3A_290 = tpu.vector_load %arg16[%get3A_288, %get3A_289] {strides = array<i32>} : memref<128x128xf32, #tpu.memory_space<vmem>>, vector<16xf32>,
          %add3A_291 = arith.addf %get3A_287, %get3A_290 : vector<16xf32>
          %get3A_292 = arith.index_cast %add3A_159 : i32 to index
          %get3A_293 = arith.constant 112 : index
          %get3A_294 = tpu.vector_load %arg18[%get3A_292, %get3A_293] {strides = array<i32>} : memref<128x128xf32, #tpu.memory_space<vmem>>, vector<16xf32>,
          %add3A_295 = arith.addf %add3A_291, %get3A_294 : vector<16xf32>
          %max3A_296 = arith.constant 0.000000e+00 : f32
          %max3A_297 = vector.broadcast %max3A_296 : f32 to vector<16xf32>
          %max3A_298 = arith.maximumf %add3A_295, %max3A_297 : vector<16xf32>
          %get3A_299 = arith.constant 112 : index
          %get3A_300 = tpu.vector_load %arg20[%get3A_299] {strides = array<i32>} : memref<128xf32, #tpu.memory_space<vmem>>, vector<16xf32>,
          %mul3A_301 = arith.mulf %max3A_298, %get3A_300 : vector<16xf32>
          %add3A_302 = arith.addf %add3A_284, %mul3A_301 : vector<16xf32>
          %eq3A_303 = vector.broadcast %scan3A_155 : i32 to vector<16xi32>
          %eq3A_304 = arith.cmpi eq, %iota3A, %eq3A_303 : vector<16xi32>
          %reduce_sum3A = arith.constant true
          %reduce_sum3A_305 = vector.broadcast %reduce_sum3A : i1 to vector<16xi1>
          %reduce_sum3A_306 = tpu.scan <sum>, %add3A_302 masked %reduce_sum3A_305 : vector<16xf32>, vector<16xi1> -> vector<16xf32>
          %reduce_sum3A_307 = vector.extract %reduce_sum3A_306[15] : f32 from vector<16xf32>
          %broadcast_in_dim3A_308 = vector.broadcast %reduce_sum3A_307 : f32 to vector<16xf32>
          %select_n3A_309 = arith.select %eq3A_304, %broadcast_in_dim3A_308, %scan3A_156 : vector<16xi1>, vector<16xf32>
          scf.yield %select_n3A_309 : vector<16xf32>
        }
        %scan3A_150 = arith.constant 16 : i32
        %mul3A_151 = arith.constant 16 : i32
        %mul3A_152 = arith.muli %scan3A_141, %mul3A_151 : i32
        %swap3A = arith.index_cast %mul3A_152 : i32 to index
        %swap3A_153 = tpu.vector_load %arg22[%swap3A] {strides = array<i32>} : memref<128xf32, #tpu.memory_space<vmem>>, vector<16xf32>,
        tpu.vector_store %arg22[%swap3A], %scan3A_149 {strides = array<i32>} : memref<128xf32, #tpu.memory_space<vmem>>, vector<16xf32>,
        %scan3A_154 = arith.constant 0 : i32
        scf.yield %scan3A_154 : i32
      }
      %scan3A_86 = arith.constant 8 : i32
      %mul3A_87 = arith.constant 128 : i32
      %mul3A_88 = arith.muli %add3A_63, %mul3A_87 : i32
      %add3A_89 = arith.addi %mul3A_2, %mul3A_88 : i32
      %dma_start3A_90 = tpu.memref_slice %arg10[%add3A_89] : memref<327680xf32, #tpu.memory_space<hbm>> -> memref<128xf32, #tpu.memory_space<hbm>>
      %dma_start3A_91 = tpu.memref_slice %arg10[%add3A_89] : memref<327680xf32, #tpu.memory_space<hbm>> -> memref<128xf32, #tpu.memory_space<hbm>>
      tpu.enqueue_dma source(%arg22 : memref<128xf32, #tpu.memory_space<vmem>>) target(%dma_start3A_91 : memref<128xf32, #tpu.memory_space<hbm>>) target_semaphore(%arg30 : memref<!tpu.dma_semaphore, #tpu.memory_space<semaphore_mem>>)
      %add3A_92 = arith.constant 2 : i32
      %add3A_93 = arith.addi %add3A_63, %add3A_92 : i32
      %lt3A = arith.constant 80 : i32
      %lt3A_94 = arith.cmpi slt, %add3A_93, %lt3A : i32
      %convert_element_type3A_95 = arith.extui %lt3A_94 : i1 to i32
      %cond3A_96 = arith.constant 0 : i32
      %cond3A_97 = arith.cmpi ne, %convert_element_type3A_95, %cond3A_96 : i32
      scf.if %cond3A_97 {
        %add3A_141 = arith.constant 2 : i32
        %add3A_142 = arith.addi %add3A_63, %add3A_141 : i32
        %mul3A_143 = arith.constant 128 : i32
        %mul3A_144 = arith.muli %add3A_142, %mul3A_143 : i32
        %dma_start3A_145 = tpu.memref_slice %arg11[%mul3A_144] : memref<10240xi32, #tpu.memory_space<vmem>> -> memref<128xi32, #tpu.memory_space<vmem>>
        %dma_start3A_146 = arith.constant 0 : i32
        %dma_start3A_147 = arith.constant 0 : i32
        %dma_start3A_148 = tpu.memref_slice %arg2[%dma_start3A_146, %dma_start3A_147] : memref<10000x128xf32, #tpu.memory_space<hbm>> -> memref<10000x128xf32, #tpu.memory_space<hbm>>
        tpu.enqueue_indirect_dma source(%dma_start3A_148 : memref<10000x128xf32, #tpu.memory_space<hbm>>) target(%arg14 : memref<128x128xf32, #tpu.memory_space<vmem>>) offsets(%dma_start3A_145 : memref<128xi32, #tpu.memory_space<vmem>>) semaphore(%arg24 : memref<!tpu.dma_semaphore, #tpu.memory_space<semaphore_mem>>)
        %dma_start3A_149 = tpu.memref_slice %arg12[%mul3A_144] : memref<10240xi32, #tpu.memory_space<vmem>> -> memref<128xi32, #tpu.memory_space<vmem>>
        %dma_start3A_150 = arith.constant 0 : i32
        %dma_start3A_151 = arith.constant 0 : i32
        %dma_start3A_152 = tpu.memref_slice %arg3[%dma_start3A_150, %dma_start3A_151] : memref<4096x128xf32, #tpu.memory_space<hbm>> -> memref<4096x128xf32, #tpu.memory_space<hbm>>
        tpu.enqueue_indirect_dma source(%dma_start3A_152 : memref<4096x128xf32, #tpu.memory_space<hbm>>) target(%arg16 : memref<128x128xf32, #tpu.memory_space<vmem>>) offsets(%dma_start3A_149 : memref<128xi32, #tpu.memory_space<vmem>>) semaphore(%arg26 : memref<!tpu.dma_semaphore, #tpu.memory_space<semaphore_mem>>)
        %dma_start3A_153 = tpu.memref_slice %arg13[%mul3A_144] : memref<10240xi32, #tpu.memory_space<vmem>> -> memref<128xi32, #tpu.memory_space<vmem>>
        %dma_start3A_154 = arith.constant 0 : i32
        %dma_start3A_155 = arith.constant 0 : i32
        %dma_start3A_156 = tpu.memref_slice %arg4[%dma_start3A_154, %dma_start3A_155] : memref<10000x128xf32, #tpu.memory_space<hbm>> -> memref<10000x128xf32, #tpu.memory_space<hbm>>
        tpu.enqueue_indirect_dma source(%dma_start3A_156 : memref<10000x128xf32, #tpu.memory_space<hbm>>) target(%arg18 : memref<128x128xf32, #tpu.memory_space<vmem>>) offsets(%dma_start3A_153 : memref<128xi32, #tpu.memory_space<vmem>>) semaphore(%arg28 : memref<!tpu.dma_semaphore, #tpu.memory_space<semaphore_mem>>)
      } else {
      }
      %mul3A_98 = arith.constant 2 : i32
      %mul3A_99 = arith.muli %scan3A_58, %mul3A_98 : i32
      %add3A_100 = arith.constant 1 : i32
      %add3A_101 = arith.addi %mul3A_99, %add3A_100 : i32
      %mul3A_102 = arith.constant 128 : i32
      %mul3A_103 = arith.muli %add3A_101, %mul3A_102 : i32
      %dma_wait3A_104 = tpu.memref_slice %arg11[%mul3A_103] : memref<10240xi32, #tpu.memory_space<vmem>> -> memref<128xi32, #tpu.memory_space<vmem>>
      %dma_wait3A_105 = arith.constant 0 : i32
      %dma_wait3A_106 = arith.constant 0 : i32
      %dma_wait3A_107 = tpu.memref_slice %arg2[%dma_wait3A_105, %dma_wait3A_106] : memref<10000x128xf32, #tpu.memory_space<hbm>> -> memref<10000x128xf32, #tpu.memory_space<hbm>>
      tpu.wait_indirect_dma semaphore(%arg25 : memref<!tpu.dma_semaphore, #tpu.memory_space<semaphore_mem>>) src(%dma_wait3A_107 : memref<10000x128xf32, #tpu.memory_space<hbm>>) dst(%arg15 : memref<128x128xf32, #tpu.memory_space<vmem>>)
      %dma_wait3A_108 = tpu.memref_slice %arg12[%mul3A_103] : memref<10240xi32, #tpu.memory_space<vmem>> -> memref<128xi32, #tpu.memory_space<vmem>>
      %dma_wait3A_109 = arith.constant 0 : i32
      %dma_wait3A_110 = arith.constant 0 : i32
      %dma_wait3A_111 = tpu.memref_slice %arg3[%dma_wait3A_109, %dma_wait3A_110] : memref<4096x128xf32, #tpu.memory_space<hbm>> -> memref<4096x128xf32, #tpu.memory_space<hbm>>
      tpu.wait_indirect_dma semaphore(%arg27 : memref<!tpu.dma_semaphore, #tpu.memory_space<semaphore_mem>>) src(%dma_wait3A_111 : memref<4096x128xf32, #tpu.memory_space<hbm>>) dst(%arg17 : memref<128x128xf32, #tpu.memory_space<vmem>>)
      %dma_wait3A_112 = tpu.memref_slice %arg13[%mul3A_103] : memref<10240xi32, #tpu.memory_space<vmem>> -> memref<128xi32, #tpu.memory_space<vmem>>
      %dma_wait3A_113 = arith.constant 0 : i32
      %dma_wait3A_114 = arith.constant 0 : i32
      %dma_wait3A_115 = tpu.memref_slice %arg4[%dma_wait3A_113, %dma_wait3A_114] : memref<10000x128xf32, #tpu.memory_space<hbm>> -> memref<10000x128xf32, #tpu.memory_space<hbm>>
      tpu.wait_indirect_dma semaphore(%arg29 : memref<!tpu.dma_semaphore, #tpu.memory_space<semaphore_mem>>) src(%dma_wait3A_115 : memref<10000x128xf32, #tpu.memory_space<hbm>>) dst(%arg19 : memref<128x128xf32, #tpu.memory_space<vmem>>)
      %ge3A_116 = arith.constant 2 : i32
      %ge3A_117 = arith.cmpi sge, %add3A_101, %ge3A_116 : i32
      %convert_element_type3A_118 = arith.extui %ge3A_117 : i1 to i32
      %cond3A_119 = arith.constant 0 : i32
      %cond3A_120 = arith.cmpi ne, %convert_element_type3A_118, %cond3A_119 : i32
      scf.if %cond3A_120 {
        %sub3A = arith.constant 2 : i32
        %sub3A_141 = arith.subi %add3A_101, %sub3A : i32
        %mul3A_142 = arith.constant 128 : i32
        %mul3A_143 = arith.muli %sub3A_141, %mul3A_142 : i32
        %add3A_144 = arith.addi %mul3A_2, %mul3A_143 : i32
        %dma_wait3A_145 = tpu.memref_slice %arg10[%add3A_144] : memref<327680xf32, #tpu.memory_space<hbm>> -> memref<128xf32, #tpu.memory_space<hbm>>
        %dma_wait3A_146 = tpu.memref_slice %arg10[%add3A_144] : memref<327680xf32, #tpu.memory_space<hbm>> -> memref<128xf32, #tpu.memory_space<hbm>>
        tpu.wait_dma2 semaphore(%arg31 : memref<!tpu.dma_semaphore, #tpu.memory_space<semaphore_mem>>) src(%arg23 : memref<128xf32, #tpu.memory_space<vmem>>) dst(%dma_wait3A_146 : memref<128xf32, #tpu.memory_space<hbm>>)
      } else {
      }
      %scan3A_121 = arith.constant 0 : i32
      %scan3A_122 = arith.constant 0 : i32
      %scan3A_123 = arith.constant 8 : i32
      %scan3A_124 = arith.addi %scan3A_122, %scan3A_123 : i32
      %scan3A_125 = arith.constant 1 : i32
      %scan3A_126 = scf.for %scan3A_141 = %scan3A_122 to %scan3A_124 step %scan3A_125 iter_args(%scan3A_142 = %scan3A_121) -> (i32)  : i32 {
        %broadcast_in_dim3A_143 = arith.constant 0.000000e+00 : f32
        %broadcast_in_dim3A_144 = vector.broadcast %broadcast_in_dim3A_143 : f32 to vector<16xf32>
        %scan3A_145 = arith.constant 0 : i32
        %scan3A_146 = arith.constant 16 : i32
        %scan3A_147 = arith.addi %scan3A_145, %scan3A_146 : i32
        %scan3A_148 = arith.constant 1 : i32
        %scan3A_149 = scf.for %scan3A_155 = %scan3A_145 to %scan3A_147 step %scan3A_148 iter_args(%scan3A_156 = %broadcast_in_dim3A_144) -> (vector<16xf32>)  : i32 {
          %mul3A_157 = arith.constant 16 : i32
          %mul3A_158 = arith.muli %scan3A_141, %mul3A_157 : i32
          %add3A_159 = arith.addi %mul3A_158, %scan3A_155 : i32
          %get3A_160 = arith.index_cast %add3A_159 : i32 to index
          %get3A_161 = arith.constant 0 : index
          %get3A_162 = tpu.vector_load %arg15[%get3A_160, %get3A_161] {strides = array<i32>} : memref<128x128xf32, #tpu.memory_space<vmem>>, vector<16xf32>,
          %get3A_163 = arith.index_cast %add3A_159 : i32 to index
          %get3A_164 = arith.constant 0 : index
          %get3A_165 = tpu.vector_load %arg17[%get3A_163, %get3A_164] {strides = array<i32>} : memref<128x128xf32, #tpu.memory_space<vmem>>, vector<16xf32>,
          %add3A_166 = arith.addf %get3A_162, %get3A_165 : vector<16xf32>
          %get3A_167 = arith.index_cast %add3A_159 : i32 to index
          %get3A_168 = arith.constant 0 : index
          %get3A_169 = tpu.vector_load %arg19[%get3A_167, %get3A_168] {strides = array<i32>} : memref<128x128xf32, #tpu.memory_space<vmem>>, vector<16xf32>,
          %add3A_170 = arith.addf %add3A_166, %get3A_169 : vector<16xf32>
          %max3A = arith.constant 0.000000e+00 : f32
          %max3A_171 = vector.broadcast %max3A : f32 to vector<16xf32>
          %max3A_172 = arith.maximumf %add3A_170, %max3A_171 : vector<16xf32>
          %get3A_173 = arith.constant 0 : index
          %get3A_174 = tpu.vector_load %arg20[%get3A_173] {strides = array<i32>} : memref<128xf32, #tpu.memory_space<vmem>>, vector<16xf32>,
          %mul3A_175 = arith.mulf %max3A_172, %get3A_174 : vector<16xf32>
          %add3A_176 = arith.addf %select_n3A, %mul3A_175 : vector<16xf32>
          %get3A_177 = arith.index_cast %add3A_159 : i32 to index
          %get3A_178 = arith.constant 16 : index
          %get3A_179 = tpu.vector_load %arg15[%get3A_177, %get3A_178] {strides = array<i32>} : memref<128x128xf32, #tpu.memory_space<vmem>>, vector<16xf32>,
          %get3A_180 = arith.index_cast %add3A_159 : i32 to index
          %get3A_181 = arith.constant 16 : index
          %get3A_182 = tpu.vector_load %arg17[%get3A_180, %get3A_181] {strides = array<i32>} : memref<128x128xf32, #tpu.memory_space<vmem>>, vector<16xf32>,
          %add3A_183 = arith.addf %get3A_179, %get3A_182 : vector<16xf32>
          %get3A_184 = arith.index_cast %add3A_159 : i32 to index
          %get3A_185 = arith.constant 16 : index
          %get3A_186 = tpu.vector_load %arg19[%get3A_184, %get3A_185] {strides = array<i32>} : memref<128x128xf32, #tpu.memory_space<vmem>>, vector<16xf32>,
          %add3A_187 = arith.addf %add3A_183, %get3A_186 : vector<16xf32>
          %max3A_188 = arith.constant 0.000000e+00 : f32
          %max3A_189 = vector.broadcast %max3A_188 : f32 to vector<16xf32>
          %max3A_190 = arith.maximumf %add3A_187, %max3A_189 : vector<16xf32>
          %get3A_191 = arith.constant 16 : index
          %get3A_192 = tpu.vector_load %arg20[%get3A_191] {strides = array<i32>} : memref<128xf32, #tpu.memory_space<vmem>>, vector<16xf32>,
          %mul3A_193 = arith.mulf %max3A_190, %get3A_192 : vector<16xf32>
          %add3A_194 = arith.addf %add3A_176, %mul3A_193 : vector<16xf32>
          %get3A_195 = arith.index_cast %add3A_159 : i32 to index
          %get3A_196 = arith.constant 32 : index
          %get3A_197 = tpu.vector_load %arg15[%get3A_195, %get3A_196] {strides = array<i32>} : memref<128x128xf32, #tpu.memory_space<vmem>>, vector<16xf32>,
          %get3A_198 = arith.index_cast %add3A_159 : i32 to index
          %get3A_199 = arith.constant 32 : index
          %get3A_200 = tpu.vector_load %arg17[%get3A_198, %get3A_199] {strides = array<i32>} : memref<128x128xf32, #tpu.memory_space<vmem>>, vector<16xf32>,
          %add3A_201 = arith.addf %get3A_197, %get3A_200 : vector<16xf32>
          %get3A_202 = arith.index_cast %add3A_159 : i32 to index
          %get3A_203 = arith.constant 32 : index
          %get3A_204 = tpu.vector_load %arg19[%get3A_202, %get3A_203] {strides = array<i32>} : memref<128x128xf32, #tpu.memory_space<vmem>>, vector<16xf32>,
          %add3A_205 = arith.addf %add3A_201, %get3A_204 : vector<16xf32>
          %max3A_206 = arith.constant 0.000000e+00 : f32
          %max3A_207 = vector.broadcast %max3A_206 : f32 to vector<16xf32>
          %max3A_208 = arith.maximumf %add3A_205, %max3A_207 : vector<16xf32>
          %get3A_209 = arith.constant 32 : index
          %get3A_210 = tpu.vector_load %arg20[%get3A_209] {strides = array<i32>} : memref<128xf32, #tpu.memory_space<vmem>>, vector<16xf32>,
          %mul3A_211 = arith.mulf %max3A_208, %get3A_210 : vector<16xf32>
          %add3A_212 = arith.addf %add3A_194, %mul3A_211 : vector<16xf32>
          %get3A_213 = arith.index_cast %add3A_159 : i32 to index
          %get3A_214 = arith.constant 48 : index
          %get3A_215 = tpu.vector_load %arg15[%get3A_213, %get3A_214] {strides = array<i32>} : memref<128x128xf32, #tpu.memory_space<vmem>>, vector<16xf32>,
          %get3A_216 = arith.index_cast %add3A_159 : i32 to index
          %get3A_217 = arith.constant 48 : index
          %get3A_218 = tpu.vector_load %arg17[%get3A_216, %get3A_217] {strides = array<i32>} : memref<128x128xf32, #tpu.memory_space<vmem>>, vector<16xf32>,
          %add3A_219 = arith.addf %get3A_215, %get3A_218 : vector<16xf32>
          %get3A_220 = arith.index_cast %add3A_159 : i32 to index
          %get3A_221 = arith.constant 48 : index
          %get3A_222 = tpu.vector_load %arg19[%get3A_220, %get3A_221] {strides = array<i32>} : memref<128x128xf32, #tpu.memory_space<vmem>>, vector<16xf32>,
          %add3A_223 = arith.addf %add3A_219, %get3A_222 : vector<16xf32>
          %max3A_224 = arith.constant 0.000000e+00 : f32
          %max3A_225 = vector.broadcast %max3A_224 : f32 to vector<16xf32>
          %max3A_226 = arith.maximumf %add3A_223, %max3A_225 : vector<16xf32>
          %get3A_227 = arith.constant 48 : index
          %get3A_228 = tpu.vector_load %arg20[%get3A_227] {strides = array<i32>} : memref<128xf32, #tpu.memory_space<vmem>>, vector<16xf32>,
          %mul3A_229 = arith.mulf %max3A_226, %get3A_228 : vector<16xf32>
          %add3A_230 = arith.addf %add3A_212, %mul3A_229 : vector<16xf32>
          %get3A_231 = arith.index_cast %add3A_159 : i32 to index
          %get3A_232 = arith.constant 64 : index
          %get3A_233 = tpu.vector_load %arg15[%get3A_231, %get3A_232] {strides = array<i32>} : memref<128x128xf32, #tpu.memory_space<vmem>>, vector<16xf32>,
          %get3A_234 = arith.index_cast %add3A_159 : i32 to index
          %get3A_235 = arith.constant 64 : index
          %get3A_236 = tpu.vector_load %arg17[%get3A_234, %get3A_235] {strides = array<i32>} : memref<128x128xf32, #tpu.memory_space<vmem>>, vector<16xf32>,
          %add3A_237 = arith.addf %get3A_233, %get3A_236 : vector<16xf32>
          %get3A_238 = arith.index_cast %add3A_159 : i32 to index
          %get3A_239 = arith.constant 64 : index
          %get3A_240 = tpu.vector_load %arg19[%get3A_238, %get3A_239] {strides = array<i32>} : memref<128x128xf32, #tpu.memory_space<vmem>>, vector<16xf32>,
          %add3A_241 = arith.addf %add3A_237, %get3A_240 : vector<16xf32>
          %max3A_242 = arith.constant 0.000000e+00 : f32
          %max3A_243 = vector.broadcast %max3A_242 : f32 to vector<16xf32>
          %max3A_244 = arith.maximumf %add3A_241, %max3A_243 : vector<16xf32>
          %get3A_245 = arith.constant 64 : index
          %get3A_246 = tpu.vector_load %arg20[%get3A_245] {strides = array<i32>} : memref<128xf32, #tpu.memory_space<vmem>>, vector<16xf32>,
          %mul3A_247 = arith.mulf %max3A_244, %get3A_246 : vector<16xf32>
          %add3A_248 = arith.addf %add3A_230, %mul3A_247 : vector<16xf32>
          %get3A_249 = arith.index_cast %add3A_159 : i32 to index
          %get3A_250 = arith.constant 80 : index
          %get3A_251 = tpu.vector_load %arg15[%get3A_249, %get3A_250] {strides = array<i32>} : memref<128x128xf32, #tpu.memory_space<vmem>>, vector<16xf32>,
          %get3A_252 = arith.index_cast %add3A_159 : i32 to index
          %get3A_253 = arith.constant 80 : index
          %get3A_254 = tpu.vector_load %arg17[%get3A_252, %get3A_253] {strides = array<i32>} : memref<128x128xf32, #tpu.memory_space<vmem>>, vector<16xf32>,
          %add3A_255 = arith.addf %get3A_251, %get3A_254 : vector<16xf32>
          %get3A_256 = arith.index_cast %add3A_159 : i32 to index
          %get3A_257 = arith.constant 80 : index
          %get3A_258 = tpu.vector_load %arg19[%get3A_256, %get3A_257] {strides = array<i32>} : memref<128x128xf32, #tpu.memory_space<vmem>>, vector<16xf32>,
          %add3A_259 = arith.addf %add3A_255, %get3A_258 : vector<16xf32>
          %max3A_260 = arith.constant 0.000000e+00 : f32
          %max3A_261 = vector.broadcast %max3A_260 : f32 to vector<16xf32>
          %max3A_262 = arith.maximumf %add3A_259, %max3A_261 : vector<16xf32>
          %get3A_263 = arith.constant 80 : index
          %get3A_264 = tpu.vector_load %arg20[%get3A_263] {strides = array<i32>} : memref<128xf32, #tpu.memory_space<vmem>>, vector<16xf32>,
          %mul3A_265 = arith.mulf %max3A_262, %get3A_264 : vector<16xf32>
          %add3A_266 = arith.addf %add3A_248, %mul3A_265 : vector<16xf32>
          %get3A_267 = arith.index_cast %add3A_159 : i32 to index
          %get3A_268 = arith.constant 96 : index
          %get3A_269 = tpu.vector_load %arg15[%get3A_267, %get3A_268] {strides = array<i32>} : memref<128x128xf32, #tpu.memory_space<vmem>>, vector<16xf32>,
          %get3A_270 = arith.index_cast %add3A_159 : i32 to index
          %get3A_271 = arith.constant 96 : index
          %get3A_272 = tpu.vector_load %arg17[%get3A_270, %get3A_271] {strides = array<i32>} : memref<128x128xf32, #tpu.memory_space<vmem>>, vector<16xf32>,
          %add3A_273 = arith.addf %get3A_269, %get3A_272 : vector<16xf32>
          %get3A_274 = arith.index_cast %add3A_159 : i32 to index
          %get3A_275 = arith.constant 96 : index
          %get3A_276 = tpu.vector_load %arg19[%get3A_274, %get3A_275] {strides = array<i32>} : memref<128x128xf32, #tpu.memory_space<vmem>>, vector<16xf32>,
          %add3A_277 = arith.addf %add3A_273, %get3A_276 : vector<16xf32>
          %max3A_278 = arith.constant 0.000000e+00 : f32
          %max3A_279 = vector.broadcast %max3A_278 : f32 to vector<16xf32>
          %max3A_280 = arith.maximumf %add3A_277, %max3A_279 : vector<16xf32>
          %get3A_281 = arith.constant 96 : index
          %get3A_282 = tpu.vector_load %arg20[%get3A_281] {strides = array<i32>} : memref<128xf32, #tpu.memory_space<vmem>>, vector<16xf32>,
          %mul3A_283 = arith.mulf %max3A_280, %get3A_282 : vector<16xf32>
          %add3A_284 = arith.addf %add3A_266, %mul3A_283 : vector<16xf32>
          %get3A_285 = arith.index_cast %add3A_159 : i32 to index
          %get3A_286 = arith.constant 112 : index
          %get3A_287 = tpu.vector_load %arg15[%get3A_285, %get3A_286] {strides = array<i32>} : memref<128x128xf32, #tpu.memory_space<vmem>>, vector<16xf32>,
          %get3A_288 = arith.index_cast %add3A_159 : i32 to index
          %get3A_289 = arith.constant 112 : index
          %get3A_290 = tpu.vector_load %arg17[%get3A_288, %get3A_289] {strides = array<i32>} : memref<128x128xf32, #tpu.memory_space<vmem>>, vector<16xf32>,
          %add3A_291 = arith.addf %get3A_287, %get3A_290 : vector<16xf32>
          %get3A_292 = arith.index_cast %add3A_159 : i32 to index
          %get3A_293 = arith.constant 112 : index
          %get3A_294 = tpu.vector_load %arg19[%get3A_292, %get3A_293] {strides = array<i32>} : memref<128x128xf32, #tpu.memory_space<vmem>>, vector<16xf32>,
          %add3A_295 = arith.addf %add3A_291, %get3A_294 : vector<16xf32>
          %max3A_296 = arith.constant 0.000000e+00 : f32
          %max3A_297 = vector.broadcast %max3A_296 : f32 to vector<16xf32>
          %max3A_298 = arith.maximumf %add3A_295, %max3A_297 : vector<16xf32>
          %get3A_299 = arith.constant 112 : index
          %get3A_300 = tpu.vector_load %arg20[%get3A_299] {strides = array<i32>} : memref<128xf32, #tpu.memory_space<vmem>>, vector<16xf32>,
          %mul3A_301 = arith.mulf %max3A_298, %get3A_300 : vector<16xf32>
          %add3A_302 = arith.addf %add3A_284, %mul3A_301 : vector<16xf32>
          %eq3A_303 = vector.broadcast %scan3A_155 : i32 to vector<16xi32>
          %eq3A_304 = arith.cmpi eq, %iota3A, %eq3A_303 : vector<16xi32>
          %reduce_sum3A = arith.constant true
          %reduce_sum3A_305 = vector.broadcast %reduce_sum3A : i1 to vector<16xi1>
          %reduce_sum3A_306 = tpu.scan <sum>, %add3A_302 masked %reduce_sum3A_305 : vector<16xf32>, vector<16xi1> -> vector<16xf32>
          %reduce_sum3A_307 = vector.extract %reduce_sum3A_306[15] : f32 from vector<16xf32>
          %broadcast_in_dim3A_308 = vector.broadcast %reduce_sum3A_307 : f32 to vector<16xf32>
          %select_n3A_309 = arith.select %eq3A_304, %broadcast_in_dim3A_308, %scan3A_156 : vector<16xi1>, vector<16xf32>
          scf.yield %select_n3A_309 : vector<16xf32>
        }
        %scan3A_150 = arith.constant 16 : i32
        %mul3A_151 = arith.constant 16 : i32
        %mul3A_152 = arith.muli %scan3A_141, %mul3A_151 : i32
        %swap3A = arith.index_cast %mul3A_152 : i32 to index
        %swap3A_153 = tpu.vector_load %arg23[%swap3A] {strides = array<i32>} : memref<128xf32, #tpu.memory_space<vmem>>, vector<16xf32>,
        tpu.vector_store %arg23[%swap3A], %scan3A_149 {strides = array<i32>} : memref<128xf32, #tpu.memory_space<vmem>>, vector<16xf32>,
        %scan3A_154 = arith.constant 0 : i32
        scf.yield %scan3A_154 : i32
      }
      %scan3A_127 = arith.constant 8 : i32
      %mul3A_128 = arith.constant 128 : i32
      %mul3A_129 = arith.muli %add3A_101, %mul3A_128 : i32
      %add3A_130 = arith.addi %mul3A_2, %mul3A_129 : i32
      %dma_start3A_131 = tpu.memref_slice %arg10[%add3A_130] : memref<327680xf32, #tpu.memory_space<hbm>> -> memref<128xf32, #tpu.memory_space<hbm>>
      %dma_start3A_132 = tpu.memref_slice %arg10[%add3A_130] : memref<327680xf32, #tpu.memory_space<hbm>> -> memref<128xf32, #tpu.memory_space<hbm>>
      tpu.enqueue_dma source(%arg23 : memref<128xf32, #tpu.memory_space<vmem>>) target(%dma_start3A_132 : memref<128xf32, #tpu.memory_space<hbm>>) target_semaphore(%arg31 : memref<!tpu.dma_semaphore, #tpu.memory_space<semaphore_mem>>)
      %add3A_133 = arith.constant 2 : i32
      %add3A_134 = arith.addi %add3A_101, %add3A_133 : i32
      %lt3A_135 = arith.constant 80 : i32
      %lt3A_136 = arith.cmpi slt, %add3A_134, %lt3A_135 : i32
      %convert_element_type3A_137 = arith.extui %lt3A_136 : i1 to i32
      %cond3A_138 = arith.constant 0 : i32
      %cond3A_139 = arith.cmpi ne, %convert_element_type3A_137, %cond3A_138 : i32
      scf.if %cond3A_139 {
        %add3A_141 = arith.constant 2 : i32
        %add3A_142 = arith.addi %add3A_101, %add3A_141 : i32
        %mul3A_143 = arith.constant 128 : i32
        %mul3A_144 = arith.muli %add3A_142, %mul3A_143 : i32
        %dma_start3A_145 = tpu.memref_slice %arg11[%mul3A_144] : memref<10240xi32, #tpu.memory_space<vmem>> -> memref<128xi32, #tpu.memory_space<vmem>>
        %dma_start3A_146 = arith.constant 0 : i32
        %dma_start3A_147 = arith.constant 0 : i32
        %dma_start3A_148 = tpu.memref_slice %arg2[%dma_start3A_146, %dma_start3A_147] : memref<10000x128xf32, #tpu.memory_space<hbm>> -> memref<10000x128xf32, #tpu.memory_space<hbm>>
        tpu.enqueue_indirect_dma source(%dma_start3A_148 : memref<10000x128xf32, #tpu.memory_space<hbm>>) target(%arg15 : memref<128x128xf32, #tpu.memory_space<vmem>>) offsets(%dma_start3A_145 : memref<128xi32, #tpu.memory_space<vmem>>) semaphore(%arg25 : memref<!tpu.dma_semaphore, #tpu.memory_space<semaphore_mem>>)
        %dma_start3A_149 = tpu.memref_slice %arg12[%mul3A_144] : memref<10240xi32, #tpu.memory_space<vmem>> -> memref<128xi32, #tpu.memory_space<vmem>>
        %dma_start3A_150 = arith.constant 0 : i32
        %dma_start3A_151 = arith.constant 0 : i32
        %dma_start3A_152 = tpu.memref_slice %arg3[%dma_start3A_150, %dma_start3A_151] : memref<4096x128xf32, #tpu.memory_space<hbm>> -> memref<4096x128xf32, #tpu.memory_space<hbm>>
        tpu.enqueue_indirect_dma source(%dma_start3A_152 : memref<4096x128xf32, #tpu.memory_space<hbm>>) target(%arg17 : memref<128x128xf32, #tpu.memory_space<vmem>>) offsets(%dma_start3A_149 : memref<128xi32, #tpu.memory_space<vmem>>) semaphore(%arg27 : memref<!tpu.dma_semaphore, #tpu.memory_space<semaphore_mem>>)
        %dma_start3A_153 = tpu.memref_slice %arg13[%mul3A_144] : memref<10240xi32, #tpu.memory_space<vmem>> -> memref<128xi32, #tpu.memory_space<vmem>>
        %dma_start3A_154 = arith.constant 0 : i32
        %dma_start3A_155 = arith.constant 0 : i32
        %dma_start3A_156 = tpu.memref_slice %arg4[%dma_start3A_154, %dma_start3A_155] : memref<10000x128xf32, #tpu.memory_space<hbm>> -> memref<10000x128xf32, #tpu.memory_space<hbm>>
        tpu.enqueue_indirect_dma source(%dma_start3A_156 : memref<10000x128xf32, #tpu.memory_space<hbm>>) target(%arg19 : memref<128x128xf32, #tpu.memory_space<vmem>>) offsets(%dma_start3A_153 : memref<128xi32, #tpu.memory_space<vmem>>) semaphore(%arg29 : memref<!tpu.dma_semaphore, #tpu.memory_space<semaphore_mem>>)
      } else {
      }
      %scan3A_140 = arith.constant 0 : i32
      scf.yield %scan3A_140 : i32
    }
    %scan3A_50 = arith.constant 40 : i32
    %add3A_51 = arith.constant 9984 : i32
    %add3A_52 = arith.addi %mul3A_2, %add3A_51 : i32
    %dma_wait3A = tpu.memref_slice %arg10[%add3A_52] : memref<327680xf32, #tpu.memory_space<hbm>> -> memref<128xf32, #tpu.memory_space<hbm>>
    %dma_wait3A_53 = tpu.memref_slice %arg10[%add3A_52] : memref<327680xf32, #tpu.memory_space<hbm>> -> memref<128xf32, #tpu.memory_space<hbm>>
    tpu.wait_dma2 semaphore(%arg30 : memref<!tpu.dma_semaphore, #tpu.memory_space<semaphore_mem>>) src(%arg22 : memref<128xf32, #tpu.memory_space<vmem>>) dst(%dma_wait3A_53 : memref<128xf32, #tpu.memory_space<hbm>>)
    %add3A_54 = arith.constant 10112 : i32
    %add3A_55 = arith.addi %mul3A_2, %add3A_54 : i32
    %dma_wait3A_56 = tpu.memref_slice %arg10[%add3A_55] : memref<327680xf32, #tpu.memory_space<hbm>> -> memref<128xf32, #tpu.memory_space<hbm>>
    %dma_wait3A_57 = tpu.memref_slice %arg10[%add3A_55] : memref<327680xf32, #tpu.memory_space<hbm>> -> memref<128xf32, #tpu.memory_space<hbm>>
    tpu.wait_dma2 semaphore(%arg31 : memref<!tpu.dma_semaphore, #tpu.memory_space<semaphore_mem>>) src(%arg23 : memref<128xf32, #tpu.memory_space<vmem>>) dst(%dma_wait3A_57 : memref<128xf32, #tpu.memory_space<hbm>>)
    return
  }
}

#map = affine_map<(d0, d1) -> (0, 0)>
#map1 = affine_map<(d0, d1) -> (0)>
module attributes {stable_mosaic.version = 14 : i64} {
  func.func @_dde_body(%arg0: i32, %arg1: i32, %arg2: memref<10240x8xf32, #tpu.memory_space<hbm>>, %arg3: memref<327680xi32, #tpu.memory_space<hbm>>, %arg4: memref<327680xi32, #tpu.memory_space<hbm>>, %arg5: memref<10240x8xf32, #tpu.memory_space<hbm>>, %arg6: memref<10240x8xf32, #tpu.memory_space<hbm>>, %arg7: memref<10240x8xf32, #tpu.memory_space<hbm>>, %arg8: memref<10240x8xf32, #tpu.memory_space<hbm>>, %arg9: memref<10240x8xf32, #tpu.memory_space<hbm>>, %arg10: memref<10240x8xf32, #tpu.memory_space<hbm>>, %arg11: memref<10240x8xf32, #tpu.memory_space<vmem_shared>>, %arg12: memref<10240x8xf32, #tpu.memory_space<vmem_shared>>, %arg13: memref<2560x8xf32, #tpu.memory_space<vmem>>, %arg14: memref<2560x8xf32, #tpu.memory_space<vmem>>, %arg15: memref<2560xi32, #tpu.memory_space<vmem>>, %arg16: memref<2560xi32, #tpu.memory_space<vmem>>, %arg17: memref<2560xi32, #tpu.memory_space<vmem>>, %arg18: memref<2560xi32, #tpu.memory_space<vmem>>, %arg19: memref<640x8xf32, #tpu.memory_space<vmem>>, %arg20: memref<640x8xf32, #tpu.memory_space<vmem>>, %arg21: memref<640x8xf32, #tpu.memory_space<vmem>>, %arg22: memref<!tpu.dma_semaphore, #tpu.memory_space<semaphore_mem>>, %arg23: memref<!tpu.dma_semaphore, #tpu.memory_space<semaphore_mem>>, %arg24: memref<!tpu.dma_semaphore, #tpu.memory_space<semaphore_mem>>, %arg25: memref<!tpu.dma_semaphore, #tpu.memory_space<semaphore_mem>>) attributes {dimension_semantics = [#tpu.dimension_semantics<core_parallel>, #tpu.dimension_semantics<subcore_parallel>], iteration_bounds = array<i64: 2, 16>, scalar_prefetch = 0 : i64, scratch_operands = 15 : i64, tpu.core_type = #tpu.core_type<sc_vector_subcore>, window_params = [{transform_indices = #map}, {transform_indices = #map1}, {transform_indices = #map1}, {transform_indices = #map}, {transform_indices = #map}, {transform_indices = #map}, {transform_indices = #map}, {transform_indices = #map}, {transform_indices = #map}]} {
    %eq3A = arith.constant 0 : i32
    %eq3A_0 = arith.cmpi eq, %arg0, %eq3A : i32
    %convert_element_type3A = arith.extui %eq3A_0 : i1 to i32
    %cond3A = arith.constant 0 : i32
    %cond3A_1 = arith.cmpi ne, %convert_element_type3A, %cond3A : i32
    scf.if %cond3A_1 {
      %iota3A = tpu.iota {dimensions = array<i32: 0>} : vector<16xi32>
      %mul3A = arith.constant 640 : i32
      %mul3A_7 = arith.muli %arg1, %mul3A : i32
      %mul3A_8 = arith.constant 20480 : i32
      %mul3A_9 = arith.muli %arg1, %mul3A_8 : i32
      "tpu.region"() ({
        %run_scoped3A = tpu.sem_alloc : memref<!tpu.dma_semaphore, #tpu.memory_space<semaphore_mem>>
        %dma_start3A_273 = arith.constant 9600 : i32
        %dma_start3A_274 = arith.constant 0 : i32
        %dma_start3A_275 = tpu.memref_slice %arg2[%dma_start3A_273, %dma_start3A_274] : memref<10240x8xf32, #tpu.memory_space<hbm>> -> memref<640x8xf32, #tpu.memory_space<hbm>>
        %dma_start3A_276 = arith.constant 9600 : i32
        %dma_start3A_277 = arith.constant 0 : i32
        %dma_start3A_278 = tpu.memref_slice %arg2[%dma_start3A_276, %dma_start3A_277] : memref<10240x8xf32, #tpu.memory_space<hbm>> -> memref<640x8xf32, #tpu.memory_space<hbm>>
        tpu.enqueue_dma source(%dma_start3A_278 : memref<640x8xf32, #tpu.memory_space<hbm>>) target(%arg21 : memref<640x8xf32, #tpu.memory_space<vmem>>) target_semaphore(%run_scoped3A : memref<!tpu.dma_semaphore, #tpu.memory_space<semaphore_mem>>)
        %dma_wait3A_279 = arith.constant 9600 : i32
        %dma_wait3A_280 = arith.constant 0 : i32
        %dma_wait3A_281 = tpu.memref_slice %arg2[%dma_wait3A_279, %dma_wait3A_280] : memref<10240x8xf32, #tpu.memory_space<hbm>> -> memref<640x8xf32, #tpu.memory_space<hbm>>
        %dma_wait3A_282 = arith.constant 9600 : i32
        %dma_wait3A_283 = arith.constant 0 : i32
        %dma_wait3A_284 = tpu.memref_slice %arg2[%dma_wait3A_282, %dma_wait3A_283] : memref<10240x8xf32, #tpu.memory_space<hbm>> -> memref<640x8xf32, #tpu.memory_space<hbm>>
        tpu.wait_dma2 semaphore(%run_scoped3A : memref<!tpu.dma_semaphore, #tpu.memory_space<semaphore_mem>>) src(%dma_wait3A_284 : memref<640x8xf32, #tpu.memory_space<hbm>>) dst(%arg21 : memref<640x8xf32, #tpu.memory_space<vmem>>)
        tpu.yield
      }) : () -> ()
      "tpu.region"() ({
        %run_scoped3A = tpu.sem_alloc : memref<!tpu.dma_semaphore, #tpu.memory_space<semaphore_mem>>
        %dma_start3A_273 = arith.constant 0 : i32
        %dma_start3A_274 = tpu.memref_slice %arg11[%mul3A_7, %dma_start3A_273] : memref<10240x8xf32, #tpu.memory_space<vmem_shared>> -> memref<640x8xf32, #tpu.memory_space<vmem_shared>>
        %dma_start3A_275 = arith.constant 0 : i32
        %dma_start3A_276 = tpu.memref_slice %arg11[%mul3A_7, %dma_start3A_275] : memref<10240x8xf32, #tpu.memory_space<vmem_shared>> -> memref<640x8xf32, #tpu.memory_space<vmem_shared>>
        tpu.enqueue_dma source(%arg21 : memref<640x8xf32, #tpu.memory_space<vmem>>) target(%dma_start3A_276 : memref<640x8xf32, #tpu.memory_space<vmem_shared>>) target_semaphore(%run_scoped3A : memref<!tpu.dma_semaphore, #tpu.memory_space<semaphore_mem>>)
        %dma_wait3A_277 = arith.constant 0 : i32
        %dma_wait3A_278 = tpu.memref_slice %arg11[%mul3A_7, %dma_wait3A_277] : memref<10240x8xf32, #tpu.memory_space<vmem_shared>> -> memref<640x8xf32, #tpu.memory_space<vmem_shared>>
        %dma_wait3A_279 = arith.constant 0 : i32
        %dma_wait3A_280 = tpu.memref_slice %arg11[%mul3A_7, %dma_wait3A_279] : memref<10240x8xf32, #tpu.memory_space<vmem_shared>> -> memref<640x8xf32, #tpu.memory_space<vmem_shared>>
        tpu.wait_dma2 semaphore(%run_scoped3A : memref<!tpu.dma_semaphore, #tpu.memory_space<semaphore_mem>>) src(%arg21 : memref<640x8xf32, #tpu.memory_space<vmem>>) dst(%dma_wait3A_280 : memref<640x8xf32, #tpu.memory_space<vmem_shared>>)
        tpu.yield
      }) : () -> ()
      "tpu.region"() ({
        %run_scoped3A = tpu.sem_alloc : memref<!tpu.dma_semaphore, #tpu.memory_space<semaphore_mem>>
        %dma_start3A_273 = arith.constant 0 : i32
        %dma_start3A_274 = tpu.memref_slice %arg12[%mul3A_7, %dma_start3A_273] : memref<10240x8xf32, #tpu.memory_space<vmem_shared>> -> memref<640x8xf32, #tpu.memory_space<vmem_shared>>
        %dma_start3A_275 = arith.constant 0 : i32
        %dma_start3A_276 = tpu.memref_slice %arg12[%mul3A_7, %dma_start3A_275] : memref<10240x8xf32, #tpu.memory_space<vmem_shared>> -> memref<640x8xf32, #tpu.memory_space<vmem_shared>>
        tpu.enqueue_dma source(%arg21 : memref<640x8xf32, #tpu.memory_space<vmem>>) target(%dma_start3A_276 : memref<640x8xf32, #tpu.memory_space<vmem_shared>>) target_semaphore(%run_scoped3A : memref<!tpu.dma_semaphore, #tpu.memory_space<semaphore_mem>>)
        %dma_wait3A_277 = arith.constant 0 : i32
        %dma_wait3A_278 = tpu.memref_slice %arg12[%mul3A_7, %dma_wait3A_277] : memref<10240x8xf32, #tpu.memory_space<vmem_shared>> -> memref<640x8xf32, #tpu.memory_space<vmem_shared>>
        %dma_wait3A_279 = arith.constant 0 : i32
        %dma_wait3A_280 = tpu.memref_slice %arg12[%mul3A_7, %dma_wait3A_279] : memref<10240x8xf32, #tpu.memory_space<vmem_shared>> -> memref<640x8xf32, #tpu.memory_space<vmem_shared>>
        tpu.wait_dma2 semaphore(%run_scoped3A : memref<!tpu.dma_semaphore, #tpu.memory_space<semaphore_mem>>) src(%arg21 : memref<640x8xf32, #tpu.memory_space<vmem>>) dst(%dma_wait3A_280 : memref<640x8xf32, #tpu.memory_space<vmem_shared>>)
        tpu.yield
      }) : () -> ()
      %barrier3A = arith.constant 0 : index
      tpu.barrier barrier_id(%barrier3A)
      %add3A = arith.constant 0 : i32
      %add3A_10 = arith.addi %mul3A_9, %add3A : i32
      "tpu.region"() ({
        %run_scoped3A = tpu.sem_alloc : memref<!tpu.dma_semaphore, #tpu.memory_space<semaphore_mem>>
        %dma_start3A_273 = tpu.memref_slice %arg3[%add3A_10] : memref<327680xi32, #tpu.memory_space<hbm>> -> memref<2560xi32, #tpu.memory_space<hbm>>
        %dma_start3A_274 = tpu.memref_slice %arg3[%add3A_10] : memref<327680xi32, #tpu.memory_space<hbm>> -> memref<2560xi32, #tpu.memory_space<hbm>>
        tpu.enqueue_dma source(%dma_start3A_274 : memref<2560xi32, #tpu.memory_space<hbm>>) target(%arg15 : memref<2560xi32, #tpu.memory_space<vmem>>) target_semaphore(%run_scoped3A : memref<!tpu.dma_semaphore, #tpu.memory_space<semaphore_mem>>)
        %dma_wait3A_275 = tpu.memref_slice %arg3[%add3A_10] : memref<327680xi32, #tpu.memory_space<hbm>> -> memref<2560xi32, #tpu.memory_space<hbm>>
        %dma_wait3A_276 = tpu.memref_slice %arg3[%add3A_10] : memref<327680xi32, #tpu.memory_space<hbm>> -> memref<2560xi32, #tpu.memory_space<hbm>>
        tpu.wait_dma2 semaphore(%run_scoped3A : memref<!tpu.dma_semaphore, #tpu.memory_space<semaphore_mem>>) src(%dma_wait3A_276 : memref<2560xi32, #tpu.memory_space<hbm>>) dst(%arg15 : memref<2560xi32, #tpu.memory_space<vmem>>)
        tpu.yield
      }) : () -> ()
      %add3A_11 = arith.constant 0 : i32
      %add3A_12 = arith.addi %mul3A_9, %add3A_11 : i32
      "tpu.region"() ({
        %run_scoped3A = tpu.sem_alloc : memref<!tpu.dma_semaphore, #tpu.memory_space<semaphore_mem>>
        %dma_start3A_273 = tpu.memref_slice %arg4[%add3A_12] : memref<327680xi32, #tpu.memory_space<hbm>> -> memref<2560xi32, #tpu.memory_space<hbm>>
        %dma_start3A_274 = tpu.memref_slice %arg4[%add3A_12] : memref<327680xi32, #tpu.memory_space<hbm>> -> memref<2560xi32, #tpu.memory_space<hbm>>
        tpu.enqueue_dma source(%dma_start3A_274 : memref<2560xi32, #tpu.memory_space<hbm>>) target(%arg17 : memref<2560xi32, #tpu.memory_space<vmem>>) target_semaphore(%run_scoped3A : memref<!tpu.dma_semaphore, #tpu.memory_space<semaphore_mem>>)
        %dma_wait3A_275 = tpu.memref_slice %arg4[%add3A_12] : memref<327680xi32, #tpu.memory_space<hbm>> -> memref<2560xi32, #tpu.memory_space<hbm>>
        %dma_wait3A_276 = tpu.memref_slice %arg4[%add3A_12] : memref<327680xi32, #tpu.memory_space<hbm>> -> memref<2560xi32, #tpu.memory_space<hbm>>
        tpu.wait_dma2 semaphore(%run_scoped3A : memref<!tpu.dma_semaphore, #tpu.memory_space<semaphore_mem>>) src(%dma_wait3A_276 : memref<2560xi32, #tpu.memory_space<hbm>>) dst(%arg17 : memref<2560xi32, #tpu.memory_space<vmem>>)
        tpu.yield
      }) : () -> ()
      %dma_start3A = arith.constant 0 : i32
      %dma_start3A_13 = arith.constant 0 : i32
      %dma_start3A_14 = tpu.memref_slice %arg2[%dma_start3A, %dma_start3A_13] : memref<10240x8xf32, #tpu.memory_space<hbm>> -> memref<10240x8xf32, #tpu.memory_space<hbm>>
      tpu.enqueue_indirect_dma source(%dma_start3A_14 : memref<10240x8xf32, #tpu.memory_space<hbm>>) target(%arg13 : memref<2560x8xf32, #tpu.memory_space<vmem>>) offsets(%arg15 : memref<2560xi32, #tpu.memory_space<vmem>>) semaphore(%arg22 : memref<!tpu.dma_semaphore, #tpu.memory_space<semaphore_mem>>)
      %add3A_15 = arith.constant 2560 : i32
      %add3A_16 = arith.addi %mul3A_9, %add3A_15 : i32
      "tpu.region"() ({
        %run_scoped3A = tpu.sem_alloc : memref<!tpu.dma_semaphore, #tpu.memory_space<semaphore_mem>>
        %dma_start3A_273 = tpu.memref_slice %arg3[%add3A_16] : memref<327680xi32, #tpu.memory_space<hbm>> -> memref<2560xi32, #tpu.memory_space<hbm>>
        %dma_start3A_274 = tpu.memref_slice %arg3[%add3A_16] : memref<327680xi32, #tpu.memory_space<hbm>> -> memref<2560xi32, #tpu.memory_space<hbm>>
        tpu.enqueue_dma source(%dma_start3A_274 : memref<2560xi32, #tpu.memory_space<hbm>>) target(%arg16 : memref<2560xi32, #tpu.memory_space<vmem>>) target_semaphore(%run_scoped3A : memref<!tpu.dma_semaphore, #tpu.memory_space<semaphore_mem>>)
        %dma_wait3A_275 = tpu.memref_slice %arg3[%add3A_16] : memref<327680xi32, #tpu.memory_space<hbm>> -> memref<2560xi32, #tpu.memory_space<hbm>>
        %dma_wait3A_276 = tpu.memref_slice %arg3[%add3A_16] : memref<327680xi32, #tpu.memory_space<hbm>> -> memref<2560xi32, #tpu.memory_space<hbm>>
        tpu.wait_dma2 semaphore(%run_scoped3A : memref<!tpu.dma_semaphore, #tpu.memory_space<semaphore_mem>>) src(%dma_wait3A_276 : memref<2560xi32, #tpu.memory_space<hbm>>) dst(%arg16 : memref<2560xi32, #tpu.memory_space<vmem>>)
        tpu.yield
      }) : () -> ()
      %add3A_17 = arith.constant 2560 : i32
      %add3A_18 = arith.addi %mul3A_9, %add3A_17 : i32
      "tpu.region"() ({
        %run_scoped3A = tpu.sem_alloc : memref<!tpu.dma_semaphore, #tpu.memory_space<semaphore_mem>>
        %dma_start3A_273 = tpu.memref_slice %arg4[%add3A_18] : memref<327680xi32, #tpu.memory_space<hbm>> -> memref<2560xi32, #tpu.memory_space<hbm>>
        %dma_start3A_274 = tpu.memref_slice %arg4[%add3A_18] : memref<327680xi32, #tpu.memory_space<hbm>> -> memref<2560xi32, #tpu.memory_space<hbm>>
        tpu.enqueue_dma source(%dma_start3A_274 : memref<2560xi32, #tpu.memory_space<hbm>>) target(%arg18 : memref<2560xi32, #tpu.memory_space<vmem>>) target_semaphore(%run_scoped3A : memref<!tpu.dma_semaphore, #tpu.memory_space<semaphore_mem>>)
        %dma_wait3A_275 = tpu.memref_slice %arg4[%add3A_18] : memref<327680xi32, #tpu.memory_space<hbm>> -> memref<2560xi32, #tpu.memory_space<hbm>>
        %dma_wait3A_276 = tpu.memref_slice %arg4[%add3A_18] : memref<327680xi32, #tpu.memory_space<hbm>> -> memref<2560xi32, #tpu.memory_space<hbm>>
        tpu.wait_dma2 semaphore(%run_scoped3A : memref<!tpu.dma_semaphore, #tpu.memory_space<semaphore_mem>>) src(%dma_wait3A_276 : memref<2560xi32, #tpu.memory_space<hbm>>) dst(%arg18 : memref<2560xi32, #tpu.memory_space<vmem>>)
        tpu.yield
      }) : () -> ()
      %dma_start3A_19 = arith.constant 0 : i32
      %dma_start3A_20 = arith.constant 0 : i32
      %dma_start3A_21 = tpu.memref_slice %arg2[%dma_start3A_19, %dma_start3A_20] : memref<10240x8xf32, #tpu.memory_space<hbm>> -> memref<10240x8xf32, #tpu.memory_space<hbm>>
      tpu.enqueue_indirect_dma source(%dma_start3A_21 : memref<10240x8xf32, #tpu.memory_space<hbm>>) target(%arg14 : memref<2560x8xf32, #tpu.memory_space<vmem>>) offsets(%arg16 : memref<2560xi32, #tpu.memory_space<vmem>>) semaphore(%arg23 : memref<!tpu.dma_semaphore, #tpu.memory_space<semaphore_mem>>)
      %dma_wait3A = arith.constant 0 : i32
      %dma_wait3A_22 = arith.constant 0 : i32
      %dma_wait3A_23 = tpu.memref_slice %arg2[%dma_wait3A, %dma_wait3A_22] : memref<10240x8xf32, #tpu.memory_space<hbm>> -> memref<10240x8xf32, #tpu.memory_space<hbm>>
      tpu.wait_indirect_dma semaphore(%arg22 : memref<!tpu.dma_semaphore, #tpu.memory_space<semaphore_mem>>) src(%dma_wait3A_23 : memref<10240x8xf32, #tpu.memory_space<hbm>>) dst(%arg13 : memref<2560x8xf32, #tpu.memory_space<vmem>>)
      %dma_start3A_24 = arith.constant 0 : i32
      %dma_start3A_25 = arith.constant 0 : i32
      %dma_start3A_26 = tpu.memref_slice %arg11[%dma_start3A_24, %dma_start3A_25] : memref<10240x8xf32, #tpu.memory_space<vmem_shared>> -> memref<10240x8xf32, #tpu.memory_space<vmem_shared>>
      tpu.enqueue_indirect_dma source(%arg13 : memref<2560x8xf32, #tpu.memory_space<vmem>>) target(%dma_start3A_26 : memref<10240x8xf32, #tpu.memory_space<vmem_shared>>) offsets(%arg17 : memref<2560xi32, #tpu.memory_space<vmem>>) semaphore(%arg24 : memref<!tpu.dma_semaphore, #tpu.memory_space<semaphore_mem>>) {add = true}
      %dma_wait3A_27 = arith.constant 0 : i32
      %dma_wait3A_28 = arith.constant 0 : i32
      %dma_wait3A_29 = tpu.memref_slice %arg11[%dma_wait3A_27, %dma_wait3A_28] : memref<10240x8xf32, #tpu.memory_space<vmem_shared>> -> memref<10240x8xf32, #tpu.memory_space<vmem_shared>>
      tpu.wait_indirect_dma semaphore(%arg24 : memref<!tpu.dma_semaphore, #tpu.memory_space<semaphore_mem>>) src(%arg13 : memref<2560x8xf32, #tpu.memory_space<vmem>>) dst(%dma_wait3A_29 : memref<10240x8xf32, #tpu.memory_space<vmem_shared>>)
      %add3A_30 = arith.constant 5120 : i32
      %add3A_31 = arith.addi %mul3A_9, %add3A_30 : i32
      "tpu.region"() ({
        %run_scoped3A = tpu.sem_alloc : memref<!tpu.dma_semaphore, #tpu.memory_space<semaphore_mem>>
        %dma_start3A_273 = tpu.memref_slice %arg3[%add3A_31] : memref<327680xi32, #tpu.memory_space<hbm>> -> memref<2560xi32, #tpu.memory_space<hbm>>
        %dma_start3A_274 = tpu.memref_slice %arg3[%add3A_31] : memref<327680xi32, #tpu.memory_space<hbm>> -> memref<2560xi32, #tpu.memory_space<hbm>>
        tpu.enqueue_dma source(%dma_start3A_274 : memref<2560xi32, #tpu.memory_space<hbm>>) target(%arg15 : memref<2560xi32, #tpu.memory_space<vmem>>) target_semaphore(%run_scoped3A : memref<!tpu.dma_semaphore, #tpu.memory_space<semaphore_mem>>)
        %dma_wait3A_275 = tpu.memref_slice %arg3[%add3A_31] : memref<327680xi32, #tpu.memory_space<hbm>> -> memref<2560xi32, #tpu.memory_space<hbm>>
        %dma_wait3A_276 = tpu.memref_slice %arg3[%add3A_31] : memref<327680xi32, #tpu.memory_space<hbm>> -> memref<2560xi32, #tpu.memory_space<hbm>>
        tpu.wait_dma2 semaphore(%run_scoped3A : memref<!tpu.dma_semaphore, #tpu.memory_space<semaphore_mem>>) src(%dma_wait3A_276 : memref<2560xi32, #tpu.memory_space<hbm>>) dst(%arg15 : memref<2560xi32, #tpu.memory_space<vmem>>)
        tpu.yield
      }) : () -> ()
      %add3A_32 = arith.constant 5120 : i32
      %add3A_33 = arith.addi %mul3A_9, %add3A_32 : i32
      "tpu.region"() ({
        %run_scoped3A = tpu.sem_alloc : memref<!tpu.dma_semaphore, #tpu.memory_space<semaphore_mem>>
        %dma_start3A_273 = tpu.memref_slice %arg4[%add3A_33] : memref<327680xi32, #tpu.memory_space<hbm>> -> memref<2560xi32, #tpu.memory_space<hbm>>
        %dma_start3A_274 = tpu.memref_slice %arg4[%add3A_33] : memref<327680xi32, #tpu.memory_space<hbm>> -> memref<2560xi32, #tpu.memory_space<hbm>>
        tpu.enqueue_dma source(%dma_start3A_274 : memref<2560xi32, #tpu.memory_space<hbm>>) target(%arg17 : memref<2560xi32, #tpu.memory_space<vmem>>) target_semaphore(%run_scoped3A : memref<!tpu.dma_semaphore, #tpu.memory_space<semaphore_mem>>)
        %dma_wait3A_275 = tpu.memref_slice %arg4[%add3A_33] : memref<327680xi32, #tpu.memory_space<hbm>> -> memref<2560xi32, #tpu.memory_space<hbm>>
        %dma_wait3A_276 = tpu.memref_slice %arg4[%add3A_33] : memref<327680xi32, #tpu.memory_space<hbm>> -> memref<2560xi32, #tpu.memory_space<hbm>>
        tpu.wait_dma2 semaphore(%run_scoped3A : memref<!tpu.dma_semaphore, #tpu.memory_space<semaphore_mem>>) src(%dma_wait3A_276 : memref<2560xi32, #tpu.memory_space<hbm>>) dst(%arg17 : memref<2560xi32, #tpu.memory_space<vmem>>)
        tpu.yield
      }) : () -> ()
      %dma_start3A_34 = arith.constant 0 : i32
      %dma_start3A_35 = arith.constant 0 : i32
      %dma_start3A_36 = tpu.memref_slice %arg2[%dma_start3A_34, %dma_start3A_35] : memref<10240x8xf32, #tpu.memory_space<hbm>> -> memref<10240x8xf32, #tpu.memory_space<hbm>>
      tpu.enqueue_indirect_dma source(%dma_start3A_36 : memref<10240x8xf32, #tpu.memory_space<hbm>>) target(%arg13 : memref<2560x8xf32, #tpu.memory_space<vmem>>) offsets(%arg15 : memref<2560xi32, #tpu.memory_space<vmem>>) semaphore(%arg22 : memref<!tpu.dma_semaphore, #tpu.memory_space<semaphore_mem>>)
      %dma_wait3A_37 = arith.constant 0 : i32
      %dma_wait3A_38 = arith.constant 0 : i32
      %dma_wait3A_39 = tpu.memref_slice %arg2[%dma_wait3A_37, %dma_wait3A_38] : memref<10240x8xf32, #tpu.memory_space<hbm>> -> memref<10240x8xf32, #tpu.memory_space<hbm>>
      tpu.wait_indirect_dma semaphore(%arg23 : memref<!tpu.dma_semaphore, #tpu.memory_space<semaphore_mem>>) src(%dma_wait3A_39 : memref<10240x8xf32, #tpu.memory_space<hbm>>) dst(%arg14 : memref<2560x8xf32, #tpu.memory_space<vmem>>)
      %dma_start3A_40 = arith.constant 0 : i32
      %dma_start3A_41 = arith.constant 0 : i32
      %dma_start3A_42 = tpu.memref_slice %arg11[%dma_start3A_40, %dma_start3A_41] : memref<10240x8xf32, #tpu.memory_space<vmem_shared>> -> memref<10240x8xf32, #tpu.memory_space<vmem_shared>>
      tpu.enqueue_indirect_dma source(%arg14 : memref<2560x8xf32, #tpu.memory_space<vmem>>) target(%dma_start3A_42 : memref<10240x8xf32, #tpu.memory_space<vmem_shared>>) offsets(%arg18 : memref<2560xi32, #tpu.memory_space<vmem>>) semaphore(%arg25 : memref<!tpu.dma_semaphore, #tpu.memory_space<semaphore_mem>>) {add = true}
      %dma_wait3A_43 = arith.constant 0 : i32
      %dma_wait3A_44 = arith.constant 0 : i32
      %dma_wait3A_45 = tpu.memref_slice %arg11[%dma_wait3A_43, %dma_wait3A_44] : memref<10240x8xf32, #tpu.memory_space<vmem_shared>> -> memref<10240x8xf32, #tpu.memory_space<vmem_shared>>
      tpu.wait_indirect_dma semaphore(%arg25 : memref<!tpu.dma_semaphore, #tpu.memory_space<semaphore_mem>>) src(%arg14 : memref<2560x8xf32, #tpu.memory_space<vmem>>) dst(%dma_wait3A_45 : memref<10240x8xf32, #tpu.memory_space<vmem_shared>>)
      %add3A_46 = arith.constant 7680 : i32
      %add3A_47 = arith.addi %mul3A_9, %add3A_46 : i32
      "tpu.region"() ({
        %run_scoped3A = tpu.sem_alloc : memref<!tpu.dma_semaphore, #tpu.memory_space<semaphore_mem>>
        %dma_start3A_273 = tpu.memref_slice %arg3[%add3A_47] : memref<327680xi32, #tpu.memory_space<hbm>> -> memref<2560xi32, #tpu.memory_space<hbm>>
        %dma_start3A_274 = tpu.memref_slice %arg3[%add3A_47] : memref<327680xi32, #tpu.memory_space<hbm>> -> memref<2560xi32, #tpu.memory_space<hbm>>
        tpu.enqueue_dma source(%dma_start3A_274 : memref<2560xi32, #tpu.memory_space<hbm>>) target(%arg16 : memref<2560xi32, #tpu.memory_space<vmem>>) target_semaphore(%run_scoped3A : memref<!tpu.dma_semaphore, #tpu.memory_space<semaphore_mem>>)
        %dma_wait3A_275 = tpu.memref_slice %arg3[%add3A_47] : memref<327680xi32, #tpu.memory_space<hbm>> -> memref<2560xi32, #tpu.memory_space<hbm>>
        %dma_wait3A_276 = tpu.memref_slice %arg3[%add3A_47] : memref<327680xi32, #tpu.memory_space<hbm>> -> memref<2560xi32, #tpu.memory_space<hbm>>
        tpu.wait_dma2 semaphore(%run_scoped3A : memref<!tpu.dma_semaphore, #tpu.memory_space<semaphore_mem>>) src(%dma_wait3A_276 : memref<2560xi32, #tpu.memory_space<hbm>>) dst(%arg16 : memref<2560xi32, #tpu.memory_space<vmem>>)
        tpu.yield
      }) : () -> ()
      %add3A_48 = arith.constant 7680 : i32
      %add3A_49 = arith.addi %mul3A_9, %add3A_48 : i32
      "tpu.region"() ({
        %run_scoped3A = tpu.sem_alloc : memref<!tpu.dma_semaphore, #tpu.memory_space<semaphore_mem>>
        %dma_start3A_273 = tpu.memref_slice %arg4[%add3A_49] : memref<327680xi32, #tpu.memory_space<hbm>> -> memref<2560xi32, #tpu.memory_space<hbm>>
        %dma_start3A_274 = tpu.memref_slice %arg4[%add3A_49] : memref<327680xi32, #tpu.memory_space<hbm>> -> memref<2560xi32, #tpu.memory_space<hbm>>
        tpu.enqueue_dma source(%dma_start3A_274 : memref<2560xi32, #tpu.memory_space<hbm>>) target(%arg18 : memref<2560xi32, #tpu.memory_space<vmem>>) target_semaphore(%run_scoped3A : memref<!tpu.dma_semaphore, #tpu.memory_space<semaphore_mem>>)
        %dma_wait3A_275 = tpu.memref_slice %arg4[%add3A_49] : memref<327680xi32, #tpu.memory_space<hbm>> -> memref<2560xi32, #tpu.memory_space<hbm>>
        %dma_wait3A_276 = tpu.memref_slice %arg4[%add3A_49] : memref<327680xi32, #tpu.memory_space<hbm>> -> memref<2560xi32, #tpu.memory_space<hbm>>
        tpu.wait_dma2 semaphore(%run_scoped3A : memref<!tpu.dma_semaphore, #tpu.memory_space<semaphore_mem>>) src(%dma_wait3A_276 : memref<2560xi32, #tpu.memory_space<hbm>>) dst(%arg18 : memref<2560xi32, #tpu.memory_space<vmem>>)
        tpu.yield
      }) : () -> ()
      %dma_start3A_50 = arith.constant 0 : i32
      %dma_start3A_51 = arith.constant 0 : i32
      %dma_start3A_52 = tpu.memref_slice %arg2[%dma_start3A_50, %dma_start3A_51] : memref<10240x8xf32, #tpu.memory_space<hbm>> -> memref<10240x8xf32, #tpu.memory_space<hbm>>
      tpu.enqueue_indirect_dma source(%dma_start3A_52 : memref<10240x8xf32, #tpu.memory_space<hbm>>) target(%arg14 : memref<2560x8xf32, #tpu.memory_space<vmem>>) offsets(%arg16 : memref<2560xi32, #tpu.memory_space<vmem>>) semaphore(%arg23 : memref<!tpu.dma_semaphore, #tpu.memory_space<semaphore_mem>>)
      %dma_wait3A_53 = arith.constant 0 : i32
      %dma_wait3A_54 = arith.constant 0 : i32
      %dma_wait3A_55 = tpu.memref_slice %arg2[%dma_wait3A_53, %dma_wait3A_54] : memref<10240x8xf32, #tpu.memory_space<hbm>> -> memref<10240x8xf32, #tpu.memory_space<hbm>>
      tpu.wait_indirect_dma semaphore(%arg22 : memref<!tpu.dma_semaphore, #tpu.memory_space<semaphore_mem>>) src(%dma_wait3A_55 : memref<10240x8xf32, #tpu.memory_space<hbm>>) dst(%arg13 : memref<2560x8xf32, #tpu.memory_space<vmem>>)
      %dma_start3A_56 = arith.constant 0 : i32
      %dma_start3A_57 = arith.constant 0 : i32
      %dma_start3A_58 = tpu.memref_slice %arg11[%dma_start3A_56, %dma_start3A_57] : memref<10240x8xf32, #tpu.memory_space<vmem_shared>> -> memref<10240x8xf32, #tpu.memory_space<vmem_shared>>
      tpu.enqueue_indirect_dma source(%arg13 : memref<2560x8xf32, #tpu.memory_space<vmem>>) target(%dma_start3A_58 : memref<10240x8xf32, #tpu.memory_space<vmem_shared>>) offsets(%arg17 : memref<2560xi32, #tpu.memory_space<vmem>>) semaphore(%arg24 : memref<!tpu.dma_semaphore, #tpu.memory_space<semaphore_mem>>) {add = true}
      %dma_wait3A_59 = arith.constant 0 : i32
      %dma_wait3A_60 = arith.constant 0 : i32
      %dma_wait3A_61 = tpu.memref_slice %arg11[%dma_wait3A_59, %dma_wait3A_60] : memref<10240x8xf32, #tpu.memory_space<vmem_shared>> -> memref<10240x8xf32, #tpu.memory_space<vmem_shared>>
      tpu.wait_indirect_dma semaphore(%arg24 : memref<!tpu.dma_semaphore, #tpu.memory_space<semaphore_mem>>) src(%arg13 : memref<2560x8xf32, #tpu.memory_space<vmem>>) dst(%dma_wait3A_61 : memref<10240x8xf32, #tpu.memory_space<vmem_shared>>)
      %add3A_62 = arith.constant 10240 : i32
      %add3A_63 = arith.addi %mul3A_9, %add3A_62 : i32
      "tpu.region"() ({
        %run_scoped3A = tpu.sem_alloc : memref<!tpu.dma_semaphore, #tpu.memory_space<semaphore_mem>>
        %dma_start3A_273 = tpu.memref_slice %arg3[%add3A_63] : memref<327680xi32, #tpu.memory_space<hbm>> -> memref<2560xi32, #tpu.memory_space<hbm>>
        %dma_start3A_274 = tpu.memref_slice %arg3[%add3A_63] : memref<327680xi32, #tpu.memory_space<hbm>> -> memref<2560xi32, #tpu.memory_space<hbm>>
        tpu.enqueue_dma source(%dma_start3A_274 : memref<2560xi32, #tpu.memory_space<hbm>>) target(%arg15 : memref<2560xi32, #tpu.memory_space<vmem>>) target_semaphore(%run_scoped3A : memref<!tpu.dma_semaphore, #tpu.memory_space<semaphore_mem>>)
        %dma_wait3A_275 = tpu.memref_slice %arg3[%add3A_63] : memref<327680xi32, #tpu.memory_space<hbm>> -> memref<2560xi32, #tpu.memory_space<hbm>>
        %dma_wait3A_276 = tpu.memref_slice %arg3[%add3A_63] : memref<327680xi32, #tpu.memory_space<hbm>> -> memref<2560xi32, #tpu.memory_space<hbm>>
        tpu.wait_dma2 semaphore(%run_scoped3A : memref<!tpu.dma_semaphore, #tpu.memory_space<semaphore_mem>>) src(%dma_wait3A_276 : memref<2560xi32, #tpu.memory_space<hbm>>) dst(%arg15 : memref<2560xi32, #tpu.memory_space<vmem>>)
        tpu.yield
      }) : () -> ()
      %add3A_64 = arith.constant 10240 : i32
      %add3A_65 = arith.addi %mul3A_9, %add3A_64 : i32
      "tpu.region"() ({
        %run_scoped3A = tpu.sem_alloc : memref<!tpu.dma_semaphore, #tpu.memory_space<semaphore_mem>>
        %dma_start3A_273 = tpu.memref_slice %arg4[%add3A_65] : memref<327680xi32, #tpu.memory_space<hbm>> -> memref<2560xi32, #tpu.memory_space<hbm>>
        %dma_start3A_274 = tpu.memref_slice %arg4[%add3A_65] : memref<327680xi32, #tpu.memory_space<hbm>> -> memref<2560xi32, #tpu.memory_space<hbm>>
        tpu.enqueue_dma source(%dma_start3A_274 : memref<2560xi32, #tpu.memory_space<hbm>>) target(%arg17 : memref<2560xi32, #tpu.memory_space<vmem>>) target_semaphore(%run_scoped3A : memref<!tpu.dma_semaphore, #tpu.memory_space<semaphore_mem>>)
        %dma_wait3A_275 = tpu.memref_slice %arg4[%add3A_65] : memref<327680xi32, #tpu.memory_space<hbm>> -> memref<2560xi32, #tpu.memory_space<hbm>>
        %dma_wait3A_276 = tpu.memref_slice %arg4[%add3A_65] : memref<327680xi32, #tpu.memory_space<hbm>> -> memref<2560xi32, #tpu.memory_space<hbm>>
        tpu.wait_dma2 semaphore(%run_scoped3A : memref<!tpu.dma_semaphore, #tpu.memory_space<semaphore_mem>>) src(%dma_wait3A_276 : memref<2560xi32, #tpu.memory_space<hbm>>) dst(%arg17 : memref<2560xi32, #tpu.memory_space<vmem>>)
        tpu.yield
      }) : () -> ()
      %dma_start3A_66 = arith.constant 0 : i32
      %dma_start3A_67 = arith.constant 0 : i32
      %dma_start3A_68 = tpu.memref_slice %arg2[%dma_start3A_66, %dma_start3A_67] : memref<10240x8xf32, #tpu.memory_space<hbm>> -> memref<10240x8xf32, #tpu.memory_space<hbm>>
      tpu.enqueue_indirect_dma source(%dma_start3A_68 : memref<10240x8xf32, #tpu.memory_space<hbm>>) target(%arg13 : memref<2560x8xf32, #tpu.memory_space<vmem>>) offsets(%arg15 : memref<2560xi32, #tpu.memory_space<vmem>>) semaphore(%arg22 : memref<!tpu.dma_semaphore, #tpu.memory_space<semaphore_mem>>)
      %dma_wait3A_69 = arith.constant 0 : i32
      %dma_wait3A_70 = arith.constant 0 : i32
      %dma_wait3A_71 = tpu.memref_slice %arg2[%dma_wait3A_69, %dma_wait3A_70] : memref<10240x8xf32, #tpu.memory_space<hbm>> -> memref<10240x8xf32, #tpu.memory_space<hbm>>
      tpu.wait_indirect_dma semaphore(%arg23 : memref<!tpu.dma_semaphore, #tpu.memory_space<semaphore_mem>>) src(%dma_wait3A_71 : memref<10240x8xf32, #tpu.memory_space<hbm>>) dst(%arg14 : memref<2560x8xf32, #tpu.memory_space<vmem>>)
      %dma_start3A_72 = arith.constant 0 : i32
      %dma_start3A_73 = arith.constant 0 : i32
      %dma_start3A_74 = tpu.memref_slice %arg11[%dma_start3A_72, %dma_start3A_73] : memref<10240x8xf32, #tpu.memory_space<vmem_shared>> -> memref<10240x8xf32, #tpu.memory_space<vmem_shared>>
      tpu.enqueue_indirect_dma source(%arg14 : memref<2560x8xf32, #tpu.memory_space<vmem>>) target(%dma_start3A_74 : memref<10240x8xf32, #tpu.memory_space<vmem_shared>>) offsets(%arg18 : memref<2560xi32, #tpu.memory_space<vmem>>) semaphore(%arg25 : memref<!tpu.dma_semaphore, #tpu.memory_space<semaphore_mem>>) {add = true}
      %dma_wait3A_75 = arith.constant 0 : i32
      %dma_wait3A_76 = arith.constant 0 : i32
      %dma_wait3A_77 = tpu.memref_slice %arg11[%dma_wait3A_75, %dma_wait3A_76] : memref<10240x8xf32, #tpu.memory_space<vmem_shared>> -> memref<10240x8xf32, #tpu.memory_space<vmem_shared>>
      tpu.wait_indirect_dma semaphore(%arg25 : memref<!tpu.dma_semaphore, #tpu.memory_space<semaphore_mem>>) src(%arg14 : memref<2560x8xf32, #tpu.memory_space<vmem>>) dst(%dma_wait3A_77 : memref<10240x8xf32, #tpu.memory_space<vmem_shared>>)
      %add3A_78 = arith.constant 12800 : i32
      %add3A_79 = arith.addi %mul3A_9, %add3A_78 : i32
      "tpu.region"() ({
        %run_scoped3A = tpu.sem_alloc : memref<!tpu.dma_semaphore, #tpu.memory_space<semaphore_mem>>
        %dma_start3A_273 = tpu.memref_slice %arg3[%add3A_79] : memref<327680xi32, #tpu.memory_space<hbm>> -> memref<2560xi32, #tpu.memory_space<hbm>>
        %dma_start3A_274 = tpu.memref_slice %arg3[%add3A_79] : memref<327680xi32, #tpu.memory_space<hbm>> -> memref<2560xi32, #tpu.memory_space<hbm>>
        tpu.enqueue_dma source(%dma_start3A_274 : memref<2560xi32, #tpu.memory_space<hbm>>) target(%arg16 : memref<2560xi32, #tpu.memory_space<vmem>>) target_semaphore(%run_scoped3A : memref<!tpu.dma_semaphore, #tpu.memory_space<semaphore_mem>>)
        %dma_wait3A_275 = tpu.memref_slice %arg3[%add3A_79] : memref<327680xi32, #tpu.memory_space<hbm>> -> memref<2560xi32, #tpu.memory_space<hbm>>
        %dma_wait3A_276 = tpu.memref_slice %arg3[%add3A_79] : memref<327680xi32, #tpu.memory_space<hbm>> -> memref<2560xi32, #tpu.memory_space<hbm>>
        tpu.wait_dma2 semaphore(%run_scoped3A : memref<!tpu.dma_semaphore, #tpu.memory_space<semaphore_mem>>) src(%dma_wait3A_276 : memref<2560xi32, #tpu.memory_space<hbm>>) dst(%arg16 : memref<2560xi32, #tpu.memory_space<vmem>>)
        tpu.yield
      }) : () -> ()
      %add3A_80 = arith.constant 12800 : i32
      %add3A_81 = arith.addi %mul3A_9, %add3A_80 : i32
      "tpu.region"() ({
        %run_scoped3A = tpu.sem_alloc : memref<!tpu.dma_semaphore, #tpu.memory_space<semaphore_mem>>
        %dma_start3A_273 = tpu.memref_slice %arg4[%add3A_81] : memref<327680xi32, #tpu.memory_space<hbm>> -> memref<2560xi32, #tpu.memory_space<hbm>>
        %dma_start3A_274 = tpu.memref_slice %arg4[%add3A_81] : memref<327680xi32, #tpu.memory_space<hbm>> -> memref<2560xi32, #tpu.memory_space<hbm>>
        tpu.enqueue_dma source(%dma_start3A_274 : memref<2560xi32, #tpu.memory_space<hbm>>) target(%arg18 : memref<2560xi32, #tpu.memory_space<vmem>>) target_semaphore(%run_scoped3A : memref<!tpu.dma_semaphore, #tpu.memory_space<semaphore_mem>>)
        %dma_wait3A_275 = tpu.memref_slice %arg4[%add3A_81] : memref<327680xi32, #tpu.memory_space<hbm>> -> memref<2560xi32, #tpu.memory_space<hbm>>
        %dma_wait3A_276 = tpu.memref_slice %arg4[%add3A_81] : memref<327680xi32, #tpu.memory_space<hbm>> -> memref<2560xi32, #tpu.memory_space<hbm>>
        tpu.wait_dma2 semaphore(%run_scoped3A : memref<!tpu.dma_semaphore, #tpu.memory_space<semaphore_mem>>) src(%dma_wait3A_276 : memref<2560xi32, #tpu.memory_space<hbm>>) dst(%arg18 : memref<2560xi32, #tpu.memory_space<vmem>>)
        tpu.yield
      }) : () -> ()
      %dma_start3A_82 = arith.constant 0 : i32
      %dma_start3A_83 = arith.constant 0 : i32
      %dma_start3A_84 = tpu.memref_slice %arg2[%dma_start3A_82, %dma_start3A_83] : memref<10240x8xf32, #tpu.memory_space<hbm>> -> memref<10240x8xf32, #tpu.memory_space<hbm>>
      tpu.enqueue_indirect_dma source(%dma_start3A_84 : memref<10240x8xf32, #tpu.memory_space<hbm>>) target(%arg14 : memref<2560x8xf32, #tpu.memory_space<vmem>>) offsets(%arg16 : memref<2560xi32, #tpu.memory_space<vmem>>) semaphore(%arg23 : memref<!tpu.dma_semaphore, #tpu.memory_space<semaphore_mem>>)
      %dma_wait3A_85 = arith.constant 0 : i32
      %dma_wait3A_86 = arith.constant 0 : i32
      %dma_wait3A_87 = tpu.memref_slice %arg2[%dma_wait3A_85, %dma_wait3A_86] : memref<10240x8xf32, #tpu.memory_space<hbm>> -> memref<10240x8xf32, #tpu.memory_space<hbm>>
      tpu.wait_indirect_dma semaphore(%arg22 : memref<!tpu.dma_semaphore, #tpu.memory_space<semaphore_mem>>) src(%dma_wait3A_87 : memref<10240x8xf32, #tpu.memory_space<hbm>>) dst(%arg13 : memref<2560x8xf32, #tpu.memory_space<vmem>>)
      %dma_start3A_88 = arith.constant 0 : i32
      %dma_start3A_89 = arith.constant 0 : i32
      %dma_start3A_90 = tpu.memref_slice %arg11[%dma_start3A_88, %dma_start3A_89] : memref<10240x8xf32, #tpu.memory_space<vmem_shared>> -> memref<10240x8xf32, #tpu.memory_space<vmem_shared>>
      tpu.enqueue_indirect_dma source(%arg13 : memref<2560x8xf32, #tpu.memory_space<vmem>>) target(%dma_start3A_90 : memref<10240x8xf32, #tpu.memory_space<vmem_shared>>) offsets(%arg17 : memref<2560xi32, #tpu.memory_space<vmem>>) semaphore(%arg24 : memref<!tpu.dma_semaphore, #tpu.memory_space<semaphore_mem>>) {add = true}
      %dma_wait3A_91 = arith.constant 0 : i32
      %dma_wait3A_92 = arith.constant 0 : i32
      %dma_wait3A_93 = tpu.memref_slice %arg11[%dma_wait3A_91, %dma_wait3A_92] : memref<10240x8xf32, #tpu.memory_space<vmem_shared>> -> memref<10240x8xf32, #tpu.memory_space<vmem_shared>>
      tpu.wait_indirect_dma semaphore(%arg24 : memref<!tpu.dma_semaphore, #tpu.memory_space<semaphore_mem>>) src(%arg13 : memref<2560x8xf32, #tpu.memory_space<vmem>>) dst(%dma_wait3A_93 : memref<10240x8xf32, #tpu.memory_space<vmem_shared>>)
      %add3A_94 = arith.constant 15360 : i32
      %add3A_95 = arith.addi %mul3A_9, %add3A_94 : i32
      "tpu.region"() ({
        %run_scoped3A = tpu.sem_alloc : memref<!tpu.dma_semaphore, #tpu.memory_space<semaphore_mem>>
        %dma_start3A_273 = tpu.memref_slice %arg3[%add3A_95] : memref<327680xi32, #tpu.memory_space<hbm>> -> memref<2560xi32, #tpu.memory_space<hbm>>
        %dma_start3A_274 = tpu.memref_slice %arg3[%add3A_95] : memref<327680xi32, #tpu.memory_space<hbm>> -> memref<2560xi32, #tpu.memory_space<hbm>>
        tpu.enqueue_dma source(%dma_start3A_274 : memref<2560xi32, #tpu.memory_space<hbm>>) target(%arg15 : memref<2560xi32, #tpu.memory_space<vmem>>) target_semaphore(%run_scoped3A : memref<!tpu.dma_semaphore, #tpu.memory_space<semaphore_mem>>)
        %dma_wait3A_275 = tpu.memref_slice %arg3[%add3A_95] : memref<327680xi32, #tpu.memory_space<hbm>> -> memref<2560xi32, #tpu.memory_space<hbm>>
        %dma_wait3A_276 = tpu.memref_slice %arg3[%add3A_95] : memref<327680xi32, #tpu.memory_space<hbm>> -> memref<2560xi32, #tpu.memory_space<hbm>>
        tpu.wait_dma2 semaphore(%run_scoped3A : memref<!tpu.dma_semaphore, #tpu.memory_space<semaphore_mem>>) src(%dma_wait3A_276 : memref<2560xi32, #tpu.memory_space<hbm>>) dst(%arg15 : memref<2560xi32, #tpu.memory_space<vmem>>)
        tpu.yield
      }) : () -> ()
      %add3A_96 = arith.constant 15360 : i32
      %add3A_97 = arith.addi %mul3A_9, %add3A_96 : i32
      "tpu.region"() ({
        %run_scoped3A = tpu.sem_alloc : memref<!tpu.dma_semaphore, #tpu.memory_space<semaphore_mem>>
        %dma_start3A_273 = tpu.memref_slice %arg4[%add3A_97] : memref<327680xi32, #tpu.memory_space<hbm>> -> memref<2560xi32, #tpu.memory_space<hbm>>
        %dma_start3A_274 = tpu.memref_slice %arg4[%add3A_97] : memref<327680xi32, #tpu.memory_space<hbm>> -> memref<2560xi32, #tpu.memory_space<hbm>>
        tpu.enqueue_dma source(%dma_start3A_274 : memref<2560xi32, #tpu.memory_space<hbm>>) target(%arg17 : memref<2560xi32, #tpu.memory_space<vmem>>) target_semaphore(%run_scoped3A : memref<!tpu.dma_semaphore, #tpu.memory_space<semaphore_mem>>)
        %dma_wait3A_275 = tpu.memref_slice %arg4[%add3A_97] : memref<327680xi32, #tpu.memory_space<hbm>> -> memref<2560xi32, #tpu.memory_space<hbm>>
        %dma_wait3A_276 = tpu.memref_slice %arg4[%add3A_97] : memref<327680xi32, #tpu.memory_space<hbm>> -> memref<2560xi32, #tpu.memory_space<hbm>>
        tpu.wait_dma2 semaphore(%run_scoped3A : memref<!tpu.dma_semaphore, #tpu.memory_space<semaphore_mem>>) src(%dma_wait3A_276 : memref<2560xi32, #tpu.memory_space<hbm>>) dst(%arg17 : memref<2560xi32, #tpu.memory_space<vmem>>)
        tpu.yield
      }) : () -> ()
      %dma_start3A_98 = arith.constant 0 : i32
      %dma_start3A_99 = arith.constant 0 : i32
      %dma_start3A_100 = tpu.memref_slice %arg2[%dma_start3A_98, %dma_start3A_99] : memref<10240x8xf32, #tpu.memory_space<hbm>> -> memref<10240x8xf32, #tpu.memory_space<hbm>>
      tpu.enqueue_indirect_dma source(%dma_start3A_100 : memref<10240x8xf32, #tpu.memory_space<hbm>>) target(%arg13 : memref<2560x8xf32, #tpu.memory_space<vmem>>) offsets(%arg15 : memref<2560xi32, #tpu.memory_space<vmem>>) semaphore(%arg22 : memref<!tpu.dma_semaphore, #tpu.memory_space<semaphore_mem>>)
      %dma_wait3A_101 = arith.constant 0 : i32
      %dma_wait3A_102 = arith.constant 0 : i32
      %dma_wait3A_103 = tpu.memref_slice %arg2[%dma_wait3A_101, %dma_wait3A_102] : memref<10240x8xf32, #tpu.memory_space<hbm>> -> memref<10240x8xf32, #tpu.memory_space<hbm>>
      tpu.wait_indirect_dma semaphore(%arg23 : memref<!tpu.dma_semaphore, #tpu.memory_space<semaphore_mem>>) src(%dma_wait3A_103 : memref<10240x8xf32, #tpu.memory_space<hbm>>) dst(%arg14 : memref<2560x8xf32, #tpu.memory_space<vmem>>)
      %dma_start3A_104 = arith.constant 0 : i32
      %dma_start3A_105 = arith.constant 0 : i32
      %dma_start3A_106 = tpu.memref_slice %arg11[%dma_start3A_104, %dma_start3A_105] : memref<10240x8xf32, #tpu.memory_space<vmem_shared>> -> memref<10240x8xf32, #tpu.memory_space<vmem_shared>>
      tpu.enqueue_indirect_dma source(%arg14 : memref<2560x8xf32, #tpu.memory_space<vmem>>) target(%dma_start3A_106 : memref<10240x8xf32, #tpu.memory_space<vmem_shared>>) offsets(%arg18 : memref<2560xi32, #tpu.memory_space<vmem>>) semaphore(%arg25 : memref<!tpu.dma_semaphore, #tpu.memory_space<semaphore_mem>>) {add = true}
      %dma_wait3A_107 = arith.constant 0 : i32
      %dma_wait3A_108 = arith.constant 0 : i32
      %dma_wait3A_109 = tpu.memref_slice %arg11[%dma_wait3A_107, %dma_wait3A_108] : memref<10240x8xf32, #tpu.memory_space<vmem_shared>> -> memref<10240x8xf32, #tpu.memory_space<vmem_shared>>
      tpu.wait_indirect_dma semaphore(%arg25 : memref<!tpu.dma_semaphore, #tpu.memory_space<semaphore_mem>>) src(%arg14 : memref<2560x8xf32, #tpu.memory_space<vmem>>) dst(%dma_wait3A_109 : memref<10240x8xf32, #tpu.memory_space<vmem_shared>>)
      %add3A_110 = arith.constant 17920 : i32
      %add3A_111 = arith.addi %mul3A_9, %add3A_110 : i32
      "tpu.region"() ({
        %run_scoped3A = tpu.sem_alloc : memref<!tpu.dma_semaphore, #tpu.memory_space<semaphore_mem>>
        %dma_start3A_273 = tpu.memref_slice %arg3[%add3A_111] : memref<327680xi32, #tpu.memory_space<hbm>> -> memref<2560xi32, #tpu.memory_space<hbm>>
        %dma_start3A_274 = tpu.memref_slice %arg3[%add3A_111] : memref<327680xi32, #tpu.memory_space<hbm>> -> memref<2560xi32, #tpu.memory_space<hbm>>
        tpu.enqueue_dma source(%dma_start3A_274 : memref<2560xi32, #tpu.memory_space<hbm>>) target(%arg16 : memref<2560xi32, #tpu.memory_space<vmem>>) target_semaphore(%run_scoped3A : memref<!tpu.dma_semaphore, #tpu.memory_space<semaphore_mem>>)
        %dma_wait3A_275 = tpu.memref_slice %arg3[%add3A_111] : memref<327680xi32, #tpu.memory_space<hbm>> -> memref<2560xi32, #tpu.memory_space<hbm>>
        %dma_wait3A_276 = tpu.memref_slice %arg3[%add3A_111] : memref<327680xi32, #tpu.memory_space<hbm>> -> memref<2560xi32, #tpu.memory_space<hbm>>
        tpu.wait_dma2 semaphore(%run_scoped3A : memref<!tpu.dma_semaphore, #tpu.memory_space<semaphore_mem>>) src(%dma_wait3A_276 : memref<2560xi32, #tpu.memory_space<hbm>>) dst(%arg16 : memref<2560xi32, #tpu.memory_space<vmem>>)
        tpu.yield
      }) : () -> ()
      %add3A_112 = arith.constant 17920 : i32
      %add3A_113 = arith.addi %mul3A_9, %add3A_112 : i32
      "tpu.region"() ({
        %run_scoped3A = tpu.sem_alloc : memref<!tpu.dma_semaphore, #tpu.memory_space<semaphore_mem>>
        %dma_start3A_273 = tpu.memref_slice %arg4[%add3A_113] : memref<327680xi32, #tpu.memory_space<hbm>> -> memref<2560xi32, #tpu.memory_space<hbm>>
        %dma_start3A_274 = tpu.memref_slice %arg4[%add3A_113] : memref<327680xi32, #tpu.memory_space<hbm>> -> memref<2560xi32, #tpu.memory_space<hbm>>
        tpu.enqueue_dma source(%dma_start3A_274 : memref<2560xi32, #tpu.memory_space<hbm>>) target(%arg18 : memref<2560xi32, #tpu.memory_space<vmem>>) target_semaphore(%run_scoped3A : memref<!tpu.dma_semaphore, #tpu.memory_space<semaphore_mem>>)
        %dma_wait3A_275 = tpu.memref_slice %arg4[%add3A_113] : memref<327680xi32, #tpu.memory_space<hbm>> -> memref<2560xi32, #tpu.memory_space<hbm>>
        %dma_wait3A_276 = tpu.memref_slice %arg4[%add3A_113] : memref<327680xi32, #tpu.memory_space<hbm>> -> memref<2560xi32, #tpu.memory_space<hbm>>
        tpu.wait_dma2 semaphore(%run_scoped3A : memref<!tpu.dma_semaphore, #tpu.memory_space<semaphore_mem>>) src(%dma_wait3A_276 : memref<2560xi32, #tpu.memory_space<hbm>>) dst(%arg18 : memref<2560xi32, #tpu.memory_space<vmem>>)
        tpu.yield
      }) : () -> ()
      %dma_start3A_114 = arith.constant 0 : i32
      %dma_start3A_115 = arith.constant 0 : i32
      %dma_start3A_116 = tpu.memref_slice %arg2[%dma_start3A_114, %dma_start3A_115] : memref<10240x8xf32, #tpu.memory_space<hbm>> -> memref<10240x8xf32, #tpu.memory_space<hbm>>
      tpu.enqueue_indirect_dma source(%dma_start3A_116 : memref<10240x8xf32, #tpu.memory_space<hbm>>) target(%arg14 : memref<2560x8xf32, #tpu.memory_space<vmem>>) offsets(%arg16 : memref<2560xi32, #tpu.memory_space<vmem>>) semaphore(%arg23 : memref<!tpu.dma_semaphore, #tpu.memory_space<semaphore_mem>>)
      %dma_wait3A_117 = arith.constant 0 : i32
      %dma_wait3A_118 = arith.constant 0 : i32
      %dma_wait3A_119 = tpu.memref_slice %arg2[%dma_wait3A_117, %dma_wait3A_118] : memref<10240x8xf32, #tpu.memory_space<hbm>> -> memref<10240x8xf32, #tpu.memory_space<hbm>>
      tpu.wait_indirect_dma semaphore(%arg22 : memref<!tpu.dma_semaphore, #tpu.memory_space<semaphore_mem>>) src(%dma_wait3A_119 : memref<10240x8xf32, #tpu.memory_space<hbm>>) dst(%arg13 : memref<2560x8xf32, #tpu.memory_space<vmem>>)
      %dma_start3A_120 = arith.constant 0 : i32
      %dma_start3A_121 = arith.constant 0 : i32
      %dma_start3A_122 = tpu.memref_slice %arg11[%dma_start3A_120, %dma_start3A_121] : memref<10240x8xf32, #tpu.memory_space<vmem_shared>> -> memref<10240x8xf32, #tpu.memory_space<vmem_shared>>
      tpu.enqueue_indirect_dma source(%arg13 : memref<2560x8xf32, #tpu.memory_space<vmem>>) target(%dma_start3A_122 : memref<10240x8xf32, #tpu.memory_space<vmem_shared>>) offsets(%arg17 : memref<2560xi32, #tpu.memory_space<vmem>>) semaphore(%arg24 : memref<!tpu.dma_semaphore, #tpu.memory_space<semaphore_mem>>) {add = true}
      %dma_wait3A_123 = arith.constant 0 : i32
      %dma_wait3A_124 = arith.constant 0 : i32
      %dma_wait3A_125 = tpu.memref_slice %arg2[%dma_wait3A_123, %dma_wait3A_124] : memref<10240x8xf32, #tpu.memory_space<hbm>> -> memref<10240x8xf32, #tpu.memory_space<hbm>>
      tpu.wait_indirect_dma semaphore(%arg23 : memref<!tpu.dma_semaphore, #tpu.memory_space<semaphore_mem>>) src(%dma_wait3A_125 : memref<10240x8xf32, #tpu.memory_space<hbm>>) dst(%arg14 : memref<2560x8xf32, #tpu.memory_space<vmem>>)
      %dma_start3A_126 = arith.constant 0 : i32
      %dma_start3A_127 = arith.constant 0 : i32
      %dma_start3A_128 = tpu.memref_slice %arg11[%dma_start3A_126, %dma_start3A_127] : memref<10240x8xf32, #tpu.memory_space<vmem_shared>> -> memref<10240x8xf32, #tpu.memory_space<vmem_shared>>
      tpu.enqueue_indirect_dma source(%arg14 : memref<2560x8xf32, #tpu.memory_space<vmem>>) target(%dma_start3A_128 : memref<10240x8xf32, #tpu.memory_space<vmem_shared>>) offsets(%arg18 : memref<2560xi32, #tpu.memory_space<vmem>>) semaphore(%arg25 : memref<!tpu.dma_semaphore, #tpu.memory_space<semaphore_mem>>) {add = true}
      %dma_wait3A_129 = arith.constant 0 : i32
      %dma_wait3A_130 = arith.constant 0 : i32
      %dma_wait3A_131 = tpu.memref_slice %arg11[%dma_wait3A_129, %dma_wait3A_130] : memref<10240x8xf32, #tpu.memory_space<vmem_shared>> -> memref<10240x8xf32, #tpu.memory_space<vmem_shared>>
      tpu.wait_indirect_dma semaphore(%arg24 : memref<!tpu.dma_semaphore, #tpu.memory_space<semaphore_mem>>) src(%arg13 : memref<2560x8xf32, #tpu.memory_space<vmem>>) dst(%dma_wait3A_131 : memref<10240x8xf32, #tpu.memory_space<vmem_shared>>)
      %dma_wait3A_132 = arith.constant 0 : i32
      %dma_wait3A_133 = arith.constant 0 : i32
      %dma_wait3A_134 = tpu.memref_slice %arg11[%dma_wait3A_132, %dma_wait3A_133] : memref<10240x8xf32, #tpu.memory_space<vmem_shared>> -> memref<10240x8xf32, #tpu.memory_space<vmem_shared>>
      tpu.wait_indirect_dma semaphore(%arg25 : memref<!tpu.dma_semaphore, #tpu.memory_space<semaphore_mem>>) src(%arg14 : memref<2560x8xf32, #tpu.memory_space<vmem>>) dst(%dma_wait3A_134 : memref<10240x8xf32, #tpu.memory_space<vmem_shared>>)
      %barrier3A_135 = arith.constant 0 : index
      tpu.barrier barrier_id(%barrier3A_135)
      "tpu.region"() ({
        %run_scoped3A = tpu.sem_alloc : memref<!tpu.dma_semaphore, #tpu.memory_space<semaphore_mem>>
        %dma_start3A_273 = arith.constant 0 : i32
        %dma_start3A_274 = tpu.memref_slice %arg11[%mul3A_7, %dma_start3A_273] : memref<10240x8xf32, #tpu.memory_space<vmem_shared>> -> memref<640x8xf32, #tpu.memory_space<vmem_shared>>
        %dma_start3A_275 = arith.constant 0 : i32
        %dma_start3A_276 = tpu.memref_slice %arg11[%mul3A_7, %dma_start3A_275] : memref<10240x8xf32, #tpu.memory_space<vmem_shared>> -> memref<640x8xf32, #tpu.memory_space<vmem_shared>>
        tpu.enqueue_dma source(%dma_start3A_276 : memref<640x8xf32, #tpu.memory_space<vmem_shared>>) target(%arg19 : memref<640x8xf32, #tpu.memory_space<vmem>>) target_semaphore(%run_scoped3A : memref<!tpu.dma_semaphore, #tpu.memory_space<semaphore_mem>>)
        %dma_wait3A_277 = arith.constant 0 : i32
        %dma_wait3A_278 = tpu.memref_slice %arg11[%mul3A_7, %dma_wait3A_277] : memref<10240x8xf32, #tpu.memory_space<vmem_shared>> -> memref<640x8xf32, #tpu.memory_space<vmem_shared>>
        %dma_wait3A_279 = arith.constant 0 : i32
        %dma_wait3A_280 = tpu.memref_slice %arg11[%mul3A_7, %dma_wait3A_279] : memref<10240x8xf32, #tpu.memory_space<vmem_shared>> -> memref<640x8xf32, #tpu.memory_space<vmem_shared>>
        tpu.wait_dma2 semaphore(%run_scoped3A : memref<!tpu.dma_semaphore, #tpu.memory_space<semaphore_mem>>) src(%dma_wait3A_280 : memref<640x8xf32, #tpu.memory_space<vmem_shared>>) dst(%arg19 : memref<640x8xf32, #tpu.memory_space<vmem>>)
        tpu.yield
      }) : () -> ()
      %broadcast_in_dim3A = arith.constant 2 : i32
      %broadcast_in_dim3A_136 = vector.broadcast %broadcast_in_dim3A : i32 to vector<16xi32>
      %scan3A = arith.constant 0 : i32
      %scan3A_137 = arith.constant 0 : i32
      %scan3A_138 = arith.constant 320 : i32
      %scan3A_139 = arith.addi %scan3A_137, %scan3A_138 : i32
      %scan3A_140 = arith.constant 1 : i32
      %scan3A_141 = scf.for %scan3A_273 = %scan3A_137 to %scan3A_139 step %scan3A_140 iter_args(%scan3A_274 = %scan3A) -> (i32)  : i32 {
        %mul3A_275 = arith.constant 16 : i32
        %mul3A_276 = arith.muli %scan3A_273, %mul3A_275 : i32
        %add3A_277 = vector.broadcast %mul3A_276 : i32 to vector<16xi32>
        %add3A_278 = arith.addi %add3A_277, %iota3A : vector<16xi32>
        %shift_right_arithmetic3A = arith.constant 3 : i32
        %shift_right_arithmetic3A_279 = vector.broadcast %shift_right_arithmetic3A : i32 to vector<16xi32>
        %shift_right_arithmetic3A_280 = arith.shrsi %add3A_278, %shift_right_arithmetic3A_279 : vector<16xi32>
        %and3A = arith.constant 7 : i32
        %and3A_281 = vector.broadcast %and3A : i32 to vector<16xi32>
        %and3A_282 = arith.andi %add3A_278, %and3A_281 : vector<16xi32>
        %gather3A = tpu.vector_load_idx %arg19[%shift_right_arithmetic3A_280, %and3A_282] : memref<640x8xf32, #tpu.memory_space<vmem>>[vector<16xi32>, vector<16xi32>], vector<16xf32>,
        %gather3A_283 = tpu.vector_load_idx %arg19[%shift_right_arithmetic3A_280, %broadcast_in_dim3A_136] : memref<640x8xf32, #tpu.memory_space<vmem>>[vector<16xi32>, vector<16xi32>], vector<16xf32>,
        %max3A = arith.constant 1.000000e+00 : f32
        %max3A_284 = vector.broadcast %max3A : f32 to vector<16xf32>
        %max3A_285 = arith.maximumf %gather3A_283, %max3A_284 : vector<16xf32>
        %div3A = arith.divf %gather3A, %max3A_285 : vector<16xf32>
        tpu.vector_store_idx %arg20[%shift_right_arithmetic3A_280, %and3A_282], %div3A : memref<640x8xf32, #tpu.memory_space<vmem>>[vector<16xi32>, vector<16xi32>], vector<16xf32>,
        %scan3A_286 = arith.constant 0 : i32
        scf.yield %scan3A_286 : i32
      }
      %scan3A_142 = arith.constant 320 : i32
      "tpu.region"() ({
        %run_scoped3A = tpu.sem_alloc : memref<!tpu.dma_semaphore, #tpu.memory_space<semaphore_mem>>
        %dma_start3A_273 = arith.constant 0 : i32
        %dma_start3A_274 = tpu.memref_slice %arg5[%mul3A_7, %dma_start3A_273] : memref<10240x8xf32, #tpu.memory_space<hbm>> -> memref<640x8xf32, #tpu.memory_space<hbm>>
        %dma_start3A_275 = arith.constant 0 : i32
        %dma_start3A_276 = tpu.memref_slice %arg5[%mul3A_7, %dma_start3A_275] : memref<10240x8xf32, #tpu.memory_space<hbm>> -> memref<640x8xf32, #tpu.memory_space<hbm>>
        tpu.enqueue_dma source(%arg19 : memref<640x8xf32, #tpu.memory_space<vmem>>) target(%dma_start3A_276 : memref<640x8xf32, #tpu.memory_space<hbm>>) target_semaphore(%run_scoped3A : memref<!tpu.dma_semaphore, #tpu.memory_space<semaphore_mem>>)
        %dma_wait3A_277 = arith.constant 0 : i32
        %dma_wait3A_278 = tpu.memref_slice %arg5[%mul3A_7, %dma_wait3A_277] : memref<10240x8xf32, #tpu.memory_space<hbm>> -> memref<640x8xf32, #tpu.memory_space<hbm>>
        %dma_wait3A_279 = arith.constant 0 : i32
        %dma_wait3A_280 = tpu.memref_slice %arg5[%mul3A_7, %dma_wait3A_279] : memref<10240x8xf32, #tpu.memory_space<hbm>> -> memref<640x8xf32, #tpu.memory_space<hbm>>
        tpu.wait_dma2 semaphore(%run_scoped3A : memref<!tpu.dma_semaphore, #tpu.memory_space<semaphore_mem>>) src(%arg19 : memref<640x8xf32, #tpu.memory_space<vmem>>) dst(%dma_wait3A_280 : memref<640x8xf32, #tpu.memory_space<hbm>>)
        tpu.yield
      }) : () -> ()
      "tpu.region"() ({
        %run_scoped3A = tpu.sem_alloc : memref<!tpu.dma_semaphore, #tpu.memory_space<semaphore_mem>>
        %dma_start3A_273 = arith.constant 0 : i32
        %dma_start3A_274 = tpu.memref_slice %arg9[%mul3A_7, %dma_start3A_273] : memref<10240x8xf32, #tpu.memory_space<hbm>> -> memref<640x8xf32, #tpu.memory_space<hbm>>
        %dma_start3A_275 = arith.constant 0 : i32
        %dma_start3A_276 = tpu.memref_slice %arg9[%mul3A_7, %dma_start3A_275] : memref<10240x8xf32, #tpu.memory_space<hbm>> -> memref<640x8xf32, #tpu.memory_space<hbm>>
        tpu.enqueue_dma source(%arg20 : memref<640x8xf32, #tpu.memory_space<vmem>>) target(%dma_start3A_276 : memref<640x8xf32, #tpu.memory_space<hbm>>) target_semaphore(%run_scoped3A : memref<!tpu.dma_semaphore, #tpu.memory_space<semaphore_mem>>)
        %dma_wait3A_277 = arith.constant 0 : i32
        %dma_wait3A_278 = tpu.memref_slice %arg9[%mul3A_7, %dma_wait3A_277] : memref<10240x8xf32, #tpu.memory_space<hbm>> -> memref<640x8xf32, #tpu.memory_space<hbm>>
        %dma_wait3A_279 = arith.constant 0 : i32
        %dma_wait3A_280 = tpu.memref_slice %arg9[%mul3A_7, %dma_wait3A_279] : memref<10240x8xf32, #tpu.memory_space<hbm>> -> memref<640x8xf32, #tpu.memory_space<hbm>>
        tpu.wait_dma2 semaphore(%run_scoped3A : memref<!tpu.dma_semaphore, #tpu.memory_space<semaphore_mem>>) src(%arg20 : memref<640x8xf32, #tpu.memory_space<vmem>>) dst(%dma_wait3A_280 : memref<640x8xf32, #tpu.memory_space<hbm>>)
        tpu.yield
      }) : () -> ()
      %barrier3A_143 = arith.constant 0 : index
      tpu.barrier barrier_id(%barrier3A_143)
      %add3A_144 = arith.constant 0 : i32
      %add3A_145 = arith.addi %mul3A_9, %add3A_144 : i32
      "tpu.region"() ({
        %run_scoped3A = tpu.sem_alloc : memref<!tpu.dma_semaphore, #tpu.memory_space<semaphore_mem>>
        %dma_start3A_273 = tpu.memref_slice %arg3[%add3A_145] : memref<327680xi32, #tpu.memory_space<hbm>> -> memref<2560xi32, #tpu.memory_space<hbm>>
        %dma_start3A_274 = tpu.memref_slice %arg3[%add3A_145] : memref<327680xi32, #tpu.memory_space<hbm>> -> memref<2560xi32, #tpu.memory_space<hbm>>
        tpu.enqueue_dma source(%dma_start3A_274 : memref<2560xi32, #tpu.memory_space<hbm>>) target(%arg15 : memref<2560xi32, #tpu.memory_space<vmem>>) target_semaphore(%run_scoped3A : memref<!tpu.dma_semaphore, #tpu.memory_space<semaphore_mem>>)
        %dma_wait3A_275 = tpu.memref_slice %arg3[%add3A_145] : memref<327680xi32, #tpu.memory_space<hbm>> -> memref<2560xi32, #tpu.memory_space<hbm>>
        %dma_wait3A_276 = tpu.memref_slice %arg3[%add3A_145] : memref<327680xi32, #tpu.memory_space<hbm>> -> memref<2560xi32, #tpu.memory_space<hbm>>
        tpu.wait_dma2 semaphore(%run_scoped3A : memref<!tpu.dma_semaphore, #tpu.memory_space<semaphore_mem>>) src(%dma_wait3A_276 : memref<2560xi32, #tpu.memory_space<hbm>>) dst(%arg15 : memref<2560xi32, #tpu.memory_space<vmem>>)
        tpu.yield
      }) : () -> ()
      %add3A_146 = arith.constant 0 : i32
      %add3A_147 = arith.addi %mul3A_9, %add3A_146 : i32
      "tpu.region"() ({
        %run_scoped3A = tpu.sem_alloc : memref<!tpu.dma_semaphore, #tpu.memory_space<semaphore_mem>>
        %dma_start3A_273 = tpu.memref_slice %arg4[%add3A_147] : memref<327680xi32, #tpu.memory_space<hbm>> -> memref<2560xi32, #tpu.memory_space<hbm>>
        %dma_start3A_274 = tpu.memref_slice %arg4[%add3A_147] : memref<327680xi32, #tpu.memory_space<hbm>> -> memref<2560xi32, #tpu.memory_space<hbm>>
        tpu.enqueue_dma source(%dma_start3A_274 : memref<2560xi32, #tpu.memory_space<hbm>>) target(%arg17 : memref<2560xi32, #tpu.memory_space<vmem>>) target_semaphore(%run_scoped3A : memref<!tpu.dma_semaphore, #tpu.memory_space<semaphore_mem>>)
        %dma_wait3A_275 = tpu.memref_slice %arg4[%add3A_147] : memref<327680xi32, #tpu.memory_space<hbm>> -> memref<2560xi32, #tpu.memory_space<hbm>>
        %dma_wait3A_276 = tpu.memref_slice %arg4[%add3A_147] : memref<327680xi32, #tpu.memory_space<hbm>> -> memref<2560xi32, #tpu.memory_space<hbm>>
        tpu.wait_dma2 semaphore(%run_scoped3A : memref<!tpu.dma_semaphore, #tpu.memory_space<semaphore_mem>>) src(%dma_wait3A_276 : memref<2560xi32, #tpu.memory_space<hbm>>) dst(%arg17 : memref<2560xi32, #tpu.memory_space<vmem>>)
        tpu.yield
      }) : () -> ()
      %dma_start3A_148 = arith.constant 0 : i32
      %dma_start3A_149 = arith.constant 0 : i32
      %dma_start3A_150 = tpu.memref_slice %arg9[%dma_start3A_148, %dma_start3A_149] : memref<10240x8xf32, #tpu.memory_space<hbm>> -> memref<10240x8xf32, #tpu.memory_space<hbm>>
      tpu.enqueue_indirect_dma source(%dma_start3A_150 : memref<10240x8xf32, #tpu.memory_space<hbm>>) target(%arg13 : memref<2560x8xf32, #tpu.memory_space<vmem>>) offsets(%arg15 : memref<2560xi32, #tpu.memory_space<vmem>>) semaphore(%arg22 : memref<!tpu.dma_semaphore, #tpu.memory_space<semaphore_mem>>)
      %add3A_151 = arith.constant 2560 : i32
      %add3A_152 = arith.addi %mul3A_9, %add3A_151 : i32
      "tpu.region"() ({
        %run_scoped3A = tpu.sem_alloc : memref<!tpu.dma_semaphore, #tpu.memory_space<semaphore_mem>>
        %dma_start3A_273 = tpu.memref_slice %arg3[%add3A_152] : memref<327680xi32, #tpu.memory_space<hbm>> -> memref<2560xi32, #tpu.memory_space<hbm>>
        %dma_start3A_274 = tpu.memref_slice %arg3[%add3A_152] : memref<327680xi32, #tpu.memory_space<hbm>> -> memref<2560xi32, #tpu.memory_space<hbm>>
        tpu.enqueue_dma source(%dma_start3A_274 : memref<2560xi32, #tpu.memory_space<hbm>>) target(%arg16 : memref<2560xi32, #tpu.memory_space<vmem>>) target_semaphore(%run_scoped3A : memref<!tpu.dma_semaphore, #tpu.memory_space<semaphore_mem>>)
        %dma_wait3A_275 = tpu.memref_slice %arg3[%add3A_152] : memref<327680xi32, #tpu.memory_space<hbm>> -> memref<2560xi32, #tpu.memory_space<hbm>>
        %dma_wait3A_276 = tpu.memref_slice %arg3[%add3A_152] : memref<327680xi32, #tpu.memory_space<hbm>> -> memref<2560xi32, #tpu.memory_space<hbm>>
        tpu.wait_dma2 semaphore(%run_scoped3A : memref<!tpu.dma_semaphore, #tpu.memory_space<semaphore_mem>>) src(%dma_wait3A_276 : memref<2560xi32, #tpu.memory_space<hbm>>) dst(%arg16 : memref<2560xi32, #tpu.memory_space<vmem>>)
        tpu.yield
      }) : () -> ()
      %add3A_153 = arith.constant 2560 : i32
      %add3A_154 = arith.addi %mul3A_9, %add3A_153 : i32
      "tpu.region"() ({
        %run_scoped3A = tpu.sem_alloc : memref<!tpu.dma_semaphore, #tpu.memory_space<semaphore_mem>>
        %dma_start3A_273 = tpu.memref_slice %arg4[%add3A_154] : memref<327680xi32, #tpu.memory_space<hbm>> -> memref<2560xi32, #tpu.memory_space<hbm>>
        %dma_start3A_274 = tpu.memref_slice %arg4[%add3A_154] : memref<327680xi32, #tpu.memory_space<hbm>> -> memref<2560xi32, #tpu.memory_space<hbm>>
        tpu.enqueue_dma source(%dma_start3A_274 : memref<2560xi32, #tpu.memory_space<hbm>>) target(%arg18 : memref<2560xi32, #tpu.memory_space<vmem>>) target_semaphore(%run_scoped3A : memref<!tpu.dma_semaphore, #tpu.memory_space<semaphore_mem>>)
        %dma_wait3A_275 = tpu.memref_slice %arg4[%add3A_154] : memref<327680xi32, #tpu.memory_space<hbm>> -> memref<2560xi32, #tpu.memory_space<hbm>>
        %dma_wait3A_276 = tpu.memref_slice %arg4[%add3A_154] : memref<327680xi32, #tpu.memory_space<hbm>> -> memref<2560xi32, #tpu.memory_space<hbm>>
        tpu.wait_dma2 semaphore(%run_scoped3A : memref<!tpu.dma_semaphore, #tpu.memory_space<semaphore_mem>>) src(%dma_wait3A_276 : memref<2560xi32, #tpu.memory_space<hbm>>) dst(%arg18 : memref<2560xi32, #tpu.memory_space<vmem>>)
        tpu.yield
      }) : () -> ()
      %dma_start3A_155 = arith.constant 0 : i32
      %dma_start3A_156 = arith.constant 0 : i32
      %dma_start3A_157 = tpu.memref_slice %arg9[%dma_start3A_155, %dma_start3A_156] : memref<10240x8xf32, #tpu.memory_space<hbm>> -> memref<10240x8xf32, #tpu.memory_space<hbm>>
      tpu.enqueue_indirect_dma source(%dma_start3A_157 : memref<10240x8xf32, #tpu.memory_space<hbm>>) target(%arg14 : memref<2560x8xf32, #tpu.memory_space<vmem>>) offsets(%arg16 : memref<2560xi32, #tpu.memory_space<vmem>>) semaphore(%arg23 : memref<!tpu.dma_semaphore, #tpu.memory_space<semaphore_mem>>)
      %dma_wait3A_158 = arith.constant 0 : i32
      %dma_wait3A_159 = arith.constant 0 : i32
      %dma_wait3A_160 = tpu.memref_slice %arg9[%dma_wait3A_158, %dma_wait3A_159] : memref<10240x8xf32, #tpu.memory_space<hbm>> -> memref<10240x8xf32, #tpu.memory_space<hbm>>
      tpu.wait_indirect_dma semaphore(%arg22 : memref<!tpu.dma_semaphore, #tpu.memory_space<semaphore_mem>>) src(%dma_wait3A_160 : memref<10240x8xf32, #tpu.memory_space<hbm>>) dst(%arg13 : memref<2560x8xf32, #tpu.memory_space<vmem>>)
      %dma_start3A_161 = arith.constant 0 : i32
      %dma_start3A_162 = arith.constant 0 : i32
      %dma_start3A_163 = tpu.memref_slice %arg12[%dma_start3A_161, %dma_start3A_162] : memref<10240x8xf32, #tpu.memory_space<vmem_shared>> -> memref<10240x8xf32, #tpu.memory_space<vmem_shared>>
      tpu.enqueue_indirect_dma source(%arg13 : memref<2560x8xf32, #tpu.memory_space<vmem>>) target(%dma_start3A_163 : memref<10240x8xf32, #tpu.memory_space<vmem_shared>>) offsets(%arg17 : memref<2560xi32, #tpu.memory_space<vmem>>) semaphore(%arg24 : memref<!tpu.dma_semaphore, #tpu.memory_space<semaphore_mem>>) {add = true}
      %dma_wait3A_164 = arith.constant 0 : i32
      %dma_wait3A_165 = arith.constant 0 : i32
      %dma_wait3A_166 = tpu.memref_slice %arg12[%dma_wait3A_164, %dma_wait3A_165] : memref<10240x8xf32, #tpu.memory_space<vmem_shared>> -> memref<10240x8xf32, #tpu.memory_space<vmem_shared>>
      tpu.wait_indirect_dma semaphore(%arg24 : memref<!tpu.dma_semaphore, #tpu.memory_space<semaphore_mem>>) src(%arg13 : memref<2560x8xf32, #tpu.memory_space<vmem>>) dst(%dma_wait3A_166 : memref<10240x8xf32, #tpu.memory_space<vmem_shared>>)
      %add3A_167 = arith.constant 5120 : i32
      %add3A_168 = arith.addi %mul3A_9, %add3A_167 : i32
      "tpu.region"() ({
        %run_scoped3A = tpu.sem_alloc : memref<!tpu.dma_semaphore, #tpu.memory_space<semaphore_mem>>
        %dma_start3A_273 = tpu.memref_slice %arg3[%add3A_168] : memref<327680xi32, #tpu.memory_space<hbm>> -> memref<2560xi32, #tpu.memory_space<hbm>>
        %dma_start3A_274 = tpu.memref_slice %arg3[%add3A_168] : memref<327680xi32, #tpu.memory_space<hbm>> -> memref<2560xi32, #tpu.memory_space<hbm>>
        tpu.enqueue_dma source(%dma_start3A_274 : memref<2560xi32, #tpu.memory_space<hbm>>) target(%arg15 : memref<2560xi32, #tpu.memory_space<vmem>>) target_semaphore(%run_scoped3A : memref<!tpu.dma_semaphore, #tpu.memory_space<semaphore_mem>>)
        %dma_wait3A_275 = tpu.memref_slice %arg3[%add3A_168] : memref<327680xi32, #tpu.memory_space<hbm>> -> memref<2560xi32, #tpu.memory_space<hbm>>
        %dma_wait3A_276 = tpu.memref_slice %arg3[%add3A_168] : memref<327680xi32, #tpu.memory_space<hbm>> -> memref<2560xi32, #tpu.memory_space<hbm>>
        tpu.wait_dma2 semaphore(%run_scoped3A : memref<!tpu.dma_semaphore, #tpu.memory_space<semaphore_mem>>) src(%dma_wait3A_276 : memref<2560xi32, #tpu.memory_space<hbm>>) dst(%arg15 : memref<2560xi32, #tpu.memory_space<vmem>>)
        tpu.yield
      }) : () -> ()
      %add3A_169 = arith.constant 5120 : i32
      %add3A_170 = arith.addi %mul3A_9, %add3A_169 : i32
      "tpu.region"() ({
        %run_scoped3A = tpu.sem_alloc : memref<!tpu.dma_semaphore, #tpu.memory_space<semaphore_mem>>
        %dma_start3A_273 = tpu.memref_slice %arg4[%add3A_170] : memref<327680xi32, #tpu.memory_space<hbm>> -> memref<2560xi32, #tpu.memory_space<hbm>>
        %dma_start3A_274 = tpu.memref_slice %arg4[%add3A_170] : memref<327680xi32, #tpu.memory_space<hbm>> -> memref<2560xi32, #tpu.memory_space<hbm>>
        tpu.enqueue_dma source(%dma_start3A_274 : memref<2560xi32, #tpu.memory_space<hbm>>) target(%arg17 : memref<2560xi32, #tpu.memory_space<vmem>>) target_semaphore(%run_scoped3A : memref<!tpu.dma_semaphore, #tpu.memory_space<semaphore_mem>>)
        %dma_wait3A_275 = tpu.memref_slice %arg4[%add3A_170] : memref<327680xi32, #tpu.memory_space<hbm>> -> memref<2560xi32, #tpu.memory_space<hbm>>
        %dma_wait3A_276 = tpu.memref_slice %arg4[%add3A_170] : memref<327680xi32, #tpu.memory_space<hbm>> -> memref<2560xi32, #tpu.memory_space<hbm>>
        tpu.wait_dma2 semaphore(%run_scoped3A : memref<!tpu.dma_semaphore, #tpu.memory_space<semaphore_mem>>) src(%dma_wait3A_276 : memref<2560xi32, #tpu.memory_space<hbm>>) dst(%arg17 : memref<2560xi32, #tpu.memory_space<vmem>>)
        tpu.yield
      }) : () -> ()
      %dma_start3A_171 = arith.constant 0 : i32
      %dma_start3A_172 = arith.constant 0 : i32
      %dma_start3A_173 = tpu.memref_slice %arg9[%dma_start3A_171, %dma_start3A_172] : memref<10240x8xf32, #tpu.memory_space<hbm>> -> memref<10240x8xf32, #tpu.memory_space<hbm>>
      tpu.enqueue_indirect_dma source(%dma_start3A_173 : memref<10240x8xf32, #tpu.memory_space<hbm>>) target(%arg13 : memref<2560x8xf32, #tpu.memory_space<vmem>>) offsets(%arg15 : memref<2560xi32, #tpu.memory_space<vmem>>) semaphore(%arg22 : memref<!tpu.dma_semaphore, #tpu.memory_space<semaphore_mem>>)
      %dma_wait3A_174 = arith.constant 0 : i32
      %dma_wait3A_175 = arith.constant 0 : i32
      %dma_wait3A_176 = tpu.memref_slice %arg9[%dma_wait3A_174, %dma_wait3A_175] : memref<10240x8xf32, #tpu.memory_space<hbm>> -> memref<10240x8xf32, #tpu.memory_space<hbm>>
      tpu.wait_indirect_dma semaphore(%arg23 : memref<!tpu.dma_semaphore, #tpu.memory_space<semaphore_mem>>) src(%dma_wait3A_176 : memref<10240x8xf32, #tpu.memory_space<hbm>>) dst(%arg14 : memref<2560x8xf32, #tpu.memory_space<vmem>>)
      %dma_start3A_177 = arith.constant 0 : i32
      %dma_start3A_178 = arith.constant 0 : i32
      %dma_start3A_179 = tpu.memref_slice %arg12[%dma_start3A_177, %dma_start3A_178] : memref<10240x8xf32, #tpu.memory_space<vmem_shared>> -> memref<10240x8xf32, #tpu.memory_space<vmem_shared>>
      tpu.enqueue_indirect_dma source(%arg14 : memref<2560x8xf32, #tpu.memory_space<vmem>>) target(%dma_start3A_179 : memref<10240x8xf32, #tpu.memory_space<vmem_shared>>) offsets(%arg18 : memref<2560xi32, #tpu.memory_space<vmem>>) semaphore(%arg25 : memref<!tpu.dma_semaphore, #tpu.memory_space<semaphore_mem>>) {add = true}
      %dma_wait3A_180 = arith.constant 0 : i32
      %dma_wait3A_181 = arith.constant 0 : i32
      %dma_wait3A_182 = tpu.memref_slice %arg12[%dma_wait3A_180, %dma_wait3A_181] : memref<10240x8xf32, #tpu.memory_space<vmem_shared>> -> memref<10240x8xf32, #tpu.memory_space<vmem_shared>>
      tpu.wait_indirect_dma semaphore(%arg25 : memref<!tpu.dma_semaphore, #tpu.memory_space<semaphore_mem>>) src(%arg14 : memref<2560x8xf32, #tpu.memory_space<vmem>>) dst(%dma_wait3A_182 : memref<10240x8xf32, #tpu.memory_space<vmem_shared>>)
      %add3A_183 = arith.constant 7680 : i32
      %add3A_184 = arith.addi %mul3A_9, %add3A_183 : i32
      "tpu.region"() ({
        %run_scoped3A = tpu.sem_alloc : memref<!tpu.dma_semaphore, #tpu.memory_space<semaphore_mem>>
        %dma_start3A_273 = tpu.memref_slice %arg3[%add3A_184] : memref<327680xi32, #tpu.memory_space<hbm>> -> memref<2560xi32, #tpu.memory_space<hbm>>
        %dma_start3A_274 = tpu.memref_slice %arg3[%add3A_184] : memref<327680xi32, #tpu.memory_space<hbm>> -> memref<2560xi32, #tpu.memory_space<hbm>>
        tpu.enqueue_dma source(%dma_start3A_274 : memref<2560xi32, #tpu.memory_space<hbm>>) target(%arg16 : memref<2560xi32, #tpu.memory_space<vmem>>) target_semaphore(%run_scoped3A : memref<!tpu.dma_semaphore, #tpu.memory_space<semaphore_mem>>)
        %dma_wait3A_275 = tpu.memref_slice %arg3[%add3A_184] : memref<327680xi32, #tpu.memory_space<hbm>> -> memref<2560xi32, #tpu.memory_space<hbm>>
        %dma_wait3A_276 = tpu.memref_slice %arg3[%add3A_184] : memref<327680xi32, #tpu.memory_space<hbm>> -> memref<2560xi32, #tpu.memory_space<hbm>>
        tpu.wait_dma2 semaphore(%run_scoped3A : memref<!tpu.dma_semaphore, #tpu.memory_space<semaphore_mem>>) src(%dma_wait3A_276 : memref<2560xi32, #tpu.memory_space<hbm>>) dst(%arg16 : memref<2560xi32, #tpu.memory_space<vmem>>)
        tpu.yield
      }) : () -> ()
      %add3A_185 = arith.constant 7680 : i32
      %add3A_186 = arith.addi %mul3A_9, %add3A_185 : i32
      "tpu.region"() ({
        %run_scoped3A = tpu.sem_alloc : memref<!tpu.dma_semaphore, #tpu.memory_space<semaphore_mem>>
        %dma_start3A_273 = tpu.memref_slice %arg4[%add3A_186] : memref<327680xi32, #tpu.memory_space<hbm>> -> memref<2560xi32, #tpu.memory_space<hbm>>
        %dma_start3A_274 = tpu.memref_slice %arg4[%add3A_186] : memref<327680xi32, #tpu.memory_space<hbm>> -> memref<2560xi32, #tpu.memory_space<hbm>>
        tpu.enqueue_dma source(%dma_start3A_274 : memref<2560xi32, #tpu.memory_space<hbm>>) target(%arg18 : memref<2560xi32, #tpu.memory_space<vmem>>) target_semaphore(%run_scoped3A : memref<!tpu.dma_semaphore, #tpu.memory_space<semaphore_mem>>)
        %dma_wait3A_275 = tpu.memref_slice %arg4[%add3A_186] : memref<327680xi32, #tpu.memory_space<hbm>> -> memref<2560xi32, #tpu.memory_space<hbm>>
        %dma_wait3A_276 = tpu.memref_slice %arg4[%add3A_186] : memref<327680xi32, #tpu.memory_space<hbm>> -> memref<2560xi32, #tpu.memory_space<hbm>>
        tpu.wait_dma2 semaphore(%run_scoped3A : memref<!tpu.dma_semaphore, #tpu.memory_space<semaphore_mem>>) src(%dma_wait3A_276 : memref<2560xi32, #tpu.memory_space<hbm>>) dst(%arg18 : memref<2560xi32, #tpu.memory_space<vmem>>)
        tpu.yield
      }) : () -> ()
      %dma_start3A_187 = arith.constant 0 : i32
      %dma_start3A_188 = arith.constant 0 : i32
      %dma_start3A_189 = tpu.memref_slice %arg9[%dma_start3A_187, %dma_start3A_188] : memref<10240x8xf32, #tpu.memory_space<hbm>> -> memref<10240x8xf32, #tpu.memory_space<hbm>>
      tpu.enqueue_indirect_dma source(%dma_start3A_189 : memref<10240x8xf32, #tpu.memory_space<hbm>>) target(%arg14 : memref<2560x8xf32, #tpu.memory_space<vmem>>) offsets(%arg16 : memref<2560xi32, #tpu.memory_space<vmem>>) semaphore(%arg23 : memref<!tpu.dma_semaphore, #tpu.memory_space<semaphore_mem>>)
      %dma_wait3A_190 = arith.constant 0 : i32
      %dma_wait3A_191 = arith.constant 0 : i32
      %dma_wait3A_192 = tpu.memref_slice %arg9[%dma_wait3A_190, %dma_wait3A_191] : memref<10240x8xf32, #tpu.memory_space<hbm>> -> memref<10240x8xf32, #tpu.memory_space<hbm>>
      tpu.wait_indirect_dma semaphore(%arg22 : memref<!tpu.dma_semaphore, #tpu.memory_space<semaphore_mem>>) src(%dma_wait3A_192 : memref<10240x8xf32, #tpu.memory_space<hbm>>) dst(%arg13 : memref<2560x8xf32, #tpu.memory_space<vmem>>)
      %dma_start3A_193 = arith.constant 0 : i32
      %dma_start3A_194 = arith.constant 0 : i32
      %dma_start3A_195 = tpu.memref_slice %arg12[%dma_start3A_193, %dma_start3A_194] : memref<10240x8xf32, #tpu.memory_space<vmem_shared>> -> memref<10240x8xf32, #tpu.memory_space<vmem_shared>>
      tpu.enqueue_indirect_dma source(%arg13 : memref<2560x8xf32, #tpu.memory_space<vmem>>) target(%dma_start3A_195 : memref<10240x8xf32, #tpu.memory_space<vmem_shared>>) offsets(%arg17 : memref<2560xi32, #tpu.memory_space<vmem>>) semaphore(%arg24 : memref<!tpu.dma_semaphore, #tpu.memory_space<semaphore_mem>>) {add = true}
      %dma_wait3A_196 = arith.constant 0 : i32
      %dma_wait3A_197 = arith.constant 0 : i32
      %dma_wait3A_198 = tpu.memref_slice %arg12[%dma_wait3A_196, %dma_wait3A_197] : memref<10240x8xf32, #tpu.memory_space<vmem_shared>> -> memref<10240x8xf32, #tpu.memory_space<vmem_shared>>
      tpu.wait_indirect_dma semaphore(%arg24 : memref<!tpu.dma_semaphore, #tpu.memory_space<semaphore_mem>>) src(%arg13 : memref<2560x8xf32, #tpu.memory_space<vmem>>) dst(%dma_wait3A_198 : memref<10240x8xf32, #tpu.memory_space<vmem_shared>>)
      %add3A_199 = arith.constant 10240 : i32
      %add3A_200 = arith.addi %mul3A_9, %add3A_199 : i32
      "tpu.region"() ({
        %run_scoped3A = tpu.sem_alloc : memref<!tpu.dma_semaphore, #tpu.memory_space<semaphore_mem>>
        %dma_start3A_273 = tpu.memref_slice %arg3[%add3A_200] : memref<327680xi32, #tpu.memory_space<hbm>> -> memref<2560xi32, #tpu.memory_space<hbm>>
        %dma_start3A_274 = tpu.memref_slice %arg3[%add3A_200] : memref<327680xi32, #tpu.memory_space<hbm>> -> memref<2560xi32, #tpu.memory_space<hbm>>
        tpu.enqueue_dma source(%dma_start3A_274 : memref<2560xi32, #tpu.memory_space<hbm>>) target(%arg15 : memref<2560xi32, #tpu.memory_space<vmem>>) target_semaphore(%run_scoped3A : memref<!tpu.dma_semaphore, #tpu.memory_space<semaphore_mem>>)
        %dma_wait3A_275 = tpu.memref_slice %arg3[%add3A_200] : memref<327680xi32, #tpu.memory_space<hbm>> -> memref<2560xi32, #tpu.memory_space<hbm>>
        %dma_wait3A_276 = tpu.memref_slice %arg3[%add3A_200] : memref<327680xi32, #tpu.memory_space<hbm>> -> memref<2560xi32, #tpu.memory_space<hbm>>
        tpu.wait_dma2 semaphore(%run_scoped3A : memref<!tpu.dma_semaphore, #tpu.memory_space<semaphore_mem>>) src(%dma_wait3A_276 : memref<2560xi32, #tpu.memory_space<hbm>>) dst(%arg15 : memref<2560xi32, #tpu.memory_space<vmem>>)
        tpu.yield
      }) : () -> ()
      %add3A_201 = arith.constant 10240 : i32
      %add3A_202 = arith.addi %mul3A_9, %add3A_201 : i32
      "tpu.region"() ({
        %run_scoped3A = tpu.sem_alloc : memref<!tpu.dma_semaphore, #tpu.memory_space<semaphore_mem>>
        %dma_start3A_273 = tpu.memref_slice %arg4[%add3A_202] : memref<327680xi32, #tpu.memory_space<hbm>> -> memref<2560xi32, #tpu.memory_space<hbm>>
        %dma_start3A_274 = tpu.memref_slice %arg4[%add3A_202] : memref<327680xi32, #tpu.memory_space<hbm>> -> memref<2560xi32, #tpu.memory_space<hbm>>
        tpu.enqueue_dma source(%dma_start3A_274 : memref<2560xi32, #tpu.memory_space<hbm>>) target(%arg17 : memref<2560xi32, #tpu.memory_space<vmem>>) target_semaphore(%run_scoped3A : memref<!tpu.dma_semaphore, #tpu.memory_space<semaphore_mem>>)
        %dma_wait3A_275 = tpu.memref_slice %arg4[%add3A_202] : memref<327680xi32, #tpu.memory_space<hbm>> -> memref<2560xi32, #tpu.memory_space<hbm>>
        %dma_wait3A_276 = tpu.memref_slice %arg4[%add3A_202] : memref<327680xi32, #tpu.memory_space<hbm>> -> memref<2560xi32, #tpu.memory_space<hbm>>
        tpu.wait_dma2 semaphore(%run_scoped3A : memref<!tpu.dma_semaphore, #tpu.memory_space<semaphore_mem>>) src(%dma_wait3A_276 : memref<2560xi32, #tpu.memory_space<hbm>>) dst(%arg17 : memref<2560xi32, #tpu.memory_space<vmem>>)
        tpu.yield
      }) : () -> ()
      %dma_start3A_203 = arith.constant 0 : i32
      %dma_start3A_204 = arith.constant 0 : i32
      %dma_start3A_205 = tpu.memref_slice %arg9[%dma_start3A_203, %dma_start3A_204] : memref<10240x8xf32, #tpu.memory_space<hbm>> -> memref<10240x8xf32, #tpu.memory_space<hbm>>
      tpu.enqueue_indirect_dma source(%dma_start3A_205 : memref<10240x8xf32, #tpu.memory_space<hbm>>) target(%arg13 : memref<2560x8xf32, #tpu.memory_space<vmem>>) offsets(%arg15 : memref<2560xi32, #tpu.memory_space<vmem>>) semaphore(%arg22 : memref<!tpu.dma_semaphore, #tpu.memory_space<semaphore_mem>>)
      %dma_wait3A_206 = arith.constant 0 : i32
      %dma_wait3A_207 = arith.constant 0 : i32
      %dma_wait3A_208 = tpu.memref_slice %arg9[%dma_wait3A_206, %dma_wait3A_207] : memref<10240x8xf32, #tpu.memory_space<hbm>> -> memref<10240x8xf32, #tpu.memory_space<hbm>>
      tpu.wait_indirect_dma semaphore(%arg23 : memref<!tpu.dma_semaphore, #tpu.memory_space<semaphore_mem>>) src(%dma_wait3A_208 : memref<10240x8xf32, #tpu.memory_space<hbm>>) dst(%arg14 : memref<2560x8xf32, #tpu.memory_space<vmem>>)
      %dma_start3A_209 = arith.constant 0 : i32
      %dma_start3A_210 = arith.constant 0 : i32
      %dma_start3A_211 = tpu.memref_slice %arg12[%dma_start3A_209, %dma_start3A_210] : memref<10240x8xf32, #tpu.memory_space<vmem_shared>> -> memref<10240x8xf32, #tpu.memory_space<vmem_shared>>
      tpu.enqueue_indirect_dma source(%arg14 : memref<2560x8xf32, #tpu.memory_space<vmem>>) target(%dma_start3A_211 : memref<10240x8xf32, #tpu.memory_space<vmem_shared>>) offsets(%arg18 : memref<2560xi32, #tpu.memory_space<vmem>>) semaphore(%arg25 : memref<!tpu.dma_semaphore, #tpu.memory_space<semaphore_mem>>) {add = true}
      %dma_wait3A_212 = arith.constant 0 : i32
      %dma_wait3A_213 = arith.constant 0 : i32
      %dma_wait3A_214 = tpu.memref_slice %arg12[%dma_wait3A_212, %dma_wait3A_213] : memref<10240x8xf32, #tpu.memory_space<vmem_shared>> -> memref<10240x8xf32, #tpu.memory_space<vmem_shared>>
      tpu.wait_indirect_dma semaphore(%arg25 : memref<!tpu.dma_semaphore, #tpu.memory_space<semaphore_mem>>) src(%arg14 : memref<2560x8xf32, #tpu.memory_space<vmem>>) dst(%dma_wait3A_214 : memref<10240x8xf32, #tpu.memory_space<vmem_shared>>)
      %add3A_215 = arith.constant 12800 : i32
      %add3A_216 = arith.addi %mul3A_9, %add3A_215 : i32
      "tpu.region"() ({
        %run_scoped3A = tpu.sem_alloc : memref<!tpu.dma_semaphore, #tpu.memory_space<semaphore_mem>>
        %dma_start3A_273 = tpu.memref_slice %arg3[%add3A_216] : memref<327680xi32, #tpu.memory_space<hbm>> -> memref<2560xi32, #tpu.memory_space<hbm>>
        %dma_start3A_274 = tpu.memref_slice %arg3[%add3A_216] : memref<327680xi32, #tpu.memory_space<hbm>> -> memref<2560xi32, #tpu.memory_space<hbm>>
        tpu.enqueue_dma source(%dma_start3A_274 : memref<2560xi32, #tpu.memory_space<hbm>>) target(%arg16 : memref<2560xi32, #tpu.memory_space<vmem>>) target_semaphore(%run_scoped3A : memref<!tpu.dma_semaphore, #tpu.memory_space<semaphore_mem>>)
        %dma_wait3A_275 = tpu.memref_slice %arg3[%add3A_216] : memref<327680xi32, #tpu.memory_space<hbm>> -> memref<2560xi32, #tpu.memory_space<hbm>>
        %dma_wait3A_276 = tpu.memref_slice %arg3[%add3A_216] : memref<327680xi32, #tpu.memory_space<hbm>> -> memref<2560xi32, #tpu.memory_space<hbm>>
        tpu.wait_dma2 semaphore(%run_scoped3A : memref<!tpu.dma_semaphore, #tpu.memory_space<semaphore_mem>>) src(%dma_wait3A_276 : memref<2560xi32, #tpu.memory_space<hbm>>) dst(%arg16 : memref<2560xi32, #tpu.memory_space<vmem>>)
        tpu.yield
      }) : () -> ()
      %add3A_217 = arith.constant 12800 : i32
      %add3A_218 = arith.addi %mul3A_9, %add3A_217 : i32
      "tpu.region"() ({
        %run_scoped3A = tpu.sem_alloc : memref<!tpu.dma_semaphore, #tpu.memory_space<semaphore_mem>>
        %dma_start3A_273 = tpu.memref_slice %arg4[%add3A_218] : memref<327680xi32, #tpu.memory_space<hbm>> -> memref<2560xi32, #tpu.memory_space<hbm>>
        %dma_start3A_274 = tpu.memref_slice %arg4[%add3A_218] : memref<327680xi32, #tpu.memory_space<hbm>> -> memref<2560xi32, #tpu.memory_space<hbm>>
        tpu.enqueue_dma source(%dma_start3A_274 : memref<2560xi32, #tpu.memory_space<hbm>>) target(%arg18 : memref<2560xi32, #tpu.memory_space<vmem>>) target_semaphore(%run_scoped3A : memref<!tpu.dma_semaphore, #tpu.memory_space<semaphore_mem>>)
        %dma_wait3A_275 = tpu.memref_slice %arg4[%add3A_218] : memref<327680xi32, #tpu.memory_space<hbm>> -> memref<2560xi32, #tpu.memory_space<hbm>>
        %dma_wait3A_276 = tpu.memref_slice %arg4[%add3A_218] : memref<327680xi32, #tpu.memory_space<hbm>> -> memref<2560xi32, #tpu.memory_space<hbm>>
        tpu.wait_dma2 semaphore(%run_scoped3A : memref<!tpu.dma_semaphore, #tpu.memory_space<semaphore_mem>>) src(%dma_wait3A_276 : memref<2560xi32, #tpu.memory_space<hbm>>) dst(%arg18 : memref<2560xi32, #tpu.memory_space<vmem>>)
        tpu.yield
      }) : () -> ()
      %dma_start3A_219 = arith.constant 0 : i32
      %dma_start3A_220 = arith.constant 0 : i32
      %dma_start3A_221 = tpu.memref_slice %arg9[%dma_start3A_219, %dma_start3A_220] : memref<10240x8xf32, #tpu.memory_space<hbm>> -> memref<10240x8xf32, #tpu.memory_space<hbm>>
      tpu.enqueue_indirect_dma source(%dma_start3A_221 : memref<10240x8xf32, #tpu.memory_space<hbm>>) target(%arg14 : memref<2560x8xf32, #tpu.memory_space<vmem>>) offsets(%arg16 : memref<2560xi32, #tpu.memory_space<vmem>>) semaphore(%arg23 : memref<!tpu.dma_semaphore, #tpu.memory_space<semaphore_mem>>)
      %dma_wait3A_222 = arith.constant 0 : i32
      %dma_wait3A_223 = arith.constant 0 : i32
      %dma_wait3A_224 = tpu.memref_slice %arg9[%dma_wait3A_222, %dma_wait3A_223] : memref<10240x8xf32, #tpu.memory_space<hbm>> -> memref<10240x8xf32, #tpu.memory_space<hbm>>
      tpu.wait_indirect_dma semaphore(%arg22 : memref<!tpu.dma_semaphore, #tpu.memory_space<semaphore_mem>>) src(%dma_wait3A_224 : memref<10240x8xf32, #tpu.memory_space<hbm>>) dst(%arg13 : memref<2560x8xf32, #tpu.memory_space<vmem>>)
      %dma_start3A_225 = arith.constant 0 : i32
      %dma_start3A_226 = arith.constant 0 : i32
      %dma_start3A_227 = tpu.memref_slice %arg12[%dma_start3A_225, %dma_start3A_226] : memref<10240x8xf32, #tpu.memory_space<vmem_shared>> -> memref<10240x8xf32, #tpu.memory_space<vmem_shared>>
      tpu.enqueue_indirect_dma source(%arg13 : memref<2560x8xf32, #tpu.memory_space<vmem>>) target(%dma_start3A_227 : memref<10240x8xf32, #tpu.memory_space<vmem_shared>>) offsets(%arg17 : memref<2560xi32, #tpu.memory_space<vmem>>) semaphore(%arg24 : memref<!tpu.dma_semaphore, #tpu.memory_space<semaphore_mem>>) {add = true}
      %dma_wait3A_228 = arith.constant 0 : i32
      %dma_wait3A_229 = arith.constant 0 : i32
      %dma_wait3A_230 = tpu.memref_slice %arg12[%dma_wait3A_228, %dma_wait3A_229] : memref<10240x8xf32, #tpu.memory_space<vmem_shared>> -> memref<10240x8xf32, #tpu.memory_space<vmem_shared>>
      tpu.wait_indirect_dma semaphore(%arg24 : memref<!tpu.dma_semaphore, #tpu.memory_space<semaphore_mem>>) src(%arg13 : memref<2560x8xf32, #tpu.memory_space<vmem>>) dst(%dma_wait3A_230 : memref<10240x8xf32, #tpu.memory_space<vmem_shared>>)
      %add3A_231 = arith.constant 15360 : i32
      %add3A_232 = arith.addi %mul3A_9, %add3A_231 : i32
      "tpu.region"() ({
        %run_scoped3A = tpu.sem_alloc : memref<!tpu.dma_semaphore, #tpu.memory_space<semaphore_mem>>
        %dma_start3A_273 = tpu.memref_slice %arg3[%add3A_232] : memref<327680xi32, #tpu.memory_space<hbm>> -> memref<2560xi32, #tpu.memory_space<hbm>>
        %dma_start3A_274 = tpu.memref_slice %arg3[%add3A_232] : memref<327680xi32, #tpu.memory_space<hbm>> -> memref<2560xi32, #tpu.memory_space<hbm>>
        tpu.enqueue_dma source(%dma_start3A_274 : memref<2560xi32, #tpu.memory_space<hbm>>) target(%arg15 : memref<2560xi32, #tpu.memory_space<vmem>>) target_semaphore(%run_scoped3A : memref<!tpu.dma_semaphore, #tpu.memory_space<semaphore_mem>>)
        %dma_wait3A_275 = tpu.memref_slice %arg3[%add3A_232] : memref<327680xi32, #tpu.memory_space<hbm>> -> memref<2560xi32, #tpu.memory_space<hbm>>
        %dma_wait3A_276 = tpu.memref_slice %arg3[%add3A_232] : memref<327680xi32, #tpu.memory_space<hbm>> -> memref<2560xi32, #tpu.memory_space<hbm>>
        tpu.wait_dma2 semaphore(%run_scoped3A : memref<!tpu.dma_semaphore, #tpu.memory_space<semaphore_mem>>) src(%dma_wait3A_276 : memref<2560xi32, #tpu.memory_space<hbm>>) dst(%arg15 : memref<2560xi32, #tpu.memory_space<vmem>>)
        tpu.yield
      }) : () -> ()
      %add3A_233 = arith.constant 15360 : i32
      %add3A_234 = arith.addi %mul3A_9, %add3A_233 : i32
      "tpu.region"() ({
        %run_scoped3A = tpu.sem_alloc : memref<!tpu.dma_semaphore, #tpu.memory_space<semaphore_mem>>
        %dma_start3A_273 = tpu.memref_slice %arg4[%add3A_234] : memref<327680xi32, #tpu.memory_space<hbm>> -> memref<2560xi32, #tpu.memory_space<hbm>>
        %dma_start3A_274 = tpu.memref_slice %arg4[%add3A_234] : memref<327680xi32, #tpu.memory_space<hbm>> -> memref<2560xi32, #tpu.memory_space<hbm>>
        tpu.enqueue_dma source(%dma_start3A_274 : memref<2560xi32, #tpu.memory_space<hbm>>) target(%arg17 : memref<2560xi32, #tpu.memory_space<vmem>>) target_semaphore(%run_scoped3A : memref<!tpu.dma_semaphore, #tpu.memory_space<semaphore_mem>>)
        %dma_wait3A_275 = tpu.memref_slice %arg4[%add3A_234] : memref<327680xi32, #tpu.memory_space<hbm>> -> memref<2560xi32, #tpu.memory_space<hbm>>
        %dma_wait3A_276 = tpu.memref_slice %arg4[%add3A_234] : memref<327680xi32, #tpu.memory_space<hbm>> -> memref<2560xi32, #tpu.memory_space<hbm>>
        tpu.wait_dma2 semaphore(%run_scoped3A : memref<!tpu.dma_semaphore, #tpu.memory_space<semaphore_mem>>) src(%dma_wait3A_276 : memref<2560xi32, #tpu.memory_space<hbm>>) dst(%arg17 : memref<2560xi32, #tpu.memory_space<vmem>>)
        tpu.yield
      }) : () -> ()
      %dma_start3A_235 = arith.constant 0 : i32
      %dma_start3A_236 = arith.constant 0 : i32
      %dma_start3A_237 = tpu.memref_slice %arg9[%dma_start3A_235, %dma_start3A_236] : memref<10240x8xf32, #tpu.memory_space<hbm>> -> memref<10240x8xf32, #tpu.memory_space<hbm>>
      tpu.enqueue_indirect_dma source(%dma_start3A_237 : memref<10240x8xf32, #tpu.memory_space<hbm>>) target(%arg13 : memref<2560x8xf32, #tpu.memory_space<vmem>>) offsets(%arg15 : memref<2560xi32, #tpu.memory_space<vmem>>) semaphore(%arg22 : memref<!tpu.dma_semaphore, #tpu.memory_space<semaphore_mem>>)
      %dma_wait3A_238 = arith.constant 0 : i32
      %dma_wait3A_239 = arith.constant 0 : i32
      %dma_wait3A_240 = tpu.memref_slice %arg9[%dma_wait3A_238, %dma_wait3A_239] : memref<10240x8xf32, #tpu.memory_space<hbm>> -> memref<10240x8xf32, #tpu.memory_space<hbm>>
      tpu.wait_indirect_dma semaphore(%arg23 : memref<!tpu.dma_semaphore, #tpu.memory_space<semaphore_mem>>) src(%dma_wait3A_240 : memref<10240x8xf32, #tpu.memory_space<hbm>>) dst(%arg14 : memref<2560x8xf32, #tpu.memory_space<vmem>>)
      %dma_start3A_241 = arith.constant 0 : i32
      %dma_start3A_242 = arith.constant 0 : i32
      %dma_start3A_243 = tpu.memref_slice %arg12[%dma_start3A_241, %dma_start3A_242] : memref<10240x8xf32, #tpu.memory_space<vmem_shared>> -> memref<10240x8xf32, #tpu.memory_space<vmem_shared>>
      tpu.enqueue_indirect_dma source(%arg14 : memref<2560x8xf32, #tpu.memory_space<vmem>>) target(%dma_start3A_243 : memref<10240x8xf32, #tpu.memory_space<vmem_shared>>) offsets(%arg18 : memref<2560xi32, #tpu.memory_space<vmem>>) semaphore(%arg25 : memref<!tpu.dma_semaphore, #tpu.memory_space<semaphore_mem>>) {add = true}
      %dma_wait3A_244 = arith.constant 0 : i32
      %dma_wait3A_245 = arith.constant 0 : i32
      %dma_wait3A_246 = tpu.memref_slice %arg12[%dma_wait3A_244, %dma_wait3A_245] : memref<10240x8xf32, #tpu.memory_space<vmem_shared>> -> memref<10240x8xf32, #tpu.memory_space<vmem_shared>>
      tpu.wait_indirect_dma semaphore(%arg25 : memref<!tpu.dma_semaphore, #tpu.memory_space<semaphore_mem>>) src(%arg14 : memref<2560x8xf32, #tpu.memory_space<vmem>>) dst(%dma_wait3A_246 : memref<10240x8xf32, #tpu.memory_space<vmem_shared>>)
      %add3A_247 = arith.constant 17920 : i32
      %add3A_248 = arith.addi %mul3A_9, %add3A_247 : i32
      "tpu.region"() ({
        %run_scoped3A = tpu.sem_alloc : memref<!tpu.dma_semaphore, #tpu.memory_space<semaphore_mem>>
        %dma_start3A_273 = tpu.memref_slice %arg3[%add3A_248] : memref<327680xi32, #tpu.memory_space<hbm>> -> memref<2560xi32, #tpu.memory_space<hbm>>
        %dma_start3A_274 = tpu.memref_slice %arg3[%add3A_248] : memref<327680xi32, #tpu.memory_space<hbm>> -> memref<2560xi32, #tpu.memory_space<hbm>>
        tpu.enqueue_dma source(%dma_start3A_274 : memref<2560xi32, #tpu.memory_space<hbm>>) target(%arg16 : memref<2560xi32, #tpu.memory_space<vmem>>) target_semaphore(%run_scoped3A : memref<!tpu.dma_semaphore, #tpu.memory_space<semaphore_mem>>)
        %dma_wait3A_275 = tpu.memref_slice %arg3[%add3A_248] : memref<327680xi32, #tpu.memory_space<hbm>> -> memref<2560xi32, #tpu.memory_space<hbm>>
        %dma_wait3A_276 = tpu.memref_slice %arg3[%add3A_248] : memref<327680xi32, #tpu.memory_space<hbm>> -> memref<2560xi32, #tpu.memory_space<hbm>>
        tpu.wait_dma2 semaphore(%run_scoped3A : memref<!tpu.dma_semaphore, #tpu.memory_space<semaphore_mem>>) src(%dma_wait3A_276 : memref<2560xi32, #tpu.memory_space<hbm>>) dst(%arg16 : memref<2560xi32, #tpu.memory_space<vmem>>)
        tpu.yield
      }) : () -> ()
      %add3A_249 = arith.constant 17920 : i32
      %add3A_250 = arith.addi %mul3A_9, %add3A_249 : i32
      "tpu.region"() ({
        %run_scoped3A = tpu.sem_alloc : memref<!tpu.dma_semaphore, #tpu.memory_space<semaphore_mem>>
        %dma_start3A_273 = tpu.memref_slice %arg4[%add3A_250] : memref<327680xi32, #tpu.memory_space<hbm>> -> memref<2560xi32, #tpu.memory_space<hbm>>
        %dma_start3A_274 = tpu.memref_slice %arg4[%add3A_250] : memref<327680xi32, #tpu.memory_space<hbm>> -> memref<2560xi32, #tpu.memory_space<hbm>>
        tpu.enqueue_dma source(%dma_start3A_274 : memref<2560xi32, #tpu.memory_space<hbm>>) target(%arg18 : memref<2560xi32, #tpu.memory_space<vmem>>) target_semaphore(%run_scoped3A : memref<!tpu.dma_semaphore, #tpu.memory_space<semaphore_mem>>)
        %dma_wait3A_275 = tpu.memref_slice %arg4[%add3A_250] : memref<327680xi32, #tpu.memory_space<hbm>> -> memref<2560xi32, #tpu.memory_space<hbm>>
        %dma_wait3A_276 = tpu.memref_slice %arg4[%add3A_250] : memref<327680xi32, #tpu.memory_space<hbm>> -> memref<2560xi32, #tpu.memory_space<hbm>>
        tpu.wait_dma2 semaphore(%run_scoped3A : memref<!tpu.dma_semaphore, #tpu.memory_space<semaphore_mem>>) src(%dma_wait3A_276 : memref<2560xi32, #tpu.memory_space<hbm>>) dst(%arg18 : memref<2560xi32, #tpu.memory_space<vmem>>)
        tpu.yield
      }) : () -> ()
      %dma_start3A_251 = arith.constant 0 : i32
      %dma_start3A_252 = arith.constant 0 : i32
      %dma_start3A_253 = tpu.memref_slice %arg9[%dma_start3A_251, %dma_start3A_252] : memref<10240x8xf32, #tpu.memory_space<hbm>> -> memref<10240x8xf32, #tpu.memory_space<hbm>>
      tpu.enqueue_indirect_dma source(%dma_start3A_253 : memref<10240x8xf32, #tpu.memory_space<hbm>>) target(%arg14 : memref<2560x8xf32, #tpu.memory_space<vmem>>) offsets(%arg16 : memref<2560xi32, #tpu.memory_space<vmem>>) semaphore(%arg23 : memref<!tpu.dma_semaphore, #tpu.memory_space<semaphore_mem>>)
      %dma_wait3A_254 = arith.constant 0 : i32
      %dma_wait3A_255 = arith.constant 0 : i32
      %dma_wait3A_256 = tpu.memref_slice %arg9[%dma_wait3A_254, %dma_wait3A_255] : memref<10240x8xf32, #tpu.memory_space<hbm>> -> memref<10240x8xf32, #tpu.memory_space<hbm>>
      tpu.wait_indirect_dma semaphore(%arg22 : memref<!tpu.dma_semaphore, #tpu.memory_space<semaphore_mem>>) src(%dma_wait3A_256 : memref<10240x8xf32, #tpu.memory_space<hbm>>) dst(%arg13 : memref<2560x8xf32, #tpu.memory_space<vmem>>)
      %dma_start3A_257 = arith.constant 0 : i32
      %dma_start3A_258 = arith.constant 0 : i32
      %dma_start3A_259 = tpu.memref_slice %arg12[%dma_start3A_257, %dma_start3A_258] : memref<10240x8xf32, #tpu.memory_space<vmem_shared>> -> memref<10240x8xf32, #tpu.memory_space<vmem_shared>>
      tpu.enqueue_indirect_dma source(%arg13 : memref<2560x8xf32, #tpu.memory_space<vmem>>) target(%dma_start3A_259 : memref<10240x8xf32, #tpu.memory_space<vmem_shared>>) offsets(%arg17 : memref<2560xi32, #tpu.memory_space<vmem>>) semaphore(%arg24 : memref<!tpu.dma_semaphore, #tpu.memory_space<semaphore_mem>>) {add = true}
      %dma_wait3A_260 = arith.constant 0 : i32
      %dma_wait3A_261 = arith.constant 0 : i32
      %dma_wait3A_262 = tpu.memref_slice %arg9[%dma_wait3A_260, %dma_wait3A_261] : memref<10240x8xf32, #tpu.memory_space<hbm>> -> memref<10240x8xf32, #tpu.memory_space<hbm>>
      tpu.wait_indirect_dma semaphore(%arg23 : memref<!tpu.dma_semaphore, #tpu.memory_space<semaphore_mem>>) src(%dma_wait3A_262 : memref<10240x8xf32, #tpu.memory_space<hbm>>) dst(%arg14 : memref<2560x8xf32, #tpu.memory_space<vmem>>)
      %dma_start3A_263 = arith.constant 0 : i32
      %dma_start3A_264 = arith.constant 0 : i32
      %dma_start3A_265 = tpu.memref_slice %arg12[%dma_start3A_263, %dma_start3A_264] : memref<10240x8xf32, #tpu.memory_space<vmem_shared>> -> memref<10240x8xf32, #tpu.memory_space<vmem_shared>>
      tpu.enqueue_indirect_dma source(%arg14 : memref<2560x8xf32, #tpu.memory_space<vmem>>) target(%dma_start3A_265 : memref<10240x8xf32, #tpu.memory_space<vmem_shared>>) offsets(%arg18 : memref<2560xi32, #tpu.memory_space<vmem>>) semaphore(%arg25 : memref<!tpu.dma_semaphore, #tpu.memory_space<semaphore_mem>>) {add = true}
      %dma_wait3A_266 = arith.constant 0 : i32
      %dma_wait3A_267 = arith.constant 0 : i32
      %dma_wait3A_268 = tpu.memref_slice %arg12[%dma_wait3A_266, %dma_wait3A_267] : memref<10240x8xf32, #tpu.memory_space<vmem_shared>> -> memref<10240x8xf32, #tpu.memory_space<vmem_shared>>
      tpu.wait_indirect_dma semaphore(%arg24 : memref<!tpu.dma_semaphore, #tpu.memory_space<semaphore_mem>>) src(%arg13 : memref<2560x8xf32, #tpu.memory_space<vmem>>) dst(%dma_wait3A_268 : memref<10240x8xf32, #tpu.memory_space<vmem_shared>>)
      %dma_wait3A_269 = arith.constant 0 : i32
      %dma_wait3A_270 = arith.constant 0 : i32
      %dma_wait3A_271 = tpu.memref_slice %arg12[%dma_wait3A_269, %dma_wait3A_270] : memref<10240x8xf32, #tpu.memory_space<vmem_shared>> -> memref<10240x8xf32, #tpu.memory_space<vmem_shared>>
      tpu.wait_indirect_dma semaphore(%arg25 : memref<!tpu.dma_semaphore, #tpu.memory_space<semaphore_mem>>) src(%arg14 : memref<2560x8xf32, #tpu.memory_space<vmem>>) dst(%dma_wait3A_271 : memref<10240x8xf32, #tpu.memory_space<vmem_shared>>)
      %barrier3A_272 = arith.constant 0 : index
      tpu.barrier barrier_id(%barrier3A_272)
      "tpu.region"() ({
        %run_scoped3A = tpu.sem_alloc : memref<!tpu.dma_semaphore, #tpu.memory_space<semaphore_mem>>
        %dma_start3A_273 = arith.constant 0 : i32
        %dma_start3A_274 = tpu.memref_slice %arg12[%mul3A_7, %dma_start3A_273] : memref<10240x8xf32, #tpu.memory_space<vmem_shared>> -> memref<640x8xf32, #tpu.memory_space<vmem_shared>>
        %dma_start3A_275 = arith.constant 0 : i32
        %dma_start3A_276 = tpu.memref_slice %arg12[%mul3A_7, %dma_start3A_275] : memref<10240x8xf32, #tpu.memory_space<vmem_shared>> -> memref<640x8xf32, #tpu.memory_space<vmem_shared>>
        tpu.enqueue_dma source(%dma_start3A_276 : memref<640x8xf32, #tpu.memory_space<vmem_shared>>) target(%arg19 : memref<640x8xf32, #tpu.memory_space<vmem>>) target_semaphore(%run_scoped3A : memref<!tpu.dma_semaphore, #tpu.memory_space<semaphore_mem>>)
        %dma_wait3A_277 = arith.constant 0 : i32
        %dma_wait3A_278 = tpu.memref_slice %arg12[%mul3A_7, %dma_wait3A_277] : memref<10240x8xf32, #tpu.memory_space<vmem_shared>> -> memref<640x8xf32, #tpu.memory_space<vmem_shared>>
        %dma_wait3A_279 = arith.constant 0 : i32
        %dma_wait3A_280 = tpu.memref_slice %arg12[%mul3A_7, %dma_wait3A_279] : memref<10240x8xf32, #tpu.memory_space<vmem_shared>> -> memref<640x8xf32, #tpu.memory_space<vmem_shared>>
        tpu.wait_dma2 semaphore(%run_scoped3A : memref<!tpu.dma_semaphore, #tpu.memory_space<semaphore_mem>>) src(%dma_wait3A_280 : memref<640x8xf32, #tpu.memory_space<vmem_shared>>) dst(%arg19 : memref<640x8xf32, #tpu.memory_space<vmem>>)
        tpu.yield
      }) : () -> ()
      "tpu.region"() ({
        %run_scoped3A = tpu.sem_alloc : memref<!tpu.dma_semaphore, #tpu.memory_space<semaphore_mem>>
        %dma_start3A_273 = arith.constant 0 : i32
        %dma_start3A_274 = tpu.memref_slice %arg6[%mul3A_7, %dma_start3A_273] : memref<10240x8xf32, #tpu.memory_space<hbm>> -> memref<640x8xf32, #tpu.memory_space<hbm>>
        %dma_start3A_275 = arith.constant 0 : i32
        %dma_start3A_276 = tpu.memref_slice %arg6[%mul3A_7, %dma_start3A_275] : memref<10240x8xf32, #tpu.memory_space<hbm>> -> memref<640x8xf32, #tpu.memory_space<hbm>>
        tpu.enqueue_dma source(%arg19 : memref<640x8xf32, #tpu.memory_space<vmem>>) target(%dma_start3A_276 : memref<640x8xf32, #tpu.memory_space<hbm>>) target_semaphore(%run_scoped3A : memref<!tpu.dma_semaphore, #tpu.memory_space<semaphore_mem>>)
        %dma_wait3A_277 = arith.constant 0 : i32
        %dma_wait3A_278 = tpu.memref_slice %arg6[%mul3A_7, %dma_wait3A_277] : memref<10240x8xf32, #tpu.memory_space<hbm>> -> memref<640x8xf32, #tpu.memory_space<hbm>>
        %dma_wait3A_279 = arith.constant 0 : i32
        %dma_wait3A_280 = tpu.memref_slice %arg6[%mul3A_7, %dma_wait3A_279] : memref<10240x8xf32, #tpu.memory_space<hbm>> -> memref<640x8xf32, #tpu.memory_space<hbm>>
        tpu.wait_dma2 semaphore(%run_scoped3A : memref<!tpu.dma_semaphore, #tpu.memory_space<semaphore_mem>>) src(%arg19 : memref<640x8xf32, #tpu.memory_space<vmem>>) dst(%dma_wait3A_280 : memref<640x8xf32, #tpu.memory_space<hbm>>)
        tpu.yield
      }) : () -> ()
    } else {
    }
    %eq3A_2 = arith.constant 1 : i32
    %eq3A_3 = arith.cmpi eq, %arg0, %eq3A_2 : i32
    %convert_element_type3A_4 = arith.extui %eq3A_3 : i1 to i32
    %cond3A_5 = arith.constant 0 : i32
    %cond3A_6 = arith.cmpi ne, %convert_element_type3A_4, %cond3A_5 : i32
    scf.if %cond3A_6 {
      %iota3A = tpu.iota {dimensions = array<i32: 0>} : vector<16xi32>
      %mul3A = arith.constant 640 : i32
      %mul3A_7 = arith.muli %arg1, %mul3A : i32
      %mul3A_8 = arith.constant 20480 : i32
      %mul3A_9 = arith.muli %arg1, %mul3A_8 : i32
      "tpu.region"() ({
        %run_scoped3A = tpu.sem_alloc : memref<!tpu.dma_semaphore, #tpu.memory_space<semaphore_mem>>
        %dma_start3A_273 = arith.constant 9600 : i32
        %dma_start3A_274 = arith.constant 0 : i32
        %dma_start3A_275 = tpu.memref_slice %arg2[%dma_start3A_273, %dma_start3A_274] : memref<10240x8xf32, #tpu.memory_space<hbm>> -> memref<640x8xf32, #tpu.memory_space<hbm>>
        %dma_start3A_276 = arith.constant 9600 : i32
        %dma_start3A_277 = arith.constant 0 : i32
        %dma_start3A_278 = tpu.memref_slice %arg2[%dma_start3A_276, %dma_start3A_277] : memref<10240x8xf32, #tpu.memory_space<hbm>> -> memref<640x8xf32, #tpu.memory_space<hbm>>
        tpu.enqueue_dma source(%dma_start3A_278 : memref<640x8xf32, #tpu.memory_space<hbm>>) target(%arg21 : memref<640x8xf32, #tpu.memory_space<vmem>>) target_semaphore(%run_scoped3A : memref<!tpu.dma_semaphore, #tpu.memory_space<semaphore_mem>>)
        %dma_wait3A_279 = arith.constant 9600 : i32
        %dma_wait3A_280 = arith.constant 0 : i32
        %dma_wait3A_281 = tpu.memref_slice %arg2[%dma_wait3A_279, %dma_wait3A_280] : memref<10240x8xf32, #tpu.memory_space<hbm>> -> memref<640x8xf32, #tpu.memory_space<hbm>>
        %dma_wait3A_282 = arith.constant 9600 : i32
        %dma_wait3A_283 = arith.constant 0 : i32
        %dma_wait3A_284 = tpu.memref_slice %arg2[%dma_wait3A_282, %dma_wait3A_283] : memref<10240x8xf32, #tpu.memory_space<hbm>> -> memref<640x8xf32, #tpu.memory_space<hbm>>
        tpu.wait_dma2 semaphore(%run_scoped3A : memref<!tpu.dma_semaphore, #tpu.memory_space<semaphore_mem>>) src(%dma_wait3A_284 : memref<640x8xf32, #tpu.memory_space<hbm>>) dst(%arg21 : memref<640x8xf32, #tpu.memory_space<vmem>>)
        tpu.yield
      }) : () -> ()
      "tpu.region"() ({
        %run_scoped3A = tpu.sem_alloc : memref<!tpu.dma_semaphore, #tpu.memory_space<semaphore_mem>>
        %dma_start3A_273 = arith.constant 0 : i32
        %dma_start3A_274 = tpu.memref_slice %arg11[%mul3A_7, %dma_start3A_273] : memref<10240x8xf32, #tpu.memory_space<vmem_shared>> -> memref<640x8xf32, #tpu.memory_space<vmem_shared>>
        %dma_start3A_275 = arith.constant 0 : i32
        %dma_start3A_276 = tpu.memref_slice %arg11[%mul3A_7, %dma_start3A_275] : memref<10240x8xf32, #tpu.memory_space<vmem_shared>> -> memref<640x8xf32, #tpu.memory_space<vmem_shared>>
        tpu.enqueue_dma source(%arg21 : memref<640x8xf32, #tpu.memory_space<vmem>>) target(%dma_start3A_276 : memref<640x8xf32, #tpu.memory_space<vmem_shared>>) target_semaphore(%run_scoped3A : memref<!tpu.dma_semaphore, #tpu.memory_space<semaphore_mem>>)
        %dma_wait3A_277 = arith.constant 0 : i32
        %dma_wait3A_278 = tpu.memref_slice %arg11[%mul3A_7, %dma_wait3A_277] : memref<10240x8xf32, #tpu.memory_space<vmem_shared>> -> memref<640x8xf32, #tpu.memory_space<vmem_shared>>
        %dma_wait3A_279 = arith.constant 0 : i32
        %dma_wait3A_280 = tpu.memref_slice %arg11[%mul3A_7, %dma_wait3A_279] : memref<10240x8xf32, #tpu.memory_space<vmem_shared>> -> memref<640x8xf32, #tpu.memory_space<vmem_shared>>
        tpu.wait_dma2 semaphore(%run_scoped3A : memref<!tpu.dma_semaphore, #tpu.memory_space<semaphore_mem>>) src(%arg21 : memref<640x8xf32, #tpu.memory_space<vmem>>) dst(%dma_wait3A_280 : memref<640x8xf32, #tpu.memory_space<vmem_shared>>)
        tpu.yield
      }) : () -> ()
      "tpu.region"() ({
        %run_scoped3A = tpu.sem_alloc : memref<!tpu.dma_semaphore, #tpu.memory_space<semaphore_mem>>
        %dma_start3A_273 = arith.constant 0 : i32
        %dma_start3A_274 = tpu.memref_slice %arg12[%mul3A_7, %dma_start3A_273] : memref<10240x8xf32, #tpu.memory_space<vmem_shared>> -> memref<640x8xf32, #tpu.memory_space<vmem_shared>>
        %dma_start3A_275 = arith.constant 0 : i32
        %dma_start3A_276 = tpu.memref_slice %arg12[%mul3A_7, %dma_start3A_275] : memref<10240x8xf32, #tpu.memory_space<vmem_shared>> -> memref<640x8xf32, #tpu.memory_space<vmem_shared>>
        tpu.enqueue_dma source(%arg21 : memref<640x8xf32, #tpu.memory_space<vmem>>) target(%dma_start3A_276 : memref<640x8xf32, #tpu.memory_space<vmem_shared>>) target_semaphore(%run_scoped3A : memref<!tpu.dma_semaphore, #tpu.memory_space<semaphore_mem>>)
        %dma_wait3A_277 = arith.constant 0 : i32
        %dma_wait3A_278 = tpu.memref_slice %arg12[%mul3A_7, %dma_wait3A_277] : memref<10240x8xf32, #tpu.memory_space<vmem_shared>> -> memref<640x8xf32, #tpu.memory_space<vmem_shared>>
        %dma_wait3A_279 = arith.constant 0 : i32
        %dma_wait3A_280 = tpu.memref_slice %arg12[%mul3A_7, %dma_wait3A_279] : memref<10240x8xf32, #tpu.memory_space<vmem_shared>> -> memref<640x8xf32, #tpu.memory_space<vmem_shared>>
        tpu.wait_dma2 semaphore(%run_scoped3A : memref<!tpu.dma_semaphore, #tpu.memory_space<semaphore_mem>>) src(%arg21 : memref<640x8xf32, #tpu.memory_space<vmem>>) dst(%dma_wait3A_280 : memref<640x8xf32, #tpu.memory_space<vmem_shared>>)
        tpu.yield
      }) : () -> ()
      %barrier3A = arith.constant 0 : index
      tpu.barrier barrier_id(%barrier3A)
      %add3A = arith.constant 0 : i32
      %add3A_10 = arith.addi %mul3A_9, %add3A : i32
      "tpu.region"() ({
        %run_scoped3A = tpu.sem_alloc : memref<!tpu.dma_semaphore, #tpu.memory_space<semaphore_mem>>
        %dma_start3A_273 = tpu.memref_slice %arg4[%add3A_10] : memref<327680xi32, #tpu.memory_space<hbm>> -> memref<2560xi32, #tpu.memory_space<hbm>>
        %dma_start3A_274 = tpu.memref_slice %arg4[%add3A_10] : memref<327680xi32, #tpu.memory_space<hbm>> -> memref<2560xi32, #tpu.memory_space<hbm>>
        tpu.enqueue_dma source(%dma_start3A_274 : memref<2560xi32, #tpu.memory_space<hbm>>) target(%arg15 : memref<2560xi32, #tpu.memory_space<vmem>>) target_semaphore(%run_scoped3A : memref<!tpu.dma_semaphore, #tpu.memory_space<semaphore_mem>>)
        %dma_wait3A_275 = tpu.memref_slice %arg4[%add3A_10] : memref<327680xi32, #tpu.memory_space<hbm>> -> memref<2560xi32, #tpu.memory_space<hbm>>
        %dma_wait3A_276 = tpu.memref_slice %arg4[%add3A_10] : memref<327680xi32, #tpu.memory_space<hbm>> -> memref<2560xi32, #tpu.memory_space<hbm>>
        tpu.wait_dma2 semaphore(%run_scoped3A : memref<!tpu.dma_semaphore, #tpu.memory_space<semaphore_mem>>) src(%dma_wait3A_276 : memref<2560xi32, #tpu.memory_space<hbm>>) dst(%arg15 : memref<2560xi32, #tpu.memory_space<vmem>>)
        tpu.yield
      }) : () -> ()
      %add3A_11 = arith.constant 0 : i32
      %add3A_12 = arith.addi %mul3A_9, %add3A_11 : i32
      "tpu.region"() ({
        %run_scoped3A = tpu.sem_alloc : memref<!tpu.dma_semaphore, #tpu.memory_space<semaphore_mem>>
        %dma_start3A_273 = tpu.memref_slice %arg3[%add3A_12] : memref<327680xi32, #tpu.memory_space<hbm>> -> memref<2560xi32, #tpu.memory_space<hbm>>
        %dma_start3A_274 = tpu.memref_slice %arg3[%add3A_12] : memref<327680xi32, #tpu.memory_space<hbm>> -> memref<2560xi32, #tpu.memory_space<hbm>>
        tpu.enqueue_dma source(%dma_start3A_274 : memref<2560xi32, #tpu.memory_space<hbm>>) target(%arg17 : memref<2560xi32, #tpu.memory_space<vmem>>) target_semaphore(%run_scoped3A : memref<!tpu.dma_semaphore, #tpu.memory_space<semaphore_mem>>)
        %dma_wait3A_275 = tpu.memref_slice %arg3[%add3A_12] : memref<327680xi32, #tpu.memory_space<hbm>> -> memref<2560xi32, #tpu.memory_space<hbm>>
        %dma_wait3A_276 = tpu.memref_slice %arg3[%add3A_12] : memref<327680xi32, #tpu.memory_space<hbm>> -> memref<2560xi32, #tpu.memory_space<hbm>>
        tpu.wait_dma2 semaphore(%run_scoped3A : memref<!tpu.dma_semaphore, #tpu.memory_space<semaphore_mem>>) src(%dma_wait3A_276 : memref<2560xi32, #tpu.memory_space<hbm>>) dst(%arg17 : memref<2560xi32, #tpu.memory_space<vmem>>)
        tpu.yield
      }) : () -> ()
      %dma_start3A = arith.constant 0 : i32
      %dma_start3A_13 = arith.constant 0 : i32
      %dma_start3A_14 = tpu.memref_slice %arg2[%dma_start3A, %dma_start3A_13] : memref<10240x8xf32, #tpu.memory_space<hbm>> -> memref<10240x8xf32, #tpu.memory_space<hbm>>
      tpu.enqueue_indirect_dma source(%dma_start3A_14 : memref<10240x8xf32, #tpu.memory_space<hbm>>) target(%arg13 : memref<2560x8xf32, #tpu.memory_space<vmem>>) offsets(%arg15 : memref<2560xi32, #tpu.memory_space<vmem>>) semaphore(%arg22 : memref<!tpu.dma_semaphore, #tpu.memory_space<semaphore_mem>>)
      %add3A_15 = arith.constant 2560 : i32
      %add3A_16 = arith.addi %mul3A_9, %add3A_15 : i32
      "tpu.region"() ({
        %run_scoped3A = tpu.sem_alloc : memref<!tpu.dma_semaphore, #tpu.memory_space<semaphore_mem>>
        %dma_start3A_273 = tpu.memref_slice %arg4[%add3A_16] : memref<327680xi32, #tpu.memory_space<hbm>> -> memref<2560xi32, #tpu.memory_space<hbm>>
        %dma_start3A_274 = tpu.memref_slice %arg4[%add3A_16] : memref<327680xi32, #tpu.memory_space<hbm>> -> memref<2560xi32, #tpu.memory_space<hbm>>
        tpu.enqueue_dma source(%dma_start3A_274 : memref<2560xi32, #tpu.memory_space<hbm>>) target(%arg16 : memref<2560xi32, #tpu.memory_space<vmem>>) target_semaphore(%run_scoped3A : memref<!tpu.dma_semaphore, #tpu.memory_space<semaphore_mem>>)
        %dma_wait3A_275 = tpu.memref_slice %arg4[%add3A_16] : memref<327680xi32, #tpu.memory_space<hbm>> -> memref<2560xi32, #tpu.memory_space<hbm>>
        %dma_wait3A_276 = tpu.memref_slice %arg4[%add3A_16] : memref<327680xi32, #tpu.memory_space<hbm>> -> memref<2560xi32, #tpu.memory_space<hbm>>
        tpu.wait_dma2 semaphore(%run_scoped3A : memref<!tpu.dma_semaphore, #tpu.memory_space<semaphore_mem>>) src(%dma_wait3A_276 : memref<2560xi32, #tpu.memory_space<hbm>>) dst(%arg16 : memref<2560xi32, #tpu.memory_space<vmem>>)
        tpu.yield
      }) : () -> ()
      %add3A_17 = arith.constant 2560 : i32
      %add3A_18 = arith.addi %mul3A_9, %add3A_17 : i32
      "tpu.region"() ({
        %run_scoped3A = tpu.sem_alloc : memref<!tpu.dma_semaphore, #tpu.memory_space<semaphore_mem>>
        %dma_start3A_273 = tpu.memref_slice %arg3[%add3A_18] : memref<327680xi32, #tpu.memory_space<hbm>> -> memref<2560xi32, #tpu.memory_space<hbm>>
        %dma_start3A_274 = tpu.memref_slice %arg3[%add3A_18] : memref<327680xi32, #tpu.memory_space<hbm>> -> memref<2560xi32, #tpu.memory_space<hbm>>
        tpu.enqueue_dma source(%dma_start3A_274 : memref<2560xi32, #tpu.memory_space<hbm>>) target(%arg18 : memref<2560xi32, #tpu.memory_space<vmem>>) target_semaphore(%run_scoped3A : memref<!tpu.dma_semaphore, #tpu.memory_space<semaphore_mem>>)
        %dma_wait3A_275 = tpu.memref_slice %arg3[%add3A_18] : memref<327680xi32, #tpu.memory_space<hbm>> -> memref<2560xi32, #tpu.memory_space<hbm>>
        %dma_wait3A_276 = tpu.memref_slice %arg3[%add3A_18] : memref<327680xi32, #tpu.memory_space<hbm>> -> memref<2560xi32, #tpu.memory_space<hbm>>
        tpu.wait_dma2 semaphore(%run_scoped3A : memref<!tpu.dma_semaphore, #tpu.memory_space<semaphore_mem>>) src(%dma_wait3A_276 : memref<2560xi32, #tpu.memory_space<hbm>>) dst(%arg18 : memref<2560xi32, #tpu.memory_space<vmem>>)
        tpu.yield
      }) : () -> ()
      %dma_start3A_19 = arith.constant 0 : i32
      %dma_start3A_20 = arith.constant 0 : i32
      %dma_start3A_21 = tpu.memref_slice %arg2[%dma_start3A_19, %dma_start3A_20] : memref<10240x8xf32, #tpu.memory_space<hbm>> -> memref<10240x8xf32, #tpu.memory_space<hbm>>
      tpu.enqueue_indirect_dma source(%dma_start3A_21 : memref<10240x8xf32, #tpu.memory_space<hbm>>) target(%arg14 : memref<2560x8xf32, #tpu.memory_space<vmem>>) offsets(%arg16 : memref<2560xi32, #tpu.memory_space<vmem>>) semaphore(%arg23 : memref<!tpu.dma_semaphore, #tpu.memory_space<semaphore_mem>>)
      %dma_wait3A = arith.constant 0 : i32
      %dma_wait3A_22 = arith.constant 0 : i32
      %dma_wait3A_23 = tpu.memref_slice %arg2[%dma_wait3A, %dma_wait3A_22] : memref<10240x8xf32, #tpu.memory_space<hbm>> -> memref<10240x8xf32, #tpu.memory_space<hbm>>
      tpu.wait_indirect_dma semaphore(%arg22 : memref<!tpu.dma_semaphore, #tpu.memory_space<semaphore_mem>>) src(%dma_wait3A_23 : memref<10240x8xf32, #tpu.memory_space<hbm>>) dst(%arg13 : memref<2560x8xf32, #tpu.memory_space<vmem>>)
      %dma_start3A_24 = arith.constant 0 : i32
      %dma_start3A_25 = arith.constant 0 : i32
      %dma_start3A_26 = tpu.memref_slice %arg11[%dma_start3A_24, %dma_start3A_25] : memref<10240x8xf32, #tpu.memory_space<vmem_shared>> -> memref<10240x8xf32, #tpu.memory_space<vmem_shared>>
      tpu.enqueue_indirect_dma source(%arg13 : memref<2560x8xf32, #tpu.memory_space<vmem>>) target(%dma_start3A_26 : memref<10240x8xf32, #tpu.memory_space<vmem_shared>>) offsets(%arg17 : memref<2560xi32, #tpu.memory_space<vmem>>) semaphore(%arg24 : memref<!tpu.dma_semaphore, #tpu.memory_space<semaphore_mem>>) {add = true}
      %dma_wait3A_27 = arith.constant 0 : i32
      %dma_wait3A_28 = arith.constant 0 : i32
      %dma_wait3A_29 = tpu.memref_slice %arg11[%dma_wait3A_27, %dma_wait3A_28] : memref<10240x8xf32, #tpu.memory_space<vmem_shared>> -> memref<10240x8xf32, #tpu.memory_space<vmem_shared>>
      tpu.wait_indirect_dma semaphore(%arg24 : memref<!tpu.dma_semaphore, #tpu.memory_space<semaphore_mem>>) src(%arg13 : memref<2560x8xf32, #tpu.memory_space<vmem>>) dst(%dma_wait3A_29 : memref<10240x8xf32, #tpu.memory_space<vmem_shared>>)
      %add3A_30 = arith.constant 5120 : i32
      %add3A_31 = arith.addi %mul3A_9, %add3A_30 : i32
      "tpu.region"() ({
        %run_scoped3A = tpu.sem_alloc : memref<!tpu.dma_semaphore, #tpu.memory_space<semaphore_mem>>
        %dma_start3A_273 = tpu.memref_slice %arg4[%add3A_31] : memref<327680xi32, #tpu.memory_space<hbm>> -> memref<2560xi32, #tpu.memory_space<hbm>>
        %dma_start3A_274 = tpu.memref_slice %arg4[%add3A_31] : memref<327680xi32, #tpu.memory_space<hbm>> -> memref<2560xi32, #tpu.memory_space<hbm>>
        tpu.enqueue_dma source(%dma_start3A_274 : memref<2560xi32, #tpu.memory_space<hbm>>) target(%arg15 : memref<2560xi32, #tpu.memory_space<vmem>>) target_semaphore(%run_scoped3A : memref<!tpu.dma_semaphore, #tpu.memory_space<semaphore_mem>>)
        %dma_wait3A_275 = tpu.memref_slice %arg4[%add3A_31] : memref<327680xi32, #tpu.memory_space<hbm>> -> memref<2560xi32, #tpu.memory_space<hbm>>
        %dma_wait3A_276 = tpu.memref_slice %arg4[%add3A_31] : memref<327680xi32, #tpu.memory_space<hbm>> -> memref<2560xi32, #tpu.memory_space<hbm>>
        tpu.wait_dma2 semaphore(%run_scoped3A : memref<!tpu.dma_semaphore, #tpu.memory_space<semaphore_mem>>) src(%dma_wait3A_276 : memref<2560xi32, #tpu.memory_space<hbm>>) dst(%arg15 : memref<2560xi32, #tpu.memory_space<vmem>>)
        tpu.yield
      }) : () -> ()
      %add3A_32 = arith.constant 5120 : i32
      %add3A_33 = arith.addi %mul3A_9, %add3A_32 : i32
      "tpu.region"() ({
        %run_scoped3A = tpu.sem_alloc : memref<!tpu.dma_semaphore, #tpu.memory_space<semaphore_mem>>
        %dma_start3A_273 = tpu.memref_slice %arg3[%add3A_33] : memref<327680xi32, #tpu.memory_space<hbm>> -> memref<2560xi32, #tpu.memory_space<hbm>>
        %dma_start3A_274 = tpu.memref_slice %arg3[%add3A_33] : memref<327680xi32, #tpu.memory_space<hbm>> -> memref<2560xi32, #tpu.memory_space<hbm>>
        tpu.enqueue_dma source(%dma_start3A_274 : memref<2560xi32, #tpu.memory_space<hbm>>) target(%arg17 : memref<2560xi32, #tpu.memory_space<vmem>>) target_semaphore(%run_scoped3A : memref<!tpu.dma_semaphore, #tpu.memory_space<semaphore_mem>>)
        %dma_wait3A_275 = tpu.memref_slice %arg3[%add3A_33] : memref<327680xi32, #tpu.memory_space<hbm>> -> memref<2560xi32, #tpu.memory_space<hbm>>
        %dma_wait3A_276 = tpu.memref_slice %arg3[%add3A_33] : memref<327680xi32, #tpu.memory_space<hbm>> -> memref<2560xi32, #tpu.memory_space<hbm>>
        tpu.wait_dma2 semaphore(%run_scoped3A : memref<!tpu.dma_semaphore, #tpu.memory_space<semaphore_mem>>) src(%dma_wait3A_276 : memref<2560xi32, #tpu.memory_space<hbm>>) dst(%arg17 : memref<2560xi32, #tpu.memory_space<vmem>>)
        tpu.yield
      }) : () -> ()
      %dma_start3A_34 = arith.constant 0 : i32
      %dma_start3A_35 = arith.constant 0 : i32
      %dma_start3A_36 = tpu.memref_slice %arg2[%dma_start3A_34, %dma_start3A_35] : memref<10240x8xf32, #tpu.memory_space<hbm>> -> memref<10240x8xf32, #tpu.memory_space<hbm>>
      tpu.enqueue_indirect_dma source(%dma_start3A_36 : memref<10240x8xf32, #tpu.memory_space<hbm>>) target(%arg13 : memref<2560x8xf32, #tpu.memory_space<vmem>>) offsets(%arg15 : memref<2560xi32, #tpu.memory_space<vmem>>) semaphore(%arg22 : memref<!tpu.dma_semaphore, #tpu.memory_space<semaphore_mem>>)
      %dma_wait3A_37 = arith.constant 0 : i32
      %dma_wait3A_38 = arith.constant 0 : i32
      %dma_wait3A_39 = tpu.memref_slice %arg2[%dma_wait3A_37, %dma_wait3A_38] : memref<10240x8xf32, #tpu.memory_space<hbm>> -> memref<10240x8xf32, #tpu.memory_space<hbm>>
      tpu.wait_indirect_dma semaphore(%arg23 : memref<!tpu.dma_semaphore, #tpu.memory_space<semaphore_mem>>) src(%dma_wait3A_39 : memref<10240x8xf32, #tpu.memory_space<hbm>>) dst(%arg14 : memref<2560x8xf32, #tpu.memory_space<vmem>>)
      %dma_start3A_40 = arith.constant 0 : i32
      %dma_start3A_41 = arith.constant 0 : i32
      %dma_start3A_42 = tpu.memref_slice %arg11[%dma_start3A_40, %dma_start3A_41] : memref<10240x8xf32, #tpu.memory_space<vmem_shared>> -> memref<10240x8xf32, #tpu.memory_space<vmem_shared>>
      tpu.enqueue_indirect_dma source(%arg14 : memref<2560x8xf32, #tpu.memory_space<vmem>>) target(%dma_start3A_42 : memref<10240x8xf32, #tpu.memory_space<vmem_shared>>) offsets(%arg18 : memref<2560xi32, #tpu.memory_space<vmem>>) semaphore(%arg25 : memref<!tpu.dma_semaphore, #tpu.memory_space<semaphore_mem>>) {add = true}
      %dma_wait3A_43 = arith.constant 0 : i32
      %dma_wait3A_44 = arith.constant 0 : i32
      %dma_wait3A_45 = tpu.memref_slice %arg11[%dma_wait3A_43, %dma_wait3A_44] : memref<10240x8xf32, #tpu.memory_space<vmem_shared>> -> memref<10240x8xf32, #tpu.memory_space<vmem_shared>>
      tpu.wait_indirect_dma semaphore(%arg25 : memref<!tpu.dma_semaphore, #tpu.memory_space<semaphore_mem>>) src(%arg14 : memref<2560x8xf32, #tpu.memory_space<vmem>>) dst(%dma_wait3A_45 : memref<10240x8xf32, #tpu.memory_space<vmem_shared>>)
      %add3A_46 = arith.constant 7680 : i32
      %add3A_47 = arith.addi %mul3A_9, %add3A_46 : i32
      "tpu.region"() ({
        %run_scoped3A = tpu.sem_alloc : memref<!tpu.dma_semaphore, #tpu.memory_space<semaphore_mem>>
        %dma_start3A_273 = tpu.memref_slice %arg4[%add3A_47] : memref<327680xi32, #tpu.memory_space<hbm>> -> memref<2560xi32, #tpu.memory_space<hbm>>
        %dma_start3A_274 = tpu.memref_slice %arg4[%add3A_47] : memref<327680xi32, #tpu.memory_space<hbm>> -> memref<2560xi32, #tpu.memory_space<hbm>>
        tpu.enqueue_dma source(%dma_start3A_274 : memref<2560xi32, #tpu.memory_space<hbm>>) target(%arg16 : memref<2560xi32, #tpu.memory_space<vmem>>) target_semaphore(%run_scoped3A : memref<!tpu.dma_semaphore, #tpu.memory_space<semaphore_mem>>)
        %dma_wait3A_275 = tpu.memref_slice %arg4[%add3A_47] : memref<327680xi32, #tpu.memory_space<hbm>> -> memref<2560xi32, #tpu.memory_space<hbm>>
        %dma_wait3A_276 = tpu.memref_slice %arg4[%add3A_47] : memref<327680xi32, #tpu.memory_space<hbm>> -> memref<2560xi32, #tpu.memory_space<hbm>>
        tpu.wait_dma2 semaphore(%run_scoped3A : memref<!tpu.dma_semaphore, #tpu.memory_space<semaphore_mem>>) src(%dma_wait3A_276 : memref<2560xi32, #tpu.memory_space<hbm>>) dst(%arg16 : memref<2560xi32, #tpu.memory_space<vmem>>)
        tpu.yield
      }) : () -> ()
      %add3A_48 = arith.constant 7680 : i32
      %add3A_49 = arith.addi %mul3A_9, %add3A_48 : i32
      "tpu.region"() ({
        %run_scoped3A = tpu.sem_alloc : memref<!tpu.dma_semaphore, #tpu.memory_space<semaphore_mem>>
        %dma_start3A_273 = tpu.memref_slice %arg3[%add3A_49] : memref<327680xi32, #tpu.memory_space<hbm>> -> memref<2560xi32, #tpu.memory_space<hbm>>
        %dma_start3A_274 = tpu.memref_slice %arg3[%add3A_49] : memref<327680xi32, #tpu.memory_space<hbm>> -> memref<2560xi32, #tpu.memory_space<hbm>>
        tpu.enqueue_dma source(%dma_start3A_274 : memref<2560xi32, #tpu.memory_space<hbm>>) target(%arg18 : memref<2560xi32, #tpu.memory_space<vmem>>) target_semaphore(%run_scoped3A : memref<!tpu.dma_semaphore, #tpu.memory_space<semaphore_mem>>)
        %dma_wait3A_275 = tpu.memref_slice %arg3[%add3A_49] : memref<327680xi32, #tpu.memory_space<hbm>> -> memref<2560xi32, #tpu.memory_space<hbm>>
        %dma_wait3A_276 = tpu.memref_slice %arg3[%add3A_49] : memref<327680xi32, #tpu.memory_space<hbm>> -> memref<2560xi32, #tpu.memory_space<hbm>>
        tpu.wait_dma2 semaphore(%run_scoped3A : memref<!tpu.dma_semaphore, #tpu.memory_space<semaphore_mem>>) src(%dma_wait3A_276 : memref<2560xi32, #tpu.memory_space<hbm>>) dst(%arg18 : memref<2560xi32, #tpu.memory_space<vmem>>)
        tpu.yield
      }) : () -> ()
      %dma_start3A_50 = arith.constant 0 : i32
      %dma_start3A_51 = arith.constant 0 : i32
      %dma_start3A_52 = tpu.memref_slice %arg2[%dma_start3A_50, %dma_start3A_51] : memref<10240x8xf32, #tpu.memory_space<hbm>> -> memref<10240x8xf32, #tpu.memory_space<hbm>>
      tpu.enqueue_indirect_dma source(%dma_start3A_52 : memref<10240x8xf32, #tpu.memory_space<hbm>>) target(%arg14 : memref<2560x8xf32, #tpu.memory_space<vmem>>) offsets(%arg16 : memref<2560xi32, #tpu.memory_space<vmem>>) semaphore(%arg23 : memref<!tpu.dma_semaphore, #tpu.memory_space<semaphore_mem>>)
      %dma_wait3A_53 = arith.constant 0 : i32
      %dma_wait3A_54 = arith.constant 0 : i32
      %dma_wait3A_55 = tpu.memref_slice %arg2[%dma_wait3A_53, %dma_wait3A_54] : memref<10240x8xf32, #tpu.memory_space<hbm>> -> memref<10240x8xf32, #tpu.memory_space<hbm>>
      tpu.wait_indirect_dma semaphore(%arg22 : memref<!tpu.dma_semaphore, #tpu.memory_space<semaphore_mem>>) src(%dma_wait3A_55 : memref<10240x8xf32, #tpu.memory_space<hbm>>) dst(%arg13 : memref<2560x8xf32, #tpu.memory_space<vmem>>)
      %dma_start3A_56 = arith.constant 0 : i32
      %dma_start3A_57 = arith.constant 0 : i32
      %dma_start3A_58 = tpu.memref_slice %arg11[%dma_start3A_56, %dma_start3A_57] : memref<10240x8xf32, #tpu.memory_space<vmem_shared>> -> memref<10240x8xf32, #tpu.memory_space<vmem_shared>>
      tpu.enqueue_indirect_dma source(%arg13 : memref<2560x8xf32, #tpu.memory_space<vmem>>) target(%dma_start3A_58 : memref<10240x8xf32, #tpu.memory_space<vmem_shared>>) offsets(%arg17 : memref<2560xi32, #tpu.memory_space<vmem>>) semaphore(%arg24 : memref<!tpu.dma_semaphore, #tpu.memory_space<semaphore_mem>>) {add = true}
      %dma_wait3A_59 = arith.constant 0 : i32
      %dma_wait3A_60 = arith.constant 0 : i32
      %dma_wait3A_61 = tpu.memref_slice %arg11[%dma_wait3A_59, %dma_wait3A_60] : memref<10240x8xf32, #tpu.memory_space<vmem_shared>> -> memref<10240x8xf32, #tpu.memory_space<vmem_shared>>
      tpu.wait_indirect_dma semaphore(%arg24 : memref<!tpu.dma_semaphore, #tpu.memory_space<semaphore_mem>>) src(%arg13 : memref<2560x8xf32, #tpu.memory_space<vmem>>) dst(%dma_wait3A_61 : memref<10240x8xf32, #tpu.memory_space<vmem_shared>>)
      %add3A_62 = arith.constant 10240 : i32
      %add3A_63 = arith.addi %mul3A_9, %add3A_62 : i32
      "tpu.region"() ({
        %run_scoped3A = tpu.sem_alloc : memref<!tpu.dma_semaphore, #tpu.memory_space<semaphore_mem>>
        %dma_start3A_273 = tpu.memref_slice %arg4[%add3A_63] : memref<327680xi32, #tpu.memory_space<hbm>> -> memref<2560xi32, #tpu.memory_space<hbm>>
        %dma_start3A_274 = tpu.memref_slice %arg4[%add3A_63] : memref<327680xi32, #tpu.memory_space<hbm>> -> memref<2560xi32, #tpu.memory_space<hbm>>
        tpu.enqueue_dma source(%dma_start3A_274 : memref<2560xi32, #tpu.memory_space<hbm>>) target(%arg15 : memref<2560xi32, #tpu.memory_space<vmem>>) target_semaphore(%run_scoped3A : memref<!tpu.dma_semaphore, #tpu.memory_space<semaphore_mem>>)
        %dma_wait3A_275 = tpu.memref_slice %arg4[%add3A_63] : memref<327680xi32, #tpu.memory_space<hbm>> -> memref<2560xi32, #tpu.memory_space<hbm>>
        %dma_wait3A_276 = tpu.memref_slice %arg4[%add3A_63] : memref<327680xi32, #tpu.memory_space<hbm>> -> memref<2560xi32, #tpu.memory_space<hbm>>
        tpu.wait_dma2 semaphore(%run_scoped3A : memref<!tpu.dma_semaphore, #tpu.memory_space<semaphore_mem>>) src(%dma_wait3A_276 : memref<2560xi32, #tpu.memory_space<hbm>>) dst(%arg15 : memref<2560xi32, #tpu.memory_space<vmem>>)
        tpu.yield
      }) : () -> ()
      %add3A_64 = arith.constant 10240 : i32
      %add3A_65 = arith.addi %mul3A_9, %add3A_64 : i32
      "tpu.region"() ({
        %run_scoped3A = tpu.sem_alloc : memref<!tpu.dma_semaphore, #tpu.memory_space<semaphore_mem>>
        %dma_start3A_273 = tpu.memref_slice %arg3[%add3A_65] : memref<327680xi32, #tpu.memory_space<hbm>> -> memref<2560xi32, #tpu.memory_space<hbm>>
        %dma_start3A_274 = tpu.memref_slice %arg3[%add3A_65] : memref<327680xi32, #tpu.memory_space<hbm>> -> memref<2560xi32, #tpu.memory_space<hbm>>
        tpu.enqueue_dma source(%dma_start3A_274 : memref<2560xi32, #tpu.memory_space<hbm>>) target(%arg17 : memref<2560xi32, #tpu.memory_space<vmem>>) target_semaphore(%run_scoped3A : memref<!tpu.dma_semaphore, #tpu.memory_space<semaphore_mem>>)
        %dma_wait3A_275 = tpu.memref_slice %arg3[%add3A_65] : memref<327680xi32, #tpu.memory_space<hbm>> -> memref<2560xi32, #tpu.memory_space<hbm>>
        %dma_wait3A_276 = tpu.memref_slice %arg3[%add3A_65] : memref<327680xi32, #tpu.memory_space<hbm>> -> memref<2560xi32, #tpu.memory_space<hbm>>
        tpu.wait_dma2 semaphore(%run_scoped3A : memref<!tpu.dma_semaphore, #tpu.memory_space<semaphore_mem>>) src(%dma_wait3A_276 : memref<2560xi32, #tpu.memory_space<hbm>>) dst(%arg17 : memref<2560xi32, #tpu.memory_space<vmem>>)
        tpu.yield
      }) : () -> ()
      %dma_start3A_66 = arith.constant 0 : i32
      %dma_start3A_67 = arith.constant 0 : i32
      %dma_start3A_68 = tpu.memref_slice %arg2[%dma_start3A_66, %dma_start3A_67] : memref<10240x8xf32, #tpu.memory_space<hbm>> -> memref<10240x8xf32, #tpu.memory_space<hbm>>
      tpu.enqueue_indirect_dma source(%dma_start3A_68 : memref<10240x8xf32, #tpu.memory_space<hbm>>) target(%arg13 : memref<2560x8xf32, #tpu.memory_space<vmem>>) offsets(%arg15 : memref<2560xi32, #tpu.memory_space<vmem>>) semaphore(%arg22 : memref<!tpu.dma_semaphore, #tpu.memory_space<semaphore_mem>>)
      %dma_wait3A_69 = arith.constant 0 : i32
      %dma_wait3A_70 = arith.constant 0 : i32
      %dma_wait3A_71 = tpu.memref_slice %arg2[%dma_wait3A_69, %dma_wait3A_70] : memref<10240x8xf32, #tpu.memory_space<hbm>> -> memref<10240x8xf32, #tpu.memory_space<hbm>>
      tpu.wait_indirect_dma semaphore(%arg23 : memref<!tpu.dma_semaphore, #tpu.memory_space<semaphore_mem>>) src(%dma_wait3A_71 : memref<10240x8xf32, #tpu.memory_space<hbm>>) dst(%arg14 : memref<2560x8xf32, #tpu.memory_space<vmem>>)
      %dma_start3A_72 = arith.constant 0 : i32
      %dma_start3A_73 = arith.constant 0 : i32
      %dma_start3A_74 = tpu.memref_slice %arg11[%dma_start3A_72, %dma_start3A_73] : memref<10240x8xf32, #tpu.memory_space<vmem_shared>> -> memref<10240x8xf32, #tpu.memory_space<vmem_shared>>
      tpu.enqueue_indirect_dma source(%arg14 : memref<2560x8xf32, #tpu.memory_space<vmem>>) target(%dma_start3A_74 : memref<10240x8xf32, #tpu.memory_space<vmem_shared>>) offsets(%arg18 : memref<2560xi32, #tpu.memory_space<vmem>>) semaphore(%arg25 : memref<!tpu.dma_semaphore, #tpu.memory_space<semaphore_mem>>) {add = true}
      %dma_wait3A_75 = arith.constant 0 : i32
      %dma_wait3A_76 = arith.constant 0 : i32
      %dma_wait3A_77 = tpu.memref_slice %arg11[%dma_wait3A_75, %dma_wait3A_76] : memref<10240x8xf32, #tpu.memory_space<vmem_shared>> -> memref<10240x8xf32, #tpu.memory_space<vmem_shared>>
      tpu.wait_indirect_dma semaphore(%arg25 : memref<!tpu.dma_semaphore, #tpu.memory_space<semaphore_mem>>) src(%arg14 : memref<2560x8xf32, #tpu.memory_space<vmem>>) dst(%dma_wait3A_77 : memref<10240x8xf32, #tpu.memory_space<vmem_shared>>)
      %add3A_78 = arith.constant 12800 : i32
      %add3A_79 = arith.addi %mul3A_9, %add3A_78 : i32
      "tpu.region"() ({
        %run_scoped3A = tpu.sem_alloc : memref<!tpu.dma_semaphore, #tpu.memory_space<semaphore_mem>>
        %dma_start3A_273 = tpu.memref_slice %arg4[%add3A_79] : memref<327680xi32, #tpu.memory_space<hbm>> -> memref<2560xi32, #tpu.memory_space<hbm>>
        %dma_start3A_274 = tpu.memref_slice %arg4[%add3A_79] : memref<327680xi32, #tpu.memory_space<hbm>> -> memref<2560xi32, #tpu.memory_space<hbm>>
        tpu.enqueue_dma source(%dma_start3A_274 : memref<2560xi32, #tpu.memory_space<hbm>>) target(%arg16 : memref<2560xi32, #tpu.memory_space<vmem>>) target_semaphore(%run_scoped3A : memref<!tpu.dma_semaphore, #tpu.memory_space<semaphore_mem>>)
        %dma_wait3A_275 = tpu.memref_slice %arg4[%add3A_79] : memref<327680xi32, #tpu.memory_space<hbm>> -> memref<2560xi32, #tpu.memory_space<hbm>>
        %dma_wait3A_276 = tpu.memref_slice %arg4[%add3A_79] : memref<327680xi32, #tpu.memory_space<hbm>> -> memref<2560xi32, #tpu.memory_space<hbm>>
        tpu.wait_dma2 semaphore(%run_scoped3A : memref<!tpu.dma_semaphore, #tpu.memory_space<semaphore_mem>>) src(%dma_wait3A_276 : memref<2560xi32, #tpu.memory_space<hbm>>) dst(%arg16 : memref<2560xi32, #tpu.memory_space<vmem>>)
        tpu.yield
      }) : () -> ()
      %add3A_80 = arith.constant 12800 : i32
      %add3A_81 = arith.addi %mul3A_9, %add3A_80 : i32
      "tpu.region"() ({
        %run_scoped3A = tpu.sem_alloc : memref<!tpu.dma_semaphore, #tpu.memory_space<semaphore_mem>>
        %dma_start3A_273 = tpu.memref_slice %arg3[%add3A_81] : memref<327680xi32, #tpu.memory_space<hbm>> -> memref<2560xi32, #tpu.memory_space<hbm>>
        %dma_start3A_274 = tpu.memref_slice %arg3[%add3A_81] : memref<327680xi32, #tpu.memory_space<hbm>> -> memref<2560xi32, #tpu.memory_space<hbm>>
        tpu.enqueue_dma source(%dma_start3A_274 : memref<2560xi32, #tpu.memory_space<hbm>>) target(%arg18 : memref<2560xi32, #tpu.memory_space<vmem>>) target_semaphore(%run_scoped3A : memref<!tpu.dma_semaphore, #tpu.memory_space<semaphore_mem>>)
        %dma_wait3A_275 = tpu.memref_slice %arg3[%add3A_81] : memref<327680xi32, #tpu.memory_space<hbm>> -> memref<2560xi32, #tpu.memory_space<hbm>>
        %dma_wait3A_276 = tpu.memref_slice %arg3[%add3A_81] : memref<327680xi32, #tpu.memory_space<hbm>> -> memref<2560xi32, #tpu.memory_space<hbm>>
        tpu.wait_dma2 semaphore(%run_scoped3A : memref<!tpu.dma_semaphore, #tpu.memory_space<semaphore_mem>>) src(%dma_wait3A_276 : memref<2560xi32, #tpu.memory_space<hbm>>) dst(%arg18 : memref<2560xi32, #tpu.memory_space<vmem>>)
        tpu.yield
      }) : () -> ()
      %dma_start3A_82 = arith.constant 0 : i32
      %dma_start3A_83 = arith.constant 0 : i32
      %dma_start3A_84 = tpu.memref_slice %arg2[%dma_start3A_82, %dma_start3A_83] : memref<10240x8xf32, #tpu.memory_space<hbm>> -> memref<10240x8xf32, #tpu.memory_space<hbm>>
      tpu.enqueue_indirect_dma source(%dma_start3A_84 : memref<10240x8xf32, #tpu.memory_space<hbm>>) target(%arg14 : memref<2560x8xf32, #tpu.memory_space<vmem>>) offsets(%arg16 : memref<2560xi32, #tpu.memory_space<vmem>>) semaphore(%arg23 : memref<!tpu.dma_semaphore, #tpu.memory_space<semaphore_mem>>)
      %dma_wait3A_85 = arith.constant 0 : i32
      %dma_wait3A_86 = arith.constant 0 : i32
      %dma_wait3A_87 = tpu.memref_slice %arg2[%dma_wait3A_85, %dma_wait3A_86] : memref<10240x8xf32, #tpu.memory_space<hbm>> -> memref<10240x8xf32, #tpu.memory_space<hbm>>
      tpu.wait_indirect_dma semaphore(%arg22 : memref<!tpu.dma_semaphore, #tpu.memory_space<semaphore_mem>>) src(%dma_wait3A_87 : memref<10240x8xf32, #tpu.memory_space<hbm>>) dst(%arg13 : memref<2560x8xf32, #tpu.memory_space<vmem>>)
      %dma_start3A_88 = arith.constant 0 : i32
      %dma_start3A_89 = arith.constant 0 : i32
      %dma_start3A_90 = tpu.memref_slice %arg11[%dma_start3A_88, %dma_start3A_89] : memref<10240x8xf32, #tpu.memory_space<vmem_shared>> -> memref<10240x8xf32, #tpu.memory_space<vmem_shared>>
      tpu.enqueue_indirect_dma source(%arg13 : memref<2560x8xf32, #tpu.memory_space<vmem>>) target(%dma_start3A_90 : memref<10240x8xf32, #tpu.memory_space<vmem_shared>>) offsets(%arg17 : memref<2560xi32, #tpu.memory_space<vmem>>) semaphore(%arg24 : memref<!tpu.dma_semaphore, #tpu.memory_space<semaphore_mem>>) {add = true}
      %dma_wait3A_91 = arith.constant 0 : i32
      %dma_wait3A_92 = arith.constant 0 : i32
      %dma_wait3A_93 = tpu.memref_slice %arg11[%dma_wait3A_91, %dma_wait3A_92] : memref<10240x8xf32, #tpu.memory_space<vmem_shared>> -> memref<10240x8xf32, #tpu.memory_space<vmem_shared>>
      tpu.wait_indirect_dma semaphore(%arg24 : memref<!tpu.dma_semaphore, #tpu.memory_space<semaphore_mem>>) src(%arg13 : memref<2560x8xf32, #tpu.memory_space<vmem>>) dst(%dma_wait3A_93 : memref<10240x8xf32, #tpu.memory_space<vmem_shared>>)
      %add3A_94 = arith.constant 15360 : i32
      %add3A_95 = arith.addi %mul3A_9, %add3A_94 : i32
      "tpu.region"() ({
        %run_scoped3A = tpu.sem_alloc : memref<!tpu.dma_semaphore, #tpu.memory_space<semaphore_mem>>
        %dma_start3A_273 = tpu.memref_slice %arg4[%add3A_95] : memref<327680xi32, #tpu.memory_space<hbm>> -> memref<2560xi32, #tpu.memory_space<hbm>>
        %dma_start3A_274 = tpu.memref_slice %arg4[%add3A_95] : memref<327680xi32, #tpu.memory_space<hbm>> -> memref<2560xi32, #tpu.memory_space<hbm>>
        tpu.enqueue_dma source(%dma_start3A_274 : memref<2560xi32, #tpu.memory_space<hbm>>) target(%arg15 : memref<2560xi32, #tpu.memory_space<vmem>>) target_semaphore(%run_scoped3A : memref<!tpu.dma_semaphore, #tpu.memory_space<semaphore_mem>>)
        %dma_wait3A_275 = tpu.memref_slice %arg4[%add3A_95] : memref<327680xi32, #tpu.memory_space<hbm>> -> memref<2560xi32, #tpu.memory_space<hbm>>
        %dma_wait3A_276 = tpu.memref_slice %arg4[%add3A_95] : memref<327680xi32, #tpu.memory_space<hbm>> -> memref<2560xi32, #tpu.memory_space<hbm>>
        tpu.wait_dma2 semaphore(%run_scoped3A : memref<!tpu.dma_semaphore, #tpu.memory_space<semaphore_mem>>) src(%dma_wait3A_276 : memref<2560xi32, #tpu.memory_space<hbm>>) dst(%arg15 : memref<2560xi32, #tpu.memory_space<vmem>>)
        tpu.yield
      }) : () -> ()
      %add3A_96 = arith.constant 15360 : i32
      %add3A_97 = arith.addi %mul3A_9, %add3A_96 : i32
      "tpu.region"() ({
        %run_scoped3A = tpu.sem_alloc : memref<!tpu.dma_semaphore, #tpu.memory_space<semaphore_mem>>
        %dma_start3A_273 = tpu.memref_slice %arg3[%add3A_97] : memref<327680xi32, #tpu.memory_space<hbm>> -> memref<2560xi32, #tpu.memory_space<hbm>>
        %dma_start3A_274 = tpu.memref_slice %arg3[%add3A_97] : memref<327680xi32, #tpu.memory_space<hbm>> -> memref<2560xi32, #tpu.memory_space<hbm>>
        tpu.enqueue_dma source(%dma_start3A_274 : memref<2560xi32, #tpu.memory_space<hbm>>) target(%arg17 : memref<2560xi32, #tpu.memory_space<vmem>>) target_semaphore(%run_scoped3A : memref<!tpu.dma_semaphore, #tpu.memory_space<semaphore_mem>>)
        %dma_wait3A_275 = tpu.memref_slice %arg3[%add3A_97] : memref<327680xi32, #tpu.memory_space<hbm>> -> memref<2560xi32, #tpu.memory_space<hbm>>
        %dma_wait3A_276 = tpu.memref_slice %arg3[%add3A_97] : memref<327680xi32, #tpu.memory_space<hbm>> -> memref<2560xi32, #tpu.memory_space<hbm>>
        tpu.wait_dma2 semaphore(%run_scoped3A : memref<!tpu.dma_semaphore, #tpu.memory_space<semaphore_mem>>) src(%dma_wait3A_276 : memref<2560xi32, #tpu.memory_space<hbm>>) dst(%arg17 : memref<2560xi32, #tpu.memory_space<vmem>>)
        tpu.yield
      }) : () -> ()
      %dma_start3A_98 = arith.constant 0 : i32
      %dma_start3A_99 = arith.constant 0 : i32
      %dma_start3A_100 = tpu.memref_slice %arg2[%dma_start3A_98, %dma_start3A_99] : memref<10240x8xf32, #tpu.memory_space<hbm>> -> memref<10240x8xf32, #tpu.memory_space<hbm>>
      tpu.enqueue_indirect_dma source(%dma_start3A_100 : memref<10240x8xf32, #tpu.memory_space<hbm>>) target(%arg13 : memref<2560x8xf32, #tpu.memory_space<vmem>>) offsets(%arg15 : memref<2560xi32, #tpu.memory_space<vmem>>) semaphore(%arg22 : memref<!tpu.dma_semaphore, #tpu.memory_space<semaphore_mem>>)
      %dma_wait3A_101 = arith.constant 0 : i32
      %dma_wait3A_102 = arith.constant 0 : i32
      %dma_wait3A_103 = tpu.memref_slice %arg2[%dma_wait3A_101, %dma_wait3A_102] : memref<10240x8xf32, #tpu.memory_space<hbm>> -> memref<10240x8xf32, #tpu.memory_space<hbm>>
      tpu.wait_indirect_dma semaphore(%arg23 : memref<!tpu.dma_semaphore, #tpu.memory_space<semaphore_mem>>) src(%dma_wait3A_103 : memref<10240x8xf32, #tpu.memory_space<hbm>>) dst(%arg14 : memref<2560x8xf32, #tpu.memory_space<vmem>>)
      %dma_start3A_104 = arith.constant 0 : i32
      %dma_start3A_105 = arith.constant 0 : i32
      %dma_start3A_106 = tpu.memref_slice %arg11[%dma_start3A_104, %dma_start3A_105] : memref<10240x8xf32, #tpu.memory_space<vmem_shared>> -> memref<10240x8xf32, #tpu.memory_space<vmem_shared>>
      tpu.enqueue_indirect_dma source(%arg14 : memref<2560x8xf32, #tpu.memory_space<vmem>>) target(%dma_start3A_106 : memref<10240x8xf32, #tpu.memory_space<vmem_shared>>) offsets(%arg18 : memref<2560xi32, #tpu.memory_space<vmem>>) semaphore(%arg25 : memref<!tpu.dma_semaphore, #tpu.memory_space<semaphore_mem>>) {add = true}
      %dma_wait3A_107 = arith.constant 0 : i32
      %dma_wait3A_108 = arith.constant 0 : i32
      %dma_wait3A_109 = tpu.memref_slice %arg11[%dma_wait3A_107, %dma_wait3A_108] : memref<10240x8xf32, #tpu.memory_space<vmem_shared>> -> memref<10240x8xf32, #tpu.memory_space<vmem_shared>>
      tpu.wait_indirect_dma semaphore(%arg25 : memref<!tpu.dma_semaphore, #tpu.memory_space<semaphore_mem>>) src(%arg14 : memref<2560x8xf32, #tpu.memory_space<vmem>>) dst(%dma_wait3A_109 : memref<10240x8xf32, #tpu.memory_space<vmem_shared>>)
      %add3A_110 = arith.constant 17920 : i32
      %add3A_111 = arith.addi %mul3A_9, %add3A_110 : i32
      "tpu.region"() ({
        %run_scoped3A = tpu.sem_alloc : memref<!tpu.dma_semaphore, #tpu.memory_space<semaphore_mem>>
        %dma_start3A_273 = tpu.memref_slice %arg4[%add3A_111] : memref<327680xi32, #tpu.memory_space<hbm>> -> memref<2560xi32, #tpu.memory_space<hbm>>
        %dma_start3A_274 = tpu.memref_slice %arg4[%add3A_111] : memref<327680xi32, #tpu.memory_space<hbm>> -> memref<2560xi32, #tpu.memory_space<hbm>>
        tpu.enqueue_dma source(%dma_start3A_274 : memref<2560xi32, #tpu.memory_space<hbm>>) target(%arg16 : memref<2560xi32, #tpu.memory_space<vmem>>) target_semaphore(%run_scoped3A : memref<!tpu.dma_semaphore, #tpu.memory_space<semaphore_mem>>)
        %dma_wait3A_275 = tpu.memref_slice %arg4[%add3A_111] : memref<327680xi32, #tpu.memory_space<hbm>> -> memref<2560xi32, #tpu.memory_space<hbm>>
        %dma_wait3A_276 = tpu.memref_slice %arg4[%add3A_111] : memref<327680xi32, #tpu.memory_space<hbm>> -> memref<2560xi32, #tpu.memory_space<hbm>>
        tpu.wait_dma2 semaphore(%run_scoped3A : memref<!tpu.dma_semaphore, #tpu.memory_space<semaphore_mem>>) src(%dma_wait3A_276 : memref<2560xi32, #tpu.memory_space<hbm>>) dst(%arg16 : memref<2560xi32, #tpu.memory_space<vmem>>)
        tpu.yield
      }) : () -> ()
      %add3A_112 = arith.constant 17920 : i32
      %add3A_113 = arith.addi %mul3A_9, %add3A_112 : i32
      "tpu.region"() ({
        %run_scoped3A = tpu.sem_alloc : memref<!tpu.dma_semaphore, #tpu.memory_space<semaphore_mem>>
        %dma_start3A_273 = tpu.memref_slice %arg3[%add3A_113] : memref<327680xi32, #tpu.memory_space<hbm>> -> memref<2560xi32, #tpu.memory_space<hbm>>
        %dma_start3A_274 = tpu.memref_slice %arg3[%add3A_113] : memref<327680xi32, #tpu.memory_space<hbm>> -> memref<2560xi32, #tpu.memory_space<hbm>>
        tpu.enqueue_dma source(%dma_start3A_274 : memref<2560xi32, #tpu.memory_space<hbm>>) target(%arg18 : memref<2560xi32, #tpu.memory_space<vmem>>) target_semaphore(%run_scoped3A : memref<!tpu.dma_semaphore, #tpu.memory_space<semaphore_mem>>)
        %dma_wait3A_275 = tpu.memref_slice %arg3[%add3A_113] : memref<327680xi32, #tpu.memory_space<hbm>> -> memref<2560xi32, #tpu.memory_space<hbm>>
        %dma_wait3A_276 = tpu.memref_slice %arg3[%add3A_113] : memref<327680xi32, #tpu.memory_space<hbm>> -> memref<2560xi32, #tpu.memory_space<hbm>>
        tpu.wait_dma2 semaphore(%run_scoped3A : memref<!tpu.dma_semaphore, #tpu.memory_space<semaphore_mem>>) src(%dma_wait3A_276 : memref<2560xi32, #tpu.memory_space<hbm>>) dst(%arg18 : memref<2560xi32, #tpu.memory_space<vmem>>)
        tpu.yield
      }) : () -> ()
      %dma_start3A_114 = arith.constant 0 : i32
      %dma_start3A_115 = arith.constant 0 : i32
      %dma_start3A_116 = tpu.memref_slice %arg2[%dma_start3A_114, %dma_start3A_115] : memref<10240x8xf32, #tpu.memory_space<hbm>> -> memref<10240x8xf32, #tpu.memory_space<hbm>>
      tpu.enqueue_indirect_dma source(%dma_start3A_116 : memref<10240x8xf32, #tpu.memory_space<hbm>>) target(%arg14 : memref<2560x8xf32, #tpu.memory_space<vmem>>) offsets(%arg16 : memref<2560xi32, #tpu.memory_space<vmem>>) semaphore(%arg23 : memref<!tpu.dma_semaphore, #tpu.memory_space<semaphore_mem>>)
      %dma_wait3A_117 = arith.constant 0 : i32
      %dma_wait3A_118 = arith.constant 0 : i32
      %dma_wait3A_119 = tpu.memref_slice %arg2[%dma_wait3A_117, %dma_wait3A_118] : memref<10240x8xf32, #tpu.memory_space<hbm>> -> memref<10240x8xf32, #tpu.memory_space<hbm>>
      tpu.wait_indirect_dma semaphore(%arg22 : memref<!tpu.dma_semaphore, #tpu.memory_space<semaphore_mem>>) src(%dma_wait3A_119 : memref<10240x8xf32, #tpu.memory_space<hbm>>) dst(%arg13 : memref<2560x8xf32, #tpu.memory_space<vmem>>)
      %dma_start3A_120 = arith.constant 0 : i32
      %dma_start3A_121 = arith.constant 0 : i32
      %dma_start3A_122 = tpu.memref_slice %arg11[%dma_start3A_120, %dma_start3A_121] : memref<10240x8xf32, #tpu.memory_space<vmem_shared>> -> memref<10240x8xf32, #tpu.memory_space<vmem_shared>>
      tpu.enqueue_indirect_dma source(%arg13 : memref<2560x8xf32, #tpu.memory_space<vmem>>) target(%dma_start3A_122 : memref<10240x8xf32, #tpu.memory_space<vmem_shared>>) offsets(%arg17 : memref<2560xi32, #tpu.memory_space<vmem>>) semaphore(%arg24 : memref<!tpu.dma_semaphore, #tpu.memory_space<semaphore_mem>>) {add = true}
      %dma_wait3A_123 = arith.constant 0 : i32
      %dma_wait3A_124 = arith.constant 0 : i32
      %dma_wait3A_125 = tpu.memref_slice %arg2[%dma_wait3A_123, %dma_wait3A_124] : memref<10240x8xf32, #tpu.memory_space<hbm>> -> memref<10240x8xf32, #tpu.memory_space<hbm>>
      tpu.wait_indirect_dma semaphore(%arg23 : memref<!tpu.dma_semaphore, #tpu.memory_space<semaphore_mem>>) src(%dma_wait3A_125 : memref<10240x8xf32, #tpu.memory_space<hbm>>) dst(%arg14 : memref<2560x8xf32, #tpu.memory_space<vmem>>)
      %dma_start3A_126 = arith.constant 0 : i32
      %dma_start3A_127 = arith.constant 0 : i32
      %dma_start3A_128 = tpu.memref_slice %arg11[%dma_start3A_126, %dma_start3A_127] : memref<10240x8xf32, #tpu.memory_space<vmem_shared>> -> memref<10240x8xf32, #tpu.memory_space<vmem_shared>>
      tpu.enqueue_indirect_dma source(%arg14 : memref<2560x8xf32, #tpu.memory_space<vmem>>) target(%dma_start3A_128 : memref<10240x8xf32, #tpu.memory_space<vmem_shared>>) offsets(%arg18 : memref<2560xi32, #tpu.memory_space<vmem>>) semaphore(%arg25 : memref<!tpu.dma_semaphore, #tpu.memory_space<semaphore_mem>>) {add = true}
      %dma_wait3A_129 = arith.constant 0 : i32
      %dma_wait3A_130 = arith.constant 0 : i32
      %dma_wait3A_131 = tpu.memref_slice %arg11[%dma_wait3A_129, %dma_wait3A_130] : memref<10240x8xf32, #tpu.memory_space<vmem_shared>> -> memref<10240x8xf32, #tpu.memory_space<vmem_shared>>
      tpu.wait_indirect_dma semaphore(%arg24 : memref<!tpu.dma_semaphore, #tpu.memory_space<semaphore_mem>>) src(%arg13 : memref<2560x8xf32, #tpu.memory_space<vmem>>) dst(%dma_wait3A_131 : memref<10240x8xf32, #tpu.memory_space<vmem_shared>>)
      %dma_wait3A_132 = arith.constant 0 : i32
      %dma_wait3A_133 = arith.constant 0 : i32
      %dma_wait3A_134 = tpu.memref_slice %arg11[%dma_wait3A_132, %dma_wait3A_133] : memref<10240x8xf32, #tpu.memory_space<vmem_shared>> -> memref<10240x8xf32, #tpu.memory_space<vmem_shared>>
      tpu.wait_indirect_dma semaphore(%arg25 : memref<!tpu.dma_semaphore, #tpu.memory_space<semaphore_mem>>) src(%arg14 : memref<2560x8xf32, #tpu.memory_space<vmem>>) dst(%dma_wait3A_134 : memref<10240x8xf32, #tpu.memory_space<vmem_shared>>)
      %barrier3A_135 = arith.constant 0 : index
      tpu.barrier barrier_id(%barrier3A_135)
      "tpu.region"() ({
        %run_scoped3A = tpu.sem_alloc : memref<!tpu.dma_semaphore, #tpu.memory_space<semaphore_mem>>
        %dma_start3A_273 = arith.constant 0 : i32
        %dma_start3A_274 = tpu.memref_slice %arg11[%mul3A_7, %dma_start3A_273] : memref<10240x8xf32, #tpu.memory_space<vmem_shared>> -> memref<640x8xf32, #tpu.memory_space<vmem_shared>>
        %dma_start3A_275 = arith.constant 0 : i32
        %dma_start3A_276 = tpu.memref_slice %arg11[%mul3A_7, %dma_start3A_275] : memref<10240x8xf32, #tpu.memory_space<vmem_shared>> -> memref<640x8xf32, #tpu.memory_space<vmem_shared>>
        tpu.enqueue_dma source(%dma_start3A_276 : memref<640x8xf32, #tpu.memory_space<vmem_shared>>) target(%arg19 : memref<640x8xf32, #tpu.memory_space<vmem>>) target_semaphore(%run_scoped3A : memref<!tpu.dma_semaphore, #tpu.memory_space<semaphore_mem>>)
        %dma_wait3A_277 = arith.constant 0 : i32
        %dma_wait3A_278 = tpu.memref_slice %arg11[%mul3A_7, %dma_wait3A_277] : memref<10240x8xf32, #tpu.memory_space<vmem_shared>> -> memref<640x8xf32, #tpu.memory_space<vmem_shared>>
        %dma_wait3A_279 = arith.constant 0 : i32
        %dma_wait3A_280 = tpu.memref_slice %arg11[%mul3A_7, %dma_wait3A_279] : memref<10240x8xf32, #tpu.memory_space<vmem_shared>> -> memref<640x8xf32, #tpu.memory_space<vmem_shared>>
        tpu.wait_dma2 semaphore(%run_scoped3A : memref<!tpu.dma_semaphore, #tpu.memory_space<semaphore_mem>>) src(%dma_wait3A_280 : memref<640x8xf32, #tpu.memory_space<vmem_shared>>) dst(%arg19 : memref<640x8xf32, #tpu.memory_space<vmem>>)
        tpu.yield
      }) : () -> ()
      %broadcast_in_dim3A = arith.constant 2 : i32
      %broadcast_in_dim3A_136 = vector.broadcast %broadcast_in_dim3A : i32 to vector<16xi32>
      %scan3A = arith.constant 0 : i32
      %scan3A_137 = arith.constant 0 : i32
      %scan3A_138 = arith.constant 320 : i32
      %scan3A_139 = arith.addi %scan3A_137, %scan3A_138 : i32
      %scan3A_140 = arith.constant 1 : i32
      %scan3A_141 = scf.for %scan3A_273 = %scan3A_137 to %scan3A_139 step %scan3A_140 iter_args(%scan3A_274 = %scan3A) -> (i32)  : i32 {
        %mul3A_275 = arith.constant 16 : i32
        %mul3A_276 = arith.muli %scan3A_273, %mul3A_275 : i32
        %add3A_277 = vector.broadcast %mul3A_276 : i32 to vector<16xi32>
        %add3A_278 = arith.addi %add3A_277, %iota3A : vector<16xi32>
        %shift_right_arithmetic3A = arith.constant 3 : i32
        %shift_right_arithmetic3A_279 = vector.broadcast %shift_right_arithmetic3A : i32 to vector<16xi32>
        %shift_right_arithmetic3A_280 = arith.shrsi %add3A_278, %shift_right_arithmetic3A_279 : vector<16xi32>
        %and3A = arith.constant 7 : i32
        %and3A_281 = vector.broadcast %and3A : i32 to vector<16xi32>
        %and3A_282 = arith.andi %add3A_278, %and3A_281 : vector<16xi32>
        %gather3A = tpu.vector_load_idx %arg19[%shift_right_arithmetic3A_280, %and3A_282] : memref<640x8xf32, #tpu.memory_space<vmem>>[vector<16xi32>, vector<16xi32>], vector<16xf32>,
        %gather3A_283 = tpu.vector_load_idx %arg19[%shift_right_arithmetic3A_280, %broadcast_in_dim3A_136] : memref<640x8xf32, #tpu.memory_space<vmem>>[vector<16xi32>, vector<16xi32>], vector<16xf32>,
        %max3A = arith.constant 1.000000e+00 : f32
        %max3A_284 = vector.broadcast %max3A : f32 to vector<16xf32>
        %max3A_285 = arith.maximumf %gather3A_283, %max3A_284 : vector<16xf32>
        %div3A = arith.divf %gather3A, %max3A_285 : vector<16xf32>
        tpu.vector_store_idx %arg20[%shift_right_arithmetic3A_280, %and3A_282], %div3A : memref<640x8xf32, #tpu.memory_space<vmem>>[vector<16xi32>, vector<16xi32>], vector<16xf32>,
        %scan3A_286 = arith.constant 0 : i32
        scf.yield %scan3A_286 : i32
      }
      %scan3A_142 = arith.constant 320 : i32
      "tpu.region"() ({
        %run_scoped3A = tpu.sem_alloc : memref<!tpu.dma_semaphore, #tpu.memory_space<semaphore_mem>>
        %dma_start3A_273 = arith.constant 0 : i32
        %dma_start3A_274 = tpu.memref_slice %arg7[%mul3A_7, %dma_start3A_273] : memref<10240x8xf32, #tpu.memory_space<hbm>> -> memref<640x8xf32, #tpu.memory_space<hbm>>
        %dma_start3A_275 = arith.constant 0 : i32
        %dma_start3A_276 = tpu.memref_slice %arg7[%mul3A_7, %dma_start3A_275] : memref<10240x8xf32, #tpu.memory_space<hbm>> -> memref<640x8xf32, #tpu.memory_space<hbm>>
        tpu.enqueue_dma source(%arg19 : memref<640x8xf32, #tpu.memory_space<vmem>>) target(%dma_start3A_276 : memref<640x8xf32, #tpu.memory_space<hbm>>) target_semaphore(%run_scoped3A : memref<!tpu.dma_semaphore, #tpu.memory_space<semaphore_mem>>)
        %dma_wait3A_277 = arith.constant 0 : i32
        %dma_wait3A_278 = tpu.memref_slice %arg7[%mul3A_7, %dma_wait3A_277] : memref<10240x8xf32, #tpu.memory_space<hbm>> -> memref<640x8xf32, #tpu.memory_space<hbm>>
        %dma_wait3A_279 = arith.constant 0 : i32
        %dma_wait3A_280 = tpu.memref_slice %arg7[%mul3A_7, %dma_wait3A_279] : memref<10240x8xf32, #tpu.memory_space<hbm>> -> memref<640x8xf32, #tpu.memory_space<hbm>>
        tpu.wait_dma2 semaphore(%run_scoped3A : memref<!tpu.dma_semaphore, #tpu.memory_space<semaphore_mem>>) src(%arg19 : memref<640x8xf32, #tpu.memory_space<vmem>>) dst(%dma_wait3A_280 : memref<640x8xf32, #tpu.memory_space<hbm>>)
        tpu.yield
      }) : () -> ()
      "tpu.region"() ({
        %run_scoped3A = tpu.sem_alloc : memref<!tpu.dma_semaphore, #tpu.memory_space<semaphore_mem>>
        %dma_start3A_273 = arith.constant 0 : i32
        %dma_start3A_274 = tpu.memref_slice %arg10[%mul3A_7, %dma_start3A_273] : memref<10240x8xf32, #tpu.memory_space<hbm>> -> memref<640x8xf32, #tpu.memory_space<hbm>>
        %dma_start3A_275 = arith.constant 0 : i32
        %dma_start3A_276 = tpu.memref_slice %arg10[%mul3A_7, %dma_start3A_275] : memref<10240x8xf32, #tpu.memory_space<hbm>> -> memref<640x8xf32, #tpu.memory_space<hbm>>
        tpu.enqueue_dma source(%arg20 : memref<640x8xf32, #tpu.memory_space<vmem>>) target(%dma_start3A_276 : memref<640x8xf32, #tpu.memory_space<hbm>>) target_semaphore(%run_scoped3A : memref<!tpu.dma_semaphore, #tpu.memory_space<semaphore_mem>>)
        %dma_wait3A_277 = arith.constant 0 : i32
        %dma_wait3A_278 = tpu.memref_slice %arg10[%mul3A_7, %dma_wait3A_277] : memref<10240x8xf32, #tpu.memory_space<hbm>> -> memref<640x8xf32, #tpu.memory_space<hbm>>
        %dma_wait3A_279 = arith.constant 0 : i32
        %dma_wait3A_280 = tpu.memref_slice %arg10[%mul3A_7, %dma_wait3A_279] : memref<10240x8xf32, #tpu.memory_space<hbm>> -> memref<640x8xf32, #tpu.memory_space<hbm>>
        tpu.wait_dma2 semaphore(%run_scoped3A : memref<!tpu.dma_semaphore, #tpu.memory_space<semaphore_mem>>) src(%arg20 : memref<640x8xf32, #tpu.memory_space<vmem>>) dst(%dma_wait3A_280 : memref<640x8xf32, #tpu.memory_space<hbm>>)
        tpu.yield
      }) : () -> ()
      %barrier3A_143 = arith.constant 0 : index
      tpu.barrier barrier_id(%barrier3A_143)
      %add3A_144 = arith.constant 0 : i32
      %add3A_145 = arith.addi %mul3A_9, %add3A_144 : i32
      "tpu.region"() ({
        %run_scoped3A = tpu.sem_alloc : memref<!tpu.dma_semaphore, #tpu.memory_space<semaphore_mem>>
        %dma_start3A_273 = tpu.memref_slice %arg4[%add3A_145] : memref<327680xi32, #tpu.memory_space<hbm>> -> memref<2560xi32, #tpu.memory_space<hbm>>
        %dma_start3A_274 = tpu.memref_slice %arg4[%add3A_145] : memref<327680xi32, #tpu.memory_space<hbm>> -> memref<2560xi32, #tpu.memory_space<hbm>>
        tpu.enqueue_dma source(%dma_start3A_274 : memref<2560xi32, #tpu.memory_space<hbm>>) target(%arg15 : memref<2560xi32, #tpu.memory_space<vmem>>) target_semaphore(%run_scoped3A : memref<!tpu.dma_semaphore, #tpu.memory_space<semaphore_mem>>)
        %dma_wait3A_275 = tpu.memref_slice %arg4[%add3A_145] : memref<327680xi32, #tpu.memory_space<hbm>> -> memref<2560xi32, #tpu.memory_space<hbm>>
        %dma_wait3A_276 = tpu.memref_slice %arg4[%add3A_145] : memref<327680xi32, #tpu.memory_space<hbm>> -> memref<2560xi32, #tpu.memory_space<hbm>>
        tpu.wait_dma2 semaphore(%run_scoped3A : memref<!tpu.dma_semaphore, #tpu.memory_space<semaphore_mem>>) src(%dma_wait3A_276 : memref<2560xi32, #tpu.memory_space<hbm>>) dst(%arg15 : memref<2560xi32, #tpu.memory_space<vmem>>)
        tpu.yield
      }) : () -> ()
      %add3A_146 = arith.constant 0 : i32
      %add3A_147 = arith.addi %mul3A_9, %add3A_146 : i32
      "tpu.region"() ({
        %run_scoped3A = tpu.sem_alloc : memref<!tpu.dma_semaphore, #tpu.memory_space<semaphore_mem>>
        %dma_start3A_273 = tpu.memref_slice %arg3[%add3A_147] : memref<327680xi32, #tpu.memory_space<hbm>> -> memref<2560xi32, #tpu.memory_space<hbm>>
        %dma_start3A_274 = tpu.memref_slice %arg3[%add3A_147] : memref<327680xi32, #tpu.memory_space<hbm>> -> memref<2560xi32, #tpu.memory_space<hbm>>
        tpu.enqueue_dma source(%dma_start3A_274 : memref<2560xi32, #tpu.memory_space<hbm>>) target(%arg17 : memref<2560xi32, #tpu.memory_space<vmem>>) target_semaphore(%run_scoped3A : memref<!tpu.dma_semaphore, #tpu.memory_space<semaphore_mem>>)
        %dma_wait3A_275 = tpu.memref_slice %arg3[%add3A_147] : memref<327680xi32, #tpu.memory_space<hbm>> -> memref<2560xi32, #tpu.memory_space<hbm>>
        %dma_wait3A_276 = tpu.memref_slice %arg3[%add3A_147] : memref<327680xi32, #tpu.memory_space<hbm>> -> memref<2560xi32, #tpu.memory_space<hbm>>
        tpu.wait_dma2 semaphore(%run_scoped3A : memref<!tpu.dma_semaphore, #tpu.memory_space<semaphore_mem>>) src(%dma_wait3A_276 : memref<2560xi32, #tpu.memory_space<hbm>>) dst(%arg17 : memref<2560xi32, #tpu.memory_space<vmem>>)
        tpu.yield
      }) : () -> ()
      %dma_start3A_148 = arith.constant 0 : i32
      %dma_start3A_149 = arith.constant 0 : i32
      %dma_start3A_150 = tpu.memref_slice %arg10[%dma_start3A_148, %dma_start3A_149] : memref<10240x8xf32, #tpu.memory_space<hbm>> -> memref<10240x8xf32, #tpu.memory_space<hbm>>
      tpu.enqueue_indirect_dma source(%dma_start3A_150 : memref<10240x8xf32, #tpu.memory_space<hbm>>) target(%arg13 : memref<2560x8xf32, #tpu.memory_space<vmem>>) offsets(%arg15 : memref<2560xi32, #tpu.memory_space<vmem>>) semaphore(%arg22 : memref<!tpu.dma_semaphore, #tpu.memory_space<semaphore_mem>>)
      %add3A_151 = arith.constant 2560 : i32
      %add3A_152 = arith.addi %mul3A_9, %add3A_151 : i32
      "tpu.region"() ({
        %run_scoped3A = tpu.sem_alloc : memref<!tpu.dma_semaphore, #tpu.memory_space<semaphore_mem>>
        %dma_start3A_273 = tpu.memref_slice %arg4[%add3A_152] : memref<327680xi32, #tpu.memory_space<hbm>> -> memref<2560xi32, #tpu.memory_space<hbm>>
        %dma_start3A_274 = tpu.memref_slice %arg4[%add3A_152] : memref<327680xi32, #tpu.memory_space<hbm>> -> memref<2560xi32, #tpu.memory_space<hbm>>
        tpu.enqueue_dma source(%dma_start3A_274 : memref<2560xi32, #tpu.memory_space<hbm>>) target(%arg16 : memref<2560xi32, #tpu.memory_space<vmem>>) target_semaphore(%run_scoped3A : memref<!tpu.dma_semaphore, #tpu.memory_space<semaphore_mem>>)
        %dma_wait3A_275 = tpu.memref_slice %arg4[%add3A_152] : memref<327680xi32, #tpu.memory_space<hbm>> -> memref<2560xi32, #tpu.memory_space<hbm>>
        %dma_wait3A_276 = tpu.memref_slice %arg4[%add3A_152] : memref<327680xi32, #tpu.memory_space<hbm>> -> memref<2560xi32, #tpu.memory_space<hbm>>
        tpu.wait_dma2 semaphore(%run_scoped3A : memref<!tpu.dma_semaphore, #tpu.memory_space<semaphore_mem>>) src(%dma_wait3A_276 : memref<2560xi32, #tpu.memory_space<hbm>>) dst(%arg16 : memref<2560xi32, #tpu.memory_space<vmem>>)
        tpu.yield
      }) : () -> ()
      %add3A_153 = arith.constant 2560 : i32
      %add3A_154 = arith.addi %mul3A_9, %add3A_153 : i32
      "tpu.region"() ({
        %run_scoped3A = tpu.sem_alloc : memref<!tpu.dma_semaphore, #tpu.memory_space<semaphore_mem>>
        %dma_start3A_273 = tpu.memref_slice %arg3[%add3A_154] : memref<327680xi32, #tpu.memory_space<hbm>> -> memref<2560xi32, #tpu.memory_space<hbm>>
        %dma_start3A_274 = tpu.memref_slice %arg3[%add3A_154] : memref<327680xi32, #tpu.memory_space<hbm>> -> memref<2560xi32, #tpu.memory_space<hbm>>
        tpu.enqueue_dma source(%dma_start3A_274 : memref<2560xi32, #tpu.memory_space<hbm>>) target(%arg18 : memref<2560xi32, #tpu.memory_space<vmem>>) target_semaphore(%run_scoped3A : memref<!tpu.dma_semaphore, #tpu.memory_space<semaphore_mem>>)
        %dma_wait3A_275 = tpu.memref_slice %arg3[%add3A_154] : memref<327680xi32, #tpu.memory_space<hbm>> -> memref<2560xi32, #tpu.memory_space<hbm>>
        %dma_wait3A_276 = tpu.memref_slice %arg3[%add3A_154] : memref<327680xi32, #tpu.memory_space<hbm>> -> memref<2560xi32, #tpu.memory_space<hbm>>
        tpu.wait_dma2 semaphore(%run_scoped3A : memref<!tpu.dma_semaphore, #tpu.memory_space<semaphore_mem>>) src(%dma_wait3A_276 : memref<2560xi32, #tpu.memory_space<hbm>>) dst(%arg18 : memref<2560xi32, #tpu.memory_space<vmem>>)
        tpu.yield
      }) : () -> ()
      %dma_start3A_155 = arith.constant 0 : i32
      %dma_start3A_156 = arith.constant 0 : i32
      %dma_start3A_157 = tpu.memref_slice %arg10[%dma_start3A_155, %dma_start3A_156] : memref<10240x8xf32, #tpu.memory_space<hbm>> -> memref<10240x8xf32, #tpu.memory_space<hbm>>
      tpu.enqueue_indirect_dma source(%dma_start3A_157 : memref<10240x8xf32, #tpu.memory_space<hbm>>) target(%arg14 : memref<2560x8xf32, #tpu.memory_space<vmem>>) offsets(%arg16 : memref<2560xi32, #tpu.memory_space<vmem>>) semaphore(%arg23 : memref<!tpu.dma_semaphore, #tpu.memory_space<semaphore_mem>>)
      %dma_wait3A_158 = arith.constant 0 : i32
      %dma_wait3A_159 = arith.constant 0 : i32
      %dma_wait3A_160 = tpu.memref_slice %arg10[%dma_wait3A_158, %dma_wait3A_159] : memref<10240x8xf32, #tpu.memory_space<hbm>> -> memref<10240x8xf32, #tpu.memory_space<hbm>>
      tpu.wait_indirect_dma semaphore(%arg22 : memref<!tpu.dma_semaphore, #tpu.memory_space<semaphore_mem>>) src(%dma_wait3A_160 : memref<10240x8xf32, #tpu.memory_space<hbm>>) dst(%arg13 : memref<2560x8xf32, #tpu.memory_space<vmem>>)
      %dma_start3A_161 = arith.constant 0 : i32
      %dma_start3A_162 = arith.constant 0 : i32
      %dma_start3A_163 = tpu.memref_slice %arg12[%dma_start3A_161, %dma_start3A_162] : memref<10240x8xf32, #tpu.memory_space<vmem_shared>> -> memref<10240x8xf32, #tpu.memory_space<vmem_shared>>
      tpu.enqueue_indirect_dma source(%arg13 : memref<2560x8xf32, #tpu.memory_space<vmem>>) target(%dma_start3A_163 : memref<10240x8xf32, #tpu.memory_space<vmem_shared>>) offsets(%arg17 : memref<2560xi32, #tpu.memory_space<vmem>>) semaphore(%arg24 : memref<!tpu.dma_semaphore, #tpu.memory_space<semaphore_mem>>) {add = true}
      %dma_wait3A_164 = arith.constant 0 : i32
      %dma_wait3A_165 = arith.constant 0 : i32
      %dma_wait3A_166 = tpu.memref_slice %arg12[%dma_wait3A_164, %dma_wait3A_165] : memref<10240x8xf32, #tpu.memory_space<vmem_shared>> -> memref<10240x8xf32, #tpu.memory_space<vmem_shared>>
      tpu.wait_indirect_dma semaphore(%arg24 : memref<!tpu.dma_semaphore, #tpu.memory_space<semaphore_mem>>) src(%arg13 : memref<2560x8xf32, #tpu.memory_space<vmem>>) dst(%dma_wait3A_166 : memref<10240x8xf32, #tpu.memory_space<vmem_shared>>)
      %add3A_167 = arith.constant 5120 : i32
      %add3A_168 = arith.addi %mul3A_9, %add3A_167 : i32
      "tpu.region"() ({
        %run_scoped3A = tpu.sem_alloc : memref<!tpu.dma_semaphore, #tpu.memory_space<semaphore_mem>>
        %dma_start3A_273 = tpu.memref_slice %arg4[%add3A_168] : memref<327680xi32, #tpu.memory_space<hbm>> -> memref<2560xi32, #tpu.memory_space<hbm>>
        %dma_start3A_274 = tpu.memref_slice %arg4[%add3A_168] : memref<327680xi32, #tpu.memory_space<hbm>> -> memref<2560xi32, #tpu.memory_space<hbm>>
        tpu.enqueue_dma source(%dma_start3A_274 : memref<2560xi32, #tpu.memory_space<hbm>>) target(%arg15 : memref<2560xi32, #tpu.memory_space<vmem>>) target_semaphore(%run_scoped3A : memref<!tpu.dma_semaphore, #tpu.memory_space<semaphore_mem>>)
        %dma_wait3A_275 = tpu.memref_slice %arg4[%add3A_168] : memref<327680xi32, #tpu.memory_space<hbm>> -> memref<2560xi32, #tpu.memory_space<hbm>>
        %dma_wait3A_276 = tpu.memref_slice %arg4[%add3A_168] : memref<327680xi32, #tpu.memory_space<hbm>> -> memref<2560xi32, #tpu.memory_space<hbm>>
        tpu.wait_dma2 semaphore(%run_scoped3A : memref<!tpu.dma_semaphore, #tpu.memory_space<semaphore_mem>>) src(%dma_wait3A_276 : memref<2560xi32, #tpu.memory_space<hbm>>) dst(%arg15 : memref<2560xi32, #tpu.memory_space<vmem>>)
        tpu.yield
      }) : () -> ()
      %add3A_169 = arith.constant 5120 : i32
      %add3A_170 = arith.addi %mul3A_9, %add3A_169 : i32
      "tpu.region"() ({
        %run_scoped3A = tpu.sem_alloc : memref<!tpu.dma_semaphore, #tpu.memory_space<semaphore_mem>>
        %dma_start3A_273 = tpu.memref_slice %arg3[%add3A_170] : memref<327680xi32, #tpu.memory_space<hbm>> -> memref<2560xi32, #tpu.memory_space<hbm>>
        %dma_start3A_274 = tpu.memref_slice %arg3[%add3A_170] : memref<327680xi32, #tpu.memory_space<hbm>> -> memref<2560xi32, #tpu.memory_space<hbm>>
        tpu.enqueue_dma source(%dma_start3A_274 : memref<2560xi32, #tpu.memory_space<hbm>>) target(%arg17 : memref<2560xi32, #tpu.memory_space<vmem>>) target_semaphore(%run_scoped3A : memref<!tpu.dma_semaphore, #tpu.memory_space<semaphore_mem>>)
        %dma_wait3A_275 = tpu.memref_slice %arg3[%add3A_170] : memref<327680xi32, #tpu.memory_space<hbm>> -> memref<2560xi32, #tpu.memory_space<hbm>>
        %dma_wait3A_276 = tpu.memref_slice %arg3[%add3A_170] : memref<327680xi32, #tpu.memory_space<hbm>> -> memref<2560xi32, #tpu.memory_space<hbm>>
        tpu.wait_dma2 semaphore(%run_scoped3A : memref<!tpu.dma_semaphore, #tpu.memory_space<semaphore_mem>>) src(%dma_wait3A_276 : memref<2560xi32, #tpu.memory_space<hbm>>) dst(%arg17 : memref<2560xi32, #tpu.memory_space<vmem>>)
        tpu.yield
      }) : () -> ()
      %dma_start3A_171 = arith.constant 0 : i32
      %dma_start3A_172 = arith.constant 0 : i32
      %dma_start3A_173 = tpu.memref_slice %arg10[%dma_start3A_171, %dma_start3A_172] : memref<10240x8xf32, #tpu.memory_space<hbm>> -> memref<10240x8xf32, #tpu.memory_space<hbm>>
      tpu.enqueue_indirect_dma source(%dma_start3A_173 : memref<10240x8xf32, #tpu.memory_space<hbm>>) target(%arg13 : memref<2560x8xf32, #tpu.memory_space<vmem>>) offsets(%arg15 : memref<2560xi32, #tpu.memory_space<vmem>>) semaphore(%arg22 : memref<!tpu.dma_semaphore, #tpu.memory_space<semaphore_mem>>)
      %dma_wait3A_174 = arith.constant 0 : i32
      %dma_wait3A_175 = arith.constant 0 : i32
      %dma_wait3A_176 = tpu.memref_slice %arg10[%dma_wait3A_174, %dma_wait3A_175] : memref<10240x8xf32, #tpu.memory_space<hbm>> -> memref<10240x8xf32, #tpu.memory_space<hbm>>
      tpu.wait_indirect_dma semaphore(%arg23 : memref<!tpu.dma_semaphore, #tpu.memory_space<semaphore_mem>>) src(%dma_wait3A_176 : memref<10240x8xf32, #tpu.memory_space<hbm>>) dst(%arg14 : memref<2560x8xf32, #tpu.memory_space<vmem>>)
      %dma_start3A_177 = arith.constant 0 : i32
      %dma_start3A_178 = arith.constant 0 : i32
      %dma_start3A_179 = tpu.memref_slice %arg12[%dma_start3A_177, %dma_start3A_178] : memref<10240x8xf32, #tpu.memory_space<vmem_shared>> -> memref<10240x8xf32, #tpu.memory_space<vmem_shared>>
      tpu.enqueue_indirect_dma source(%arg14 : memref<2560x8xf32, #tpu.memory_space<vmem>>) target(%dma_start3A_179 : memref<10240x8xf32, #tpu.memory_space<vmem_shared>>) offsets(%arg18 : memref<2560xi32, #tpu.memory_space<vmem>>) semaphore(%arg25 : memref<!tpu.dma_semaphore, #tpu.memory_space<semaphore_mem>>) {add = true}
      %dma_wait3A_180 = arith.constant 0 : i32
      %dma_wait3A_181 = arith.constant 0 : i32
      %dma_wait3A_182 = tpu.memref_slice %arg12[%dma_wait3A_180, %dma_wait3A_181] : memref<10240x8xf32, #tpu.memory_space<vmem_shared>> -> memref<10240x8xf32, #tpu.memory_space<vmem_shared>>
      tpu.wait_indirect_dma semaphore(%arg25 : memref<!tpu.dma_semaphore, #tpu.memory_space<semaphore_mem>>) src(%arg14 : memref<2560x8xf32, #tpu.memory_space<vmem>>) dst(%dma_wait3A_182 : memref<10240x8xf32, #tpu.memory_space<vmem_shared>>)
      %add3A_183 = arith.constant 7680 : i32
      %add3A_184 = arith.addi %mul3A_9, %add3A_183 : i32
      "tpu.region"() ({
        %run_scoped3A = tpu.sem_alloc : memref<!tpu.dma_semaphore, #tpu.memory_space<semaphore_mem>>
        %dma_start3A_273 = tpu.memref_slice %arg4[%add3A_184] : memref<327680xi32, #tpu.memory_space<hbm>> -> memref<2560xi32, #tpu.memory_space<hbm>>
        %dma_start3A_274 = tpu.memref_slice %arg4[%add3A_184] : memref<327680xi32, #tpu.memory_space<hbm>> -> memref<2560xi32, #tpu.memory_space<hbm>>
        tpu.enqueue_dma source(%dma_start3A_274 : memref<2560xi32, #tpu.memory_space<hbm>>) target(%arg16 : memref<2560xi32, #tpu.memory_space<vmem>>) target_semaphore(%run_scoped3A : memref<!tpu.dma_semaphore, #tpu.memory_space<semaphore_mem>>)
        %dma_wait3A_275 = tpu.memref_slice %arg4[%add3A_184] : memref<327680xi32, #tpu.memory_space<hbm>> -> memref<2560xi32, #tpu.memory_space<hbm>>
        %dma_wait3A_276 = tpu.memref_slice %arg4[%add3A_184] : memref<327680xi32, #tpu.memory_space<hbm>> -> memref<2560xi32, #tpu.memory_space<hbm>>
        tpu.wait_dma2 semaphore(%run_scoped3A : memref<!tpu.dma_semaphore, #tpu.memory_space<semaphore_mem>>) src(%dma_wait3A_276 : memref<2560xi32, #tpu.memory_space<hbm>>) dst(%arg16 : memref<2560xi32, #tpu.memory_space<vmem>>)
        tpu.yield
      }) : () -> ()
      %add3A_185 = arith.constant 7680 : i32
      %add3A_186 = arith.addi %mul3A_9, %add3A_185 : i32
      "tpu.region"() ({
        %run_scoped3A = tpu.sem_alloc : memref<!tpu.dma_semaphore, #tpu.memory_space<semaphore_mem>>
        %dma_start3A_273 = tpu.memref_slice %arg3[%add3A_186] : memref<327680xi32, #tpu.memory_space<hbm>> -> memref<2560xi32, #tpu.memory_space<hbm>>
        %dma_start3A_274 = tpu.memref_slice %arg3[%add3A_186] : memref<327680xi32, #tpu.memory_space<hbm>> -> memref<2560xi32, #tpu.memory_space<hbm>>
        tpu.enqueue_dma source(%dma_start3A_274 : memref<2560xi32, #tpu.memory_space<hbm>>) target(%arg18 : memref<2560xi32, #tpu.memory_space<vmem>>) target_semaphore(%run_scoped3A : memref<!tpu.dma_semaphore, #tpu.memory_space<semaphore_mem>>)
        %dma_wait3A_275 = tpu.memref_slice %arg3[%add3A_186] : memref<327680xi32, #tpu.memory_space<hbm>> -> memref<2560xi32, #tpu.memory_space<hbm>>
        %dma_wait3A_276 = tpu.memref_slice %arg3[%add3A_186] : memref<327680xi32, #tpu.memory_space<hbm>> -> memref<2560xi32, #tpu.memory_space<hbm>>
        tpu.wait_dma2 semaphore(%run_scoped3A : memref<!tpu.dma_semaphore, #tpu.memory_space<semaphore_mem>>) src(%dma_wait3A_276 : memref<2560xi32, #tpu.memory_space<hbm>>) dst(%arg18 : memref<2560xi32, #tpu.memory_space<vmem>>)
        tpu.yield
      }) : () -> ()
      %dma_start3A_187 = arith.constant 0 : i32
      %dma_start3A_188 = arith.constant 0 : i32
      %dma_start3A_189 = tpu.memref_slice %arg10[%dma_start3A_187, %dma_start3A_188] : memref<10240x8xf32, #tpu.memory_space<hbm>> -> memref<10240x8xf32, #tpu.memory_space<hbm>>
      tpu.enqueue_indirect_dma source(%dma_start3A_189 : memref<10240x8xf32, #tpu.memory_space<hbm>>) target(%arg14 : memref<2560x8xf32, #tpu.memory_space<vmem>>) offsets(%arg16 : memref<2560xi32, #tpu.memory_space<vmem>>) semaphore(%arg23 : memref<!tpu.dma_semaphore, #tpu.memory_space<semaphore_mem>>)
      %dma_wait3A_190 = arith.constant 0 : i32
      %dma_wait3A_191 = arith.constant 0 : i32
      %dma_wait3A_192 = tpu.memref_slice %arg10[%dma_wait3A_190, %dma_wait3A_191] : memref<10240x8xf32, #tpu.memory_space<hbm>> -> memref<10240x8xf32, #tpu.memory_space<hbm>>
      tpu.wait_indirect_dma semaphore(%arg22 : memref<!tpu.dma_semaphore, #tpu.memory_space<semaphore_mem>>) src(%dma_wait3A_192 : memref<10240x8xf32, #tpu.memory_space<hbm>>) dst(%arg13 : memref<2560x8xf32, #tpu.memory_space<vmem>>)
      %dma_start3A_193 = arith.constant 0 : i32
      %dma_start3A_194 = arith.constant 0 : i32
      %dma_start3A_195 = tpu.memref_slice %arg12[%dma_start3A_193, %dma_start3A_194] : memref<10240x8xf32, #tpu.memory_space<vmem_shared>> -> memref<10240x8xf32, #tpu.memory_space<vmem_shared>>
      tpu.enqueue_indirect_dma source(%arg13 : memref<2560x8xf32, #tpu.memory_space<vmem>>) target(%dma_start3A_195 : memref<10240x8xf32, #tpu.memory_space<vmem_shared>>) offsets(%arg17 : memref<2560xi32, #tpu.memory_space<vmem>>) semaphore(%arg24 : memref<!tpu.dma_semaphore, #tpu.memory_space<semaphore_mem>>) {add = true}
      %dma_wait3A_196 = arith.constant 0 : i32
      %dma_wait3A_197 = arith.constant 0 : i32
      %dma_wait3A_198 = tpu.memref_slice %arg12[%dma_wait3A_196, %dma_wait3A_197] : memref<10240x8xf32, #tpu.memory_space<vmem_shared>> -> memref<10240x8xf32, #tpu.memory_space<vmem_shared>>
      tpu.wait_indirect_dma semaphore(%arg24 : memref<!tpu.dma_semaphore, #tpu.memory_space<semaphore_mem>>) src(%arg13 : memref<2560x8xf32, #tpu.memory_space<vmem>>) dst(%dma_wait3A_198 : memref<10240x8xf32, #tpu.memory_space<vmem_shared>>)
      %add3A_199 = arith.constant 10240 : i32
      %add3A_200 = arith.addi %mul3A_9, %add3A_199 : i32
      "tpu.region"() ({
        %run_scoped3A = tpu.sem_alloc : memref<!tpu.dma_semaphore, #tpu.memory_space<semaphore_mem>>
        %dma_start3A_273 = tpu.memref_slice %arg4[%add3A_200] : memref<327680xi32, #tpu.memory_space<hbm>> -> memref<2560xi32, #tpu.memory_space<hbm>>
        %dma_start3A_274 = tpu.memref_slice %arg4[%add3A_200] : memref<327680xi32, #tpu.memory_space<hbm>> -> memref<2560xi32, #tpu.memory_space<hbm>>
        tpu.enqueue_dma source(%dma_start3A_274 : memref<2560xi32, #tpu.memory_space<hbm>>) target(%arg15 : memref<2560xi32, #tpu.memory_space<vmem>>) target_semaphore(%run_scoped3A : memref<!tpu.dma_semaphore, #tpu.memory_space<semaphore_mem>>)
        %dma_wait3A_275 = tpu.memref_slice %arg4[%add3A_200] : memref<327680xi32, #tpu.memory_space<hbm>> -> memref<2560xi32, #tpu.memory_space<hbm>>
        %dma_wait3A_276 = tpu.memref_slice %arg4[%add3A_200] : memref<327680xi32, #tpu.memory_space<hbm>> -> memref<2560xi32, #tpu.memory_space<hbm>>
        tpu.wait_dma2 semaphore(%run_scoped3A : memref<!tpu.dma_semaphore, #tpu.memory_space<semaphore_mem>>) src(%dma_wait3A_276 : memref<2560xi32, #tpu.memory_space<hbm>>) dst(%arg15 : memref<2560xi32, #tpu.memory_space<vmem>>)
        tpu.yield
      }) : () -> ()
      %add3A_201 = arith.constant 10240 : i32
      %add3A_202 = arith.addi %mul3A_9, %add3A_201 : i32
      "tpu.region"() ({
        %run_scoped3A = tpu.sem_alloc : memref<!tpu.dma_semaphore, #tpu.memory_space<semaphore_mem>>
        %dma_start3A_273 = tpu.memref_slice %arg3[%add3A_202] : memref<327680xi32, #tpu.memory_space<hbm>> -> memref<2560xi32, #tpu.memory_space<hbm>>
        %dma_start3A_274 = tpu.memref_slice %arg3[%add3A_202] : memref<327680xi32, #tpu.memory_space<hbm>> -> memref<2560xi32, #tpu.memory_space<hbm>>
        tpu.enqueue_dma source(%dma_start3A_274 : memref<2560xi32, #tpu.memory_space<hbm>>) target(%arg17 : memref<2560xi32, #tpu.memory_space<vmem>>) target_semaphore(%run_scoped3A : memref<!tpu.dma_semaphore, #tpu.memory_space<semaphore_mem>>)
        %dma_wait3A_275 = tpu.memref_slice %arg3[%add3A_202] : memref<327680xi32, #tpu.memory_space<hbm>> -> memref<2560xi32, #tpu.memory_space<hbm>>
        %dma_wait3A_276 = tpu.memref_slice %arg3[%add3A_202] : memref<327680xi32, #tpu.memory_space<hbm>> -> memref<2560xi32, #tpu.memory_space<hbm>>
        tpu.wait_dma2 semaphore(%run_scoped3A : memref<!tpu.dma_semaphore, #tpu.memory_space<semaphore_mem>>) src(%dma_wait3A_276 : memref<2560xi32, #tpu.memory_space<hbm>>) dst(%arg17 : memref<2560xi32, #tpu.memory_space<vmem>>)
        tpu.yield
      }) : () -> ()
      %dma_start3A_203 = arith.constant 0 : i32
      %dma_start3A_204 = arith.constant 0 : i32
      %dma_start3A_205 = tpu.memref_slice %arg10[%dma_start3A_203, %dma_start3A_204] : memref<10240x8xf32, #tpu.memory_space<hbm>> -> memref<10240x8xf32, #tpu.memory_space<hbm>>
      tpu.enqueue_indirect_dma source(%dma_start3A_205 : memref<10240x8xf32, #tpu.memory_space<hbm>>) target(%arg13 : memref<2560x8xf32, #tpu.memory_space<vmem>>) offsets(%arg15 : memref<2560xi32, #tpu.memory_space<vmem>>) semaphore(%arg22 : memref<!tpu.dma_semaphore, #tpu.memory_space<semaphore_mem>>)
      %dma_wait3A_206 = arith.constant 0 : i32
      %dma_wait3A_207 = arith.constant 0 : i32
      %dma_wait3A_208 = tpu.memref_slice %arg10[%dma_wait3A_206, %dma_wait3A_207] : memref<10240x8xf32, #tpu.memory_space<hbm>> -> memref<10240x8xf32, #tpu.memory_space<hbm>>
      tpu.wait_indirect_dma semaphore(%arg23 : memref<!tpu.dma_semaphore, #tpu.memory_space<semaphore_mem>>) src(%dma_wait3A_208 : memref<10240x8xf32, #tpu.memory_space<hbm>>) dst(%arg14 : memref<2560x8xf32, #tpu.memory_space<vmem>>)
      %dma_start3A_209 = arith.constant 0 : i32
      %dma_start3A_210 = arith.constant 0 : i32
      %dma_start3A_211 = tpu.memref_slice %arg12[%dma_start3A_209, %dma_start3A_210] : memref<10240x8xf32, #tpu.memory_space<vmem_shared>> -> memref<10240x8xf32, #tpu.memory_space<vmem_shared>>
      tpu.enqueue_indirect_dma source(%arg14 : memref<2560x8xf32, #tpu.memory_space<vmem>>) target(%dma_start3A_211 : memref<10240x8xf32, #tpu.memory_space<vmem_shared>>) offsets(%arg18 : memref<2560xi32, #tpu.memory_space<vmem>>) semaphore(%arg25 : memref<!tpu.dma_semaphore, #tpu.memory_space<semaphore_mem>>) {add = true}
      %dma_wait3A_212 = arith.constant 0 : i32
      %dma_wait3A_213 = arith.constant 0 : i32
      %dma_wait3A_214 = tpu.memref_slice %arg12[%dma_wait3A_212, %dma_wait3A_213] : memref<10240x8xf32, #tpu.memory_space<vmem_shared>> -> memref<10240x8xf32, #tpu.memory_space<vmem_shared>>
      tpu.wait_indirect_dma semaphore(%arg25 : memref<!tpu.dma_semaphore, #tpu.memory_space<semaphore_mem>>) src(%arg14 : memref<2560x8xf32, #tpu.memory_space<vmem>>) dst(%dma_wait3A_214 : memref<10240x8xf32, #tpu.memory_space<vmem_shared>>)
      %add3A_215 = arith.constant 12800 : i32
      %add3A_216 = arith.addi %mul3A_9, %add3A_215 : i32
      "tpu.region"() ({
        %run_scoped3A = tpu.sem_alloc : memref<!tpu.dma_semaphore, #tpu.memory_space<semaphore_mem>>
        %dma_start3A_273 = tpu.memref_slice %arg4[%add3A_216] : memref<327680xi32, #tpu.memory_space<hbm>> -> memref<2560xi32, #tpu.memory_space<hbm>>
        %dma_start3A_274 = tpu.memref_slice %arg4[%add3A_216] : memref<327680xi32, #tpu.memory_space<hbm>> -> memref<2560xi32, #tpu.memory_space<hbm>>
        tpu.enqueue_dma source(%dma_start3A_274 : memref<2560xi32, #tpu.memory_space<hbm>>) target(%arg16 : memref<2560xi32, #tpu.memory_space<vmem>>) target_semaphore(%run_scoped3A : memref<!tpu.dma_semaphore, #tpu.memory_space<semaphore_mem>>)
        %dma_wait3A_275 = tpu.memref_slice %arg4[%add3A_216] : memref<327680xi32, #tpu.memory_space<hbm>> -> memref<2560xi32, #tpu.memory_space<hbm>>
        %dma_wait3A_276 = tpu.memref_slice %arg4[%add3A_216] : memref<327680xi32, #tpu.memory_space<hbm>> -> memref<2560xi32, #tpu.memory_space<hbm>>
        tpu.wait_dma2 semaphore(%run_scoped3A : memref<!tpu.dma_semaphore, #tpu.memory_space<semaphore_mem>>) src(%dma_wait3A_276 : memref<2560xi32, #tpu.memory_space<hbm>>) dst(%arg16 : memref<2560xi32, #tpu.memory_space<vmem>>)
        tpu.yield
      }) : () -> ()
      %add3A_217 = arith.constant 12800 : i32
      %add3A_218 = arith.addi %mul3A_9, %add3A_217 : i32
      "tpu.region"() ({
        %run_scoped3A = tpu.sem_alloc : memref<!tpu.dma_semaphore, #tpu.memory_space<semaphore_mem>>
        %dma_start3A_273 = tpu.memref_slice %arg3[%add3A_218] : memref<327680xi32, #tpu.memory_space<hbm>> -> memref<2560xi32, #tpu.memory_space<hbm>>
        %dma_start3A_274 = tpu.memref_slice %arg3[%add3A_218] : memref<327680xi32, #tpu.memory_space<hbm>> -> memref<2560xi32, #tpu.memory_space<hbm>>
        tpu.enqueue_dma source(%dma_start3A_274 : memref<2560xi32, #tpu.memory_space<hbm>>) target(%arg18 : memref<2560xi32, #tpu.memory_space<vmem>>) target_semaphore(%run_scoped3A : memref<!tpu.dma_semaphore, #tpu.memory_space<semaphore_mem>>)
        %dma_wait3A_275 = tpu.memref_slice %arg3[%add3A_218] : memref<327680xi32, #tpu.memory_space<hbm>> -> memref<2560xi32, #tpu.memory_space<hbm>>
        %dma_wait3A_276 = tpu.memref_slice %arg3[%add3A_218] : memref<327680xi32, #tpu.memory_space<hbm>> -> memref<2560xi32, #tpu.memory_space<hbm>>
        tpu.wait_dma2 semaphore(%run_scoped3A : memref<!tpu.dma_semaphore, #tpu.memory_space<semaphore_mem>>) src(%dma_wait3A_276 : memref<2560xi32, #tpu.memory_space<hbm>>) dst(%arg18 : memref<2560xi32, #tpu.memory_space<vmem>>)
        tpu.yield
      }) : () -> ()
      %dma_start3A_219 = arith.constant 0 : i32
      %dma_start3A_220 = arith.constant 0 : i32
      %dma_start3A_221 = tpu.memref_slice %arg10[%dma_start3A_219, %dma_start3A_220] : memref<10240x8xf32, #tpu.memory_space<hbm>> -> memref<10240x8xf32, #tpu.memory_space<hbm>>
      tpu.enqueue_indirect_dma source(%dma_start3A_221 : memref<10240x8xf32, #tpu.memory_space<hbm>>) target(%arg14 : memref<2560x8xf32, #tpu.memory_space<vmem>>) offsets(%arg16 : memref<2560xi32, #tpu.memory_space<vmem>>) semaphore(%arg23 : memref<!tpu.dma_semaphore, #tpu.memory_space<semaphore_mem>>)
      %dma_wait3A_222 = arith.constant 0 : i32
      %dma_wait3A_223 = arith.constant 0 : i32
      %dma_wait3A_224 = tpu.memref_slice %arg10[%dma_wait3A_222, %dma_wait3A_223] : memref<10240x8xf32, #tpu.memory_space<hbm>> -> memref<10240x8xf32, #tpu.memory_space<hbm>>
      tpu.wait_indirect_dma semaphore(%arg22 : memref<!tpu.dma_semaphore, #tpu.memory_space<semaphore_mem>>) src(%dma_wait3A_224 : memref<10240x8xf32, #tpu.memory_space<hbm>>) dst(%arg13 : memref<2560x8xf32, #tpu.memory_space<vmem>>)
      %dma_start3A_225 = arith.constant 0 : i32
      %dma_start3A_226 = arith.constant 0 : i32
      %dma_start3A_227 = tpu.memref_slice %arg12[%dma_start3A_225, %dma_start3A_226] : memref<10240x8xf32, #tpu.memory_space<vmem_shared>> -> memref<10240x8xf32, #tpu.memory_space<vmem_shared>>
      tpu.enqueue_indirect_dma source(%arg13 : memref<2560x8xf32, #tpu.memory_space<vmem>>) target(%dma_start3A_227 : memref<10240x8xf32, #tpu.memory_space<vmem_shared>>) offsets(%arg17 : memref<2560xi32, #tpu.memory_space<vmem>>) semaphore(%arg24 : memref<!tpu.dma_semaphore, #tpu.memory_space<semaphore_mem>>) {add = true}
      %dma_wait3A_228 = arith.constant 0 : i32
      %dma_wait3A_229 = arith.constant 0 : i32
      %dma_wait3A_230 = tpu.memref_slice %arg12[%dma_wait3A_228, %dma_wait3A_229] : memref<10240x8xf32, #tpu.memory_space<vmem_shared>> -> memref<10240x8xf32, #tpu.memory_space<vmem_shared>>
      tpu.wait_indirect_dma semaphore(%arg24 : memref<!tpu.dma_semaphore, #tpu.memory_space<semaphore_mem>>) src(%arg13 : memref<2560x8xf32, #tpu.memory_space<vmem>>) dst(%dma_wait3A_230 : memref<10240x8xf32, #tpu.memory_space<vmem_shared>>)
      %add3A_231 = arith.constant 15360 : i32
      %add3A_232 = arith.addi %mul3A_9, %add3A_231 : i32
      "tpu.region"() ({
        %run_scoped3A = tpu.sem_alloc : memref<!tpu.dma_semaphore, #tpu.memory_space<semaphore_mem>>
        %dma_start3A_273 = tpu.memref_slice %arg4[%add3A_232] : memref<327680xi32, #tpu.memory_space<hbm>> -> memref<2560xi32, #tpu.memory_space<hbm>>
        %dma_start3A_274 = tpu.memref_slice %arg4[%add3A_232] : memref<327680xi32, #tpu.memory_space<hbm>> -> memref<2560xi32, #tpu.memory_space<hbm>>
        tpu.enqueue_dma source(%dma_start3A_274 : memref<2560xi32, #tpu.memory_space<hbm>>) target(%arg15 : memref<2560xi32, #tpu.memory_space<vmem>>) target_semaphore(%run_scoped3A : memref<!tpu.dma_semaphore, #tpu.memory_space<semaphore_mem>>)
        %dma_wait3A_275 = tpu.memref_slice %arg4[%add3A_232] : memref<327680xi32, #tpu.memory_space<hbm>> -> memref<2560xi32, #tpu.memory_space<hbm>>
        %dma_wait3A_276 = tpu.memref_slice %arg4[%add3A_232] : memref<327680xi32, #tpu.memory_space<hbm>> -> memref<2560xi32, #tpu.memory_space<hbm>>
        tpu.wait_dma2 semaphore(%run_scoped3A : memref<!tpu.dma_semaphore, #tpu.memory_space<semaphore_mem>>) src(%dma_wait3A_276 : memref<2560xi32, #tpu.memory_space<hbm>>) dst(%arg15 : memref<2560xi32, #tpu.memory_space<vmem>>)
        tpu.yield
      }) : () -> ()
      %add3A_233 = arith.constant 15360 : i32
      %add3A_234 = arith.addi %mul3A_9, %add3A_233 : i32
      "tpu.region"() ({
        %run_scoped3A = tpu.sem_alloc : memref<!tpu.dma_semaphore, #tpu.memory_space<semaphore_mem>>
        %dma_start3A_273 = tpu.memref_slice %arg3[%add3A_234] : memref<327680xi32, #tpu.memory_space<hbm>> -> memref<2560xi32, #tpu.memory_space<hbm>>
        %dma_start3A_274 = tpu.memref_slice %arg3[%add3A_234] : memref<327680xi32, #tpu.memory_space<hbm>> -> memref<2560xi32, #tpu.memory_space<hbm>>
        tpu.enqueue_dma source(%dma_start3A_274 : memref<2560xi32, #tpu.memory_space<hbm>>) target(%arg17 : memref<2560xi32, #tpu.memory_space<vmem>>) target_semaphore(%run_scoped3A : memref<!tpu.dma_semaphore, #tpu.memory_space<semaphore_mem>>)
        %dma_wait3A_275 = tpu.memref_slice %arg3[%add3A_234] : memref<327680xi32, #tpu.memory_space<hbm>> -> memref<2560xi32, #tpu.memory_space<hbm>>
        %dma_wait3A_276 = tpu.memref_slice %arg3[%add3A_234] : memref<327680xi32, #tpu.memory_space<hbm>> -> memref<2560xi32, #tpu.memory_space<hbm>>
        tpu.wait_dma2 semaphore(%run_scoped3A : memref<!tpu.dma_semaphore, #tpu.memory_space<semaphore_mem>>) src(%dma_wait3A_276 : memref<2560xi32, #tpu.memory_space<hbm>>) dst(%arg17 : memref<2560xi32, #tpu.memory_space<vmem>>)
        tpu.yield
      }) : () -> ()
      %dma_start3A_235 = arith.constant 0 : i32
      %dma_start3A_236 = arith.constant 0 : i32
      %dma_start3A_237 = tpu.memref_slice %arg10[%dma_start3A_235, %dma_start3A_236] : memref<10240x8xf32, #tpu.memory_space<hbm>> -> memref<10240x8xf32, #tpu.memory_space<hbm>>
      tpu.enqueue_indirect_dma source(%dma_start3A_237 : memref<10240x8xf32, #tpu.memory_space<hbm>>) target(%arg13 : memref<2560x8xf32, #tpu.memory_space<vmem>>) offsets(%arg15 : memref<2560xi32, #tpu.memory_space<vmem>>) semaphore(%arg22 : memref<!tpu.dma_semaphore, #tpu.memory_space<semaphore_mem>>)
      %dma_wait3A_238 = arith.constant 0 : i32
      %dma_wait3A_239 = arith.constant 0 : i32
      %dma_wait3A_240 = tpu.memref_slice %arg10[%dma_wait3A_238, %dma_wait3A_239] : memref<10240x8xf32, #tpu.memory_space<hbm>> -> memref<10240x8xf32, #tpu.memory_space<hbm>>
      tpu.wait_indirect_dma semaphore(%arg23 : memref<!tpu.dma_semaphore, #tpu.memory_space<semaphore_mem>>) src(%dma_wait3A_240 : memref<10240x8xf32, #tpu.memory_space<hbm>>) dst(%arg14 : memref<2560x8xf32, #tpu.memory_space<vmem>>)
      %dma_start3A_241 = arith.constant 0 : i32
      %dma_start3A_242 = arith.constant 0 : i32
      %dma_start3A_243 = tpu.memref_slice %arg12[%dma_start3A_241, %dma_start3A_242] : memref<10240x8xf32, #tpu.memory_space<vmem_shared>> -> memref<10240x8xf32, #tpu.memory_space<vmem_shared>>
      tpu.enqueue_indirect_dma source(%arg14 : memref<2560x8xf32, #tpu.memory_space<vmem>>) target(%dma_start3A_243 : memref<10240x8xf32, #tpu.memory_space<vmem_shared>>) offsets(%arg18 : memref<2560xi32, #tpu.memory_space<vmem>>) semaphore(%arg25 : memref<!tpu.dma_semaphore, #tpu.memory_space<semaphore_mem>>) {add = true}
      %dma_wait3A_244 = arith.constant 0 : i32
      %dma_wait3A_245 = arith.constant 0 : i32
      %dma_wait3A_246 = tpu.memref_slice %arg12[%dma_wait3A_244, %dma_wait3A_245] : memref<10240x8xf32, #tpu.memory_space<vmem_shared>> -> memref<10240x8xf32, #tpu.memory_space<vmem_shared>>
      tpu.wait_indirect_dma semaphore(%arg25 : memref<!tpu.dma_semaphore, #tpu.memory_space<semaphore_mem>>) src(%arg14 : memref<2560x8xf32, #tpu.memory_space<vmem>>) dst(%dma_wait3A_246 : memref<10240x8xf32, #tpu.memory_space<vmem_shared>>)
      %add3A_247 = arith.constant 17920 : i32
      %add3A_248 = arith.addi %mul3A_9, %add3A_247 : i32
      "tpu.region"() ({
        %run_scoped3A = tpu.sem_alloc : memref<!tpu.dma_semaphore, #tpu.memory_space<semaphore_mem>>
        %dma_start3A_273 = tpu.memref_slice %arg4[%add3A_248] : memref<327680xi32, #tpu.memory_space<hbm>> -> memref<2560xi32, #tpu.memory_space<hbm>>
        %dma_start3A_274 = tpu.memref_slice %arg4[%add3A_248] : memref<327680xi32, #tpu.memory_space<hbm>> -> memref<2560xi32, #tpu.memory_space<hbm>>
        tpu.enqueue_dma source(%dma_start3A_274 : memref<2560xi32, #tpu.memory_space<hbm>>) target(%arg16 : memref<2560xi32, #tpu.memory_space<vmem>>) target_semaphore(%run_scoped3A : memref<!tpu.dma_semaphore, #tpu.memory_space<semaphore_mem>>)
        %dma_wait3A_275 = tpu.memref_slice %arg4[%add3A_248] : memref<327680xi32, #tpu.memory_space<hbm>> -> memref<2560xi32, #tpu.memory_space<hbm>>
        %dma_wait3A_276 = tpu.memref_slice %arg4[%add3A_248] : memref<327680xi32, #tpu.memory_space<hbm>> -> memref<2560xi32, #tpu.memory_space<hbm>>
        tpu.wait_dma2 semaphore(%run_scoped3A : memref<!tpu.dma_semaphore, #tpu.memory_space<semaphore_mem>>) src(%dma_wait3A_276 : memref<2560xi32, #tpu.memory_space<hbm>>) dst(%arg16 : memref<2560xi32, #tpu.memory_space<vmem>>)
        tpu.yield
      }) : () -> ()
      %add3A_249 = arith.constant 17920 : i32
      %add3A_250 = arith.addi %mul3A_9, %add3A_249 : i32
      "tpu.region"() ({
        %run_scoped3A = tpu.sem_alloc : memref<!tpu.dma_semaphore, #tpu.memory_space<semaphore_mem>>
        %dma_start3A_273 = tpu.memref_slice %arg3[%add3A_250] : memref<327680xi32, #tpu.memory_space<hbm>> -> memref<2560xi32, #tpu.memory_space<hbm>>
        %dma_start3A_274 = tpu.memref_slice %arg3[%add3A_250] : memref<327680xi32, #tpu.memory_space<hbm>> -> memref<2560xi32, #tpu.memory_space<hbm>>
        tpu.enqueue_dma source(%dma_start3A_274 : memref<2560xi32, #tpu.memory_space<hbm>>) target(%arg18 : memref<2560xi32, #tpu.memory_space<vmem>>) target_semaphore(%run_scoped3A : memref<!tpu.dma_semaphore, #tpu.memory_space<semaphore_mem>>)
        %dma_wait3A_275 = tpu.memref_slice %arg3[%add3A_250] : memref<327680xi32, #tpu.memory_space<hbm>> -> memref<2560xi32, #tpu.memory_space<hbm>>
        %dma_wait3A_276 = tpu.memref_slice %arg3[%add3A_250] : memref<327680xi32, #tpu.memory_space<hbm>> -> memref<2560xi32, #tpu.memory_space<hbm>>
        tpu.wait_dma2 semaphore(%run_scoped3A : memref<!tpu.dma_semaphore, #tpu.memory_space<semaphore_mem>>) src(%dma_wait3A_276 : memref<2560xi32, #tpu.memory_space<hbm>>) dst(%arg18 : memref<2560xi32, #tpu.memory_space<vmem>>)
        tpu.yield
      }) : () -> ()
      %dma_start3A_251 = arith.constant 0 : i32
      %dma_start3A_252 = arith.constant 0 : i32
      %dma_start3A_253 = tpu.memref_slice %arg10[%dma_start3A_251, %dma_start3A_252] : memref<10240x8xf32, #tpu.memory_space<hbm>> -> memref<10240x8xf32, #tpu.memory_space<hbm>>
      tpu.enqueue_indirect_dma source(%dma_start3A_253 : memref<10240x8xf32, #tpu.memory_space<hbm>>) target(%arg14 : memref<2560x8xf32, #tpu.memory_space<vmem>>) offsets(%arg16 : memref<2560xi32, #tpu.memory_space<vmem>>) semaphore(%arg23 : memref<!tpu.dma_semaphore, #tpu.memory_space<semaphore_mem>>)
      %dma_wait3A_254 = arith.constant 0 : i32
      %dma_wait3A_255 = arith.constant 0 : i32
      %dma_wait3A_256 = tpu.memref_slice %arg10[%dma_wait3A_254, %dma_wait3A_255] : memref<10240x8xf32, #tpu.memory_space<hbm>> -> memref<10240x8xf32, #tpu.memory_space<hbm>>
      tpu.wait_indirect_dma semaphore(%arg22 : memref<!tpu.dma_semaphore, #tpu.memory_space<semaphore_mem>>) src(%dma_wait3A_256 : memref<10240x8xf32, #tpu.memory_space<hbm>>) dst(%arg13 : memref<2560x8xf32, #tpu.memory_space<vmem>>)
      %dma_start3A_257 = arith.constant 0 : i32
      %dma_start3A_258 = arith.constant 0 : i32
      %dma_start3A_259 = tpu.memref_slice %arg12[%dma_start3A_257, %dma_start3A_258] : memref<10240x8xf32, #tpu.memory_space<vmem_shared>> -> memref<10240x8xf32, #tpu.memory_space<vmem_shared>>
      tpu.enqueue_indirect_dma source(%arg13 : memref<2560x8xf32, #tpu.memory_space<vmem>>) target(%dma_start3A_259 : memref<10240x8xf32, #tpu.memory_space<vmem_shared>>) offsets(%arg17 : memref<2560xi32, #tpu.memory_space<vmem>>) semaphore(%arg24 : memref<!tpu.dma_semaphore, #tpu.memory_space<semaphore_mem>>) {add = true}
      %dma_wait3A_260 = arith.constant 0 : i32
      %dma_wait3A_261 = arith.constant 0 : i32
      %dma_wait3A_262 = tpu.memref_slice %arg10[%dma_wait3A_260, %dma_wait3A_261] : memref<10240x8xf32, #tpu.memory_space<hbm>> -> memref<10240x8xf32, #tpu.memory_space<hbm>>
      tpu.wait_indirect_dma semaphore(%arg23 : memref<!tpu.dma_semaphore, #tpu.memory_space<semaphore_mem>>) src(%dma_wait3A_262 : memref<10240x8xf32, #tpu.memory_space<hbm>>) dst(%arg14 : memref<2560x8xf32, #tpu.memory_space<vmem>>)
      %dma_start3A_263 = arith.constant 0 : i32
      %dma_start3A_264 = arith.constant 0 : i32
      %dma_start3A_265 = tpu.memref_slice %arg12[%dma_start3A_263, %dma_start3A_264] : memref<10240x8xf32, #tpu.memory_space<vmem_shared>> -> memref<10240x8xf32, #tpu.memory_space<vmem_shared>>
      tpu.enqueue_indirect_dma source(%arg14 : memref<2560x8xf32, #tpu.memory_space<vmem>>) target(%dma_start3A_265 : memref<10240x8xf32, #tpu.memory_space<vmem_shared>>) offsets(%arg18 : memref<2560xi32, #tpu.memory_space<vmem>>) semaphore(%arg25 : memref<!tpu.dma_semaphore, #tpu.memory_space<semaphore_mem>>) {add = true}
      %dma_wait3A_266 = arith.constant 0 : i32
      %dma_wait3A_267 = arith.constant 0 : i32
      %dma_wait3A_268 = tpu.memref_slice %arg12[%dma_wait3A_266, %dma_wait3A_267] : memref<10240x8xf32, #tpu.memory_space<vmem_shared>> -> memref<10240x8xf32, #tpu.memory_space<vmem_shared>>
      tpu.wait_indirect_dma semaphore(%arg24 : memref<!tpu.dma_semaphore, #tpu.memory_space<semaphore_mem>>) src(%arg13 : memref<2560x8xf32, #tpu.memory_space<vmem>>) dst(%dma_wait3A_268 : memref<10240x8xf32, #tpu.memory_space<vmem_shared>>)
      %dma_wait3A_269 = arith.constant 0 : i32
      %dma_wait3A_270 = arith.constant 0 : i32
      %dma_wait3A_271 = tpu.memref_slice %arg12[%dma_wait3A_269, %dma_wait3A_270] : memref<10240x8xf32, #tpu.memory_space<vmem_shared>> -> memref<10240x8xf32, #tpu.memory_space<vmem_shared>>
      tpu.wait_indirect_dma semaphore(%arg25 : memref<!tpu.dma_semaphore, #tpu.memory_space<semaphore_mem>>) src(%arg14 : memref<2560x8xf32, #tpu.memory_space<vmem>>) dst(%dma_wait3A_271 : memref<10240x8xf32, #tpu.memory_space<vmem_shared>>)
      %barrier3A_272 = arith.constant 0 : index
      tpu.barrier barrier_id(%barrier3A_272)
      "tpu.region"() ({
        %run_scoped3A = tpu.sem_alloc : memref<!tpu.dma_semaphore, #tpu.memory_space<semaphore_mem>>
        %dma_start3A_273 = arith.constant 0 : i32
        %dma_start3A_274 = tpu.memref_slice %arg12[%mul3A_7, %dma_start3A_273] : memref<10240x8xf32, #tpu.memory_space<vmem_shared>> -> memref<640x8xf32, #tpu.memory_space<vmem_shared>>
        %dma_start3A_275 = arith.constant 0 : i32
        %dma_start3A_276 = tpu.memref_slice %arg12[%mul3A_7, %dma_start3A_275] : memref<10240x8xf32, #tpu.memory_space<vmem_shared>> -> memref<640x8xf32, #tpu.memory_space<vmem_shared>>
        tpu.enqueue_dma source(%dma_start3A_276 : memref<640x8xf32, #tpu.memory_space<vmem_shared>>) target(%arg19 : memref<640x8xf32, #tpu.memory_space<vmem>>) target_semaphore(%run_scoped3A : memref<!tpu.dma_semaphore, #tpu.memory_space<semaphore_mem>>)
        %dma_wait3A_277 = arith.constant 0 : i32
        %dma_wait3A_278 = tpu.memref_slice %arg12[%mul3A_7, %dma_wait3A_277] : memref<10240x8xf32, #tpu.memory_space<vmem_shared>> -> memref<640x8xf32, #tpu.memory_space<vmem_shared>>
        %dma_wait3A_279 = arith.constant 0 : i32
        %dma_wait3A_280 = tpu.memref_slice %arg12[%mul3A_7, %dma_wait3A_279] : memref<10240x8xf32, #tpu.memory_space<vmem_shared>> -> memref<640x8xf32, #tpu.memory_space<vmem_shared>>
        tpu.wait_dma2 semaphore(%run_scoped3A : memref<!tpu.dma_semaphore, #tpu.memory_space<semaphore_mem>>) src(%dma_wait3A_280 : memref<640x8xf32, #tpu.memory_space<vmem_shared>>) dst(%arg19 : memref<640x8xf32, #tpu.memory_space<vmem>>)
        tpu.yield
      }) : () -> ()
      "tpu.region"() ({
        %run_scoped3A = tpu.sem_alloc : memref<!tpu.dma_semaphore, #tpu.memory_space<semaphore_mem>>
        %dma_start3A_273 = arith.constant 0 : i32
        %dma_start3A_274 = tpu.memref_slice %arg8[%mul3A_7, %dma_start3A_273] : memref<10240x8xf32, #tpu.memory_space<hbm>> -> memref<640x8xf32, #tpu.memory_space<hbm>>
        %dma_start3A_275 = arith.constant 0 : i32
        %dma_start3A_276 = tpu.memref_slice %arg8[%mul3A_7, %dma_start3A_275] : memref<10240x8xf32, #tpu.memory_space<hbm>> -> memref<640x8xf32, #tpu.memory_space<hbm>>
        tpu.enqueue_dma source(%arg19 : memref<640x8xf32, #tpu.memory_space<vmem>>) target(%dma_start3A_276 : memref<640x8xf32, #tpu.memory_space<hbm>>) target_semaphore(%run_scoped3A : memref<!tpu.dma_semaphore, #tpu.memory_space<semaphore_mem>>)
        %dma_wait3A_277 = arith.constant 0 : i32
        %dma_wait3A_278 = tpu.memref_slice %arg8[%mul3A_7, %dma_wait3A_277] : memref<10240x8xf32, #tpu.memory_space<hbm>> -> memref<640x8xf32, #tpu.memory_space<hbm>>
        %dma_wait3A_279 = arith.constant 0 : i32
        %dma_wait3A_280 = tpu.memref_slice %arg8[%mul3A_7, %dma_wait3A_279] : memref<10240x8xf32, #tpu.memory_space<hbm>> -> memref<640x8xf32, #tpu.memory_space<hbm>>
        tpu.wait_dma2 semaphore(%run_scoped3A : memref<!tpu.dma_semaphore, #tpu.memory_space<semaphore_mem>>) src(%arg19 : memref<640x8xf32, #tpu.memory_space<vmem>>) dst(%dma_wait3A_280 : memref<640x8xf32, #tpu.memory_space<hbm>>)
        tpu.yield
      }) : () -> ()
    } else {
    }
    return
  }
}

module attributes {stable_mosaic.version = 14 : i64} {
  func.func @_projection_body(%arg0: i32, %arg1: memref<1000x128xf32, #tpu.memory_space<vmem>>, %arg2: memref<1000x2xf32, #tpu.memory_space<vmem>>, %arg3: memref<1000x8xf32, #tpu.memory_space<vmem>>, %arg4: memref<1000x8xf32, #tpu.memory_space<vmem>>, %arg5: memref<1000x8xf32, #tpu.memory_space<vmem>>, %arg6: memref<1000x8xf32, #tpu.memory_space<vmem>>, %arg7: memref<128x256xf32, #tpu.memory_space<vmem>>, %arg8: memref<2x256xf32, #tpu.memory_space<vmem>>, %arg9: memref<8x256xf32, #tpu.memory_space<vmem>>, %arg10: memref<8x256xf32, #tpu.memory_space<vmem>>, %arg11: memref<8x256xf32, #tpu.memory_space<vmem>>, %arg12: memref<8x256xf32, #tpu.memory_space<vmem>>, %arg13: memref<512x128xf32, #tpu.memory_space<vmem>>, %arg14: memref<128x128xf32, #tpu.memory_space<vmem>>, %arg15: memref<8x128xf32, #tpu.memory_space<vmem>>, %arg16: memref<128x128xf32, #tpu.memory_space<vmem>>, %arg17: memref<1x128xf32, #tpu.memory_space<vmem>>, %arg18: memref<1000x128xf32, #tpu.memory_space<vmem>>, %arg19: memref<1000x128xf32, #tpu.memory_space<vmem>>, %arg20: memref<512x128xf32, #tpu.memory_space<vmem>>) attributes {dimension_semantics = [#tpu.dimension_semantics<arbitrary>], iteration_bounds = array<i64: 10>, scalar_prefetch = 0 : i64, scratch_operands = 0 : i64, tpu.core_type = #tpu.core_type<tc>, window_params = [{transform_indices = @transform_0, window_bounds = array<i64: 1000, 128>}, {transform_indices = @transform_1, window_bounds = array<i64: 1000, 2>}, {transform_indices = @transform_2, window_bounds = array<i64: 1000, 8>}, {transform_indices = @transform_3, window_bounds = array<i64: 1000, 8>}, {transform_indices = @transform_4, window_bounds = array<i64: 1000, 8>}, {transform_indices = @transform_5, window_bounds = array<i64: 1000, 8>}, {pipeline_mode = #tpu.pipeline_mode<synchronous>, transform_indices = @transform_6, window_bounds = array<i64: 128, 256>}, {pipeline_mode = #tpu.pipeline_mode<synchronous>, transform_indices = @transform_7, window_bounds = array<i64: 2, 256>}, {pipeline_mode = #tpu.pipeline_mode<synchronous>, transform_indices = @transform_8, window_bounds = array<i64: 8, 256>}, {pipeline_mode = #tpu.pipeline_mode<synchronous>, transform_indices = @transform_9, window_bounds = array<i64: 8, 256>}, {pipeline_mode = #tpu.pipeline_mode<synchronous>, transform_indices = @transform_10, window_bounds = array<i64: 8, 256>}, {pipeline_mode = #tpu.pipeline_mode<synchronous>, transform_indices = @transform_11, window_bounds = array<i64: 8, 256>}, {pipeline_mode = #tpu.pipeline_mode<synchronous>, transform_indices = @transform_12, window_bounds = array<i64: 512, 128>}, {pipeline_mode = #tpu.pipeline_mode<synchronous>, transform_indices = @transform_13, window_bounds = array<i64: 128, 128>}, {pipeline_mode = #tpu.pipeline_mode<synchronous>, transform_indices = @transform_14, window_bounds = array<i64: 8, 128>}, {pipeline_mode = #tpu.pipeline_mode<synchronous>, transform_indices = @transform_15, window_bounds = array<i64: 128, 128>}, {pipeline_mode = #tpu.pipeline_mode<synchronous>, transform_indices = @transform_16, window_bounds = array<i64: 1, 128>}, {transform_indices = @transform_17, window_bounds = array<i64: 1000, 128>}, {transform_indices = @transform_18, window_bounds = array<i64: 1000, 128>}, {pipeline_mode = #tpu.pipeline_mode<synchronous>, transform_indices = @transform_19, window_bounds = array<i64: 512, 128>}]} {
    %get3A = arith.constant 0 : index
    %get3A_0 = arith.constant 2 : index
    %get3A_1 = vector.load %arg3[%get3A, %get3A_0] : memref<1000x8xf32, #tpu.memory_space<vmem>>, vector<1000x1xf32>
    %max3A = arith.constant 1.000000e+00 : f32
    %max3A_2 = vector.broadcast %max3A : f32 to vector<1000x1xf32>
    %max3A_3 = arith.maximumf %get3A_1, %max3A_2 : vector<1000x1xf32>
    %get3A_4 = arith.constant 0 : index
    %get3A_5 = arith.constant 2 : index
    %get3A_6 = vector.load %arg5[%get3A_4, %get3A_5] : memref<1000x8xf32, #tpu.memory_space<vmem>>, vector<1000x1xf32>
    %max3A_7 = arith.constant 1.000000e+00 : f32
    %max3A_8 = vector.broadcast %max3A_7 : f32 to vector<1000x1xf32>
    %max3A_9 = arith.maximumf %get3A_6, %max3A_8 : vector<1000x1xf32>
    %get3A_10 = arith.constant 0 : index
    %get3A_11 = arith.constant 0 : index
    %get3A_12 = vector.load %arg1[%get3A_10, %get3A_11] : memref<1000x128xf32, #tpu.memory_space<vmem>>, vector<1000x128xf32>
    %get3A_13 = arith.constant 0 : index
    %get3A_14 = arith.constant 0 : index
    %get3A_15 = vector.load %arg7[%get3A_13, %get3A_14] : memref<128x256xf32, #tpu.memory_space<vmem>>, vector<128x256xf32>
    %dot_general3A = arith.constant dense<0.000000e+00> : vector<1000x256xf32>
    %dot_general3A_16 = tpu.matmul %get3A_12, %get3A_15, %dot_general3A {dimension_numbers = #tpu.dot_dimension_numbers<[1], [0], [0], [1], [0, 0, 1, 1], [], []>, transpose_lhs_hint = false} : vector<1000x128xf32>, vector<128x256xf32>, vector<1000x256xf32> -> vector<1000x256xf32>
    %get3A_17 = arith.constant 0 : index
    %get3A_18 = arith.constant 0 : index
    %get3A_19 = vector.load %arg2[%get3A_17, %get3A_18] : memref<1000x2xf32, #tpu.memory_space<vmem>>, vector<1000x2xf32>
    %get3A_20 = arith.constant 0 : index
    %get3A_21 = arith.constant 0 : index
    %get3A_22 = vector.load %arg8[%get3A_20, %get3A_21] : memref<2x256xf32, #tpu.memory_space<vmem>>, vector<2x256xf32>
    %dot_general3A_23 = arith.constant dense<0.000000e+00> : vector<1000x256xf32>
    %dot_general3A_24 = tpu.matmul %get3A_19, %get3A_22, %dot_general3A_23 {dimension_numbers = #tpu.dot_dimension_numbers<[1], [0], [0], [1], [0, 0, 1, 1], [], []>, transpose_lhs_hint = false} : vector<1000x2xf32>, vector<2x256xf32>, vector<1000x256xf32> -> vector<1000x256xf32>
    %add3A = arith.addf %dot_general3A_16, %dot_general3A_24 : vector<1000x256xf32>
    %get3A_25 = arith.constant 0 : index
    %get3A_26 = arith.constant 0 : index
    %get3A_27 = vector.load %arg3[%get3A_25, %get3A_26] : memref<1000x8xf32, #tpu.memory_space<vmem>>, vector<1000x8xf32>
    %div3A = vector.broadcast %max3A_3 : vector<1000x1xf32> to vector<1000x8xf32>
    %div3A_28 = arith.divf %get3A_27, %div3A : vector<1000x8xf32>
    %get3A_29 = arith.constant 0 : index
    %get3A_30 = arith.constant 0 : index
    %get3A_31 = vector.load %arg9[%get3A_29, %get3A_30] : memref<8x256xf32, #tpu.memory_space<vmem>>, vector<8x256xf32>
    %dot_general3A_32 = arith.constant dense<0.000000e+00> : vector<1000x256xf32>
    %dot_general3A_33 = tpu.matmul %div3A_28, %get3A_31, %dot_general3A_32 {dimension_numbers = #tpu.dot_dimension_numbers<[1], [0], [0], [1], [0, 0, 1, 1], [], []>, transpose_lhs_hint = false} : vector<1000x8xf32>, vector<8x256xf32>, vector<1000x256xf32> -> vector<1000x256xf32>
    %add3A_34 = arith.addf %add3A, %dot_general3A_33 : vector<1000x256xf32>
    %get3A_35 = arith.constant 0 : index
    %get3A_36 = arith.constant 0 : index
    %get3A_37 = vector.load %arg4[%get3A_35, %get3A_36] : memref<1000x8xf32, #tpu.memory_space<vmem>>, vector<1000x8xf32>
    %div3A_38 = vector.broadcast %max3A_3 : vector<1000x1xf32> to vector<1000x8xf32>
    %div3A_39 = arith.divf %get3A_37, %div3A_38 : vector<1000x8xf32>
    %get3A_40 = arith.constant 0 : index
    %get3A_41 = arith.constant 0 : index
    %get3A_42 = vector.load %arg10[%get3A_40, %get3A_41] : memref<8x256xf32, #tpu.memory_space<vmem>>, vector<8x256xf32>
    %dot_general3A_43 = arith.constant dense<0.000000e+00> : vector<1000x256xf32>
    %dot_general3A_44 = tpu.matmul %div3A_39, %get3A_42, %dot_general3A_43 {dimension_numbers = #tpu.dot_dimension_numbers<[1], [0], [0], [1], [0, 0, 1, 1], [], []>, transpose_lhs_hint = false} : vector<1000x8xf32>, vector<8x256xf32>, vector<1000x256xf32> -> vector<1000x256xf32>
    %add3A_45 = arith.addf %add3A_34, %dot_general3A_44 : vector<1000x256xf32>
    %get3A_46 = arith.constant 0 : index
    %get3A_47 = arith.constant 0 : index
    %get3A_48 = vector.load %arg5[%get3A_46, %get3A_47] : memref<1000x8xf32, #tpu.memory_space<vmem>>, vector<1000x8xf32>
    %div3A_49 = vector.broadcast %max3A_9 : vector<1000x1xf32> to vector<1000x8xf32>
    %div3A_50 = arith.divf %get3A_48, %div3A_49 : vector<1000x8xf32>
    %get3A_51 = arith.constant 0 : index
    %get3A_52 = arith.constant 0 : index
    %get3A_53 = vector.load %arg11[%get3A_51, %get3A_52] : memref<8x256xf32, #tpu.memory_space<vmem>>, vector<8x256xf32>
    %dot_general3A_54 = arith.constant dense<0.000000e+00> : vector<1000x256xf32>
    %dot_general3A_55 = tpu.matmul %div3A_50, %get3A_53, %dot_general3A_54 {dimension_numbers = #tpu.dot_dimension_numbers<[1], [0], [0], [1], [0, 0, 1, 1], [], []>, transpose_lhs_hint = false} : vector<1000x8xf32>, vector<8x256xf32>, vector<1000x256xf32> -> vector<1000x256xf32>
    %add3A_56 = arith.addf %add3A_45, %dot_general3A_55 : vector<1000x256xf32>
    %get3A_57 = arith.constant 0 : index
    %get3A_58 = arith.constant 0 : index
    %get3A_59 = vector.load %arg6[%get3A_57, %get3A_58] : memref<1000x8xf32, #tpu.memory_space<vmem>>, vector<1000x8xf32>
    %div3A_60 = vector.broadcast %max3A_9 : vector<1000x1xf32> to vector<1000x8xf32>
    %div3A_61 = arith.divf %get3A_59, %div3A_60 : vector<1000x8xf32>
    %get3A_62 = arith.constant 0 : index
    %get3A_63 = arith.constant 0 : index
    %get3A_64 = vector.load %arg12[%get3A_62, %get3A_63] : memref<8x256xf32, #tpu.memory_space<vmem>>, vector<8x256xf32>
    %dot_general3A_65 = arith.constant dense<0.000000e+00> : vector<1000x256xf32>
    %dot_general3A_66 = tpu.matmul %div3A_61, %get3A_64, %dot_general3A_65 {dimension_numbers = #tpu.dot_dimension_numbers<[1], [0], [0], [1], [0, 0, 1, 1], [], []>, transpose_lhs_hint = false} : vector<1000x8xf32>, vector<8x256xf32>, vector<1000x256xf32> -> vector<1000x256xf32>
    %add3A_67 = arith.addf %add3A_56, %dot_general3A_66 : vector<1000x256xf32>
    %slice3A = vector.extract_strided_slice %add3A_67 {offsets = [0, 0], sizes = [1000, 128], strides = [1, 1]} : vector<1000x256xf32> to vector<1000x128xf32>
    %swap3A = arith.constant 0 : index
    %swap3A_68 = arith.constant 0 : index
    %swap3A_69 = vector.load %arg18[%swap3A, %swap3A_68] : memref<1000x128xf32, #tpu.memory_space<vmem>>, vector<1000x128xf32>
    tpu.vector_store %arg18[%swap3A, %swap3A_68], %slice3A {strides = array<i32>} : memref<1000x128xf32, #tpu.memory_space<vmem>>, vector<1000x128xf32>,
    %slice3A_70 = vector.extract_strided_slice %add3A_67 {offsets = [0, 128], sizes = [1000, 128], strides = [1, 1]} : vector<1000x256xf32> to vector<1000x128xf32>
    %swap3A_71 = arith.constant 0 : index
    %swap3A_72 = arith.constant 0 : index
    %swap3A_73 = vector.load %arg19[%swap3A_71, %swap3A_72] : memref<1000x128xf32, #tpu.memory_space<vmem>>, vector<1000x128xf32>
    tpu.vector_store %arg19[%swap3A_71, %swap3A_72], %slice3A_70 {strides = array<i32>} : memref<1000x128xf32, #tpu.memory_space<vmem>>, vector<1000x128xf32>,
    %eq3A = arith.constant 0 : i32
    %eq3A_74 = arith.cmpi eq, %arg0, %eq3A : i32
    %convert_element_type3A = arith.extui %eq3A_74 : i1 to i32
    %cond3A = arith.constant 0 : i32
    %cond3A_75 = arith.cmpi ne, %convert_element_type3A, %cond3A : i32
    scf.if %cond3A_75 {
      %get3A_76 = arith.constant 0 : index
      %get3A_77 = arith.constant 0 : index
      %get3A_78 = vector.load %arg13[%get3A_76, %get3A_77] : memref<512x128xf32, #tpu.memory_space<vmem>>, vector<512x128xf32>
      %get3A_79 = arith.constant 0 : index
      %get3A_80 = arith.constant 0 : index
      %get3A_81 = vector.load %arg14[%get3A_79, %get3A_80] : memref<128x128xf32, #tpu.memory_space<vmem>>, vector<128x128xf32>
      %dot_general3A_82 = arith.constant dense<0.000000e+00> : vector<512x128xf32>
      %dot_general3A_83 = tpu.matmul %get3A_78, %get3A_81, %dot_general3A_82 {dimension_numbers = #tpu.dot_dimension_numbers<[1], [0], [0], [1], [0, 0, 1, 1], [], []>, transpose_lhs_hint = false} : vector<512x128xf32>, vector<128x128xf32>, vector<512x128xf32> -> vector<512x128xf32>
      %get3A_84 = arith.constant 0 : index
      %get3A_85 = arith.constant 0 : index
      %get3A_86 = vector.load %arg15[%get3A_84, %get3A_85] : memref<8x128xf32, #tpu.memory_space<vmem>>, vector<8x128xf32>
      %get3A_87 = arith.constant 0 : index
      %get3A_88 = arith.constant 0 : index
      %get3A_89 = vector.load %arg16[%get3A_87, %get3A_88] : memref<128x128xf32, #tpu.memory_space<vmem>>, vector<128x128xf32>
      %dot_general3A_90 = arith.constant dense<0.000000e+00> : vector<8x128xf32>
      %dot_general3A_91 = tpu.matmul %get3A_86, %get3A_89, %dot_general3A_90 {dimension_numbers = #tpu.dot_dimension_numbers<[1], [0], [0], [1], [0, 0, 1, 1], [], []>, transpose_lhs_hint = false} : vector<8x128xf32>, vector<128x128xf32>, vector<8x128xf32> -> vector<8x128xf32>
      %slice3A_92 = vector.extract_strided_slice %dot_general3A_91 {offsets = [0, 0], sizes = [1, 128], strides = [1, 1]} : vector<8x128xf32> to vector<1x128xf32>
      %add3A_93 = vector.broadcast %slice3A_92 : vector<1x128xf32> to vector<512x128xf32>
      %add3A_94 = arith.addf %dot_general3A_83, %add3A_93 : vector<512x128xf32>
      %get3A_95 = arith.constant 0 : index
      %get3A_96 = arith.constant 0 : index
      %get3A_97 = vector.load %arg17[%get3A_95, %get3A_96] : memref<1x128xf32, #tpu.memory_space<vmem>>, vector<1x128xf32>
      %add3A_98 = vector.broadcast %get3A_97 : vector<1x128xf32> to vector<512x128xf32>
      %add3A_99 = arith.addf %add3A_94, %add3A_98 : vector<512x128xf32>
      %swap3A_100 = arith.constant 0 : index
      %swap3A_101 = arith.constant 0 : index
      %swap3A_102 = vector.load %arg20[%swap3A_100, %swap3A_101] : memref<512x128xf32, #tpu.memory_space<vmem>>, vector<512x128xf32>
      tpu.vector_store %arg20[%swap3A_100, %swap3A_101], %add3A_99 {strides = array<i32>} : memref<512x128xf32, #tpu.memory_space<vmem>>, vector<512x128xf32>,
    } else {
    }
    return
  }
  func.func @transform_0(%arg0: i32) -> (i32, i32) {
    %c0_i32 = arith.constant 0 : i32
    %c0_i32_0 = arith.constant 0 : i32
    return %arg0, %c0_i32 : i32, i32
  }
  func.func @transform_1(%arg0: i32) -> (i32, i32) {
    %c0_i32 = arith.constant 0 : i32
    %c0_i32_0 = arith.constant 0 : i32
    return %arg0, %c0_i32 : i32, i32
  }
  func.func @transform_2(%arg0: i32) -> (i32, i32) {
    %c0_i32 = arith.constant 0 : i32
    %c0_i32_0 = arith.constant 0 : i32
    return %arg0, %c0_i32 : i32, i32
  }
  func.func @transform_3(%arg0: i32) -> (i32, i32) {
    %c0_i32 = arith.constant 0 : i32
    %c0_i32_0 = arith.constant 0 : i32
    return %arg0, %c0_i32 : i32, i32
  }
  func.func @transform_4(%arg0: i32) -> (i32, i32) {
    %c0_i32 = arith.constant 0 : i32
    %c0_i32_0 = arith.constant 0 : i32
    return %arg0, %c0_i32 : i32, i32
  }
  func.func @transform_5(%arg0: i32) -> (i32, i32) {
    %c0_i32 = arith.constant 0 : i32
    %c0_i32_0 = arith.constant 0 : i32
    return %arg0, %c0_i32 : i32, i32
  }
  func.func @transform_6(%arg0: i32) -> (i32, i32) {
    %c0_i32 = arith.constant 0 : i32
    %c0_i32_0 = arith.constant 0 : i32
    %c0_i32_1 = arith.constant 0 : i32
    return %c0_i32, %c0_i32_0 : i32, i32
  }
  func.func @transform_7(%arg0: i32) -> (i32, i32) {
    %c0_i32 = arith.constant 0 : i32
    %c0_i32_0 = arith.constant 0 : i32
    %c0_i32_1 = arith.constant 0 : i32
    return %c0_i32, %c0_i32_0 : i32, i32
  }
  func.func @transform_8(%arg0: i32) -> (i32, i32) {
    %c0_i32 = arith.constant 0 : i32
    %c0_i32_0 = arith.constant 0 : i32
    %c0_i32_1 = arith.constant 0 : i32
    return %c0_i32, %c0_i32_0 : i32, i32
  }
  func.func @transform_9(%arg0: i32) -> (i32, i32) {
    %c0_i32 = arith.constant 0 : i32
    %c0_i32_0 = arith.constant 0 : i32
    %c0_i32_1 = arith.constant 0 : i32
    return %c0_i32, %c0_i32_0 : i32, i32
  }
  func.func @transform_10(%arg0: i32) -> (i32, i32) {
    %c0_i32 = arith.constant 0 : i32
    %c0_i32_0 = arith.constant 0 : i32
    %c0_i32_1 = arith.constant 0 : i32
    return %c0_i32, %c0_i32_0 : i32, i32
  }
  func.func @transform_11(%arg0: i32) -> (i32, i32) {
    %c0_i32 = arith.constant 0 : i32
    %c0_i32_0 = arith.constant 0 : i32
    %c0_i32_1 = arith.constant 0 : i32
    return %c0_i32, %c0_i32_0 : i32, i32
  }
  func.func @transform_12(%arg0: i32) -> (i32, i32) {
    %c0_i32 = arith.constant 0 : i32
    %c0_i32_0 = arith.constant 0 : i32
    %c0_i32_1 = arith.constant 0 : i32
    return %c0_i32, %c0_i32_0 : i32, i32
  }
  func.func @transform_13(%arg0: i32) -> (i32, i32) {
    %c0_i32 = arith.constant 0 : i32
    %c0_i32_0 = arith.constant 0 : i32
    %c0_i32_1 = arith.constant 0 : i32
    return %c0_i32, %c0_i32_0 : i32, i32
  }
  func.func @transform_14(%arg0: i32) -> (i32, i32) {
    %c0_i32 = arith.constant 0 : i32
    %c0_i32_0 = arith.constant 0 : i32
    %c0_i32_1 = arith.constant 0 : i32
    return %c0_i32, %c0_i32_0 : i32, i32
  }
  func.func @transform_15(%arg0: i32) -> (i32, i32) {
    %c0_i32 = arith.constant 0 : i32
    %c0_i32_0 = arith.constant 0 : i32
    %c0_i32_1 = arith.constant 0 : i32
    return %c0_i32, %c0_i32_0 : i32, i32
  }
  func.func @transform_16(%arg0: i32) -> (i32, i32) {
    %c0_i32 = arith.constant 0 : i32
    %c0_i32_0 = arith.constant 0 : i32
    %c0_i32_1 = arith.constant 0 : i32
    return %c0_i32, %c0_i32_0 : i32, i32
  }
  func.func @transform_17(%arg0: i32) -> (i32, i32) {
    %c0_i32 = arith.constant 0 : i32
    %c0_i32_0 = arith.constant 0 : i32
    return %arg0, %c0_i32 : i32, i32
  }
  func.func @transform_18(%arg0: i32) -> (i32, i32) {
    %c0_i32 = arith.constant 0 : i32
    %c0_i32_0 = arith.constant 0 : i32
    return %arg0, %c0_i32 : i32, i32
  }
  func.func @transform_19(%arg0: i32) -> (i32, i32) {
    %c0_i32 = arith.constant 0 : i32
    %c0_i32_0 = arith.constant 0 : i32
    %c0_i32_1 = arith.constant 0 : i32
    return %c0_i32, %c0_i32_0 : i32, i32
  }
}

</mosaic_0001>

<sc_bundles>
// kernel: kernel.5.cloned.1.call-start
scs
__scs_entry_jumppad:
0x0: {  	(pc) =	sbr.rel $0x88, $3  }
0x1: {  	(tag) =	ssettag $0x0;
	lr =	simm.s32 $0x1  }
0x2: {  	[smem:$0x3F94] =	sst lr;
	_ =	strace $0xD0000000  }
0x3: {  	_ = 	snop  }
0x4: {  	_ = 	snop  }
0x5: {  	_ = 	snop  }
0x6: {  	_ = 	snop  }
0x7: {  	_ = 	snop  }
__scs_overlays_trampoline_lowered:
0x8: {  	[smem:$0x3FA3] =	sst s0  }
0x9: {  	[smem:$0x3FA4] =	sst s1  }
0xa: {  	[smem:$0x3FA5] =	sst s2  }
0xb: {  	[smem:$0x3FA6] =	sst s3  }
0xc: {  	[smem:$0x3FA7] =	sst s4  }
0xd: {  	[smem:$0x3FA8] =	sst s5  }
0xe: {  	[smem:$0x3FA9] =	sst s6  }
0xf: {  	[smem:$0x3FAA] =	sst s7  }
0x10: {  	[smem:$0x3FAB] =	sst s8  }
0x11: {  	[smem:$0x3FAC] =	sst s9;
	s0 =	simm.s32 @!p0 $0x0  }
0x12: {  	s1 =	sld [smem:$0x3F92];
	s0 =	simm.s32 @p0 $0x1  }
0x13: {  	[smem:$0x3FAD] =	sst s0;
	s0 =	simm.s32 @!p1 $0x0  }
0x14: {  	s2 =	sld [smem:$0x3F91];
	s0 =	simm.s32 @p1 $0x1  }
0x15: {  	[smem:$0x3FAE] =	sst s0;
	s0 =	simm.s32 @!p2 $0x0  }
0x16: {  	s3 =	sld [smem:$0x3FDB];
	s0 =	simm.s32 @p2 $0x1  }
0x17: {  	s4 =	simm.s32 $0x1BF5;
	[smem:$0x3FB0] =	sst s0  }
0x18: {  	s0 =	sld [smem:$0x3F93];
	_ =	swait.ge [sflag:s4], $0x0  }
0x19: {  	s7 =	sld [smem:$0x3F94]  }
0x1a: {  	s8 =	sadd.s32 $0xFFFFE003, lr  }
0x1b: {  	s9 =	sadd.s32 $0xFFFFFEF7, lr;
	s5 =	simm.s32 $0xFFFFFFFF;
	p2 =	slt.u32 s8, $0xFFFFF086  }
0x1c: {  	p1 =	slt.u32 s9, $0xF7A;
	s5 =	simm.s32 @!p2 $0x0  }
0x1d: {  	s5 =	simm.s32 @p1 $0x1;
	p0 =	seq.s32 s7, s2  }
0x1e: {  	s7 =	smul.u32 @!p0 $0xF7A, s2;
	p2 =	seq.s32 @!p0 s5, $0x0  }
0x1f: {  	s9 =	smul.u32 $0xF7A, s1;
	s8 =	simm.s32 @!p0 $0x1BF5;
	p2 =	por !p2, p0  }
0x20: {  	[sflag:s8] =	ssyncset.s32 @!p0 $0xFFFFF086;
	s6 =	sadd.s32 @!p0 s3, s7;
	s7 =	simm.s32 @!p0 $0x108  }
0x21: {  	s3 =	sadd.s32 s3, s9;
	s6 =	sadd.s32 @!p0 $0x88, s6;
	s7 =	simm.s32 @p2 $0x1082  }
0x22: {  	[simem:s7], [sflag:s8] =	dma.local @!p0 [hbm:s6], $0xF7A  }
0x23: {  	s9 =	sor.u32 $0xD0000000, s2;
	s6 =	simm.s32 $0x108;
	_ =	swait.ge @!p0 [sflag:s8], $0x0  }
0x24: {  	s3 =	sadd.s32 $0x88, s3;
	s6 =	simm.s32 @!p1 $0x1082;
	[sflag:s4] =	ssyncset.s32 $0xFFFFF086  }
0x25: {  	[simem:s6], [sflag:s4] =	dma.local [hbm:s3], $0xF7A  }
0x26: {  	[smem:$0x3F94] =	sst s1;
	(tag) =	ssettag s2;
	_ =	strace s9  }
0x27: {  	s1 =	sld [smem:$0x3FA4]  }
0x28: {  	s2 =	sld [smem:$0x3FA5]  }
0x29: {  	s4 =	sld [smem:$0x3FA7]  }
0x2a: {  	p0 =	seq.s32 s5, $0x0;
	s5 =	sld [smem:$0x3FA8]  }
0x2b: {  	s6 =	sld [smem:$0x3FA9]  }
0x2c: {  	s7 =	sld [smem:$0x3FAA]  }
0x2d: {  	s3 =	simm.s32 $0x108;
	s8 =	sld [smem:$0x3FAB]  }
0x2e: {  	s3 =	simm.s32 @!p0 $0x1082;
	s9 =	sld [smem:$0x3FAC]  }
0x2f: {  	lr =	sadd.s32 s0, s3;
	s0 =	sld [smem:$0x3FA3]  }
0x30: {  	s3 =	sld [smem:$0x3FA6]  }
0x31: {  	[smem:$0x3FAF] =	sst s10  }
0x32: {  	s10 =	sld [smem:$0x3FAD];
	_ =	sdelay $0x3  }
0x33: {  	p0 =	seq.s32 s10, $0x1;
	s10 =	sld [smem:$0x3FAF];
	_ =	sdelay $0x3  }
0x34: {  	[smem:$0x3FAF] =	sst s10  }
0x35: {  	s10 =	sld [smem:$0x3FAE];
	_ =	sdelay $0x3  }
0x36: {  	p1 =	seq.s32 s10, $0x1;
	s10 =	sld [smem:$0x3FAF];
	_ =	sdelay $0x3  }
0x37: {  	[smem:$0x3FAF] =	sst s10  }
0x38: {  	s10 =	sld [smem:$0x3FB0]  }
0x39: {  	_ = 	snop;
	(pc) =	sbr.ind lr, $3  }
0x3a: {  	_ = 	snop  }
0x3b: {  	_ = 	snop  }
0x3c: {  	p2 =	seq.s32 s10, $0x1;
	s10 =	sld [smem:$0x3FAF]  }
0x3d: {  	_ =	shalt  }
0x3e: {  	_ =	shalt  }
0x3f: {  	_ =	shalt  }
0x40: {  	_ =	shalt  }
0x41: {  	_ =	shalt  }
0x42: {  	_ =	shalt  }
0x43: {  	_ =	shalt  }
0x44: {  	_ =	shalt  }
0x45: {  	_ =	shalt  }
0x46: {  	_ =	shalt  }
0x47: {  	_ =	shalt  }
0x48: {  	_ =	shalt  }
0x49: {  	_ =	shalt  }
0x4a: {  	_ =	shalt  }
0x4b: {  	_ =	shalt  }
0x4c: {  	_ =	shalt  }
0x4d: {  	_ =	shalt  }
0x4e: {  	_ =	shalt  }
0x4f: {  	_ =	shalt  }
0x50: {  	_ =	shalt  }
0x51: {  	_ =	shalt  }
0x52: {  	_ =	shalt  }
0x53: {  	_ =	shalt  }
0x54: {  	_ =	shalt  }
0x55: {  	_ =	shalt  }
0x56: {  	_ =	shalt  }
0x57: {  	_ =	shalt  }
0x58: {  	_ =	shalt  }
0x59: {  	_ =	shalt  }
0x5a: {  	_ =	shalt  }
0x5b: {  	_ =	shalt  }
0x5c: {  	_ =	shalt  }
0x5d: {  	_ =	shalt  }
0x5e: {  	_ =	shalt  }
0x5f: {  	_ =	shalt  }
0x60: {  	_ =	shalt  }
0x61: {  	_ =	shalt  }
0x62: {  	_ =	shalt  }
0x63: {  	_ =	shalt  }
0x64: {  	_ =	shalt  }
0x65: {  	_ =	shalt  }
0x66: {  	_ =	shalt  }
0x67: {  	_ =	shalt  }
0x68: {  	_ =	shalt  }
0x69: {  	_ =	shalt  }
0x6a: {  	_ =	shalt  }
0x6b: {  	_ =	shalt  }
0x6c: {  	_ =	shalt  }
0x6d: {  	_ =	shalt  }
0x6e: {  	_ =	shalt  }
0x6f: {  	_ =	shalt  }
0x70: {  	_ =	shalt  }
0x71: {  	_ =	shalt  }
0x72: {  	_ =	shalt  }
0x73: {  	_ =	shalt  }
0x74: {  	_ =	shalt  }
0x75: {  	_ =	shalt  }
0x76: {  	_ =	shalt  }
0x77: {  	_ =	shalt  }
0x78: {  	_ =	shalt  }
0x79: {  	_ =	shalt  }
0x7a: {  	_ =	shalt  }
0x7b: {  	_ =	shalt  }
0x7c: {  	_ =	shalt  }
0x7d: {  	_ =	shalt  }
0x7e: {  	_ =	shalt  }
0x7f: {  	_ =	shalt  }
0x80: {  	_ =	shalt  }
0x81: {  	_ =	shalt  }
0x82: {  	_ =	shalt  }
0x83: {  	_ =	shalt  }
0x84: {  	_ =	shalt  }
0x85: {  	_ =	shalt  }
0x86: {  	_ =	shalt  }
0x87: {  	_ =	shalt  }
.Lfunc_end0:
.L_simem_size_0:
called_computation_lowered:
.L_overlay_start_0:
0x88: {  	s2 =	sld [smem:$0x3FD9]  }
0x89: {  	s3 =	sld [smem:$0x3FFE];
	_ =	sdelay $0x1  }
0x8a: {  	s1 =	srdreg.scid  }
0x8b: {  	s0 =	sand.u32 $0x1, s1  }
0x8c: {  	s17 =	sshll.u32 s0, $0xA;
	s2 =	sadd.s32 s3, s2  }
0x8d: {  	s2 =	sadd.s32 s2, s17  }
0x8e: {  	[smem:$0x3FBB] =	sst s2  }
0x8f: {  	_ = 	snop  }
0x90: {  	s2 =	sld [smem:$0x3FD0];
	(tm) =	ssettm $0x1  }
0x91: {  	s18 =	sld [smem:$0x3FFB];
	_ =	sdelay $0x3  }
0x92: {  	_ =	strace s18  }
0x93: {  	s3 =	sld [smem:$0x3FFC];
	_ =	sdelay $0x3  }
0x94: {  	_ =	strace s3  }
0x95: {  	s3 =	sld [smem:$0x3FFD];
	_ =	sdelay $0x3  }
0x96: {  	_ =	strace s3  }
0x97: {  	_ =	strace $0x8FFFFFFF  }
0x98: {  	s19 =	sld [smem:$0x3FDB];
	_ =	sdelay $0x1  }
0x99: {  	s4 =	simm.s32 $_scs_section_size  }
0x9a: {  	s5 =	simm.s32 $_size__tile_overlayer_lowered;
	s6 =	simm.s32 $_tile_overlayer_lowered  }
0x9b: {  	s22 =	simm.s32 $0x1BFF;
	s21 =	sshll.u32 s6, $0x1;
	s3 =	sadd.s32 s4, s19  }
0x9c: {  	s7 =	simm.s32 $0x0;
	s20 =	sshll.u32 s5, $0x1;
	s5 =	sadd.s32 s21, s3  }
0x9d: {  	[timem:s7], [sflag:s22] =	dma.local [hbm:s5], s20  }
0x9e: {  	_ =	swait.ge [sflag:s22], s20  }
0x9f: {  	s4 =	ssub.s32 $0x0, s20;
	[sflag:s22] =	ssyncset.done $0x0  }
0xa0: {  	[sflag:s22] =	ssyncadd.s32 s4;
	_ =	sdelay $0x1  }
0xa1: {  	s23 =	simm.s32 $0x1B8B  }
0xa2: {  	_ =	swait.ge [sflag:s23], $0x1  }
0xa3: {  	[sflag:s23] =	ssyncset.done $0x0  }
0xa4: {  	s25 =	simm.s32 $0x1B8E;
	s24 =	sld [smem:$0x3FFE];
	[sflag:s23] =	ssyncadd.s32 $0xFFFFFFFF  }
0xa5: {  	s26 =	simm.s32 $execute0_lowered;
	[smem:$0x3FD2] =	sst s25  }
0xa6: {  	s5 =	sshll.u32 s26, $0x1;
	_ =	strace $0x80000046;
	[dreg:$0x1] =	wrdreg $0xFFFFFFFF  }
0xa7: {  	s28 =	simm.s32 $_size_execute0_lowered;
	s3 =	sadd.s32 s3, s5;
	[dreg:$0x0] =	wrdreg $0x0  }
0xa8: {  	s5 =	sshll.u32 s28, $0x1;
	[dreg:$0x2] =	wrdreg s3  }
0xa9: {  	[dreg:$0x3] =	wrdreg s5  }
0xaa: {  	[dreg:$0x4] =	wrdreg $0xC0  }
0xab: {  	_ =	task [dreg:s7], $0x5FFFF  }
0xac: {  	[dreg:$0x1] =	wrdreg $0xFFFFFFFF  }
0xad: {  	[dreg:$0x0] =	wrdreg $0x60  }
0xae: {  	[dreg:$0x2] =	wrdreg s2  }
0xaf: {  	[dreg:$0x3] =	wrdreg s24  }
0xb0: {  	[dreg:$0x4] =	wrdreg $0x0  }
0xb1: {  	[dreg:$0x5] =	wrdreg $0x14000  }
0xb2: {  	[dreg:$0x6] =	wrdreg $0x9  }
0xb3: {  	_ =	task.clear_ibuf [dreg:s7], $0x7FFFF;
	_ =	strace $0x90000046  }
0xb4: {  	s29 =	simm.s32 $0x9;
	_ =	strace $0x80000048  }
0xb5: {  	_ =	swait.ge [sflag:s29], $0x1  }
0xb6: {  	[sflag:s29] =	ssyncadd.s32 $0xFFFFFFFF  }
0xb7: {  	_ =	strace $0x90000048  }
0xb8: {  	_ =	sfence  }
0xb9: {  	s30 =	sld [smem:$0x0];
	_ =	sdelay $0x2  }
0xba: {  	s31 =	sshll.u32 s1, $0xD;
	s1 =	sshrl.u32 s1, $0x2  }
0xbb: {  	s3 =	sand.u32 $0x4000, s31;
	s1 =	sadd.s32 s1, s30  }
0xbc: {  	s0 =	sor.u32 s3, s0;
	s1 =	sshll.u32 s1, $0x11  }
0xbd: {  	s0 =	sor.u32 s1, s0  }
0xbe: {  	s0 =	sadd.s32 $0x8F2B, s0  }
0xbf: {  	[sflag:s0] =	ssyncadd.remote.s32 $0x1  }
0xc0: {  	_ =	sfence.sel $0xFFFF  }
0xc1: {  	[dreg:$0x0] =	wrdreg $0xFFFFFFFF;
	(pc) =	sbr.abs _section_cstart, $3  }
0xc2: {  	[dreg:$0x1] =	wrdreg $0xFFFFFFFF  }
0xc3: {  	_ =	task.clear_ibuf [dreg:s7], $0x2FFFF;
	_ =	strace $0x9FFFFFFF  }
0xc4: {  	(tm) =	ssettm $0x7FFFFFFF  }
0xc5: {  	_ =	shalt  }
tec
execute0_lowered:
.L_overlay_start_1:
0x0: {  	(tag) =	ssettag $0x1  }
0x1: {  	s8 =	rddreg [dreg:$0x0]  }
0x2: {  	s0 =	rddreg [dreg:$0x1]  }
0x3: {  	s9 =	rddreg [dreg:$0x2]  }
0x4: {  	s10 =	rddreg [dreg:$0x3]  }
0x5: {  	s5 =	simm.s32 $0x0;
	s1 =	srdreg.scid;
	s11 =	stileid.u32  }
0x6: {  	[smem:$0x7FF] =	sst s5;
	s1 =	sand.u32 $0x1, s1;
	s3 =	smul.u32 $0x5000, s11  }
0x7: {  	s4 =	sadd.s32 $0xDC00, s0;
	s6 =	sadd.s32 $0x3C00, s0;
	s12 =	sadd.s32 $0x30C00, s0  }
0x8: {  	s14 =	sadd.s32 $0x35C00, s0;
	_ =	strace $0x80000047;
	[dreg:$0x5] =	wrdreg s12  }
0x9: {  	s12 =	sadd.s32 $0x33400, s0;
	[dreg:$0x17] =	wrdreg s14;
	s3 =	sshrl.u32 s3, $0x3  }
0xa: {  	s2 =	ssub.s32 $0x2, s1;
	[dreg:$0x16] =	wrdreg s12;
	s15 =	sadd.s32 s4, s3  }
0xb: {  	s13 =	sadd.s32 s6, s3;
	s23 =	sadd.s32 $0x640, s3;
	[dreg:$0x6] =	wrdreg s15  }
0xc: {  	p0 =	seq.s32 s1, $0x1;
	s24 =	sadd.s32 s4, s23;
	[dreg:$0x7] =	wrdreg s13  }
0xd: {  	s25 =	sadd.s32 $0x780, s3;
	s1 =	sadd.s32 s6, s23;
	[dreg:$0x10] =	wrdreg s24  }
0xe: {  	s7 =	sshrl.u32 s2, $0x1;
	s26 =	sadd.s32 s4, s25;
	[dreg:$0x11] =	wrdreg s1  }
0xf: {  	s29 =	sadd.s32 $0x8C0, s3;
	s31 =	sadd.s32 s6, s25;
	[dreg:$0x12] =	wrdreg s26  }
0x10: {  	s2 =	ssub.s32 s2, s7;
	s7 =	sadd.s32 s4, s29;
	[dreg:$0x13] =	wrdreg s31  }
0x11: {  	s18 =	sor.u32 $0x140, s3;
	s25 =	sadd.s32 $0x2BC00, s0;
	[dreg:$0x14] =	wrdreg s7  }
0x12: {  	s16 =	sadd.s32 s4, s18;
	[dreg:$0x19] =	wrdreg s25  }
0x13: {  	s19 =	sadd.s32 $0x280, s3;
	s17 =	sadd.s32 s6, s18;
	[dreg:$0x8] =	wrdreg s16  }
0x14: {  	s28 =	simm.s32 $0x0;
	s18 =	sadd.s32 s4, s19;
	[dreg:$0x9] =	wrdreg s17  }
0x15: {  	s20 =	sadd.s32 $0x3C0, s3;
	s19 =	sadd.s32 s6, s19;
	[dreg:$0xa] =	wrdreg s18  }
0x16: {  	s12 =	simm.s32 $0x10400;
	s30 =	sadd.s32 s4, s20;
	[dreg:$0xb] =	wrdreg s19  }
0x17: {  	s21 =	sadd.s32 $0x500, s3;
	s20 =	sadd.s32 s6, s20;
	[dreg:$0xc] =	wrdreg s30  }
0x18: {  	s22 =	sadd.s32 s4, s21;
	s21 =	sadd.s32 s6, s21;
	[dreg:$0xd] =	wrdreg s20  }
0x19: {  	s23 =	smul.u32 $0x1400, s11;
	s11 =	simm.s32 $0xF000;
	[dreg:$0xe] =	wrdreg s22  }
0x1a: {  	s1 =	sadd.s32 s6, s29;
	s24 =	sadd.s32 $0x38400, s0;
	[dreg:$0xf] =	wrdreg s21  }
0x1b: {  	s0 =	sadd.s32 $0x2E400, s0;
	s29 =	smax.u32 s2, $0x1;
	[dreg:$0x15] =	wrdreg s1  }
0x1c: {  	s31 =	sadd.s32 $0x2580, s8;
	s25 =	simm.s32 $0xDC00;
	[dreg:$0x18] =	wrdreg s24  }
0x1d: {  	s6 =	simm.s32 $0x7800;
	s7 =	simm.s32 $0x1;
	[dreg:$0x1a] =	wrdreg s0  }
.Ltmp0:
0x1e: {  	v0 =	vlaneseq.u32;
	s8 =	simm.s32 $0x3;
	[dreg:$0x1e] =	wrdreg s29;
	(pc) =	sbr.rel .LBB2_1-.Ltmp0, $4  }
0x1f: {  	v1 =	vshrl.u32 v0, $0x3;
	s4 =	sadd.s32 s23, s9;
	s26 =	sshrl.u32 s23, $0x3;
	[dreg:$0x1f] =	wrdreg s31  }
0x20: {  	v1 =	vmul.u32 $0x8, v1;
	s3 =	sadd.s32 s23, s10;
	s23 =	simm.s32 $0x5;
	[dreg:$0x1d] =	wrdreg s26  }
0x21: {  	s24 =	simm.s32 $0xC800;
	s0 =	simm.s32 $0xA00;
	[dreg:$0x1b] =	wrdreg s4  }
0x22: {  	v1 =	vor.u32 $0x2, v1;
	s9 =	simm.s32 $0x2;
	s10 =	simm.s32 $0x4;
	[dreg:$0x1c] =	wrdreg s3  }
.LBB2_7:
0x23: {  	_ = 	snop  }
0x24: {  	v5 =	vpop (erf)  }
0x25: {  	v4 =	vmul.f32 v5, v4;
	_ =	sdelay $0x1  }
0x26: {  	[tilespmem:v2+s12+$0x0] =	vst.idx.msk $0xffff, v4  }
0x27: {  	v2 =	vld.idx.msk [tilespmem:v3+s11+$0x0], $0xffff;
	_ =	sdelay $0x4  }
0x28: {  	v2 =	vmax.f32 v2, $1.000000000e+00  }
0x29: {  	v3 =	vor.u32 s1, v0;
	(erf) = vrcp.f32 v2;
	_ =	sdelay $0x1  }
0x2a: {  	s4 =	rddreg [dreg:$0x17]  }
0x2b: {  	s14 =	rddreg [dreg:$0x1a]  }
0x2c: {  	s24 =	smov.u32 s13;
	s13 =	smov.u32 s17;
	s17 =	rddreg [dreg:$0x11]  }
0x2d: {  	s31 =	smov.u32 s20;
	s20 =	rddreg [dreg:$0x10];
	v2 =	vld.idx.msk [tilespmem:v3+s11+$0x0], $0xffff  }
0x2e: {  	s2 =	smov.u32 s19;
	s19 =	rddreg [dreg:$0x12]  }
0x2f: {  	s3 =	smov.u32 s16;
	s16 =	rddreg [dreg:$0x15]  }
0x30: {  	s29 =	smov.u32 s21;
	s21 =	rddreg [dreg:$0x14]  }
0x31: {  	s26 =	rddreg [dreg:$0x18];
	v63 =	vpop (erf)  }
0x32: {  	s28 =	sld [smem:$0x7FD];
	v2 =	vmul.f32 v63, v2  }
0x33: {  	[smem:$0x7FC] =	sst s26  }
0x34: {  	s25 =	smov.u32 s14;
	s1 =	smov.u32 s18;
	s18 =	rddreg [dreg:$0x13];
	[tilespmem:v3+s12+$0x0] =	vst.idx.msk $0xffff, v2  }
.LBB2_8:
0x35: {  	s26 =	rddreg [dreg:$0x1d]  }
0x36: {  	s4 =	sadd.s32 s4, s26  }
0x37: {  	[hbm4b:s4+s5] =	stream.linear.scatter [tilespmem:s11], [sflag:$0x5], $0x1400, $0x38;
	[tilespmem:$0x12C00] =	vst v63  }
0x38: {  	_ =	swait.ge [sflag:s23], $0x1400  }
0x39: {  	[sflag:s23] =	ssyncset.done $0x0  }
0x3a: {  	s25 =	sadd.s32 s25, s26;
	[sflag:s23] =	ssyncadd.s32 $0xFFFFEC00  }
0x3b: {  	[hbm4b:s25+s5] =	stream.linear.scatter [tilespmem:s12], [sflag:$0x5], $0x1400, $0x38;
	[tilespmem:$0x12C00] =	vst v63  }
0x3c: {  	_ =	swait.ge [sflag:s23], $0x1400  }
0x3d: {  	[sflag:s23] =	ssyncset.done $0x0  }
0x3e: {  	[sflag:s23] =	ssyncadd.s32 $0xFFFFEC00  }
0x3f: {  	s25 =	simm.s32 $0xC800;
	[bflag:$0x0] =	sbarrier.arrive $0xFFFF  }
0x40: {  	[tilespmem:s25], [sflag:$0x5] =	stream.linear.gather [hbm4b:s24+s5], $0xA00, $0x38;
	[tilespmem:$0x12C00] =	vst v63  }
0x41: {  	_ =	swait.ge [sflag:s23], $0xA00  }
0x42: {  	[sflag:s23] =	ssyncset.done $0x0  }
0x43: {  	s25 =	simm.s32 $0xDC00;
	[sflag:s23] =	ssyncadd.s32 $0xFFFFF600  }
0x44: {  	[tilespmem:s25], [sflag:$0x5] =	stream.linear.gather [hbm4b:s15+s5], $0xA00, $0x38;
	[tilespmem:$0x12C00] =	vst v63  }
0x45: {  	_ =	swait.ge [sflag:s23], $0xA00  }
0x46: {  	[sflag:s23] =	ssyncset.done $0x0  }
0x47: {  	s24 =	simm.s32 $0xC800;
	s15 =	simm.s32 $0x2800;
	[sflag:s23] =	ssyncadd.s32 $0xFFFFF600  }
0x48: {  	[tilespmem:s15], [sflag:$0x1] =	stream.indirect.gather [hbm4b:s14+s0], $0x8, s24, s0, $0xb8;
	[tilespmem:$0x12C00] =	vst v63  }
0x49: {  	s4 =	simm.s32 $0xD200  }
0x4a: {  	[tilespmem:s4], [sflag:$0x5] =	stream.linear.gather [hbm4b:s13+s5], $0xA00, $0x38;
	[tilespmem:$0x12C00] =	vst v63  }
0x4b: {  	_ =	swait.ge [sflag:s23], $0xA00  }
0x4c: {  	[sflag:s23] =	ssyncset.done $0x0  }
0x4d: {  	s13 =	simm.s32 $0xE600;
	[sflag:s23] =	ssyncadd.s32 $0xFFFFF600  }
0x4e: {  	[tilespmem:s13], [sflag:$0x5] =	stream.linear.gather [hbm4b:s3+s5], $0xA00, $0x38;
	[tilespmem:$0x12C00] =	vst v63  }
0x4f: {  	_ =	swait.ge [sflag:s23], $0xA00  }
0x50: {  	[sflag:s23] =	ssyncset.done $0x0  }
0x51: {  	[sflag:s23] =	ssyncadd.s32 $0xFFFFF600  }
0x52: {  	[tilespmem:s6], [sflag:$0x2] =	stream.indirect.gather [hbm4b:s14+s0], $0x8, s4, s0, $0xb8;
	[tilespmem:$0x12C00] =	vst v63  }
0x53: {  	_ =	swait.ge [sflag:s7], $0x5000  }
0x54: {  	[sflag:s7] =	ssyncset.done $0x0  }
0x55: {  	[sflag:s7] =	ssyncadd.s32 $0xFFFFB000  }
0x56: {  	s3 =	rddreg [dreg:$0x3]  }
0x57: {  	[spmem:s3] =	stream.indirect.scatter.add.f32 [tilespmem:s15], [sflag:$0x3], $0x8, s25, s0, $0xb8;
	[tilespmem:$0x12C00] =	vst v63  }
0x58: {  	_ =	swait.ge [sflag:s8], $0x5000  }
0x59: {  	[sflag:s8] =	ssyncset.done $0x0  }
0x5a: {  	[sflag:s8] =	ssyncadd.s32 $0xFFFFB000  }
0x5b: {  	[tilespmem:s24], [sflag:$0x5] =	stream.linear.gather [hbm4b:s2+s5], $0xA00, $0x38;
	[tilespmem:$0x12C00] =	vst v63  }
0x5c: {  	_ =	swait.ge [sflag:s23], $0xA00  }
0x5d: {  	[sflag:s23] =	ssyncset.done $0x0  }
0x5e: {  	[sflag:s23] =	ssyncadd.s32 $0xFFFFF600  }
0x5f: {  	[tilespmem:s25], [sflag:$0x5] =	stream.linear.gather [hbm4b:s1+s5], $0xA00, $0x38;
	[tilespmem:$0x12C00] =	vst v63  }
0x60: {  	_ =	swait.ge [sflag:s23], $0xA00  }
0x61: {  	[sflag:s23] =	ssyncset.done $0x0  }
0x62: {  	[sflag:s23] =	ssyncadd.s32 $0xFFFFF600  }
0x63: {  	[tilespmem:s15], [sflag:$0x1] =	stream.indirect.gather [hbm4b:s14+s0], $0x8, s24, s0, $0xb8;
	[tilespmem:$0x12C00] =	vst v63  }
0x64: {  	_ =	swait.ge [sflag:s9], $0x5000  }
0x65: {  	[sflag:s9] =	ssyncset.done $0x0  }
0x66: {  	[sflag:s9] =	ssyncadd.s32 $0xFFFFB000  }
0x67: {  	[spmem:s3] =	stream.indirect.scatter.add.f32 [tilespmem:s6], [sflag:$0x4], $0x8, s13, s0, $0xb8;
	[tilespmem:$0x12C00] =	vst v63  }
0x68: {  	_ =	swait.ge [sflag:s10], $0x5000  }
0x69: {  	[sflag:s10] =	ssyncset.done $0x0  }
0x6a: {  	[sflag:s10] =	ssyncadd.s32 $0xFFFFB000  }
0x6b: {  	[tilespmem:s4], [sflag:$0x5] =	stream.linear.gather [hbm4b:s31+s5], $0xA00, $0x38;
	[tilespmem:$0x12C00] =	vst v63  }
0x6c: {  	_ =	swait.ge [sflag:s23], $0xA00  }
0x6d: {  	[sflag:s23] =	ssyncset.done $0x0  }
0x6e: {  	[sflag:s23] =	ssyncadd.s32 $0xFFFFF600  }
0x6f: {  	[tilespmem:s13], [sflag:$0x5] =	stream.linear.gather [hbm4b:s30+s5], $0xA00, $0x38;
	[tilespmem:$0x12C00] =	vst v63  }
0x70: {  	_ =	swait.ge [sflag:s23], $0xA00  }
0x71: {  	[sflag:s23] =	ssyncset.done $0x0  }
0x72: {  	[sflag:s23] =	ssyncadd.s32 $0xFFFFF600  }
0x73: {  	[tilespmem:s6], [sflag:$0x2] =	stream.indirect.gather [hbm4b:s14+s0], $0x8, s4, s0, $0xb8;
	[tilespmem:$0x12C00] =	vst v63  }
0x74: {  	_ =	swait.ge [sflag:s7], $0x5000  }
0x75: {  	[sflag:s7] =	ssyncset.done $0x0  }
0x76: {  	[sflag:s7] =	ssyncadd.s32 $0xFFFFB000  }
0x77: {  	[spmem:s3] =	stream.indirect.scatter.add.f32 [tilespmem:s15], [sflag:$0x3], $0x8, s25, s0, $0xb8;
	[tilespmem:$0x12C00] =	vst v63  }
0x78: {  	_ =	swait.ge [sflag:s8], $0x5000  }
0x79: {  	[sflag:s8] =	ssyncset.done $0x0  }
0x7a: {  	[sflag:s8] =	ssyncadd.s32 $0xFFFFB000  }
0x7b: {  	[tilespmem:s24], [sflag:$0x5] =	stream.linear.gather [hbm4b:s29+s5], $0xA00, $0x38;
	[tilespmem:$0x12C00] =	vst v63  }
0x7c: {  	_ =	swait.ge [sflag:s23], $0xA00  }
0x7d: {  	[sflag:s23] =	ssyncset.done $0x0  }
0x7e: {  	[sflag:s23] =	ssyncadd.s32 $0xFFFFF600  }
0x7f: {  	[tilespmem:s25], [sflag:$0x5] =	stream.linear.gather [hbm4b:s22+s5], $0xA00, $0x38;
	[tilespmem:$0x12C00] =	vst v63  }
0x80: {  	_ =	swait.ge [sflag:s23], $0xA00  }
0x81: {  	[sflag:s23] =	ssyncset.done $0x0  }
0x82: {  	[sflag:s23] =	ssyncadd.s32 $0xFFFFF600  }
0x83: {  	[tilespmem:s15], [sflag:$0x1] =	stream.indirect.gather [hbm4b:s14+s0], $0x8, s24, s0, $0xb8;
	[tilespmem:$0x12C00] =	vst v63  }
0x84: {  	_ =	swait.ge [sflag:s9], $0x5000  }
0x85: {  	[sflag:s9] =	ssyncset.done $0x0  }
0x86: {  	[sflag:s9] =	ssyncadd.s32 $0xFFFFB000  }
0x87: {  	[spmem:s3] =	stream.indirect.scatter.add.f32 [tilespmem:s6], [sflag:$0x4], $0x8, s13, s0, $0xb8;
	[tilespmem:$0x12C00] =	vst v63  }
0x88: {  	_ =	swait.ge [sflag:s10], $0x5000  }
0x89: {  	[sflag:s10] =	ssyncset.done $0x0  }
0x8a: {  	[sflag:s10] =	ssyncadd.s32 $0xFFFFB000  }
0x8b: {  	[tilespmem:s4], [sflag:$0x5] =	stream.linear.gather [hbm4b:s17+s5], $0xA00, $0x38;
	[tilespmem:$0x12C00] =	vst v63  }
0x8c: {  	_ =	swait.ge [sflag:s23], $0xA00  }
0x8d: {  	[sflag:s23] =	ssyncset.done $0x0  }
0x8e: {  	[sflag:s23] =	ssyncadd.s32 $0xFFFFF600  }
0x8f: {  	[tilespmem:s13], [sflag:$0x5] =	stream.linear.gather [hbm4b:s20+s5], $0xA00, $0x38;
	[tilespmem:$0x12C00] =	vst v63  }
0x90: {  	_ =	swait.ge [sflag:s23], $0xA00  }
0x91: {  	[sflag:s23] =	ssyncset.done $0x0  }
0x92: {  	[sflag:s23] =	ssyncadd.s32 $0xFFFFF600  }
0x93: {  	[tilespmem:s6], [sflag:$0x2] =	stream.indirect.gather [hbm4b:s14+s0], $0x8, s4, s0, $0xb8;
	[tilespmem:$0x12C00] =	vst v63  }
0x94: {  	_ =	swait.ge [sflag:s7], $0x5000  }
0x95: {  	[sflag:s7] =	ssyncset.done $0x0  }
0x96: {  	[sflag:s7] =	ssyncadd.s32 $0xFFFFB000  }
0x97: {  	[spmem:s3] =	stream.indirect.scatter.add.f32 [tilespmem:s15], [sflag:$0x3], $0x8, s25, s0, $0xb8;
	[tilespmem:$0x12C00] =	vst v63  }
0x98: {  	_ =	swait.ge [sflag:s8], $0x5000  }
0x99: {  	[sflag:s8] =	ssyncset.done $0x0  }
0x9a: {  	[sflag:s8] =	ssyncadd.s32 $0xFFFFB000  }
0x9b: {  	[tilespmem:s24], [sflag:$0x5] =	stream.linear.gather [hbm4b:s18+s5], $0xA00, $0x38;
	[tilespmem:$0x12C00] =	vst v63  }
0x9c: {  	_ =	swait.ge [sflag:s23], $0xA00  }
0x9d: {  	[sflag:s23] =	ssyncset.done $0x0  }
0x9e: {  	[sflag:s23] =	ssyncadd.s32 $0xFFFFF600  }
0x9f: {  	[tilespmem:s25], [sflag:$0x5] =	stream.linear.gather [hbm4b:s19+s5], $0xA00, $0x38;
	[tilespmem:$0x12C00] =	vst v63  }
0xa0: {  	_ =	swait.ge [sflag:s23], $0xA00  }
0xa1: {  	[sflag:s23] =	ssyncset.done $0x0  }
0xa2: {  	[sflag:s23] =	ssyncadd.s32 $0xFFFFF600  }
0xa3: {  	[tilespmem:s15], [sflag:$0x1] =	stream.indirect.gather [hbm4b:s14+s0], $0x8, s24, s0, $0xb8;
	[tilespmem:$0x12C00] =	vst v63  }
0xa4: {  	_ =	swait.ge [sflag:s9], $0x5000  }
0xa5: {  	[sflag:s9] =	ssyncset.done $0x0  }
0xa6: {  	[sflag:s9] =	ssyncadd.s32 $0xFFFFB000  }
0xa7: {  	[spmem:s3] =	stream.indirect.scatter.add.f32 [tilespmem:s6], [sflag:$0x4], $0x8, s13, s0, $0xb8;
	[tilespmem:$0x12C00] =	vst v63  }
0xa8: {  	_ =	swait.ge [sflag:s10], $0x5000  }
0xa9: {  	[sflag:s10] =	ssyncset.done $0x0  }
0xaa: {  	[sflag:s10] =	ssyncadd.s32 $0xFFFFB000  }
0xab: {  	[tilespmem:s4], [sflag:$0x5] =	stream.linear.gather [hbm4b:s16+s5], $0xA00, $0x38;
	[tilespmem:$0x12C00] =	vst v63  }
0xac: {  	_ =	swait.ge [sflag:s23], $0xA00  }
0xad: {  	[sflag:s23] =	ssyncset.done $0x0  }
0xae: {  	[sflag:s23] =	ssyncadd.s32 $0xFFFFF600  }
0xaf: {  	[tilespmem:s13], [sflag:$0x5] =	stream.linear.gather [hbm4b:s21+s5], $0xA00, $0x38;
	[tilespmem:$0x12C00] =	vst v63  }
0xb0: {  	_ =	swait.ge [sflag:s23], $0xA00  }
0xb1: {  	[sflag:s23] =	ssyncset.done $0x0  }
0xb2: {  	[sflag:s23] =	ssyncadd.s32 $0xFFFFF600  }
0xb3: {  	[tilespmem:s6], [sflag:$0x2] =	stream.indirect.gather [hbm4b:s14+s0], $0x8, s4, s0, $0xb8;
	[tilespmem:$0x12C00] =	vst v63  }
0xb4: {  	_ =	swait.ge [sflag:s7], $0x5000  }
0xb5: {  	[sflag:s7] =	ssyncset.done $0x0  }
0xb6: {  	[sflag:s7] =	ssyncadd.s32 $0xFFFFB000  }
0xb7: {  	[spmem:s3] =	stream.indirect.scatter.add.f32 [tilespmem:s15], [sflag:$0x3], $0x8, s25, s0, $0xb8;
	[tilespmem:$0x12C00] =	vst v63  }
0xb8: {  	_ =	swait.ge [sflag:s9], $0x5000  }
0xb9: {  	[sflag:s9] =	ssyncset.done $0x0  }
0xba: {  	[sflag:s9] =	ssyncadd.s32 $0xFFFFB000  }
0xbb: {  	[spmem:s3] =	stream.indirect.scatter.add.f32 [tilespmem:s6], [sflag:$0x4], $0x8, s13, s0, $0xb8;
	[tilespmem:$0x12C00] =	vst v63  }
0xbc: {  	_ =	swait.ge [sflag:s8], $0x5000  }
0xbd: {  	[sflag:s8] =	ssyncset.done $0x0  }
0xbe: {  	[sflag:s8] =	ssyncadd.s32 $0xFFFFB000  }
0xbf: {  	_ =	swait.ge [sflag:s10], $0x5000  }
0xc0: {  	[sflag:s10] =	ssyncset.done $0x0  }
0xc1: {  	[sflag:s10] =	ssyncadd.s32 $0xFFFFB000  }
0xc2: {  	[bflag:$0x0] =	sbarrier.arrive $0xFFFF  }
0xc3: {  	s3 =	rddreg [dreg:$0x1c]  }
0xc4: {  	[tilespmem:s11], [sflag:$0x5] =	stream.linear.gather [spmem:s3], $0x1400, $0x38;
	[tilespmem:$0x12C00] =	vst v63  }
0xc5: {  	_ =	swait.ge [sflag:s23], $0x1400  }
0xc6: {  	s29 =	sld [smem:$0x7FC];
	_ =	sdelay $0x1  }
0xc7: {  	[sflag:s23] =	ssyncset.done $0x0  }
0xc8: {  	[sflag:s23] =	ssyncadd.s32 $0xFFFFEC00;
	s1 =	sadd.s32 s29, s26  }
0xc9: {  	[hbm4b:s1+s5] =	stream.linear.scatter [tilespmem:s11], [sflag:$0x5], $0x1400, $0x38;
	[tilespmem:$0x12C00] =	vst v63  }
0xca: {  	_ =	swait.ge [sflag:s23], $0x1400  }
0xcb: {  	s31 =	rddreg [dreg:$0x1e]  }
0xcc: {  	s15 =	rddreg [dreg:$0x6]  }
0xcd: {  	s13 =	rddreg [dreg:$0x7]  }
0xce: {  	s16 =	rddreg [dreg:$0x8]  }
0xcf: {  	s17 =	rddreg [dreg:$0x9]  }
0xd0: {  	s28 =	sadd.s32 $0x1, s28;
	s18 =	rddreg [dreg:$0xa]  }
0xd1: {  	s19 =	rddreg [dreg:$0xb];
	p1 =	sne.s32 s28, s31  }
.Ltmp1:
0xd2: {  	s30 =	rddreg [dreg:$0xc];
	(pc) =	sbr.rel @!p1 .LBB2_9-.Ltmp1, $4  }
0xd3: {  	s20 =	rddreg [dreg:$0xd]  }
0xd4: {  	s22 =	rddreg [dreg:$0xe]  }
0xd5: {  	[sflag:s23] =	ssyncset.done $0x0;
	s21 =	rddreg [dreg:$0xf]  }
0xd6: {  	s4 =	rddreg [dreg:$0x1b];
	[sflag:s23] =	ssyncadd.s32 $0xFFFFEC00  }
.LBB2_1:
0xd7: {  	[smem:$0x7FD] =	sst s28  }
0xd8: {  	s1 =	rddreg [dreg:$0x1f];
	s2 =	simm.s32 $0x11800  }
0xd9: {  	[tilespmem:s2], [sflag:$0x5] =	stream.linear.gather [hbm4b:s1+s5], $0x1400, $0x38;
	[tilespmem:$0x12C00] =	vst v63  }
0xda: {  	_ =	swait.ge [sflag:s23], $0x1400  }
0xdb: {  	[sflag:s23] =	ssyncset.done $0x0  }
0xdc: {  	[sflag:s23] =	ssyncadd.s32 $0xFFFFEC00  }
0xdd: {  	[spmem:s4] =	stream.linear.scatter [tilespmem:s2], [sflag:$0x5], $0x1400, $0x38;
	[tilespmem:$0x12C00] =	vst v63  }
0xde: {  	_ =	swait.ge [sflag:s23], $0x1400  }
0xdf: {  	[sflag:s23] =	ssyncset.done $0x0  }
0xe0: {  	[sflag:s23] =	ssyncadd.s32 $0xFFFFEC00  }
0xe1: {  	[spmem:s3] =	stream.linear.scatter [tilespmem:s2], [sflag:$0x5], $0x1400, $0x38;
	[tilespmem:$0x12C00] =	vst v63  }
.Ltmp2:
0xe2: {  	_ =	swait.ge [sflag:s23], $0x1400;
	(pc) =	sbr.rel @!p0 .LBB2_2-.Ltmp2, $4  }
0xe3: {  	[sflag:s23] =	ssyncset.done $0x0  }
0xe4: {  	[sflag:s23] =	ssyncadd.s32 $0xFFFFEC00  }
0xe5: {  	[bflag:$0x0] =	sbarrier.arrive $0xFFFF  }
0xe6: {  	s14 =	simm.s32 $0x0  }
0xe7: {  	[tilespmem:s24], [sflag:$0x5] =	stream.linear.gather [hbm4b:s13+s14], $0xA00, $0x38;
	[tilespmem:$0x12C00] =	vst v63  }
0xe8: {  	_ =	swait.ge [sflag:s23], $0xA00  }
0xe9: {  	[sflag:s23] =	ssyncset.done $0x0  }
0xea: {  	[sflag:s23] =	ssyncadd.s32 $0xFFFFF600  }
0xeb: {  	[tilespmem:s25], [sflag:$0x5] =	stream.linear.gather [hbm4b:s15+s14], $0xA00, $0x38;
	[tilespmem:$0x12C00] =	vst v63  }
0xec: {  	_ =	swait.ge [sflag:s23], $0xA00  }
0xed: {  	[sflag:s23] =	ssyncset.done $0x0  }
0xee: {  	[sflag:s23] =	ssyncadd.s32 $0xFFFFF600  }
0xef: {  	s29 =	simm.s32 $0x2800;
	s1 =	rddreg [dreg:$0x0]  }
0xf0: {  	[tilespmem:s29], [sflag:$0x1] =	stream.indirect.gather [hbm4b:s1+s0], $0x8, s24, s0, $0xb8;
	[tilespmem:$0x12C00] =	vst v63  }
0xf1: {  	s26 =	simm.s32 $0xD200  }
0xf2: {  	[tilespmem:s26], [sflag:$0x5] =	stream.linear.gather [hbm4b:s17+s14], $0xA00, $0x38;
	[tilespmem:$0x12C00] =	vst v63  }
0xf3: {  	_ =	swait.ge [sflag:s23], $0xA00  }
0xf4: {  	[sflag:s23] =	ssyncset.done $0x0  }
0xf5: {  	s28 =	simm.s32 $0xE600;
	[sflag:s23] =	ssyncadd.s32 $0xFFFFF600  }
0xf6: {  	[tilespmem:s28], [sflag:$0x5] =	stream.linear.gather [hbm4b:s16+s14], $0xA00, $0x38;
	[tilespmem:$0x12C00] =	vst v63  }
0xf7: {  	_ =	swait.ge [sflag:s23], $0xA00  }
0xf8: {  	[sflag:s23] =	ssyncset.done $0x0  }
0xf9: {  	[sflag:s23] =	ssyncadd.s32 $0xFFFFF600  }
0xfa: {  	[tilespmem:s6], [sflag:$0x2] =	stream.indirect.gather [hbm4b:s1+s0], $0x8, s26, s0, $0xb8;
	[tilespmem:$0x12C00] =	vst v63  }
0xfb: {  	_ =	swait.ge [sflag:s7], $0x5000  }
0xfc: {  	[sflag:s7] =	ssyncset.done $0x0  }
0xfd: {  	[sflag:s7] =	ssyncadd.s32 $0xFFFFB000  }
0xfe: {  	s2 =	rddreg [dreg:$0x2]  }
0xff: {  	[spmem:s2] =	stream.indirect.scatter.add.f32 [tilespmem:s29], [sflag:$0x3], $0x8, s25, s0, $0xb8;
	[tilespmem:$0x12C00] =	vst v63  }
0x100: {  	_ =	swait.ge [sflag:s8], $0x5000  }
0x101: {  	[sflag:s8] =	ssyncset.done $0x0  }
0x102: {  	[sflag:s8] =	ssyncadd.s32 $0xFFFFB000  }
0x103: {  	[tilespmem:s24], [sflag:$0x5] =	stream.linear.gather [hbm4b:s19+s14], $0xA00, $0x38;
	[tilespmem:$0x12C00] =	vst v63  }
0x104: {  	_ =	swait.ge [sflag:s23], $0xA00  }
0x105: {  	[sflag:s23] =	ssyncset.done $0x0  }
0x106: {  	[sflag:s23] =	ssyncadd.s32 $0xFFFFF600  }
0x107: {  	[tilespmem:s25], [sflag:$0x5] =	stream.linear.gather [hbm4b:s18+s14], $0xA00, $0x38;
	[tilespmem:$0x12C00] =	vst v63  }
0x108: {  	_ =	swait.ge [sflag:s23], $0xA00  }
0x109: {  	[sflag:s23] =	ssyncset.done $0x0  }
0x10a: {  	[sflag:s23] =	ssyncadd.s32 $0xFFFFF600  }
0x10b: {  	[tilespmem:s29], [sflag:$0x1] =	stream.indirect.gather [hbm4b:s1+s0], $0x8, s24, s0, $0xb8;
	[tilespmem:$0x12C00] =	vst v63  }
0x10c: {  	_ =	swait.ge [sflag:s9], $0x5000  }
0x10d: {  	[sflag:s9] =	ssyncset.done $0x0  }
0x10e: {  	[sflag:s9] =	ssyncadd.s32 $0xFFFFB000  }
0x10f: {  	[spmem:s2] =	stream.indirect.scatter.add.f32 [tilespmem:s6], [sflag:$0x4], $0x8, s28, s0, $0xb8;
	[tilespmem:$0x12C00] =	vst v63  }
0x110: {  	_ =	swait.ge [sflag:s10], $0x5000  }
0x111: {  	[sflag:s10] =	ssyncset.done $0x0  }
0x112: {  	[sflag:s10] =	ssyncadd.s32 $0xFFFFB000  }
0x113: {  	[tilespmem:s26], [sflag:$0x5] =	stream.linear.gather [hbm4b:s20+s14], $0xA00, $0x38;
	[tilespmem:$0x12C00] =	vst v63  }
0x114: {  	_ =	swait.ge [sflag:s23], $0xA00  }
0x115: {  	[sflag:s23] =	ssyncset.done $0x0  }
0x116: {  	[sflag:s23] =	ssyncadd.s32 $0xFFFFF600  }
0x117: {  	[tilespmem:s28], [sflag:$0x5] =	stream.linear.gather [hbm4b:s30+s14], $0xA00, $0x38;
	[tilespmem:$0x12C00] =	vst v63  }
0x118: {  	_ =	swait.ge [sflag:s23], $0xA00  }
0x119: {  	[sflag:s23] =	ssyncset.done $0x0  }
0x11a: {  	[sflag:s23] =	ssyncadd.s32 $0xFFFFF600  }
0x11b: {  	[tilespmem:s6], [sflag:$0x2] =	stream.indirect.gather [hbm4b:s1+s0], $0x8, s26, s0, $0xb8;
	[tilespmem:$0x12C00] =	vst v63  }
0x11c: {  	_ =	swait.ge [sflag:s7], $0x5000  }
0x11d: {  	[sflag:s7] =	ssyncset.done $0x0  }
0x11e: {  	[sflag:s7] =	ssyncadd.s32 $0xFFFFB000  }
0x11f: {  	[spmem:s2] =	stream.indirect.scatter.add.f32 [tilespmem:s29], [sflag:$0x3], $0x8, s25, s0, $0xb8;
	[tilespmem:$0x12C00] =	vst v63  }
0x120: {  	_ =	swait.ge [sflag:s8], $0x5000  }
0x121: {  	[sflag:s8] =	ssyncset.done $0x0  }
0x122: {  	[sflag:s8] =	ssyncadd.s32 $0xFFFFB000  }
0x123: {  	[tilespmem:s24], [sflag:$0x5] =	stream.linear.gather [hbm4b:s21+s14], $0xA00, $0x38;
	[tilespmem:$0x12C00] =	vst v63  }
0x124: {  	_ =	swait.ge [sflag:s23], $0xA00  }
0x125: {  	[sflag:s23] =	ssyncset.done $0x0  }
0x126: {  	[sflag:s23] =	ssyncadd.s32 $0xFFFFF600  }
0x127: {  	[tilespmem:s25], [sflag:$0x5] =	stream.linear.gather [hbm4b:s22+s14], $0xA00, $0x38;
	[tilespmem:$0x12C00] =	vst v63  }
0x128: {  	_ =	swait.ge [sflag:s23], $0xA00  }
0x129: {  	[sflag:s23] =	ssyncset.done $0x0  }
0x12a: {  	[sflag:s23] =	ssyncadd.s32 $0xFFFFF600  }
0x12b: {  	[tilespmem:s29], [sflag:$0x1] =	stream.indirect.gather [hbm4b:s1+s0], $0x8, s24, s0, $0xb8;
	[tilespmem:$0x12C00] =	vst v63  }
0x12c: {  	_ =	swait.ge [sflag:s9], $0x5000  }
0x12d: {  	[sflag:s9] =	ssyncset.done $0x0  }
0x12e: {  	[sflag:s9] =	ssyncadd.s32 $0xFFFFB000  }
0x12f: {  	[spmem:s2] =	stream.indirect.scatter.add.f32 [tilespmem:s6], [sflag:$0x4], $0x8, s28, s0, $0xb8;
	[tilespmem:$0x12C00] =	vst v63  }
0x130: {  	_ =	swait.ge [sflag:s10], $0x5000  }
0x131: {  	[sflag:s10] =	ssyncset.done $0x0  }
0x132: {  	s3 =	rddreg [dreg:$0x11];
	[sflag:s10] =	ssyncadd.s32 $0xFFFFB000  }
0x133: {  	[tilespmem:s26], [sflag:$0x5] =	stream.linear.gather [hbm4b:s3+s14], $0xA00, $0x38;
	[tilespmem:$0x12C00] =	vst v63  }
0x134: {  	_ =	swait.ge [sflag:s23], $0xA00  }
0x135: {  	[sflag:s23] =	ssyncset.done $0x0  }
0x136: {  	s31 =	rddreg [dreg:$0x10];
	[sflag:s23] =	ssyncadd.s32 $0xFFFFF600  }
0x137: {  	[tilespmem:s28], [sflag:$0x5] =	stream.linear.gather [hbm4b:s31+s14], $0xA00, $0x38;
	[tilespmem:$0x12C00] =	vst v63  }
0x138: {  	_ =	swait.ge [sflag:s23], $0xA00  }
0x139: {  	[sflag:s23] =	ssyncset.done $0x0  }
0x13a: {  	[sflag:s23] =	ssyncadd.s32 $0xFFFFF600  }
0x13b: {  	[tilespmem:s6], [sflag:$0x2] =	stream.indirect.gather [hbm4b:s1+s0], $0x8, s26, s0, $0xb8;
	[tilespmem:$0x12C00] =	vst v63  }
0x13c: {  	_ =	swait.ge [sflag:s7], $0x5000  }
0x13d: {  	[sflag:s7] =	ssyncset.done $0x0  }
0x13e: {  	[sflag:s7] =	ssyncadd.s32 $0xFFFFB000  }
0x13f: {  	[spmem:s2] =	stream.indirect.scatter.add.f32 [tilespmem:s29], [sflag:$0x3], $0x8, s25, s0, $0xb8;
	[tilespmem:$0x12C00] =	vst v63  }
0x140: {  	_ =	swait.ge [sflag:s8], $0x5000  }
0x141: {  	[sflag:s8] =	ssyncset.done $0x0  }
0x142: {  	s31 =	rddreg [dreg:$0x13];
	[sflag:s8] =	ssyncadd.s32 $0xFFFFB000  }
0x143: {  	[tilespmem:s24], [sflag:$0x5] =	stream.linear.gather [hbm4b:s31+s14], $0xA00, $0x38;
	[tilespmem:$0x12C00] =	vst v63  }
0x144: {  	_ =	swait.ge [sflag:s23], $0xA00  }
0x145: {  	[sflag:s23] =	ssyncset.done $0x0  }
0x146: {  	s31 =	rddreg [dreg:$0x12];
	[sflag:s23] =	ssyncadd.s32 $0xFFFFF600  }
0x147: {  	[tilespmem:s25], [sflag:$0x5] =	stream.linear.gather [hbm4b:s31+s14], $0xA00, $0x38;
	[tilespmem:$0x12C00] =	vst v63  }
0x148: {  	_ =	swait.ge [sflag:s23], $0xA00  }
0x149: {  	[sflag:s23] =	ssyncset.done $0x0  }
0x14a: {  	[sflag:s23] =	ssyncadd.s32 $0xFFFFF600  }
0x14b: {  	[tilespmem:s29], [sflag:$0x1] =	stream.indirect.gather [hbm4b:s1+s0], $0x8, s24, s0, $0xb8;
	[tilespmem:$0x12C00] =	vst v63  }
0x14c: {  	_ =	swait.ge [sflag:s9], $0x5000  }
0x14d: {  	[sflag:s9] =	ssyncset.done $0x0  }
0x14e: {  	[sflag:s9] =	ssyncadd.s32 $0xFFFFB000  }
0x14f: {  	[spmem:s2] =	stream.indirect.scatter.add.f32 [tilespmem:s6], [sflag:$0x4], $0x8, s28, s0, $0xb8;
	[tilespmem:$0x12C00] =	vst v63  }
0x150: {  	_ =	swait.ge [sflag:s10], $0x5000  }
0x151: {  	[sflag:s10] =	ssyncset.done $0x0  }
0x152: {  	s24 =	rddreg [dreg:$0x15];
	[sflag:s10] =	ssyncadd.s32 $0xFFFFB000  }
0x153: {  	[tilespmem:s26], [sflag:$0x5] =	stream.linear.gather [hbm4b:s24+s14], $0xA00, $0x38;
	[tilespmem:$0x12C00] =	vst v63  }
0x154: {  	_ =	swait.ge [sflag:s23], $0xA00  }
0x155: {  	[sflag:s23] =	ssyncset.done $0x0  }
0x156: {  	s31 =	rddreg [dreg:$0x14];
	[sflag:s23] =	ssyncadd.s32 $0xFFFFF600  }
0x157: {  	[tilespmem:s28], [sflag:$0x5] =	stream.linear.gather [hbm4b:s31+s14], $0xA00, $0x38;
	[tilespmem:$0x12C00] =	vst v63  }
0x158: {  	_ =	swait.ge [sflag:s23], $0xA00  }
0x159: {  	[sflag:s23] =	ssyncset.done $0x0  }
0x15a: {  	[sflag:s23] =	ssyncadd.s32 $0xFFFFF600  }
0x15b: {  	[tilespmem:s6], [sflag:$0x2] =	stream.indirect.gather [hbm4b:s1+s0], $0x8, s26, s0, $0xb8;
	[tilespmem:$0x12C00] =	vst v63  }
0x15c: {  	_ =	swait.ge [sflag:s7], $0x5000  }
0x15d: {  	[sflag:s7] =	ssyncset.done $0x0  }
0x15e: {  	[sflag:s7] =	ssyncadd.s32 $0xFFFFB000  }
0x15f: {  	[spmem:s2] =	stream.indirect.scatter.add.f32 [tilespmem:s29], [sflag:$0x3], $0x8, s25, s0, $0xb8;
	[tilespmem:$0x12C00] =	vst v63  }
0x160: {  	_ =	swait.ge [sflag:s9], $0x5000  }
0x161: {  	[sflag:s9] =	ssyncset.done $0x0  }
0x162: {  	[sflag:s9] =	ssyncadd.s32 $0xFFFFB000  }
0x163: {  	[spmem:s2] =	stream.indirect.scatter.add.f32 [tilespmem:s6], [sflag:$0x4], $0x8, s28, s0, $0xb8;
	[tilespmem:$0x12C00] =	vst v63  }
0x164: {  	_ =	swait.ge [sflag:s8], $0x5000  }
0x165: {  	[sflag:s8] =	ssyncset.done $0x0  }
0x166: {  	[sflag:s8] =	ssyncadd.s32 $0xFFFFB000  }
0x167: {  	_ =	swait.ge [sflag:s10], $0x5000  }
0x168: {  	[sflag:s10] =	ssyncset.done $0x0  }
0x169: {  	[sflag:s10] =	ssyncadd.s32 $0xFFFFB000  }
0x16a: {  	v2 =	vor.u32 s14, v1;
	[bflag:$0x0] =	sbarrier.arrive $0xFFFF  }
0x16b: {  	[tilespmem:s11], [sflag:$0x5] =	stream.linear.gather [spmem:s4], $0x1400, $0x38;
	[tilespmem:$0x12C00] =	vst v63  }
0x16c: {  	_ =	swait.ge [sflag:s23], $0x1400  }
0x16d: {  	[sflag:s23] =	ssyncset.done $0x0  }
0x16e: {  	[sflag:s23] =	ssyncadd.s32 $0xFFFFEC00  }
0x16f: {  	v3 =	vld.idx.msk [tilespmem:v2+s11+$0x0], $0xffff;
	_ =	sdelay $0x4  }
0x170: {  	v3 =	vmax.f32 v3, $1.000000000e+00  }
0x171: {  	v2 =	vor.u32 s14, v0;
	(erf) = vrcp.f32 v3;
	_ =	sdelay $0x4  }
0x172: {  	v4 =	vld.idx.msk [tilespmem:v2+s11+$0x0], $0xffff;
	_ =	sdelay $0x1  }
0x173: {  	s1 =	simm.s32 $0x10  }
0x174: {  	s2 =	simm.s32 $0x20;
	v3 =	vor.u32 s1, v1  }
.LBB2_6:
0x175: {  	p1 =	sne.s32 s2, $0x13F0;
	v5 =	vpop (erf)  }
0x176: {  	v4 =	vmul.f32 v5, v4;
	_ =	sdelay $0x1  }
0x177: {  	[tilespmem:v2+s12+$0x0] =	vst.idx.msk $0xffff, v4  }
0x178: {  	v3 =	vld.idx.msk [tilespmem:v3+s11+$0x0], $0xffff;
	_ =	sdelay $0x5  }
0x179: {  	v2 =	vor.u32 s1, v0;
	s1 =	smov.u32 s2;
	v3 =	vmax.f32 v3, $1.000000000e+00  }
0x17a: {  	(erf) = vrcp.f32 v3;
	_ =	sdelay $0x3  }
.Ltmp3:
0x17b: {  	v4 =	vld.idx.msk [tilespmem:v2+s11+$0x0], $0xffff;
	(pc) =	sbr.rel @p1 .LBB2_6-.Ltmp3, $2  }
0x17c: {  	_ =	sdelay $0x2  }
0x17d: {  	s2 =	sadd.s32 $0x10, s2;
	v3 =	vor.u32 s1, v1  }
.Ltmp4:
0x17e: {  	_ = 	snop;
	(pc) =	sbr.rel .LBB2_7-.Ltmp4, $1  }
0x17f: {  	_ =	sdelay $0x3  }
.LBB2_2:
0x180: {  	[tilespmem:s24], [sflag:$0x5] =	stream.linear.gather [hbm4b:s15+s14], $0xA00, $0x38;
	[tilespmem:$0x12C00] =	vst v63  }
0x181: {  	_ =	swait.ge [sflag:s23], $0xA00  }
0x182: {  	[sflag:s23] =	ssyncset.done $0x0  }
0x183: {  	[sflag:s23] =	ssyncadd.s32 $0xFFFFF600  }
0x184: {  	[tilespmem:s25], [sflag:$0x5] =	stream.linear.gather [hbm4b:s13+s14], $0xA00, $0x38;
	[tilespmem:$0x12C00] =	vst v63  }
0x185: {  	_ =	swait.ge [sflag:s23], $0xA00  }
0x186: {  	[sflag:s23] =	ssyncset.done $0x0  }
0x187: {  	[sflag:s23] =	ssyncadd.s32 $0xFFFFF600  }
0x188: {  	s29 =	simm.s32 $0x2800;
	s1 =	rddreg [dreg:$0x0]  }
0x189: {  	[tilespmem:s29], [sflag:$0x1] =	stream.indirect.gather [hbm4b:s1+s0], $0x8, s24, s0, $0xb8;
	[tilespmem:$0x12C00] =	vst v63  }
0x18a: {  	s26 =	simm.s32 $0xD200  }
0x18b: {  	[tilespmem:s26], [sflag:$0x5] =	stream.linear.gather [hbm4b:s16+s14], $0xA00, $0x38;
	[tilespmem:$0x12C00] =	vst v63  }
0x18c: {  	_ =	swait.ge [sflag:s23], $0xA00  }
0x18d: {  	[sflag:s23] =	ssyncset.done $0x0  }
0x18e: {  	s28 =	simm.s32 $0xE600;
	[sflag:s23] =	ssyncadd.s32 $0xFFFFF600  }
0x18f: {  	[tilespmem:s28], [sflag:$0x5] =	stream.linear.gather [hbm4b:s17+s14], $0xA00, $0x38;
	[tilespmem:$0x12C00] =	vst v63  }
0x190: {  	_ =	swait.ge [sflag:s23], $0xA00  }
0x191: {  	[sflag:s23] =	ssyncset.done $0x0  }
0x192: {  	[sflag:s23] =	ssyncadd.s32 $0xFFFFF600  }
0x193: {  	[tilespmem:s6], [sflag:$0x2] =	stream.indirect.gather [hbm4b:s1+s0], $0x8, s26, s0, $0xb8;
	[tilespmem:$0x12C00] =	vst v63  }
0x194: {  	_ =	swait.ge [sflag:s7], $0x5000  }
0x195: {  	[sflag:s7] =	ssyncset.done $0x0  }
0x196: {  	[sflag:s7] =	ssyncadd.s32 $0xFFFFB000  }
0x197: {  	s2 =	rddreg [dreg:$0x2]  }
0x198: {  	[spmem:s2] =	stream.indirect.scatter.add.f32 [tilespmem:s29], [sflag:$0x3], $0x8, s25, s0, $0xb8;
	[tilespmem:$0x12C00] =	vst v63  }
0x199: {  	_ =	swait.ge [sflag:s8], $0x5000  }
0x19a: {  	[sflag:s8] =	ssyncset.done $0x0  }
0x19b: {  	[sflag:s8] =	ssyncadd.s32 $0xFFFFB000  }
0x19c: {  	[tilespmem:s24], [sflag:$0x5] =	stream.linear.gather [hbm4b:s18+s14], $0xA00, $0x38;
	[tilespmem:$0x12C00] =	vst v63  }
0x19d: {  	_ =	swait.ge [sflag:s23], $0xA00  }
0x19e: {  	[sflag:s23] =	ssyncset.done $0x0  }
0x19f: {  	[sflag:s23] =	ssyncadd.s32 $0xFFFFF600  }
0x1a0: {  	[tilespmem:s25], [sflag:$0x5] =	stream.linear.gather [hbm4b:s19+s14], $0xA00, $0x38;
	[tilespmem:$0x12C00] =	vst v63  }
0x1a1: {  	_ =	swait.ge [sflag:s23], $0xA00  }
0x1a2: {  	[sflag:s23] =	ssyncset.done $0x0  }
0x1a3: {  	[sflag:s23] =	ssyncadd.s32 $0xFFFFF600  }
0x1a4: {  	[tilespmem:s29], [sflag:$0x1] =	stream.indirect.gather [hbm4b:s1+s0], $0x8, s24, s0, $0xb8;
	[tilespmem:$0x12C00] =	vst v63  }
0x1a5: {  	_ =	swait.ge [sflag:s9], $0x5000  }
0x1a6: {  	[sflag:s9] =	ssyncset.done $0x0  }
0x1a7: {  	[sflag:s9] =	ssyncadd.s32 $0xFFFFB000  }
0x1a8: {  	[spmem:s2] =	stream.indirect.scatter.add.f32 [tilespmem:s6], [sflag:$0x4], $0x8, s28, s0, $0xb8;
	[tilespmem:$0x12C00] =	vst v63  }
0x1a9: {  	_ =	swait.ge [sflag:s10], $0x5000  }
0x1aa: {  	[sflag:s10] =	ssyncset.done $0x0  }
0x1ab: {  	[sflag:s10] =	ssyncadd.s32 $0xFFFFB000  }
0x1ac: {  	[tilespmem:s26], [sflag:$0x5] =	stream.linear.gather [hbm4b:s30+s14], $0xA00, $0x38;
	[tilespmem:$0x12C00] =	vst v63  }
0x1ad: {  	_ =	swait.ge [sflag:s23], $0xA00  }
0x1ae: {  	[sflag:s23] =	ssyncset.done $0x0  }
0x1af: {  	[sflag:s23] =	ssyncadd.s32 $0xFFFFF600  }
0x1b0: {  	[tilespmem:s28], [sflag:$0x5] =	stream.linear.gather [hbm4b:s20+s14], $0xA00, $0x38;
	[tilespmem:$0x12C00] =	vst v63  }
0x1b1: {  	_ =	swait.ge [sflag:s23], $0xA00  }
0x1b2: {  	[sflag:s23] =	ssyncset.done $0x0  }
0x1b3: {  	[sflag:s23] =	ssyncadd.s32 $0xFFFFF600  }
0x1b4: {  	[tilespmem:s6], [sflag:$0x2] =	stream.indirect.gather [hbm4b:s1+s0], $0x8, s26, s0, $0xb8;
	[tilespmem:$0x12C00] =	vst v63  }
0x1b5: {  	_ =	swait.ge [sflag:s7], $0x5000  }
0x1b6: {  	[sflag:s7] =	ssyncset.done $0x0  }
0x1b7: {  	[sflag:s7] =	ssyncadd.s32 $0xFFFFB000  }
0x1b8: {  	[spmem:s2] =	stream.indirect.scatter.add.f32 [tilespmem:s29], [sflag:$0x3], $0x8, s25, s0, $0xb8;
	[tilespmem:$0x12C00] =	vst v63  }
0x1b9: {  	_ =	swait.ge [sflag:s8], $0x5000  }
0x1ba: {  	[sflag:s8] =	ssyncset.done $0x0  }
0x1bb: {  	[sflag:s8] =	ssyncadd.s32 $0xFFFFB000  }
0x1bc: {  	[tilespmem:s24], [sflag:$0x5] =	stream.linear.gather [hbm4b:s22+s14], $0xA00, $0x38;
	[tilespmem:$0x12C00] =	vst v63  }
0x1bd: {  	_ =	swait.ge [sflag:s23], $0xA00  }
0x1be: {  	[sflag:s23] =	ssyncset.done $0x0  }
0x1bf: {  	[sflag:s23] =	ssyncadd.s32 $0xFFFFF600  }
0x1c0: {  	[tilespmem:s25], [sflag:$0x5] =	stream.linear.gather [hbm4b:s21+s14], $0xA00, $0x38;
	[tilespmem:$0x12C00] =	vst v63  }
0x1c1: {  	_ =	swait.ge [sflag:s23], $0xA00  }
0x1c2: {  	[sflag:s23] =	ssyncset.done $0x0  }
0x1c3: {  	[sflag:s23] =	ssyncadd.s32 $0xFFFFF600  }
0x1c4: {  	[tilespmem:s29], [sflag:$0x1] =	stream.indirect.gather [hbm4b:s1+s0], $0x8, s24, s0, $0xb8;
	[tilespmem:$0x12C00] =	vst v63  }
0x1c5: {  	_ =	swait.ge [sflag:s9], $0x5000  }
0x1c6: {  	[sflag:s9] =	ssyncset.done $0x0  }
0x1c7: {  	[sflag:s9] =	ssyncadd.s32 $0xFFFFB000  }
0x1c8: {  	[spmem:s2] =	stream.indirect.scatter.add.f32 [tilespmem:s6], [sflag:$0x4], $0x8, s28, s0, $0xb8;
	[tilespmem:$0x12C00] =	vst v63  }
0x1c9: {  	_ =	swait.ge [sflag:s10], $0x5000  }
0x1ca: {  	[sflag:s10] =	ssyncset.done $0x0  }
0x1cb: {  	s3 =	rddreg [dreg:$0x10];
	[sflag:s10] =	ssyncadd.s32 $0xFFFFB000  }
0x1cc: {  	[tilespmem:s26], [sflag:$0x5] =	stream.linear.gather [hbm4b:s3+s14], $0xA00, $0x38;
	[tilespmem:$0x12C00] =	vst v63  }
0x1cd: {  	_ =	swait.ge [sflag:s23], $0xA00  }
0x1ce: {  	[sflag:s23] =	ssyncset.done $0x0  }
0x1cf: {  	s31 =	rddreg [dreg:$0x11];
	[sflag:s23] =	ssyncadd.s32 $0xFFFFF600  }
0x1d0: {  	[tilespmem:s28], [sflag:$0x5] =	stream.linear.gather [hbm4b:s31+s14], $0xA00, $0x38;
	[tilespmem:$0x12C00] =	vst v63  }
0x1d1: {  	_ =	swait.ge [sflag:s23], $0xA00  }
0x1d2: {  	[sflag:s23] =	ssyncset.done $0x0  }
0x1d3: {  	[sflag:s23] =	ssyncadd.s32 $0xFFFFF600  }
0x1d4: {  	[tilespmem:s6], [sflag:$0x2] =	stream.indirect.gather [hbm4b:s1+s0], $0x8, s26, s0, $0xb8;
	[tilespmem:$0x12C00] =	vst v63  }
0x1d5: {  	_ =	swait.ge [sflag:s7], $0x5000  }
0x1d6: {  	[sflag:s7] =	ssyncset.done $0x0  }
0x1d7: {  	[sflag:s7] =	ssyncadd.s32 $0xFFFFB000  }
0x1d8: {  	[spmem:s2] =	stream.indirect.scatter.add.f32 [tilespmem:s29], [sflag:$0x3], $0x8, s25, s0, $0xb8;
	[tilespmem:$0x12C00] =	vst v63  }
0x1d9: {  	_ =	swait.ge [sflag:s8], $0x5000  }
0x1da: {  	[sflag:s8] =	ssyncset.done $0x0  }
0x1db: {  	s31 =	rddreg [dreg:$0x12];
	[sflag:s8] =	ssyncadd.s32 $0xFFFFB000  }
0x1dc: {  	[tilespmem:s24], [sflag:$0x5] =	stream.linear.gather [hbm4b:s31+s14], $0xA00, $0x38;
	[tilespmem:$0x12C00] =	vst v63  }
0x1dd: {  	_ =	swait.ge [sflag:s23], $0xA00  }
0x1de: {  	[sflag:s23] =	ssyncset.done $0x0  }
0x1df: {  	s31 =	rddreg [dreg:$0x13];
	[sflag:s23] =	ssyncadd.s32 $0xFFFFF600  }
0x1e0: {  	[tilespmem:s25], [sflag:$0x5] =	stream.linear.gather [hbm4b:s31+s14], $0xA00, $0x38;
	[tilespmem:$0x12C00] =	vst v63  }
0x1e1: {  	_ =	swait.ge [sflag:s23], $0xA00  }
0x1e2: {  	[sflag:s23] =	ssyncset.done $0x0  }
0x1e3: {  	[sflag:s23] =	ssyncadd.s32 $0xFFFFF600  }
0x1e4: {  	[tilespmem:s29], [sflag:$0x1] =	stream.indirect.gather [hbm4b:s1+s0], $0x8, s24, s0, $0xb8;
	[tilespmem:$0x12C00] =	vst v63  }
0x1e5: {  	_ =	swait.ge [sflag:s9], $0x5000  }
0x1e6: {  	[sflag:s9] =	ssyncset.done $0x0  }
0x1e7: {  	[sflag:s9] =	ssyncadd.s32 $0xFFFFB000  }
0x1e8: {  	[spmem:s2] =	stream.indirect.scatter.add.f32 [tilespmem:s6], [sflag:$0x4], $0x8, s28, s0, $0xb8;
	[tilespmem:$0x12C00] =	vst v63  }
0x1e9: {  	_ =	swait.ge [sflag:s10], $0x5000  }
0x1ea: {  	[sflag:s10] =	ssyncset.done $0x0  }
0x1eb: {  	s24 =	rddreg [dreg:$0x14];
	[sflag:s10] =	ssyncadd.s32 $0xFFFFB000  }
0x1ec: {  	[tilespmem:s26], [sflag:$0x5] =	stream.linear.gather [hbm4b:s24+s14], $0xA00, $0x38;
	[tilespmem:$0x12C00] =	vst v63  }
0x1ed: {  	_ =	swait.ge [sflag:s23], $0xA00  }
0x1ee: {  	[sflag:s23] =	ssyncset.done $0x0  }
0x1ef: {  	s31 =	rddreg [dreg:$0x15];
	[sflag:s23] =	ssyncadd.s32 $0xFFFFF600  }
0x1f0: {  	[tilespmem:s28], [sflag:$0x5] =	stream.linear.gather [hbm4b:s31+s14], $0xA00, $0x38;
	[tilespmem:$0x12C00] =	vst v63  }
0x1f1: {  	_ =	swait.ge [sflag:s23], $0xA00  }
0x1f2: {  	[sflag:s23] =	ssyncset.done $0x0  }
0x1f3: {  	[sflag:s23] =	ssyncadd.s32 $0xFFFFF600  }
0x1f4: {  	[tilespmem:s6], [sflag:$0x2] =	stream.indirect.gather [hbm4b:s1+s0], $0x8, s26, s0, $0xb8;
	[tilespmem:$0x12C00] =	vst v63  }
0x1f5: {  	_ =	swait.ge [sflag:s7], $0x5000  }
0x1f6: {  	[sflag:s7] =	ssyncset.done $0x0  }
0x1f7: {  	[sflag:s7] =	ssyncadd.s32 $0xFFFFB000  }
0x1f8: {  	[spmem:s2] =	stream.indirect.scatter.add.f32 [tilespmem:s29], [sflag:$0x3], $0x8, s25, s0, $0xb8;
	[tilespmem:$0x12C00] =	vst v63  }
0x1f9: {  	_ =	swait.ge [sflag:s9], $0x5000  }
0x1fa: {  	[sflag:s9] =	ssyncset.done $0x0  }
0x1fb: {  	[sflag:s9] =	ssyncadd.s32 $0xFFFFB000  }
0x1fc: {  	[spmem:s2] =	stream.indirect.scatter.add.f32 [tilespmem:s6], [sflag:$0x4], $0x8, s28, s0, $0xb8;
	[tilespmem:$0x12C00] =	vst v63  }
0x1fd: {  	_ =	swait.ge [sflag:s8], $0x5000  }
0x1fe: {  	[sflag:s8] =	ssyncset.done $0x0  }
0x1ff: {  	[sflag:s8] =	ssyncadd.s32 $0xFFFFB000  }
0x200: {  	_ =	swait.ge [sflag:s10], $0x5000  }
0x201: {  	[sflag:s10] =	ssyncset.done $0x0  }
0x202: {  	[sflag:s10] =	ssyncadd.s32 $0xFFFFB000  }
0x203: {  	v2 =	vor.u32 s14, v1;
	[bflag:$0x0] =	sbarrier.arrive $0xFFFF  }
0x204: {  	[tilespmem:s11], [sflag:$0x5] =	stream.linear.gather [spmem:s4], $0x1400, $0x38;
	[tilespmem:$0x12C00] =	vst v63  }
0x205: {  	_ =	swait.ge [sflag:s23], $0x1400  }
0x206: {  	[sflag:s23] =	ssyncset.done $0x0  }
0x207: {  	[sflag:s23] =	ssyncadd.s32 $0xFFFFEC00  }
0x208: {  	v3 =	vld.idx.msk [tilespmem:v2+s11+$0x0], $0xffff;
	_ =	sdelay $0x4  }
0x209: {  	v3 =	vmax.f32 v3, $1.000000000e+00  }
0x20a: {  	v2 =	vor.u32 s14, v0;
	(erf) = vrcp.f32 v3;
	_ =	sdelay $0x4  }
0x20b: {  	v4 =	vld.idx.msk [tilespmem:v2+s11+$0x0], $0xffff;
	_ =	sdelay $0x1  }
0x20c: {  	s1 =	simm.s32 $0x10  }
0x20d: {  	s2 =	simm.s32 $0x20;
	v3 =	vor.u32 s1, v1  }
.LBB2_3:
0x20e: {  	p1 =	seq.s32 s2, $0x13F0;
	v5 =	vpop (erf)  }
0x20f: {  	v4 =	vmul.f32 v5, v4;
	_ =	sdelay $0x1  }
0x210: {  	[tilespmem:v2+s12+$0x0] =	vst.idx.msk $0xffff, v4  }
0x211: {  	v3 =	vld.idx.msk [tilespmem:v3+s11+$0x0], $0xffff;
	_ =	sdelay $0x5  }
0x212: {  	v2 =	vor.u32 s1, v0;
	s1 =	smov.u32 s2;
	v3 =	vmax.f32 v3, $1.000000000e+00  }
0x213: {  	(erf) = vrcp.f32 v3;
	_ =	sdelay $0x3  }
.Ltmp5:
0x214: {  	v4 =	vld.idx.msk [tilespmem:v2+s11+$0x0], $0xffff;
	(pc) =	sbr.rel @!p1 .LBB2_3-.Ltmp5, $2  }
0x215: {  	_ =	sdelay $0x2  }
0x216: {  	s2 =	sadd.s32 $0x10, s2;
	v3 =	vor.u32 s1, v1  }
0x217: {  	_ = 	snop  }
0x218: {  	v5 =	vpop (erf)  }
0x219: {  	v4 =	vmul.f32 v5, v4;
	_ =	sdelay $0x1  }
0x21a: {  	[tilespmem:v2+s12+$0x0] =	vst.idx.msk $0xffff, v4  }
0x21b: {  	v2 =	vld.idx.msk [tilespmem:v3+s11+$0x0], $0xffff;
	_ =	sdelay $0x4  }
0x21c: {  	v2 =	vmax.f32 v2, $1.000000000e+00  }
0x21d: {  	v3 =	vor.u32 s1, v0;
	(erf) = vrcp.f32 v2;
	_ =	sdelay $0x1  }
0x21e: {  	s4 =	rddreg [dreg:$0x5]  }
0x21f: {  	s14 =	rddreg [dreg:$0x19]  }
0x220: {  	s24 =	smov.u32 s15;
	s3 =	smov.u32 s17;
	s17 =	rddreg [dreg:$0x10]  }
0x221: {  	s31 =	smov.u32 s30;
	s30 =	smov.u32 s20;
	s20 =	rddreg [dreg:$0x11];
	v2 =	vld.idx.msk [tilespmem:v3+s11+$0x0], $0xffff  }
0x222: {  	s15 =	smov.u32 s13;
	s2 =	smov.u32 s18;
	s18 =	rddreg [dreg:$0x12]  }
0x223: {  	s13 =	smov.u32 s16;
	s29 =	smov.u32 s22;
	s16 =	rddreg [dreg:$0x14]  }
.Ltmp6:
0x224: {  	s22 =	smov.u32 s21;
	s21 =	rddreg [dreg:$0x15];
	(pc) =	sbr.rel .LBB2_8-.Ltmp6, $4  }
0x225: {  	s26 =	rddreg [dreg:$0x16];
	v63 =	vpop (erf)  }
0x226: {  	s28 =	sld [smem:$0x7FD];
	v2 =	vmul.f32 v63, v2  }
0x227: {  	[smem:$0x7FC] =	sst s26  }
0x228: {  	s25 =	smov.u32 s14;
	s1 =	smov.u32 s19;
	s19 =	rddreg [dreg:$0x13];
	[tilespmem:v3+s12+$0x0] =	vst.idx.msk $0xffff, v2  }
.LBB2_9:
0x229: {  	_ =	sfence.sel $0x180000  }
0x22a: {  	[bflag:$0x0] =	sbarrier.arrive $0xFFFF  }
0x22b: {  	_ =	strace $0x90000047  }
0x22c: {  	s0 =	stileid.u32;
	[bflag:$0x2] =	sbarrier.arrive $0xFFFF  }
0x22d: {  	p0 =	sne.s32 s0, $0x0;
	s0 =	rddreg [dreg:$0x4]  }
0x22e: {  	s0 =	sadd.s32 @!p0 $0x100000, s0  }
0x22f: {  	[sflag:s0] =	ssyncadd.tile.s32 @!p0 $0x1;
	_ =	shalt  }
.Lfunc_end2:
_tile_overlayer_lowered:
.L_overlay_start_2:
0x230: {  	(tag) =	ssettag $0x2  }
0x231: {  	s0 =	rddreg [dreg:$0x0];
	s2 =	stileid.u32  }
0x232: {  	s1 =	rddreg [dreg:$0x1];
	p0 =	sne.s32 s2, $0x0  }
0x233: {  	s3 =	rddreg [dreg:$0x2];
	[bflag:$0x3] =	sbarrier.arrive $0xFFFF;
	s2 =	simm.s32 @!p0 $0x1C05  }
0x234: {  	[timem:s3], [sflag:s2] =	dma.local @!p0 [hbm:s0], s1  }
0x235: {  	s0 =	simm.s32 @!p0 $0x5  }
0x236: {  	_ =	swait.ge @!p0 [sflag:s0], s1  }
0x237: {  	s1 =	ssub.s32 @!p0 $0x0, s1;
	[sflag:s0] =	ssyncset.done @!p0 $0x0  }
0x238: {  	[sflag:s0] =	ssyncadd.s32 @!p0 s1  }
0x239: {  	[bflag:$0x3] =	sbarrier.arrive $0xFFFF  }
0x23a: {  	_ =	shalt  }

// kernel: kernel.8.cloned.1.call-start
scs
__scs_entry_jumppad:
0x0: {  	(pc) =	sbr.rel $0x88, $3  }
0x1: {  	(tag) =	ssettag $0x0;
	lr =	simm.s32 $0x1  }
0x2: {  	[smem:$0x3F94] =	sst lr;
	_ =	strace $0xD0000000  }
0x3: {  	_ = 	snop  }
0x4: {  	_ = 	snop  }
0x5: {  	_ = 	snop  }
0x6: {  	_ = 	snop  }
0x7: {  	_ = 	snop  }
__scs_overlays_trampoline_lowered:
0x8: {  	[smem:$0x3FA3] =	sst s0  }
0x9: {  	[smem:$0x3FA4] =	sst s1  }
0xa: {  	[smem:$0x3FA5] =	sst s2  }
0xb: {  	[smem:$0x3FA6] =	sst s3  }
0xc: {  	[smem:$0x3FA7] =	sst s4  }
0xd: {  	[smem:$0x3FA8] =	sst s5  }
0xe: {  	[smem:$0x3FA9] =	sst s6  }
0xf: {  	[smem:$0x3FAA] =	sst s7  }
0x10: {  	[smem:$0x3FAB] =	sst s8  }
0x11: {  	[smem:$0x3FAC] =	sst s9;
	s0 =	simm.s32 @!p0 $0x0  }
0x12: {  	s1 =	sld [smem:$0x3F92];
	s0 =	simm.s32 @p0 $0x1  }
0x13: {  	[smem:$0x3FAD] =	sst s0;
	s0 =	simm.s32 @!p1 $0x0  }
0x14: {  	s2 =	sld [smem:$0x3F91];
	s0 =	simm.s32 @p1 $0x1  }
0x15: {  	[smem:$0x3FAE] =	sst s0;
	s0 =	simm.s32 @!p2 $0x0  }
0x16: {  	s3 =	sld [smem:$0x3FDB];
	s0 =	simm.s32 @p2 $0x1  }
0x17: {  	s4 =	simm.s32 $0x1BF5;
	[smem:$0x3FB0] =	sst s0  }
0x18: {  	s0 =	sld [smem:$0x3F93];
	_ =	swait.ge [sflag:s4], $0x0  }
0x19: {  	s7 =	sld [smem:$0x3F94]  }
0x1a: {  	s8 =	sadd.s32 $0xFFFFE003, lr  }
0x1b: {  	s9 =	sadd.s32 $0xFFFFFEF7, lr;
	s5 =	simm.s32 $0xFFFFFFFF;
	p2 =	slt.u32 s8, $0xFFFFF086  }
0x1c: {  	p1 =	slt.u32 s9, $0xF7A;
	s5 =	simm.s32 @!p2 $0x0  }
0x1d: {  	s5 =	simm.s32 @p1 $0x1;
	p0 =	seq.s32 s7, s2  }
0x1e: {  	s7 =	smul.u32 @!p0 $0xF7A, s2;
	p2 =	seq.s32 @!p0 s5, $0x0  }
0x1f: {  	s9 =	smul.u32 $0xF7A, s1;
	s8 =	simm.s32 @!p0 $0x1BF5;
	p2 =	por !p2, p0  }
0x20: {  	[sflag:s8] =	ssyncset.s32 @!p0 $0xFFFFF086;
	s6 =	sadd.s32 @!p0 s3, s7;
	s7 =	simm.s32 @!p0 $0x108  }
0x21: {  	s3 =	sadd.s32 s3, s9;
	s6 =	sadd.s32 @!p0 $0x88, s6;
	s7 =	simm.s32 @p2 $0x1082  }
0x22: {  	[simem:s7], [sflag:s8] =	dma.local @!p0 [hbm:s6], $0xF7A  }
0x23: {  	s9 =	sor.u32 $0xD0000000, s2;
	s6 =	simm.s32 $0x108;
	_ =	swait.ge @!p0 [sflag:s8], $0x0  }
0x24: {  	s3 =	sadd.s32 $0x88, s3;
	s6 =	simm.s32 @!p1 $0x1082;
	[sflag:s4] =	ssyncset.s32 $0xFFFFF086  }
0x25: {  	[simem:s6], [sflag:s4] =	dma.local [hbm:s3], $0xF7A  }
0x26: {  	[smem:$0x3F94] =	sst s1;
	(tag) =	ssettag s2;
	_ =	strace s9  }
0x27: {  	s1 =	sld [smem:$0x3FA4]  }
0x28: {  	s2 =	sld [smem:$0x3FA5]  }
0x29: {  	s4 =	sld [smem:$0x3FA7]  }
0x2a: {  	p0 =	seq.s32 s5, $0x0;
	s5 =	sld [smem:$0x3FA8]  }
0x2b: {  	s6 =	sld [smem:$0x3FA9]  }
0x2c: {  	s7 =	sld [smem:$0x3FAA]  }
0x2d: {  	s3 =	simm.s32 $0x108;
	s8 =	sld [smem:$0x3FAB]  }
0x2e: {  	s3 =	simm.s32 @!p0 $0x1082;
	s9 =	sld [smem:$0x3FAC]  }
0x2f: {  	lr =	sadd.s32 s0, s3;
	s0 =	sld [smem:$0x3FA3]  }
0x30: {  	s3 =	sld [smem:$0x3FA6]  }
0x31: {  	[smem:$0x3FAF] =	sst s10  }
0x32: {  	s10 =	sld [smem:$0x3FAD];
	_ =	sdelay $0x3  }
0x33: {  	p0 =	seq.s32 s10, $0x1;
	s10 =	sld [smem:$0x3FAF];
	_ =	sdelay $0x3  }
0x34: {  	[smem:$0x3FAF] =	sst s10  }
0x35: {  	s10 =	sld [smem:$0x3FAE];
	_ =	sdelay $0x3  }
0x36: {  	p1 =	seq.s32 s10, $0x1;
	s10 =	sld [smem:$0x3FAF];
	_ =	sdelay $0x3  }
0x37: {  	[smem:$0x3FAF] =	sst s10  }
0x38: {  	s10 =	sld [smem:$0x3FB0]  }
0x39: {  	_ = 	snop;
	(pc) =	sbr.ind lr, $3  }
0x3a: {  	_ = 	snop  }
0x3b: {  	_ = 	snop  }
0x3c: {  	p2 =	seq.s32 s10, $0x1;
	s10 =	sld [smem:$0x3FAF]  }
0x3d: {  	_ =	shalt  }
0x3e: {  	_ =	shalt  }
0x3f: {  	_ =	shalt  }
0x40: {  	_ =	shalt  }
0x41: {  	_ =	shalt  }
0x42: {  	_ =	shalt  }
0x43: {  	_ =	shalt  }
0x44: {  	_ =	shalt  }
0x45: {  	_ =	shalt  }
0x46: {  	_ =	shalt  }
0x47: {  	_ =	shalt  }
0x48: {  	_ =	shalt  }
0x49: {  	_ =	shalt  }
0x4a: {  	_ =	shalt  }
0x4b: {  	_ =	shalt  }
0x4c: {  	_ =	shalt  }
0x4d: {  	_ =	shalt  }
0x4e: {  	_ =	shalt  }
0x4f: {  	_ =	shalt  }
0x50: {  	_ =	shalt  }
0x51: {  	_ =	shalt  }
0x52: {  	_ =	shalt  }
0x53: {  	_ =	shalt  }
0x54: {  	_ =	shalt  }
0x55: {  	_ =	shalt  }
0x56: {  	_ =	shalt  }
0x57: {  	_ =	shalt  }
0x58: {  	_ =	shalt  }
0x59: {  	_ =	shalt  }
0x5a: {  	_ =	shalt  }
0x5b: {  	_ =	shalt  }
0x5c: {  	_ =	shalt  }
0x5d: {  	_ =	shalt  }
0x5e: {  	_ =	shalt  }
0x5f: {  	_ =	shalt  }
0x60: {  	_ =	shalt  }
0x61: {  	_ =	shalt  }
0x62: {  	_ =	shalt  }
0x63: {  	_ =	shalt  }
0x64: {  	_ =	shalt  }
0x65: {  	_ =	shalt  }
0x66: {  	_ =	shalt  }
0x67: {  	_ =	shalt  }
0x68: {  	_ =	shalt  }
0x69: {  	_ =	shalt  }
0x6a: {  	_ =	shalt  }
0x6b: {  	_ =	shalt  }
0x6c: {  	_ =	shalt  }
0x6d: {  	_ =	shalt  }
0x6e: {  	_ =	shalt  }
0x6f: {  	_ =	shalt  }
0x70: {  	_ =	shalt  }
0x71: {  	_ =	shalt  }
0x72: {  	_ =	shalt  }
0x73: {  	_ =	shalt  }
0x74: {  	_ =	shalt  }
0x75: {  	_ =	shalt  }
0x76: {  	_ =	shalt  }
0x77: {  	_ =	shalt  }
0x78: {  	_ =	shalt  }
0x79: {  	_ =	shalt  }
0x7a: {  	_ =	shalt  }
0x7b: {  	_ =	shalt  }
0x7c: {  	_ =	shalt  }
0x7d: {  	_ =	shalt  }
0x7e: {  	_ =	shalt  }
0x7f: {  	_ =	shalt  }
0x80: {  	_ =	shalt  }
0x81: {  	_ =	shalt  }
0x82: {  	_ =	shalt  }
0x83: {  	_ =	shalt  }
0x84: {  	_ =	shalt  }
0x85: {  	_ =	shalt  }
0x86: {  	_ =	shalt  }
0x87: {  	_ =	shalt  }
.Lfunc_end0:
.L_simem_size_0:
called_computation.1_lowered:
.L_overlay_start_0:
0x88: {  	s2 =	sld [smem:$0x3FD9]  }
0x89: {  	s3 =	sld [smem:$0x3FFE];
	_ =	sdelay $0x1  }
0x8a: {  	s1 =	srdreg.scid  }
0x8b: {  	s0 =	sand.u32 $0x1, s1  }
0x8c: {  	s17 =	sshll.u32 s0, $0xA;
	s2 =	sadd.s32 s3, s2  }
0x8d: {  	s2 =	sadd.s32 s2, s17  }
0x8e: {  	[smem:$0x3FBB] =	sst s2  }
0x8f: {  	_ = 	snop  }
0x90: {  	s2 =	sld [smem:$0x3FBE]  }
0x91: {  	s18 =	sld [smem:$0x3FD0];
	(tm) =	ssettm $0x1  }
0x92: {  	s4 =	sld [smem:$0x3FFB];
	_ =	sdelay $0x3  }
0x93: {  	_ =	strace s4  }
0x94: {  	s4 =	sld [smem:$0x3FFC];
	_ =	sdelay $0x3  }
0x95: {  	_ =	strace s4  }
0x96: {  	s4 =	sld [smem:$0x3FFD];
	_ =	sdelay $0x3  }
0x97: {  	_ =	strace s4  }
0x98: {  	_ =	strace $0x8FFFFFFF  }
0x99: {  	s19 =	sld [smem:$0x3FDB];
	_ =	sdelay $0x1  }
0x9a: {  	s5 =	simm.s32 $_scs_section_size  }
0x9b: {  	s6 =	simm.s32 $_size__tile_overlayer_lowered;
	s7 =	simm.s32 $_tile_overlayer_lowered  }
0x9c: {  	s22 =	simm.s32 $0x1BFF;
	s21 =	sshll.u32 s7, $0x1;
	s4 =	sadd.s32 s5, s19  }
0x9d: {  	s8 =	simm.s32 $0x0;
	s20 =	sshll.u32 s6, $0x1;
	s6 =	sadd.s32 s21, s4  }
0x9e: {  	[timem:s8], [sflag:s22] =	dma.local [hbm:s6], s20  }
0x9f: {  	_ =	swait.ge [sflag:s22], s20  }
0xa0: {  	s5 =	ssub.s32 $0x0, s20;
	[sflag:s22] =	ssyncset.done $0x0  }
0xa1: {  	[sflag:s22] =	ssyncadd.s32 s5;
	_ =	sdelay $0x1  }
0xa2: {  	s23 =	simm.s32 $0x1B8B  }
0xa3: {  	_ =	swait.ge [sflag:s23], $0x1  }
0xa4: {  	[sflag:s23] =	ssyncset.done $0x0  }
0xa5: {  	s25 =	simm.s32 $0x1B8E;
	s24 =	sld [smem:$0x3FFE];
	[sflag:s23] =	ssyncadd.s32 $0xFFFFFFFF  }
0xa6: {  	s26 =	simm.s32 $execute0_lowered;
	[smem:$0x3FD2] =	sst s25  }
0xa7: {  	s6 =	sshll.u32 s26, $0x1;
	_ =	strace $0x80000049;
	[dreg:$0x1] =	wrdreg $0xFFFFFFFF  }
0xa8: {  	s28 =	simm.s32 $_size_execute0_lowered;
	s4 =	sadd.s32 s4, s6;
	[dreg:$0x0] =	wrdreg $0x0  }
0xa9: {  	s6 =	sshll.u32 s28, $0x1;
	[dreg:$0x2] =	wrdreg s4  }
0xaa: {  	[dreg:$0x3] =	wrdreg s6  }
0xab: {  	[dreg:$0x4] =	wrdreg $0xC0  }
0xac: {  	_ =	task [dreg:s8], $0x5FFFF  }
0xad: {  	[dreg:$0x1] =	wrdreg $0xFFFFFFFF  }
0xae: {  	[dreg:$0x0] =	wrdreg $0x60  }
0xaf: {  	[dreg:$0x2] =	wrdreg s24  }
0xb0: {  	[dreg:$0x3] =	wrdreg s2  }
0xb1: {  	[dreg:$0x4] =	wrdreg s18  }
0xb2: {  	[dreg:$0x5] =	wrdreg $0x9  }
0xb3: {  	_ =	task.clear_ibuf [dreg:s8], $0x6FFFF;
	_ =	strace $0x90000049  }
0xb4: {  	s29 =	simm.s32 $0x9;
	_ =	strace $0x8000004B  }
0xb5: {  	_ =	swait.ge [sflag:s29], $0x1  }
0xb6: {  	[sflag:s29] =	ssyncadd.s32 $0xFFFFFFFF  }
0xb7: {  	_ =	strace $0x9000004B  }
0xb8: {  	_ =	sfence  }
0xb9: {  	s30 =	sld [smem:$0x0];
	_ =	sdelay $0x2  }
0xba: {  	s31 =	sshll.u32 s1, $0xD;
	s1 =	sshrl.u32 s1, $0x2  }
0xbb: {  	s3 =	sand.u32 $0x4000, s31;
	s1 =	sadd.s32 s1, s30  }
0xbc: {  	s0 =	sor.u32 s3, s0;
	s1 =	sshll.u32 s1, $0x11  }
0xbd: {  	s0 =	sor.u32 s1, s0  }
0xbe: {  	s0 =	sadd.s32 $0x8F2B, s0  }
0xbf: {  	[sflag:s0] =	ssyncadd.remote.s32 $0x1  }
0xc0: {  	_ =	sfence.sel $0xFFFF  }
0xc1: {  	[dreg:$0x0] =	wrdreg $0xFFFFFFFF;
	(pc) =	sbr.abs _section_cstart, $3  }
0xc2: {  	[dreg:$0x1] =	wrdreg $0xFFFFFFFF  }
0xc3: {  	_ =	task.clear_ibuf [dreg:s8], $0x2FFFF;
	_ =	strace $0x9FFFFFFF  }
0xc4: {  	(tm) =	ssettm $0x7FFFFFFF  }
0xc5: {  	_ =	shalt  }
tec
execute0_lowered:
.L_overlay_start_1:
0x0: {  	(tag) =	ssettag $0x1  }
0x1: {  	s0 =	rddreg [dreg:$0x0]  }
0x2: {  	s1 =	srdreg.scid;
	s3 =	stileid.u32;
	s4 =	simm.s32 $0x0  }
0x3: {  	s14 =	simm.s32 $0x2800;
	s16 =	simm.s32 $0x5000;
	s20 =	simm.s32 $0x80  }
0x4: {  	s29 =	simm.s32 $0x1B800;
	s30 =	simm.s32 $0x1;
	s31 =	simm.s32 $0x3  }
0x5: {  	s15 =	simm.s32 $0x6;
	s17 =	simm.s32 $0x1F980;
	s1 =	sand.u32 $0x1, s1  }
0x6: {  	s12 =	simm.s32 $0x0;
	[smem:$0x7FF] =	sst s4;
	s2 =	sshll.u32 s1, $0x4  }
0x7: {  	s6 =	sadd.s32 $0x44E00, s0;
	s7 =	sadd.s32 $0x3C00, s0;
	s2 =	sor.u32 s3, s2  }
0x8: {  	s8 =	sadd.s32 $0x6C000, s0;
	s9 =	sadd.s32 $0x2BC00, s0;
	s5 =	smul.u32 $0x2800, s2  }
0x9: {  	s26 =	sshll.u32 s3, $0x9;
	_ =	strace $0x8000004A;
	s1 =	ssub.s32 $0x2, s1  }
0xa: {  	s10 =	sand.u32 $0xE00, s26;
	s26 =	simm.s32 $0x13800;
	s2 =	sshrl.u32 s5, $0x3  }
0xb: {  	s24 =	sshrl.u32 s1, $0x1;
	s3 =	simm.s32 $0x4;
	s2 =	sadd.s32 s2, s0  }
.Ltmp0:
0xc: {  	s13 =	sor.u32 $0x80, s5;
	s25 =	sadd.s32 $0x21C00, s2;
	(pc) =	sbr.rel .LBB2_1-.Ltmp0, $4  }
0xd: {  	s0 =	ssub.s32 s1, s24;
	s28 =	sadd.s32 $0x3AE00, s2;
	[dreg:$0x4] =	wrdreg s25  }
0xe: {  	s24 =	simm.s32 $0xB800;
	s2 =	sadd.s32 $0x17C00, s2;
	[dreg:$0x5] =	wrdreg s28  }
0xf: {  	s1 =	simm.s32 $0x1F900;
	s0 =	smax.u32 s0, $0x1;
	[dreg:$0x6] =	wrdreg s2  }
0x10: {  	vm0 =	vmmov $0x1;
	v1 =	vlaneseq.u32;
	v0 =	vmov s10;
	[dreg:$0x7] =	wrdreg s0;
	s0 =	simm.s32 $0x5;
	s2 =	simm.s32 $0x2  }
.LBB2_14:
0x11: {  	s10 =	simm.s32 $0x7  }
0x12: {  	_ =	swait.ge [sflag:s10], $0x80  }
0x13: {  	[sflag:s10] =	ssyncset.done $0x0  }
0x14: {  	s11 =	simm.s32 $0x8;
	[sflag:s10] =	ssyncadd.s32 $0xFFFFFF80  }
0x15: {  	_ =	swait.ge [sflag:s11], $0x80  }
0x16: {  	s12 =	rddreg [dreg:$0x8]  }
0x17: {  	s28 =	rddreg [dreg:$0x7];
	s12 =	sadd.s32 $0x1, s12  }
0x18: {  	p0 =	sne.s32 s12, s28  }
.Ltmp1:
0x19: {  	_ = 	snop;
	(pc) =	sbr.rel @!p0 .LBB2_15-.Ltmp1, $3  }
0x1a: {  	_ =	sdelay $0x1  }
0x1b: {  	[sflag:s11] =	ssyncset.done $0x0  }
0x1c: {  	s14 =	simm.s32 $0x2800;
	s16 =	simm.s32 $0x5000;
	[sflag:s11] =	ssyncadd.s32 $0xFFFFFF80  }
.LBB2_1:
0x1d: {  	[dreg:$0x8] =	wrdreg s12  }
0x1e: {  	s10 =	rddreg [dreg:$0x1];
	s11 =	simm.s32 $0x1F800;
	s19 =	simm.s32 $0x9  }
0x1f: {  	[tilespmem:s11], [sflag:$0x9] =	stream.linear.gather [hbm4b:s10+s4], $0x80, $0x38;
	[tilespmem:$0x1FA00] =	vst v63  }
0x20: {  	_ =	swait.ge [sflag:s19], $0x80  }
0x21: {  	[sflag:s19] =	ssyncset.done $0x0  }
0x22: {  	[sflag:s19] =	ssyncadd.s32 $0xFFFFFF80  }
0x23: {  	s22 =	simm.s32 $0x1F880;
	s21 =	rddreg [dreg:$0x2]  }
0x24: {  	[tilespmem:s22], [sflag:$0x9] =	stream.linear.gather [hbm4b:s21+s4], $0x80, $0x38;
	[tilespmem:$0x1FA00] =	vst v63  }
0x25: {  	_ =	swait.ge [sflag:s19], $0x80  }
0x26: {  	[sflag:s19] =	ssyncset.done $0x0  }
0x27: {  	s23 =	rddreg [dreg:$0x4];
	[sflag:s19] =	ssyncadd.s32 $0xFFFFFF80  }
0x28: {  	[tilespmem:s4], [sflag:$0x9] =	stream.linear.gather [hbm4b:s23+s4], $0x2800, $0x38;
	[tilespmem:$0x1FA00] =	vst v63  }
0x29: {  	_ =	swait.ge [sflag:s19], $0x2800  }
0x2a: {  	[sflag:s19] =	ssyncset.done $0x0  }
0x2b: {  	s25 =	rddreg [dreg:$0x5];
	[sflag:s19] =	ssyncadd.s32 $0xFFFFD800  }
0x2c: {  	[tilespmem:s14], [sflag:$0x9] =	stream.linear.gather [hbm4b:s25+s4], $0x2800, $0x38;
	[tilespmem:$0x1FA00] =	vst v63  }
0x2d: {  	_ =	swait.ge [sflag:s19], $0x2800  }
0x2e: {  	[sflag:s19] =	ssyncset.done $0x0  }
0x2f: {  	s28 =	rddreg [dreg:$0x6];
	[sflag:s19] =	ssyncadd.s32 $0xFFFFD800  }
0x30: {  	[tilespmem:s16], [sflag:$0x9] =	stream.linear.gather [hbm4b:s28+s4], $0x2800, $0x38;
	[tilespmem:$0x1FA00] =	vst v63  }
0x31: {  	_ =	swait.ge [sflag:s19], $0x2800  }
0x32: {  	[sflag:s19] =	ssyncset.done $0x0  }
0x33: {  	s10 =	simm.s32 $0x0;
	s11 =	simm.s32 $0x40;
	[sflag:s19] =	ssyncadd.s32 $0xFFFFD800  }
.LBB2_2:
0x34: {  	p0 =	sne.s32 s11, $0x9FC0;
	v2 =	vld [tilespmem:s10+$0x2800];
	_ =	sdelay $0x1  }
.Ltmp2:
0x35: {  	(pc) =	sbr.rel @p0 .LBB2_2-.Ltmp2, $3  }
0x36: {  	_ =	sdelay $0x1  }
0x37: {  	v2 =	vadd.s32 v0, v2  }
0x38: {  	[tilespmem:s10+$0x2800] =	vst v2;
	s10 =	sshra.s32 s11, $0x2;
	s11 =	sadd.s32 $0x40, s11  }
0x39: {  	v2 =	vld [tilespmem:s10+$0x2800];
	_ =	sdelay $0x4  }
0x3a: {  	v2 =	vadd.s32 v0, v2  }
0x3b: {  	s25 =	simm.s32 $0x0;
	s19 =	simm.s32 $0x7800;
	[tilespmem:s10+$0x2800] =	vst v2  }
0x3c: {  	v2 =	vld [tilespmem:$0x1F880];
	[tilespmem:s19], [sflag:$0x1] =	stream.indirect.gather [hbm4b:s6+s20], $0x80, s25, s20, $0xb8  }
0x3d: {  	s21 =	simm.s32 $0xF800  }
0x3e: {  	[tilespmem:s21], [sflag:$0x3] =	stream.indirect.gather [hbm4b:s7+s20], $0x80, s14, s20, $0xb8;
	[tilespmem:$0x1FA00] =	vst v63  }
0x3f: {  	s22 =	simm.s32 $0x17800  }
0x40: {  	[tilespmem:s22], [sflag:$0x5] =	stream.indirect.gather [hbm4b:s8+s20], $0x80, s16, s20, $0xb8;
	[tilespmem:$0x1FA00] =	vst v63  }
0x41: {  	_ = 	snop  }
0x42: {  	[tilespmem:s24], [sflag:$0x2] =	stream.indirect.gather [hbm4b:s6+s20], $0x80, s20, s20, $0xb8;
	[tilespmem:$0x1FA00] =	vst v63  }
0x43: {  	s23 =	simm.s32 $0x2880  }
0x44: {  	[tilespmem:s26], [sflag:$0x4] =	stream.indirect.gather [hbm4b:s7+s20], $0x80, s23, s20, $0xb8;
	[tilespmem:$0x1FA00] =	vst v63  }
0x45: {  	s28 =	simm.s32 $0x5080  }
0x46: {  	v2 =	vnsel vm0, $0x0, v2;
	[tilespmem:s29], [sflag:$0x6] =	stream.indirect.gather [hbm4b:s8+s20], $0x80, s28, s20, $0xb8;
	[tilespmem:$0x1FA00] =	vst v63  }
.LBB2_4:
0x47: {  	_ =	swait.ge [sflag:s30], $0x4000  }
0x48: {  	[sflag:s30] =	ssyncset.done $0x0  }
0x49: {  	[sflag:s30] =	ssyncadd.s32 $0xFFFFC000  }
0x4a: {  	_ =	swait.ge [sflag:s31], $0x4000  }
0x4b: {  	[sflag:s31] =	ssyncset.done $0x0  }
0x4c: {  	[sflag:s31] =	ssyncadd.s32 $0xFFFFC000  }
0x4d: {  	_ =	swait.ge [sflag:s0], $0x4000  }
0x4e: {  	p0 =	seq.s32 s25, $0x0;
	[sflag:s0] =	ssyncset.done $0x0  }
0x4f: {  	s10 =	simm.s32 @!p0 $0x7;
	[sflag:s0] =	ssyncadd.s32 $0xFFFFC000  }
0x50: {  	s28 =	sshll.u32 s25, $0x8;
	_ =	swait.ge @!p0 [sflag:s10], $0x80  }
0x51: {  	s18 =	simm.s32 $0x7840;
	s19 =	simm.s32 $0xF840;
	[sflag:s10] =	ssyncset.done @!p0 $0x0  }
0x52: {  	s11 =	simm.s32 $0x0;
	[sflag:s10] =	ssyncadd.s32 @!p0 $0xFFFFFF80;
	s10 =	simm.s32 $0x17840  }
.LBB2_5:
0x53: {  	v10 =	vld [tilespmem:$0x1F800]  }
0x54: {  	v9 =	vld [tilespmem:$0x1F810]  }
0x55: {  	v8 =	vld [tilespmem:$0x1F820]  }
0x56: {  	v7 =	vld [tilespmem:$0x1F830]  }
0x57: {  	v6 =	vld [tilespmem:$0x1F840]  }
0x58: {  	v5 =	vld [tilespmem:$0x1F850]  }
0x59: {  	v4 =	vld [tilespmem:$0x1F860]  }
0x5a: {  	v3 =	vld [tilespmem:$0x1F870]  }
0x5b: {  	v11 =	vld [tilespmem:s10+$0x20]  }
0x5c: {  	v13 =	vld [tilespmem:s18+$0x20]  }
0x5d: {  	v12 =	vld [tilespmem:s18+$0x10]  }
0x5e: {  	v14 =	vld [tilespmem:s10+$0xFFFFFFF0]  }
0x5f: {  	v15 =	vld [tilespmem:s10+$0xFFFFFFE0]  }
0x60: {  	v16 =	vld [tilespmem:s10+$0xFFFFFFD0]  }
0x61: {  	v17 =	vld [tilespmem:s10+$0xFFFFFFC0]  }
0x62: {  	v18 =	vld [tilespmem:s18+$0xFFFFFFC0]  }
0x63: {  	v19 =	vld [tilespmem:s19+$0xFFFFFFC0]  }
0x64: {  	v20 =	vld [tilespmem:s18+$0xFFFFFFD0]  }
0x65: {  	v21 =	vld [tilespmem:s19+$0xFFFFFFD0]  }
0x66: {  	v22 =	vld [tilespmem:s18+$0xFFFFFFE0]  }
0x67: {  	v23 =	vld [tilespmem:s19+$0xFFFFFFE0]  }
0x68: {  	v24 =	vld [tilespmem:s19+$0xFFFFFFF0];
	v18 =	vadd.f32 v19, v18  }
0x69: {  	v19 =	vld [tilespmem:s18+$0xFFFFFFF0]  }
0x6a: {  	v17 =	vadd.f32 v17, v18;
	v18 =	vadd.f32 v21, v20;
	v20 =	vld [tilespmem:s18+$0x0]  }
0x6b: {  	v21 =	vld [tilespmem:s19+$0x0]  }
0x6c: {  	v17 =	vmax.f32 v17, $0.0e+00;
	v16 =	vadd.f32 v16, v18;
	v18 =	vadd.f32 v23, v22;
	v22 =	vld [tilespmem:s19+$0x10]  }
0x6d: {  	v23 =	vld [tilespmem:s10+$0x0];
	v17 =	vmul.f32 v17, v10  }
0x6e: {  	v63 =	vld [tilespmem:s10+$0x10];
	v16 =	vmax.f32 v16, $0.0e+00;
	v15 =	vadd.f32 v15, v18;
	v18 =	vadd.f32 v24, v19  }
0x6f: {  	v19 =	vld [tilespmem:s19+$0x20];
	v17 =	vadd.f32 v17, v2;
	v16 =	vmul.f32 v16, v9  }
0x70: {  	v15 =	vmax.f32 v15, $0.0e+00;
	v14 =	vadd.f32 v14, v18;
	v18 =	vadd.f32 v21, v20;
	v20 =	vld [tilespmem:s18+$0x30]  }
0x71: {  	v16 =	vadd.f32 v16, v17;
	v15 =	vmul.f32 v15, v8;
	v17 =	vld [tilespmem:s19+$0x30]  }
0x72: {  	s12 =	sadd.s32 $0x80, s10;
	v21 =	vadd.f32 v22, v12;
	v22 =	vld [tilespmem:s10+$0x30];
	v14 =	vmax.f32 v14, $0.0e+00;
	v18 =	vadd.f32 v23, v18  }
0x73: {  	s22 =	sadd.s32 $0x80, s18;
	v12 =	vld [tilespmem:s12+$0x20];
	v15 =	vadd.f32 v15, v16;
	v16 =	vmul.f32 v14, v7  }
0x74: {  	v19 =	vadd.f32 v19, v13;
	v13 =	vld [tilespmem:s22+$0x20];
	v21 =	vadd.f32 v63, v21;
	v18 =	vmax.f32 v18, $0.0e+00  }
0x75: {  	v14 =	vld [tilespmem:s22+$0x10];
	v23 =	vadd.f32 v16, v15;
	v18 =	vmul.f32 v18, v6  }
0x76: {  	v15 =	vld [tilespmem:s12+$0xFFFFFFF0];
	v21 =	vmax.f32 v21, $0.0e+00;
	v11 =	vadd.f32 v11, v19;
	v19 =	vadd.f32 v17, v20  }
0x77: {  	v16 =	vld [tilespmem:s12+$0xFFFFFFE0];
	v21 =	vmul.f32 v21, v5;
	v18 =	vadd.f32 v18, v23  }
0x78: {  	v17 =	vld [tilespmem:s12+$0xFFFFFFD0];
	v11 =	vmax.f32 v11, $0.0e+00;
	v19 =	vadd.f32 v22, v19  }
0x79: {  	s23 =	sadd.s32 $0x80, s19;
	v20 =	vld [tilespmem:s12+$0xFFFFFFC0];
	v23 =	vmul.f32 v11, v4;
	v18 =	vadd.f32 v21, v18  }
0x7a: {  	v22 =	vld [tilespmem:s23+$0xFFFFFFC0];
	v19 =	vmax.f32 v19, $0.0e+00  }
0x7b: {  	s21 =	simm.s32 $0x0;
	s14 =	simm.s32 $0x1;
	s16 =	simm.s32 $0x2;
	v11 =	vimm.f32 $0.0e+00;
	v21 =	vld [tilespmem:s22+$0xFFFFFFC0];
	v18 =	vadd.f32 v23, v18;
	v19 =	vmul.f32 v19, v3  }
.LBB2_6:
0x7c: {  	p1 =	sne.s32 s16, $0xF;
	v23 =	vld [tilespmem:s22+$0xFFFFFFD0]  }
0x7d: {  	v24 =	vld [tilespmem:s23+$0xFFFFFFD0];
	v18 =	vadd.f32 v19, v18  }
0x7e: {  	v19 =	vld [tilespmem:s22+$0xFFFFFFE0]  }
0x7f: {  	v25 =	vld [tilespmem:s23+$0xFFFFFFE0];
	(xrf2) =	vadd.scan.msk.f32 $0xffff, v18  }
0x80: {  	v18 =	vadd.f32 v22, v21;
	v21 =	vld [tilespmem:s22+$0xFFFFFFF0]  }
0x81: {  	v22 =	vld [tilespmem:s23+$0xFFFFFFF0]  }
0x82: {  	v18 =	vadd.f32 v20, v18;
	v20 =	vadd.f32 v24, v23;
	v23 =	vld [tilespmem:s22+$0x0]  }
0x83: {  	v24 =	vld [tilespmem:s23+$0x0]  }
0x84: {  	v18 =	vmax.f32 v18, $0.0e+00;
	v17 =	vadd.f32 v17, v20;
	v19 =	vadd.f32 v25, v19;
	v20 =	vld [tilespmem:s23+$0x10]  }
0x85: {  	v26 =	vmov s21;
	s21 =	smov.u32 s14;
	s14 =	smov.u32 s16;
	v18 =	vmul.f32 v18, v10;
	v25 =	vld [tilespmem:s12+$0x0]  }
0x86: {  	v17 =	vmax.f32 v17, $0.0e+00;
	v16 =	vadd.f32 v16, v19;
	v19 =	vadd.f32 v22, v21;
	v21 =	vld [tilespmem:s23+$0x20]  }
0x87: {  	vm1 =	veq.s32 v26, v1;
	v18 =	vadd.f32 v18, v2;
	v17 =	vmul.f32 v17, v9;
	v22 =	vld [tilespmem:s12+$0x10]  }
0x88: {  	v16 =	vmax.f32 v16, $0.0e+00;
	v15 =	vadd.f32 v15, v19;
	v19 =	vadd.f32 v24, v23;
	v23 =	vld [tilespmem:s22+$0x30]  }
0x89: {  	v17 =	vadd.f32 v17, v18;
	v16 =	vmul.f32 v16, v8;
	v14 =	vadd.f32 v20, v14;
	v18 =	vld [tilespmem:s23+$0x30];
	v20, _, _ =	vpop (xrf2)  }
0x8a: {  	v15 =	vmax.f32 v15, $0.0e+00;
	v19 =	vadd.f32 v25, v19;
	v24 =	vld [tilespmem:s12+$0x30];
	s12 =	sadd.s32 $0x80, s12;
	v20 =	vbroadcast v20, $0xF  }
0x8b: {  	s22 =	sadd.s32 $0x80, s22;
	v25 =	vld [tilespmem:s12+$0x20];
	v16 =	vadd.f32 v16, v17;
	v15 =	vmul.f32 v15, v7;
	v17 =	vadd.f32 v21, v13  }
0x8c: {  	v13 =	vld [tilespmem:s22+$0x20];
	v19 =	vmax.f32 v19, $0.0e+00;
	v21 =	vadd.f32 v22, v14;
	v11 =	vsel vm1, v20, v11  }
0x8d: {  	v14 =	vld [tilespmem:s22+$0x10];
	v20 =	vadd.f32 v15, v16;
	v19 =	vmul.f32 v19, v6  }
0x8e: {  	v26 =	vadd.f32 v12, v17;
	v15 =	vld [tilespmem:s12+$0xFFFFFFF0];
	v21 =	vmax.f32 v21, $0.0e+00;
	v18 =	vadd.f32 v18, v23  }
.Ltmp3:
0x8f: {  	v16 =	vld [tilespmem:s12+$0xFFFFFFE0];
	v19 =	vadd.f32 v19, v20;
	v21 =	vmul.f32 v21, v5;
	(pc) =	sbr.rel @p1 .LBB2_6-.Ltmp3, $4  }
0x90: {  	v22 =	vmax.f32 v26, $0.0e+00;
	v17 =	vld [tilespmem:s12+$0xFFFFFFD0];
	v18 =	vadd.f32 v24, v18;
	v12 =	vmov v25  }
0x91: {  	v23 =	vmul.f32 v22, v4;
	v20 =	vld [tilespmem:s12+$0xFFFFFFC0];
	v19 =	vadd.f32 v21, v19  }
0x92: {  	s23 =	sadd.s32 $0x80, s23;
	v21 =	vld [tilespmem:s22+$0xFFFFFFC0];
	v24 =	vmax.f32 v18, $0.0e+00  }
0x93: {  	s16 =	sadd.s32 $0x1, s16;
	v22 =	vld [tilespmem:s23+$0xFFFFFFC0];
	v18 =	vadd.f32 v23, v19;
	v19 =	vmul.f32 v24, v3  }
0x94: {  	v23 =	vld [tilespmem:s22+$0xFFFFFFD0]  }
0x95: {  	v24 =	vld [tilespmem:s23+$0xFFFFFFD0]  }
0x96: {  	v25 =	vld [tilespmem:s22+$0xFFFFFFE0]  }
0x97: {  	v26 =	vld [tilespmem:s23+$0xFFFFFFE0]  }
0x98: {  	v39 =	vld [tilespmem:s22+$0xFFFFFFF0];
	v21 =	vadd.f32 v22, v21  }
0x99: {  	v27 =	vld [tilespmem:s23+$0xFFFFFFF0]  }
0x9a: {  	v41 =	vld [tilespmem:s22+$0x0];
	v40 =	vadd.f32 v24, v23;
	v20 =	vadd.f32 v20, v21  }
0x9b: {  	v42 =	vld [tilespmem:s23+$0x0]  }
0x9c: {  	v44 =	vld [tilespmem:s23+$0x10];
	v43 =	vadd.f32 v26, v25;
	v17 =	vadd.f32 v17, v40;
	v20 =	vmax.f32 v20, $0.0e+00  }
0x9d: {  	v45 =	vld [tilespmem:s12+$0x0];
	v10 =	vmul.f32 v20, v10  }
0x9e: {  	v47 =	vld [tilespmem:s23+$0x20];
	v46 =	vadd.f32 v27, v39;
	v16 =	vadd.f32 v16, v43;
	v17 =	vmax.f32 v17, $0.0e+00  }
0x9f: {  	v48 =	vld [tilespmem:s12+$0x10];
	v9 =	vmul.f32 v17, v9;
	v10 =	vadd.f32 v10, v2  }
0xa0: {  	v50 =	vld [tilespmem:s22+$0x30];
	v49 =	vadd.f32 v42, v41;
	v15 =	vadd.f32 v15, v46;
	v16 =	vmax.f32 v16, $0.0e+00  }
0xa1: {  	v51 =	vld [tilespmem:s23+$0x30];
	v8 =	vmul.f32 v16, v8;
	v9 =	vadd.f32 v9, v10  }
0xa2: {  	v14 =	vadd.f32 v44, v14;
	v52 =	vadd.f32 v45, v49;
	v15 =	vmax.f32 v15, $0.0e+00  }
0xa3: {  	v53 =	vld [tilespmem:s12+$0x30];
	v7 =	vmul.f32 v15, v7;
	v8 =	vadd.f32 v8, v9  }
0xa4: {  	v54 =	vadd.f32 v47, v13;
	v14 =	vadd.f32 v48, v14;
	v55 =	vmax.f32 v52, $0.0e+00  }
0xa5: {  	v6 =	vmul.f32 v55, v6;
	v7 =	vadd.f32 v7, v8  }
0xa6: {  	v56 =	vmax.f32 v14, $0.0e+00;
	v10 =	vadd.f32 v51, v50;
	v9 =	vadd.f32 v12, v54  }
0xa7: {  	v5 =	vmul.f32 v56, v5;
	v6 =	vadd.f32 v6, v7  }
0xa8: {  	v58 =	vadd.f32 v53, v10;
	v57 =	vmax.f32 v9, $0.0e+00  }
0xa9: {  	v4 =	vmul.f32 v57, v4;
	v5 =	vadd.f32 v5, v6  }
0xaa: {  	v59 =	vmax.f32 v58, $0.0e+00  }
0xab: {  	v3 =	vmul.f32 v59, v3;
	v4 =	vadd.f32 v4, v5  }
0xac: {  	v60 =	vadd.f32 v19, v18  }
0xad: {  	v3 =	vadd.f32 v3, v4  }
0xae: {  	(xrf2) =	vadd.scan.msk.f32 $0xffff, v60  }
0xaf: {  	(xrf2) =	vadd.scan.msk.f32 $0xffff, v3;
	_ =	sdelay $0x7  }
0xb0: {  	s23 =	sshll.u32 s11, $0x4;
	s11 =	sadd.s32 $0x1, s11  }
0xb1: {  	p1 =	sne.s32 s11, $0x8;
	v3, _, _ =	vpop (xrf2)  }
.Ltmp4:
0xb2: {  	v61 =	vmov s21;
	v3 =	vbroadcast v3, $0xF;
	v62, _, _ =	vpop (xrf2);
	(pc) =	sbr.rel @p1 .LBB2_5-.Ltmp4, $4  }
0xb3: {  	v63 =	vmov s14;
	vm1 =	veq.s32 v61, v1;
	v5 =	vbroadcast v62, $0xF  }
0xb4: {  	v3 =	vsel vm1, v3, v11;
	vm1 =	veq.s32 v63, v1  }
0xb5: {  	s12 =	sand.u32 $0x3FFFFFF0, s23;
	v3 =	vsel vm1, v5, v3  }
0xb6: {  	s18 =	sadd.s32 $0x800, s18;
	s19 =	sadd.s32 $0x800, s19;
	s10 =	sadd.s32 $0x800, s10;
	[tilespmem:s12+$0x1F900] =	vst v3  }
0xb7: {  	s10 =	sadd.s32 s5, s28  }
0xb8: {  	s10 =	sshrl.u32 s10, $0x3  }
0xb9: {  	p1 =	seq.s32 s25, $0x27;
	s10 =	sadd.s32 s9, s10  }
0xba: {  	[hbm4b:s10+s4] =	stream.linear.scatter [tilespmem:s1], [sflag:$0x7], $0x80, $0x38;
	[tilespmem:$0x1FA00] =	vst v63  }
0xbb: {  	s11 =	simm.s32 @!p1 $0x80;
	s12 =	simm.s32 @!p1 $0x7800;
	s10 =	sadd.s32 @!p1 $0x100, s28  }
0xbc: {  	[tilespmem:s12], [sflag:$0x1] =	stream.indirect.gather @!p1 [hbm4b:s6+s11], $0x80, s10, s11, $0xb8;
	[tilespmem:$0x1FA00] =	vst v63  }
0xbd: {  	s10 =	sadd.s32 @!p1 $0x2900, s28;
	s12 =	simm.s32 @!p1 $0xF800  }
0xbe: {  	[tilespmem:s12], [sflag:$0x3] =	stream.indirect.gather @!p1 [hbm4b:s7+s11], $0x80, s10, s11, $0xb8;
	[tilespmem:$0x1FA00] =	vst v63  }
0xbf: {  	s10 =	sadd.s32 @!p1 $0x5100, s28;
	s12 =	simm.s32 @!p1 $0x17800  }
0xc0: {  	[tilespmem:s12], [sflag:$0x5] =	stream.indirect.gather @!p1 [hbm4b:s8+s11], $0x80, s10, s11, $0xb8;
	[tilespmem:$0x1FA00] =	vst v63  }
0xc1: {  	_ =	swait.ge [sflag:s2], $0x4000  }
0xc2: {  	[sflag:s2] =	ssyncset.done $0x0  }
0xc3: {  	[sflag:s2] =	ssyncadd.s32 $0xFFFFC000  }
0xc4: {  	_ =	swait.ge [sflag:s3], $0x4000  }
0xc5: {  	[sflag:s3] =	ssyncset.done $0x0  }
0xc6: {  	[sflag:s3] =	ssyncadd.s32 $0xFFFFC000  }
0xc7: {  	_ =	swait.ge [sflag:s15], $0x4000  }
0xc8: {  	[sflag:s15] =	ssyncset.done $0x0  }
0xc9: {  	s10 =	simm.s32 @!p0 $0x8;
	[sflag:s15] =	ssyncadd.s32 $0xFFFFC000  }
0xca: {  	_ =	swait.ge @!p0 [sflag:s10], $0x80  }
0xcb: {  	s18 =	simm.s32 $0x0;
	s19 =	simm.s32 $0xB840;
	[sflag:s10] =	ssyncset.done @!p0 $0x0  }
0xcc: {  	s11 =	simm.s32 $0x1B840;
	[sflag:s10] =	ssyncadd.s32 @!p0 $0xFFFFFF80;
	s10 =	simm.s32 $0x13840  }
.LBB2_9:
0xcd: {  	v10 =	vld [tilespmem:$0x1F800]  }
0xce: {  	v9 =	vld [tilespmem:$0x1F810]  }
0xcf: {  	v8 =	vld [tilespmem:$0x1F820]  }
0xd0: {  	v7 =	vld [tilespmem:$0x1F830]  }
0xd1: {  	v6 =	vld [tilespmem:$0x1F840]  }
0xd2: {  	v5 =	vld [tilespmem:$0x1F850]  }
0xd3: {  	v4 =	vld [tilespmem:$0x1F860]  }
0xd4: {  	v3 =	vld [tilespmem:$0x1F870]  }
0xd5: {  	v11 =	vld [tilespmem:s11+$0x20]  }
0xd6: {  	v13 =	vld [tilespmem:s19+$0x20]  }
0xd7: {  	v12 =	vld [tilespmem:s19+$0x10]  }
0xd8: {  	v14 =	vld [tilespmem:s11+$0xFFFFFFF0]  }
0xd9: {  	v15 =	vld [tilespmem:s11+$0xFFFFFFE0]  }
0xda: {  	v16 =	vld [tilespmem:s11+$0xFFFFFFD0]  }
0xdb: {  	v17 =	vld [tilespmem:s11+$0xFFFFFFC0]  }
0xdc: {  	v18 =	vld [tilespmem:s19+$0xFFFFFFC0]  }
0xdd: {  	v19 =	vld [tilespmem:s10+$0xFFFFFFC0]  }
0xde: {  	v20 =	vld [tilespmem:s19+$0xFFFFFFD0]  }
0xdf: {  	v21 =	vld [tilespmem:s10+$0xFFFFFFD0]  }
0xe0: {  	v22 =	vld [tilespmem:s19+$0xFFFFFFE0]  }
0xe1: {  	v23 =	vld [tilespmem:s10+$0xFFFFFFE0]  }
0xe2: {  	v24 =	vld [tilespmem:s10+$0xFFFFFFF0];
	v18 =	vadd.f32 v19, v18  }
0xe3: {  	v19 =	vld [tilespmem:s19+$0xFFFFFFF0]  }
0xe4: {  	v17 =	vadd.f32 v17, v18;
	v18 =	vadd.f32 v21, v20;
	v20 =	vld [tilespmem:s19+$0x0]  }
0xe5: {  	v21 =	vld [tilespmem:s10+$0x0]  }
0xe6: {  	v17 =	vmax.f32 v17, $0.0e+00;
	v16 =	vadd.f32 v16, v18;
	v18 =	vadd.f32 v23, v22;
	v22 =	vld [tilespmem:s10+$0x10]  }
0xe7: {  	v23 =	vld [tilespmem:s11+$0x0];
	v17 =	vmul.f32 v17, v10  }
0xe8: {  	v63 =	vld [tilespmem:s11+$0x10];
	v16 =	vmax.f32 v16, $0.0e+00;
	v15 =	vadd.f32 v15, v18;
	v18 =	vadd.f32 v24, v19  }
0xe9: {  	v19 =	vld [tilespmem:s10+$0x20];
	v17 =	vadd.f32 v17, v2;
	v16 =	vmul.f32 v16, v9  }
0xea: {  	v15 =	vmax.f32 v15, $0.0e+00;
	v14 =	vadd.f32 v14, v18;
	v18 =	vadd.f32 v21, v20;
	v20 =	vld [tilespmem:s19+$0x30]  }
0xeb: {  	v16 =	vadd.f32 v16, v17;
	v15 =	vmul.f32 v15, v8;
	v17 =	vld [tilespmem:s10+$0x30]  }
0xec: {  	s12 =	sadd.s32 $0x80, s11;
	v21 =	vadd.f32 v22, v12;
	v22 =	vld [tilespmem:s11+$0x30];
	v14 =	vmax.f32 v14, $0.0e+00;
	v18 =	vadd.f32 v23, v18  }
0xed: {  	s22 =	sadd.s32 $0x80, s19;
	v12 =	vld [tilespmem:s12+$0x20];
	v15 =	vadd.f32 v15, v16;
	v16 =	vmul.f32 v14, v7  }
0xee: {  	v19 =	vadd.f32 v19, v13;
	v13 =	vld [tilespmem:s22+$0x20];
	v21 =	vadd.f32 v63, v21;
	v18 =	vmax.f32 v18, $0.0e+00  }
0xef: {  	v14 =	vld [tilespmem:s22+$0x10];
	v23 =	vadd.f32 v16, v15;
	v18 =	vmul.f32 v18, v6  }
0xf0: {  	v15 =	vld [tilespmem:s12+$0xFFFFFFF0];
	v21 =	vmax.f32 v21, $0.0e+00;
	v11 =	vadd.f32 v11, v19;
	v19 =	vadd.f32 v17, v20  }
0xf1: {  	v16 =	vld [tilespmem:s12+$0xFFFFFFE0];
	v21 =	vmul.f32 v21, v5;
	v18 =	vadd.f32 v18, v23  }
0xf2: {  	v17 =	vld [tilespmem:s12+$0xFFFFFFD0];
	v11 =	vmax.f32 v11, $0.0e+00;
	v19 =	vadd.f32 v22, v19  }
0xf3: {  	s23 =	sadd.s32 $0x80, s10;
	v20 =	vld [tilespmem:s12+$0xFFFFFFC0];
	v23 =	vmul.f32 v11, v4;
	v18 =	vadd.f32 v21, v18  }
0xf4: {  	v22 =	vld [tilespmem:s23+$0xFFFFFFC0];
	v19 =	vmax.f32 v19, $0.0e+00  }
0xf5: {  	s14 =	simm.s32 $0x1;
	s16 =	simm.s32 $0x2;
	s21 =	simm.s32 $0x0;
	v11 =	vimm.f32 $0.0e+00;
	v21 =	vld [tilespmem:s22+$0xFFFFFFC0];
	v18 =	vadd.f32 v23, v18;
	v19 =	vmul.f32 v19, v3  }
.LBB2_10:
0xf6: {  	p0 =	sne.s32 s16, $0xF;
	v23 =	vld [tilespmem:s22+$0xFFFFFFD0]  }
0xf7: {  	v24 =	vld [tilespmem:s23+$0xFFFFFFD0];
	v18 =	vadd.f32 v19, v18  }
0xf8: {  	v19 =	vld [tilespmem:s22+$0xFFFFFFE0]  }
0xf9: {  	v25 =	vld [tilespmem:s23+$0xFFFFFFE0];
	(xrf2) =	vadd.scan.msk.f32 $0xffff, v18  }
0xfa: {  	v18 =	vadd.f32 v22, v21;
	v21 =	vld [tilespmem:s22+$0xFFFFFFF0]  }
0xfb: {  	v22 =	vld [tilespmem:s23+$0xFFFFFFF0]  }
0xfc: {  	v18 =	vadd.f32 v20, v18;
	v20 =	vadd.f32 v24, v23;
	v23 =	vld [tilespmem:s22+$0x0]  }
0xfd: {  	v24 =	vld [tilespmem:s23+$0x0]  }
0xfe: {  	v18 =	vmax.f32 v18, $0.0e+00;
	v17 =	vadd.f32 v17, v20;
	v19 =	vadd.f32 v25, v19;
	v20 =	vld [tilespmem:s23+$0x10]  }
0xff: {  	v26 =	vmov s21;
	s21 =	smov.u32 s14;
	s14 =	smov.u32 s16;
	v18 =	vmul.f32 v18, v10;
	v25 =	vld [tilespmem:s12+$0x0]  }
0x100: {  	v17 =	vmax.f32 v17, $0.0e+00;
	v16 =	vadd.f32 v16, v19;
	v19 =	vadd.f32 v22, v21;
	v21 =	vld [tilespmem:s23+$0x20]  }
0x101: {  	vm1 =	veq.s32 v26, v1;
	v18 =	vadd.f32 v18, v2;
	v17 =	vmul.f32 v17, v9;
	v22 =	vld [tilespmem:s12+$0x10]  }
0x102: {  	v16 =	vmax.f32 v16, $0.0e+00;
	v15 =	vadd.f32 v15, v19;
	v19 =	vadd.f32 v24, v23;
	v23 =	vld [tilespmem:s22+$0x30]  }
0x103: {  	v17 =	vadd.f32 v17, v18;
	v16 =	vmul.f32 v16, v8;
	v14 =	vadd.f32 v20, v14;
	v18 =	vld [tilespmem:s23+$0x30];
	v20, _, _ =	vpop (xrf2)  }
0x104: {  	v15 =	vmax.f32 v15, $0.0e+00;
	v19 =	vadd.f32 v25, v19;
	v24 =	vld [tilespmem:s12+$0x30];
	s12 =	sadd.s32 $0x80, s12;
	v20 =	vbroadcast v20, $0xF  }
0x105: {  	s22 =	sadd.s32 $0x80, s22;
	v25 =	vld [tilespmem:s12+$0x20];
	v16 =	vadd.f32 v16, v17;
	v15 =	vmul.f32 v15, v7;
	v17 =	vadd.f32 v21, v13  }
0x106: {  	v13 =	vld [tilespmem:s22+$0x20];
	v19 =	vmax.f32 v19, $0.0e+00;
	v21 =	vadd.f32 v22, v14;
	v11 =	vsel vm1, v20, v11  }
0x107: {  	v14 =	vld [tilespmem:s22+$0x10];
	v20 =	vadd.f32 v15, v16;
	v19 =	vmul.f32 v19, v6  }
0x108: {  	v26 =	vadd.f32 v12, v17;
	v15 =	vld [tilespmem:s12+$0xFFFFFFF0];
	v21 =	vmax.f32 v21, $0.0e+00;
	v18 =	vadd.f32 v18, v23  }
.Ltmp5:
0x109: {  	v16 =	vld [tilespmem:s12+$0xFFFFFFE0];
	v19 =	vadd.f32 v19, v20;
	v21 =	vmul.f32 v21, v5;
	(pc) =	sbr.rel @p0 .LBB2_10-.Ltmp5, $4  }
0x10a: {  	v22 =	vmax.f32 v26, $0.0e+00;
	v17 =	vld [tilespmem:s12+$0xFFFFFFD0];
	v18 =	vadd.f32 v24, v18;
	v12 =	vmov v25  }
0x10b: {  	v23 =	vmul.f32 v22, v4;
	v20 =	vld [tilespmem:s12+$0xFFFFFFC0];
	v19 =	vadd.f32 v21, v19  }
0x10c: {  	s23 =	sadd.s32 $0x80, s23;
	v21 =	vld [tilespmem:s22+$0xFFFFFFC0];
	v24 =	vmax.f32 v18, $0.0e+00  }
0x10d: {  	s16 =	sadd.s32 $0x1, s16;
	v22 =	vld [tilespmem:s23+$0xFFFFFFC0];
	v18 =	vadd.f32 v23, v19;
	v19 =	vmul.f32 v24, v3  }
0x10e: {  	v23 =	vld [tilespmem:s22+$0xFFFFFFD0]  }
0x10f: {  	v24 =	vld [tilespmem:s23+$0xFFFFFFD0]  }
0x110: {  	v25 =	vld [tilespmem:s22+$0xFFFFFFE0]  }
0x111: {  	v26 =	vld [tilespmem:s23+$0xFFFFFFE0]  }
0x112: {  	v39 =	vld [tilespmem:s22+$0xFFFFFFF0];
	v21 =	vadd.f32 v22, v21  }
0x113: {  	v27 =	vld [tilespmem:s23+$0xFFFFFFF0]  }
0x114: {  	v41 =	vld [tilespmem:s22+$0x0];
	v40 =	vadd.f32 v24, v23;
	v20 =	vadd.f32 v20, v21  }
0x115: {  	v42 =	vld [tilespmem:s23+$0x0]  }
0x116: {  	v44 =	vld [tilespmem:s23+$0x10];
	v43 =	vadd.f32 v26, v25;
	v17 =	vadd.f32 v17, v40;
	v20 =	vmax.f32 v20, $0.0e+00  }
0x117: {  	v45 =	vld [tilespmem:s12+$0x0];
	v10 =	vmul.f32 v20, v10  }
0x118: {  	v47 =	vld [tilespmem:s23+$0x20];
	v46 =	vadd.f32 v27, v39;
	v16 =	vadd.f32 v16, v43;
	v17 =	vmax.f32 v17, $0.0e+00  }
0x119: {  	v48 =	vld [tilespmem:s12+$0x10];
	v9 =	vmul.f32 v17, v9;
	v10 =	vadd.f32 v10, v2  }
0x11a: {  	v50 =	vld [tilespmem:s22+$0x30];
	v49 =	vadd.f32 v42, v41;
	v15 =	vadd.f32 v15, v46;
	v16 =	vmax.f32 v16, $0.0e+00  }
0x11b: {  	v51 =	vld [tilespmem:s23+$0x30];
	v8 =	vmul.f32 v16, v8;
	v9 =	vadd.f32 v9, v10  }
0x11c: {  	v14 =	vadd.f32 v44, v14;
	v52 =	vadd.f32 v45, v49;
	v15 =	vmax.f32 v15, $0.0e+00  }
0x11d: {  	v53 =	vld [tilespmem:s12+$0x30];
	v7 =	vmul.f32 v15, v7;
	v8 =	vadd.f32 v8, v9  }
0x11e: {  	v54 =	vadd.f32 v47, v13;
	v14 =	vadd.f32 v48, v14;
	v55 =	vmax.f32 v52, $0.0e+00  }
0x11f: {  	v6 =	vmul.f32 v55, v6;
	v7 =	vadd.f32 v7, v8  }
0x120: {  	v56 =	vmax.f32 v14, $0.0e+00;
	v10 =	vadd.f32 v51, v50;
	v9 =	vadd.f32 v12, v54  }
0x121: {  	v5 =	vmul.f32 v56, v5;
	v6 =	vadd.f32 v6, v7  }
0x122: {  	v58 =	vadd.f32 v53, v10;
	v57 =	vmax.f32 v9, $0.0e+00  }
0x123: {  	v4 =	vmul.f32 v57, v4;
	v5 =	vadd.f32 v5, v6  }
0x124: {  	v59 =	vmax.f32 v58, $0.0e+00  }
0x125: {  	v3 =	vmul.f32 v59, v3;
	v4 =	vadd.f32 v4, v5  }
0x126: {  	v60 =	vadd.f32 v19, v18  }
0x127: {  	v3 =	vadd.f32 v3, v4  }
0x128: {  	(xrf2) =	vadd.scan.msk.f32 $0xffff, v60  }
0x129: {  	(xrf2) =	vadd.scan.msk.f32 $0xffff, v3;
	_ =	sdelay $0x7  }
0x12a: {  	s23 =	sshll.u32 s18, $0x4;
	s18 =	sadd.s32 $0x1, s18  }
0x12b: {  	p0 =	sne.s32 s18, $0x8;
	v3, _, _ =	vpop (xrf2)  }
.Ltmp6:
0x12c: {  	v61 =	vmov s21;
	v3 =	vbroadcast v3, $0xF;
	v62, _, _ =	vpop (xrf2);
	(pc) =	sbr.rel @p0 .LBB2_9-.Ltmp6, $4  }
0x12d: {  	v63 =	vmov s14;
	vm1 =	veq.s32 v61, v1;
	v5 =	vbroadcast v62, $0xF  }
0x12e: {  	v3 =	vsel vm1, v3, v11;
	vm1 =	veq.s32 v63, v1  }
0x12f: {  	s12 =	sand.u32 $0x3FFFFFF0, s23;
	v3 =	vsel vm1, v5, v3  }
0x130: {  	s19 =	sadd.s32 $0x800, s19;
	s10 =	sadd.s32 $0x800, s10;
	s11 =	sadd.s32 $0x800, s11;
	[tilespmem:s12+$0x1F980] =	vst v3  }
.Ltmp7:
0x131: {  	(pc) =	sbr.rel @p1 .LBB2_14-.Ltmp7, $4  }
0x132: {  	s10 =	sadd.s32 s28, s13  }
0x133: {  	s10 =	sshrl.u32 s10, $0x3  }
0x134: {  	s10 =	sadd.s32 s9, s10  }
0x135: {  	[hbm4b:s10+s4] =	stream.linear.scatter [tilespmem:s17], [sflag:$0x8], $0x80, $0x38;
	[tilespmem:$0x1FA00] =	vst v63  }
0x136: {  	s10 =	sadd.s32 $0x180, s28  }
0x137: {  	[tilespmem:s24], [sflag:$0x2] =	stream.indirect.gather [hbm4b:s6+s20], $0x80, s10, s20, $0xb8;
	[tilespmem:$0x1FA00] =	vst v63  }
.Ltmp8:
0x138: {  	_ = 	snop;
	(pc) =	sbr.rel .LBB2_4-.Ltmp8, $4  }
0x139: {  	s23 =	sadd.s32 $0x2980, s28  }
0x13a: {  	[tilespmem:s26], [sflag:$0x4] =	stream.indirect.gather [hbm4b:s7+s20], $0x80, s23, s20, $0xb8;
	[tilespmem:$0x1FA00] =	vst v63  }
0x13b: {  	s28 =	sadd.s32 $0x5180, s28;
	s25 =	sadd.s32 $0x1, s25  }
0x13c: {  	[tilespmem:s29], [sflag:$0x6] =	stream.indirect.gather [hbm4b:s8+s20], $0x80, s28, s20, $0xb8;
	[tilespmem:$0x1FA00] =	vst v63  }
.LBB2_15:
0x13d: {  	_ =	sfence.sel $0x180000  }
0x13e: {  	[bflag:$0x0] =	sbarrier.arrive $0xFFFF  }
0x13f: {  	_ =	strace $0x9000004A  }
0x140: {  	s0 =	stileid.u32;
	[bflag:$0x2] =	sbarrier.arrive $0xFFFF  }
0x141: {  	p0 =	sne.s32 s0, $0x0;
	s0 =	rddreg [dreg:$0x3]  }
0x142: {  	s0 =	sadd.s32 @!p0 $0x100000, s0  }
0x143: {  	[sflag:s0] =	ssyncadd.tile.s32 @!p0 $0x1;
	_ =	shalt  }
.Lfunc_end2:
_tile_overlayer_lowered:
.L_overlay_start_2:
0x144: {  	(tag) =	ssettag $0x2  }
0x145: {  	s0 =	rddreg [dreg:$0x0];
	s2 =	stileid.u32  }
0x146: {  	s1 =	rddreg [dreg:$0x1];
	p0 =	sne.s32 s2, $0x0  }
0x147: {  	s3 =	rddreg [dreg:$0x2];
	[bflag:$0x3] =	sbarrier.arrive $0xFFFF;
	s2 =	simm.s32 @!p0 $0x1C09  }
0x148: {  	[timem:s3], [sflag:s2] =	dma.local @!p0 [hbm:s0], s1  }
0x149: {  	s0 =	simm.s32 @!p0 $0x9  }
0x14a: {  	_ =	swait.ge @!p0 [sflag:s0], s1  }
0x14b: {  	s1 =	ssub.s32 @!p0 $0x0, s1;
	[sflag:s0] =	ssyncset.done @!p0 $0x0  }
0x14c: {  	[sflag:s0] =	ssyncadd.s32 @!p0 s1  }
0x14d: {  	[bflag:$0x3] =	sbarrier.arrive $0xFFFF  }
0x14e: {  	_ =	shalt  }

</sc_bundles>
